<compile_context>
chip_gen: v7x
topology: tpu7x:2x2x1
jax: 0.10.2.dev20260603
libtpu: 0.0.44.dev20260713+nightly
codegen_flags: <defaults>
</compile_context>

<pallas_src>
import functools

import jax
import jax.numpy as jnp
from jax import lax
from jax.experimental import pallas as pl
from jax.experimental.pallas import tpu as pltpu
from jax.experimental.pallas import tpu_sc as plsc

B = 64
NODE = 714
EPG = 8192
PLEN = 5099
CLEN = 400
PDIM = 300
CDIM = 100
CH = 128

NP = 768
NPNP = NP * NP
NC, NS = 2, 16
NW = NC * NS
TPS = NPNP // NS
RPT = NP // NS
EPT = EPG // NS
ECH = EPT // 128
ROWS_W = (B * NP) // NW
RCH = ROWS_W // 128

PPAD = 5104
CPAD = 408
OPAD = 5120


def _leaky(x, slope):
    return jnp.maximum(x, slope * x)


def _tc_proj(poi_pad, cat_pad, Wp, Wc):
    def body(poi_ref, cat_ref, wp_ref, wc_ref, op_ref, oc_ref):
        op_ref[0] = jnp.dot(poi_ref[...], wp_ref[...],
                            preferred_element_type=jnp.float32)
        oc_ref[0] = jnp.dot(cat_ref[...], wc_ref[...],
                            preferred_element_type=jnp.float32)

    return pl.pallas_call(
        body,
        grid=(NW,),
        in_specs=[
            pl.BlockSpec((PPAD, 304), lambda w: (0, 0)),
            pl.BlockSpec((CPAD, 112), lambda w: (0, 0)),
            pl.BlockSpec((304, CH), lambda w: (0, 0)),
            pl.BlockSpec((112, CH), lambda w: (0, 0)),
        ],
        out_specs=(pl.BlockSpec((1, PPAD, CH), lambda w: (w, 0, 0)),
                   pl.BlockSpec((1, CPAD, CH), lambda w: (w, 0, 0))),
        out_shape=(jax.ShapeDtypeStruct((NW, PPAD, CH), jnp.float32),
                   jax.ShapeDtypeStruct((NW, CPAD, CH), jnp.float32)),
    )(poi_pad, cat_pad, Wp, Wc)


def _sc_gather(poi_proj, cat_proj, pidx, cidx):
    mesh = plsc.VectorSubcoreMesh(core_axis_name="c", subcore_axis_name="s")

    @functools.partial(
        pl.kernel,
        out_type=jax.ShapeDtypeStruct((B * NP, CH), jnp.float32),
        mesh=mesh,
        scratch_types=[
            pltpu.VMEM((RCH, 128), jnp.int32),
            pltpu.VMEM((RCH, 128), jnp.int32),
            pltpu.VMEM((128, CH), jnp.float32),
            pltpu.VMEM((128, CH), jnp.float32),
            pltpu.SemaphoreType.DMA,
            pltpu.SemaphoreType.DMA,
            pltpu.SemaphoreType.DMA,
        ],
    )
    def k(poi_hbm, cat_hbm, pidx_hbm, cidx_hbm, xin_hbm,
          pib, cib, prow, crow, sem0, sem1, semw):
        wid = lax.axis_index("c") * NS + lax.axis_index("s")
        pltpu.sync_copy(pidx_hbm.at[wid], pib)
        pltpu.sync_copy(cidx_hbm.at[wid], cib)

        def chunk(ch, _):
            base = wid * ROWS_W + ch * 128
            cp = pltpu.async_copy(poi_hbm.at[pib.at[ch]], prow, sem0)
            cc = pltpu.async_copy(cat_hbm.at[cib.at[ch]], crow, sem1)
            cp.wait()
            cc.wait()

            def row(r, _):
                for kk in range(8):
                    sl = pl.ds(kk * 16, 16)
                    prow[r, sl] = prow[r, sl] + crow[r, sl]
                return ()
            lax.fori_loop(0, 128, row, ())
            pltpu.async_copy(prow, xin_hbm.at[pl.ds(base, 128)], semw).wait()
            return ()
        lax.fori_loop(0, RCH, chunk, ())

    return k(poi_proj, cat_proj, pidx, cidx)


def _sc_build_adj(gidx, ew, ng):
    mesh = plsc.VectorSubcoreMesh(core_axis_name="c", subcore_axis_name="s")
    GPC = ng // NC

    @functools.partial(
        pl.kernel,
        out_type=(jax.ShapeDtypeStruct((ng, NP, NP), jnp.float32),
                  jax.ShapeDtypeStruct((ng, NP, NP), jnp.float32)),
        mesh=mesh,
        scratch_types=[
            pltpu.VMEM((ECH, 128), jnp.int32),
            pltpu.VMEM((ECH, 128), jnp.float32),
            pltpu.VMEM((128,), jnp.float32),
            pltpu.VMEM((TPS,), jnp.float32),
            pltpu.VMEM_SHARED((NPNP,), jnp.float32),
            pltpu.VMEM_SHARED((NPNP,), jnp.float32),
            pltpu.SemaphoreType.DMA,
            pltpu.SemaphoreType.DMA,
            pltpu.SemaphoreType.DMA,
        ],
    )
    def k(gidx_hbm, ew_hbm, outc_hbm, outw_hbm,
          ib, wb, ones, zb, accc, accw, sems, semd, seme):
        c = lax.axis_index("c")
        s = lax.axis_index("s")

        def fill16(ref, val, n):
            def bodyf(i, _):
                ref[pl.ds(i * 16, 16)] = jnp.full((16,), val, jnp.float32)
                return ()
            lax.fori_loop(0, n, bodyf, ())
        fill16(ones, 1.0, 8)
        fill16(zb, 0.0, TPS // 16)

        sl = pl.ds(s * TPS, TPS)
        pltpu.async_copy(zb, accc.at[sl], semd)
        pltpu.async_copy(zb, accw.at[sl], semd)
        cpe0 = pltpu.async_copy(gidx_hbm.at[c * GPC, s], ib, seme)
        cpe1 = pltpu.async_copy(ew_hbm.at[c * GPC, s], wb, seme)
        pltpu.make_async_copy(zb, accc.at[sl], semd).wait()
        pltpu.make_async_copy(zb, accw.at[sl], semd).wait()
        cpe0.wait()
        cpe1.wait()
        plsc.subcore_barrier()

        def per_graph(j, _):
            g = c * GPC + j
            with jax.named_scope("adj_scatter"):
                for i in range(ECH):
                    pltpu.async_copy(ones, accc.at[ib.at[i]], sems, add=True)
                    pltpu.async_copy(wb.at[i], accw.at[ib.at[i]], sems,
                                     add=True)
                for i in range(ECH):
                    pltpu.make_async_copy(ones, accc.at[ib.at[i]],
                                          sems).wait()
                    pltpu.make_async_copy(wb.at[i], accw.at[ib.at[i]],
                                          sems).wait()
            plsc.subcore_barrier()
            with jax.named_scope("adj_drain"):
                def drain_row(r, _):
                    rr = s * RPT + r
                    pltpu.async_copy(accc.at[pl.ds(rr * NP, NP)],
                                     outc_hbm.at[g, rr, :], semd)
                    pltpu.async_copy(accw.at[pl.ds(rr * NP, NP)],
                                     outw_hbm.at[g, rr, :], semd)
                    return ()
                lax.fori_loop(0, RPT, drain_row, ())

                def wait_row(r, _):
                    pltpu.make_async_copy(accc.at[pl.ds(0, NP)],
                                          outc_hbm.at[g, 0, :], semd).wait()
                    pltpu.make_async_copy(accw.at[pl.ds(0, NP)],
                                          outw_hbm.at[g, 0, :], semd).wait()
                    return ()
                lax.fori_loop(0, RPT, wait_row, ())

            @pl.when(j + 1 < GPC)
            def _():
                with jax.named_scope("adj_refill"):
                    ce0 = pltpu.async_copy(gidx_hbm.at[g + 1, s], ib, seme)
                    ce1 = pltpu.async_copy(ew_hbm.at[g + 1, s], wb, seme)
                    zc = pltpu.async_copy(zb, accc.at[sl], semd)
                    zw = pltpu.async_copy(zb, accw.at[sl], semd)
                    zc.wait()
                    zw.wait()
                    ce0.wait()
                    ce1.wait()
            plsc.subcore_barrier()
            return ()
        lax.fori_loop(0, GPC, per_graph, ())

    return k(gidx, ew)


def _tc_gnn(xine, f3, cnt, wsum, W3p, bin2, Wgx, BG,
            Woutp, bo, ng):
    def body(xp_ref, f3_ref, cnt_ref, ws_ref, w3_ref, bin_ref,
             wg_ref, bg_ref, wo_ref, bo_ref, out_ref):
        cntm = cnt_ref[0]
        wsm = ws_ref[0]
        xin = (xp_ref[0]
               + jnp.dot(f3_ref[0], w3_ref[...],
                         preferred_element_type=jnp.float32))
        deg = jnp.sum(wsm, axis=1, keepdims=True) + 1.0
        dis = 1.0 / jnp.sqrt(deg)
        dis2 = dis * dis

        def gcn_apply(h):
            t = jnp.dot(wsm, h * dis, preferred_element_type=jnp.float32)
            return dis * t + dis2 * h

        f = _leaky(gcn_apply(xin) + bin_ref[0][None, :], 0.01)

        r = lax.broadcasted_iota(jnp.int32, (NP, NP), 0)
        cidx = lax.broadcasted_iota(jnp.int32, (NP, NP), 1)
        cpi = cntm + jnp.where(r == cidx, 1.0, 0.0)
        lane136 = lax.broadcasted_iota(jnp.int32, (NP, 136), 1)

        def gat(x, i):
            hx = jnp.dot(x, wg_ref[i], preferred_element_type=jnp.float32)
            asrc = hx[:, 128]
            adst = hx[:, 129]
            e = adst[:, None] + asrc[None, :]
            e = jnp.maximum(e, 0.2 * e)
            m0 = adst + jnp.max(asrc)
            m = jnp.maximum(m0, 0.2 * m0)[:, None]
            p = cpi * jnp.exp(e - m)
            hext = jnp.where(lane136 == 130, 1.0, hx)
            agg2 = jnp.dot(p, hext, preferred_element_type=jnp.float32)
            den = agg2[:, 130:131]
            return agg2[:, :CH] / den + bg_ref[i][None, :]

        for i in range(3):
            t = gat(f, i)
            y = _leaky(t, 0.01) + t
            y2 = gat(y, i)
            f = _leaky(y2, 0.01)

        h2 = jnp.dot(f, wo_ref[...], preferred_element_type=jnp.float32)
        f2 = _leaky(gcn_apply(h2) + bo_ref[0][None, :], 0.01)
        out_ref[0, 0] = f2[:, 0]

    grid = (ng,)
    return pl.pallas_call(
        body,
        grid=grid,
        in_specs=[
            pl.BlockSpec((1, NP, CH), lambda g: (g, 0, 0)),
            pl.BlockSpec((1, NP, 8), lambda g: (g, 0, 0)),
            pl.BlockSpec((1, NP, NP), lambda g: (g, 0, 0)),
            pl.BlockSpec((1, NP, NP), lambda g: (g, 0, 0)),
            pl.BlockSpec((8, CH), lambda g: (0, 0)),
            pl.BlockSpec((1, CH), lambda g: (0, 0)),
            pl.BlockSpec((3, CH, 136), lambda g: (0, 0, 0)),
            pl.BlockSpec((8, CH), lambda g: (0, 0)),
            pl.BlockSpec((CH, 8), lambda g: (0, 0)),
            pl.BlockSpec((1, 8), lambda g: (0, 0)),
        ],
        out_specs=pl.BlockSpec((1, 1, NP), lambda g: (g, 0, 0)),
        out_shape=jax.ShapeDtypeStruct((ng, 1, NP), jnp.float32),
    )(xine, f3, cnt, wsum, W3p, bin2, Wgx, BG, Woutp, bo)


def _tc_head(fgr, W1p, b1, W2p, b2p):
    def body(f_ref, w1_ref, b1_ref, w2_ref, b2_ref, out_ref):
        h = jnp.maximum(
            jnp.dot(f_ref[...], w1_ref[...],
                    preferred_element_type=jnp.float32) + b1_ref[...], 0.0)
        out_ref[...] = jnp.maximum(
            jnp.dot(h, w2_ref[...],
                    preferred_element_type=jnp.float32) + b2_ref[...], 0.0)

    return pl.pallas_call(
        body,
        out_shape=jax.ShapeDtypeStruct((B, OPAD), jnp.float32),
    )(fgr, W1p, b1, W2p, b2p)


def kernel(feature, edges, weight, params):
    f32 = jnp.float32

    poi_idx = feature[:, :, 0].astype(jnp.int32)
    cat_idx = feature[:, :, 1].astype(jnp.int32)

    nar = jnp.arange(NP, dtype=jnp.int32)[None, :]
    ppad = PLEN + nar % (PPAD - PLEN)
    cpad = CLEN + nar % (CPAD - CLEN)
    pidx = jnp.broadcast_to(ppad, (B, NP)).at[:, :NODE].set(poi_idx)
    cidx = jnp.broadcast_to(cpad, (B, NP)).at[:, :NODE].set(cat_idx)
    woff = jnp.arange(NW, dtype=jnp.int32)[:, None, None]
    pidx = pidx.reshape(NW, RCH, 128) + woff * PPAD
    cidx = cidx.reshape(NW, RCH, 128) + woff * CPAD

    src = edges[:, 0, :]
    dst = edges[:, 1, :]
    gidx = (dst * NP + src).reshape(B, NS, ECH, 128)
    ew = weight[:, :, 1].reshape(B, NS, ECH, 128).astype(f32)

    W_in = params['W_in']
    poi_pad = jnp.zeros((PPAD, 304), f32).at[:PLEN, :PDIM].set(
        params['poi_table'])
    Wp = jnp.zeros((304, CH), f32).at[:PDIM].set(W_in[:PDIM])
    cat_pad = jnp.zeros((CPAD, 112), f32).at[:CLEN, :CDIM].set(
        params['cat_table'])
    Wc = jnp.zeros((112, CH), f32).at[:CDIM].set(W_in[PDIM:PDIM + CDIM])

    f3 = jnp.zeros((B, NP, 8), f32).at[:, :NODE, 0:3].set(feature[:, :, 2:5])
    W3p = jnp.zeros((8, CH), f32).at[0:3].set(W_in[PDIM + CDIM:])
    bin2 = params['b_in'][None, :]

    Wg_all = jnp.stack([params['Wg%d' % i] for i in range(3)])
    Wgx = jnp.zeros((3, CH, 136), f32)
    Wgx = Wgx.at[:, :, :CH].set(Wg_all)
    Wgx = Wgx.at[:, :, CH].set(jnp.einsum(
        'ikc,ic->ik', Wg_all, jnp.stack(
            [params['as%d' % i] for i in range(3)])))
    Wgx = Wgx.at[:, :, CH + 1].set(jnp.einsum(
        'ikc,ic->ik', Wg_all, jnp.stack(
            [params['ad%d' % i] for i in range(3)])))
    BG = jnp.zeros((8, CH), f32).at[0:3].set(
        jnp.stack([params['bg%d' % i] for i in range(3)]))

    Woutp = jnp.zeros((CH, 8), f32).at[:, 0].set(params['W_out'][:, 0])
    bo = jnp.broadcast_to(params['b_out'][0], (1, 8))

    W1p = jnp.zeros((NP, CH), f32).at[:NODE].set(params['W1'])
    b1 = params['b1'][None, :]
    W2p = jnp.zeros((CH, OPAD), f32).at[:, :PLEN].set(params['W2'])
    b2p = jnp.zeros((1, OPAD), f32).at[0, :PLEN].set(params['b2'])

    poi_proj, cat_proj = _tc_proj(poi_pad, cat_pad, Wp, Wc)
    xine = _sc_gather(poi_proj.reshape(NW * PPAD, CH),
                      cat_proj.reshape(NW * CPAD, CH),
                      pidx, cidx).reshape(B, NP, CH)

    NCHUNK = 4
    GC = B // NCHUNK
    fgs = []
    for k in range(NCHUNK):
        sl = slice(k * GC, (k + 1) * GC)
        cnt_k, wsum_k = _sc_build_adj(gidx[sl], ew[sl], GC)
        fgs.append(_tc_gnn(xine[sl], f3[sl], cnt_k, wsum_k, W3p, bin2,
                           Wgx, BG, Woutp, bo, GC))
    fgr = jnp.concatenate(fgs, axis=0).reshape(B, NP)
    out = _tc_head(fgr, W1p, b1, W2p, b2p)
    return out[:, :PLEN]

# --- scband reference (transcript-rebuilt; emitter-appended) ---
"""Pipeline reference for scband-user-graph-net-77360950936272 (READ-ONLY COPY).

The authoritative reference and input builder live on the scoring server;
editing this copy changes nothing except your own understanding.
"""

import jax, jax.numpy as jnp
import numpy as np

B = 64
NODE = 714
EPG = 8192
POI_LEN = 5099
CAT_LEN = 400
POI_DIM = 300
CAT_DIM = 100
CH = 128
GCN_LAYERS = 3


def setup_inputs(seed: int = 0):
    key = jax.random.key(seed)
    ks = jax.random.split(key, 24)
    feature = jax.random.uniform(ks[0], (B, NODE, 5), dtype=jnp.float32)
    edges = jax.random.randint(ks[1], (B, 2, EPG), 0, NODE, dtype=jnp.int32)
    weight = jax.random.uniform(ks[2], (B, EPG, 2), dtype=jnp.float32)

    def nrm(k, shape, s=0.05):
        return jax.random.normal(k, shape, dtype=jnp.float32) * s

    params = {
        'poi_table': nrm(ks[3], (POI_LEN, POI_DIM), 0.02),
        'cat_table': nrm(ks[4], (CAT_LEN, CAT_DIM), 0.02),
        'W_in': nrm(ks[5], (POI_DIM + CAT_DIM + 3, CH)),
        'b_in': jnp.zeros((CH,), jnp.float32),
        'W_out': nrm(ks[6], (CH, 1)),
        'b_out': jnp.zeros((1,), jnp.float32),
        'W1': nrm(ks[7], (NODE, 128)),
        'b1': jnp.zeros((128,), jnp.float32),
        'W2': nrm(ks[8], (128, POI_LEN)),
        'b2': jnp.zeros((POI_LEN,), jnp.float32),
    }
    for i in range(GCN_LAYERS):
        params['Wg%d' % i] = nrm(ks[9 + i], (CH, CH))
        params['as%d' % i] = nrm(ks[12 + i], (CH,))
        params['ad%d' % i] = nrm(ks[15 + i], (CH,))
        params['bg%d' % i] = jnp.zeros((CH,), jnp.float32)
    return {'feature': feature, 'edges': edges, 'weight': weight, 'params': params}


def _leaky(x, slope):
    return jnp.where(x >= 0, x, slope * x)


def _gcn(x, W, b, src, dst, ew, N):
    # PyG GCNConv: D^-1/2 (A+I) D^-1/2 X W + b, with edge weights (self-loop weight 1)
    h = x @ W
    loop = jnp.arange(N, dtype=src.dtype)
    s = jnp.concatenate([src, loop])
    d = jnp.concatenate([dst, loop])
    w2 = jnp.concatenate([ew, jnp.ones((N,), ew.dtype)])
    deg = jax.ops.segment_sum(w2, d, num_segments=N)
    dis = jnp.where(deg > 0, 1.0 / jnp.sqrt(deg), 0.0)
    norm = dis[s] * w2 * dis[d]
    out = jax.ops.segment_sum(h[s] * norm[:, None], d, num_segments=N)
    return out + b


def _gat(x, W, a_s, a_d, b, src, dst, N):
    # PyG GATConv, heads=1, self-loops, leaky_relu(0.2), segment softmax over incoming edges
    h = x @ W
    loop = jnp.arange(N, dtype=src.dtype)
    s = jnp.concatenate([src, loop])
    d = jnp.concatenate([dst, loop])
    asrc = h @ a_s
    adst = h @ a_d
    e = _leaky(asrc[s] + adst[d], 0.2)
    m = jax.ops.segment_max(e, d, num_segments=N)
    m = jnp.where(jnp.isfinite(m), m, 0.0)
    ex = jnp.exp(e - m[d])
    den = jax.ops.segment_sum(ex, d, num_segments=N)
    coef = ex / den[d]
    out = jax.ops.segment_sum(h[s] * coef[:, None], d, num_segments=N)
    return out + b


def _forward(feature, weight, params, edges):
    Bq = feature.shape[0]
    N = Bq * NODE
    offs = (jnp.arange(Bq, dtype=edges.dtype) * NODE)[:, None, None]
    ei = jnp.transpose(edges + offs, (1, 0, 2)).reshape(2, -1)
    src, dst = ei[0], ei[1]
    ew = weight.reshape(-1, weight.shape[-1])[:, 1]
    poi_idx = feature[:, :, 0].astype(jnp.int32)
    cat_idx = feature[:, :, 1].astype(jnp.int32)
    poi = params['poi_table'][poi_idx]
    cat = params['cat_table'][cat_idx]
    x = jnp.concatenate([poi, cat, feature[:, :, 2:5]], axis=-1).reshape(N, -1)
    f = _leaky(_gcn(x, params['W_in'], params['b_in'], src, dst, ew, N), 0.01)
    for i in range(GCN_LAYERS):
        t = _gat(f, params['Wg%d' % i], params['as%d' % i], params['ad%d' % i], params['bg%d' % i], src, dst, N)
        y = _leaky(t, 0.01) + t
        y = _gat(y, params['Wg%d' % i], params['as%d' % i], params['ad%d' % i], params['bg%d' % i], src, dst, N)
        f = _leaky(y, 0.01)
    f = _leaky(_gcn(f, params['W_out'], params['b_out'], src, dst, ew, N), 0.01)
    f = f.reshape(Bq, NODE)
    out = jax.nn.relu(f @ params['W1'] + params['b1'])
    out = jax.nn.relu(out @ params['W2'] + params['b2'])
    return out


def reference(feature, edges, weight, params):
    return _forward(feature, weight, params, edges)

if __name__ == "__main__":
    import jax
    _d = setup_inputs()
    print(jax.jit(kernel)(*tuple(_d.values())))

</pallas_src>

<mosaic_0001>
#map = affine_map<(d0, d1) -> (0, 0, 0, 0)>
#map1 = affine_map<(d0, d1) -> (0, 0, 0)>
module attributes {stable_mosaic.version = 14 : i64} {
  func.func @k(%arg0: i32, %arg1: i32, %arg2: memref<16x16x4x128xi32, #tpu.memory_space<hbm>>, %arg3: memref<16x16x4x128xf32, #tpu.memory_space<hbm>>, %arg4: memref<16x768x768xf32, #tpu.memory_space<hbm>>, %arg5: memref<16x768x768xf32, #tpu.memory_space<hbm>>, %arg6: memref<4x128xi32, #tpu.memory_space<vmem>>, %arg7: memref<4x128xf32, #tpu.memory_space<vmem>>, %arg8: memref<128xf32, #tpu.memory_space<vmem>>, %arg9: memref<36864xf32, #tpu.memory_space<vmem>>, %arg10: memref<589824xf32, #tpu.memory_space<vmem_shared>>, %arg11: memref<589824xf32, #tpu.memory_space<vmem_shared>>, %arg12: memref<!tpu.dma_semaphore, #tpu.memory_space<semaphore_mem>>, %arg13: memref<!tpu.dma_semaphore, #tpu.memory_space<semaphore_mem>>, %arg14: memref<!tpu.dma_semaphore, #tpu.memory_space<semaphore_mem>>) attributes {dimension_semantics = [#tpu.dimension_semantics<core_parallel>, #tpu.dimension_semantics<subcore_parallel>], iteration_bounds = array<i64: 2, 16>, scalar_prefetch = 0 : i64, scratch_operands = 9 : i64, tpu.core_type = #tpu.core_type<sc_vector_subcore>, window_params = [{transform_indices = #map}, {transform_indices = #map}, {transform_indices = #map1}, {transform_indices = #map1}]} {
    %scan3A = arith.constant 0 : i32
    %scan3A_0 = arith.constant 8 : i32
    %scan3A_1 = arith.addi %scan3A, %scan3A_0 : i32
    %scan3A_2 = arith.constant 1 : i32
    scf.for %scan3A_57 = %scan3A to %scan3A_1 step %scan3A_2  : i32 {
      %broadcast_in_dim3A = arith.constant 1.000000e+00 : f32
      %broadcast_in_dim3A_58 = vector.broadcast %broadcast_in_dim3A : f32 to vector<16xf32>
      %mul3A_59 = arith.constant 16 : i32
      %mul3A_60 = arith.muli %scan3A_57, %mul3A_59 : i32
      %swap3A = arith.index_cast %mul3A_60 : i32 to index
      %swap3A_61 = tpu.vector_load %arg8[%swap3A] {strides = array<i32>} : memref<128xf32, #tpu.memory_space<vmem>>, vector<16xf32>,
      %swap3A_62 = vector.shape_cast %swap3A_61 : vector<16xf32> to vector<16xf32>
      %swap3A_63 = vector.shape_cast %broadcast_in_dim3A_58 : vector<16xf32> to vector<16xf32>
      tpu.vector_store %arg8[%swap3A], %swap3A_63 {strides = array<i32>} : memref<128xf32, #tpu.memory_space<vmem>>, vector<16xf32>,
    }
    %scan3A_3 = arith.constant 8 : i32
    %scan3A_4 = arith.constant 0 : i32
    %scan3A_5 = arith.constant 2304 : i32
    %scan3A_6 = arith.addi %scan3A_4, %scan3A_5 : i32
    %scan3A_7 = arith.constant 1 : i32
    scf.for %scan3A_57 = %scan3A_4 to %scan3A_6 step %scan3A_7  : i32 {
      %broadcast_in_dim3A = arith.constant 0.000000e+00 : f32
      %broadcast_in_dim3A_58 = vector.broadcast %broadcast_in_dim3A : f32 to vector<16xf32>
      %mul3A_59 = arith.constant 16 : i32
      %mul3A_60 = arith.muli %scan3A_57, %mul3A_59 : i32
      %swap3A = arith.index_cast %mul3A_60 : i32 to index
      %swap3A_61 = tpu.vector_load %arg9[%swap3A] {strides = array<i32>} : memref<36864xf32, #tpu.memory_space<vmem>>, vector<16xf32>,
      %swap3A_62 = vector.shape_cast %swap3A_61 : vector<16xf32> to vector<16xf32>
      %swap3A_63 = vector.shape_cast %broadcast_in_dim3A_58 : vector<16xf32> to vector<16xf32>
      tpu.vector_store %arg9[%swap3A], %swap3A_63 {strides = array<i32>} : memref<36864xf32, #tpu.memory_space<vmem>>, vector<16xf32>,
    }
    %scan3A_8 = arith.constant 2304 : i32
    %mul3A = arith.constant 36864 : i32
    %mul3A_9 = arith.muli %arg1, %mul3A : i32
    %dma_start3A = tpu.memref_slice %arg10[%mul3A_9] : memref<589824xf32, #tpu.memory_space<vmem_shared>> -> memref<36864xf32, #tpu.memory_space<vmem_shared>>
    %dma_start3A_10 = tpu.memref_slice %arg10[%mul3A_9] : memref<589824xf32, #tpu.memory_space<vmem_shared>> -> memref<36864xf32, #tpu.memory_space<vmem_shared>>
    tpu.enqueue_dma source(%arg9 : memref<36864xf32, #tpu.memory_space<vmem>>) target(%dma_start3A_10 : memref<36864xf32, #tpu.memory_space<vmem_shared>>) target_semaphore(%arg13 : memref<!tpu.dma_semaphore, #tpu.memory_space<semaphore_mem>>)
    %dma_start3A_11 = tpu.memref_slice %arg11[%mul3A_9] : memref<589824xf32, #tpu.memory_space<vmem_shared>> -> memref<36864xf32, #tpu.memory_space<vmem_shared>>
    %dma_start3A_12 = tpu.memref_slice %arg11[%mul3A_9] : memref<589824xf32, #tpu.memory_space<vmem_shared>> -> memref<36864xf32, #tpu.memory_space<vmem_shared>>
    tpu.enqueue_dma source(%arg9 : memref<36864xf32, #tpu.memory_space<vmem>>) target(%dma_start3A_12 : memref<36864xf32, #tpu.memory_space<vmem_shared>>) target_semaphore(%arg13 : memref<!tpu.dma_semaphore, #tpu.memory_space<semaphore_mem>>)
    %mul3A_13 = arith.constant 8 : i32
    %mul3A_14 = arith.muli %arg0, %mul3A_13 : i32
    %dma_start3A_15 = arith.constant 0 : i32
    %dma_start3A_16 = arith.constant 0 : i32
    %dma_start3A_17 = tpu.memref_slice %arg2[%mul3A_14, %arg1, %dma_start3A_15, %dma_start3A_16] : memref<16x16x4x128xi32, #tpu.memory_space<hbm>> -> memref<1x1x4x128xi32, #tpu.memory_space<hbm>>
    %dma_start3A_18 = tpu.memref_squeeze %dma_start3A_17 : memref<1x1x4x128xi32, #tpu.memory_space<hbm>> -> memref<4x128xi32, #tpu.memory_space<hbm>>
    %dma_start3A_19 = arith.constant 0 : i32
    %dma_start3A_20 = arith.constant 0 : i32
    %dma_start3A_21 = tpu.memref_slice %arg2[%mul3A_14, %arg1, %dma_start3A_19, %dma_start3A_20] : memref<16x16x4x128xi32, #tpu.memory_space<hbm>> -> memref<1x1x4x128xi32, #tpu.memory_space<hbm>>
    %dma_start3A_22 = tpu.memref_squeeze %dma_start3A_21 : memref<1x1x4x128xi32, #tpu.memory_space<hbm>> -> memref<4x128xi32, #tpu.memory_space<hbm>>
    tpu.enqueue_dma source(%dma_start3A_22 : memref<4x128xi32, #tpu.memory_space<hbm>>) target(%arg6 : memref<4x128xi32, #tpu.memory_space<vmem>>) target_semaphore(%arg14 : memref<!tpu.dma_semaphore, #tpu.memory_space<semaphore_mem>>)
    %mul3A_23 = arith.constant 8 : i32
    %mul3A_24 = arith.muli %arg0, %mul3A_23 : i32
    %dma_start3A_25 = arith.constant 0 : i32
    %dma_start3A_26 = arith.constant 0 : i32
    %dma_start3A_27 = tpu.memref_slice %arg3[%mul3A_24, %arg1, %dma_start3A_25, %dma_start3A_26] : memref<16x16x4x128xf32, #tpu.memory_space<hbm>> -> memref<1x1x4x128xf32, #tpu.memory_space<hbm>>
    %dma_start3A_28 = tpu.memref_squeeze %dma_start3A_27 : memref<1x1x4x128xf32, #tpu.memory_space<hbm>> -> memref<4x128xf32, #tpu.memory_space<hbm>>
    %dma_start3A_29 = arith.constant 0 : i32
    %dma_start3A_30 = arith.constant 0 : i32
    %dma_start3A_31 = tpu.memref_slice %arg3[%mul3A_24, %arg1, %dma_start3A_29, %dma_start3A_30] : memref<16x16x4x128xf32, #tpu.memory_space<hbm>> -> memref<1x1x4x128xf32, #tpu.memory_space<hbm>>
    %dma_start3A_32 = tpu.memref_squeeze %dma_start3A_31 : memref<1x1x4x128xf32, #tpu.memory_space<hbm>> -> memref<4x128xf32, #tpu.memory_space<hbm>>
    tpu.enqueue_dma source(%dma_start3A_32 : memref<4x128xf32, #tpu.memory_space<hbm>>) target(%arg7 : memref<4x128xf32, #tpu.memory_space<vmem>>) target_semaphore(%arg14 : memref<!tpu.dma_semaphore, #tpu.memory_space<semaphore_mem>>)
    %dma_wait3A = tpu.memref_slice %arg10[%mul3A_9] : memref<589824xf32, #tpu.memory_space<vmem_shared>> -> memref<36864xf32, #tpu.memory_space<vmem_shared>>
    %dma_wait3A_33 = tpu.memref_slice %arg10[%mul3A_9] : memref<589824xf32, #tpu.memory_space<vmem_shared>> -> memref<36864xf32, #tpu.memory_space<vmem_shared>>
    tpu.wait_dma2 semaphore(%arg13 : memref<!tpu.dma_semaphore, #tpu.memory_space<semaphore_mem>>) src(%arg9 : memref<36864xf32, #tpu.memory_space<vmem>>) dst(%dma_wait3A_33 : memref<36864xf32, #tpu.memory_space<vmem_shared>>)
    %dma_wait3A_34 = tpu.memref_slice %arg11[%mul3A_9] : memref<589824xf32, #tpu.memory_space<vmem_shared>> -> memref<36864xf32, #tpu.memory_space<vmem_shared>>
    %dma_wait3A_35 = tpu.memref_slice %arg11[%mul3A_9] : memref<589824xf32, #tpu.memory_space<vmem_shared>> -> memref<36864xf32, #tpu.memory_space<vmem_shared>>
    tpu.wait_dma2 semaphore(%arg13 : memref<!tpu.dma_semaphore, #tpu.memory_space<semaphore_mem>>) src(%arg9 : memref<36864xf32, #tpu.memory_space<vmem>>) dst(%dma_wait3A_35 : memref<36864xf32, #tpu.memory_space<vmem_shared>>)
    %dma_wait3A_36 = arith.constant 0 : i32
    %dma_wait3A_37 = arith.constant 0 : i32
    %dma_wait3A_38 = tpu.memref_slice %arg2[%mul3A_14, %arg1, %dma_wait3A_36, %dma_wait3A_37] : memref<16x16x4x128xi32, #tpu.memory_space<hbm>> -> memref<1x1x4x128xi32, #tpu.memory_space<hbm>>
    %dma_wait3A_39 = tpu.memref_squeeze %dma_wait3A_38 : memref<1x1x4x128xi32, #tpu.memory_space<hbm>> -> memref<4x128xi32, #tpu.memory_space<hbm>>
    %dma_wait3A_40 = arith.constant 0 : i32
    %dma_wait3A_41 = arith.constant 0 : i32
    %dma_wait3A_42 = tpu.memref_slice %arg2[%mul3A_14, %arg1, %dma_wait3A_40, %dma_wait3A_41] : memref<16x16x4x128xi32, #tpu.memory_space<hbm>> -> memref<1x1x4x128xi32, #tpu.memory_space<hbm>>
    %dma_wait3A_43 = tpu.memref_squeeze %dma_wait3A_42 : memref<1x1x4x128xi32, #tpu.memory_space<hbm>> -> memref<4x128xi32, #tpu.memory_space<hbm>>
    tpu.wait_dma2 semaphore(%arg14 : memref<!tpu.dma_semaphore, #tpu.memory_space<semaphore_mem>>) src(%dma_wait3A_43 : memref<4x128xi32, #tpu.memory_space<hbm>>) dst(%arg6 : memref<4x128xi32, #tpu.memory_space<vmem>>)
    %dma_wait3A_44 = arith.constant 0 : i32
    %dma_wait3A_45 = arith.constant 0 : i32
    %dma_wait3A_46 = tpu.memref_slice %arg3[%mul3A_24, %arg1, %dma_wait3A_44, %dma_wait3A_45] : memref<16x16x4x128xf32, #tpu.memory_space<hbm>> -> memref<1x1x4x128xf32, #tpu.memory_space<hbm>>
    %dma_wait3A_47 = tpu.memref_squeeze %dma_wait3A_46 : memref<1x1x4x128xf32, #tpu.memory_space<hbm>> -> memref<4x128xf32, #tpu.memory_space<hbm>>
    %dma_wait3A_48 = arith.constant 0 : i32
    %dma_wait3A_49 = arith.constant 0 : i32
    %dma_wait3A_50 = tpu.memref_slice %arg3[%mul3A_24, %arg1, %dma_wait3A_48, %dma_wait3A_49] : memref<16x16x4x128xf32, #tpu.memory_space<hbm>> -> memref<1x1x4x128xf32, #tpu.memory_space<hbm>>
    %dma_wait3A_51 = tpu.memref_squeeze %dma_wait3A_50 : memref<1x1x4x128xf32, #tpu.memory_space<hbm>> -> memref<4x128xf32, #tpu.memory_space<hbm>>
    tpu.wait_dma2 semaphore(%arg14 : memref<!tpu.dma_semaphore, #tpu.memory_space<semaphore_mem>>) src(%dma_wait3A_51 : memref<4x128xf32, #tpu.memory_space<hbm>>) dst(%arg7 : memref<4x128xf32, #tpu.memory_space<vmem>>)
    %barrier3A = arith.constant 0 : index
    tpu.barrier barrier_id(%barrier3A)
    %scan3A_52 = arith.constant 0 : i32
    %scan3A_53 = arith.constant 8 : i32
    %scan3A_54 = arith.addi %scan3A_52, %scan3A_53 : i32
    %scan3A_55 = arith.constant 1 : i32
    scf.for %scan3A_57 = %scan3A_52 to %scan3A_54 step %scan3A_55  : i32 {
      %mul3A_58 = arith.constant 8 : i32
      %mul3A_59 = arith.muli %arg0, %mul3A_58 : i32
      %add3A = arith.addi %mul3A_59, %scan3A_57 : i32
      %dma_start3A_60 = arith.constant 0 : i32
      "tpu.trace_start"() <{level = 10 : i32, message = "adj_scatter"}> : () -> ()
      %dma_start3A_61 = arith.constant 0 : i32
      %dma_start3A_62 = tpu.memref_slice %arg6[%dma_start3A_60, %dma_start3A_61] : memref<4x128xi32, #tpu.memory_space<vmem>> -> memref<1x128xi32, #tpu.memory_space<vmem>>
      %dma_start3A_63 = tpu.memref_squeeze %dma_start3A_62 : memref<1x128xi32, #tpu.memory_space<vmem>> -> memref<128xi32, #tpu.memory_space<vmem>>
      %dma_start3A_64 = arith.constant 0 : i32
      %dma_start3A_65 = tpu.memref_slice %arg10[%dma_start3A_64] : memref<589824xf32, #tpu.memory_space<vmem_shared>> -> memref<589824xf32, #tpu.memory_space<vmem_shared>>
      tpu.enqueue_indirect_dma source(%arg8 : memref<128xf32, #tpu.memory_space<vmem>>) target(%dma_start3A_65 : memref<589824xf32, #tpu.memory_space<vmem_shared>>) offsets(%dma_start3A_63 : memref<128xi32, #tpu.memory_space<vmem>>) semaphore(%arg12 : memref<!tpu.dma_semaphore, #tpu.memory_space<semaphore_mem>>) {add = true}
      %dma_start3A_66 = arith.constant 0 : i32
      %dma_start3A_67 = arith.constant 0 : i32
      %dma_start3A_68 = arith.constant 0 : i32
      %dma_start3A_69 = tpu.memref_slice %arg7[%dma_start3A_66, %dma_start3A_68] : memref<4x128xf32, #tpu.memory_space<vmem>> -> memref<1x128xf32, #tpu.memory_space<vmem>>
      %dma_start3A_70 = tpu.memref_squeeze %dma_start3A_69 : memref<1x128xf32, #tpu.memory_space<vmem>> -> memref<128xf32, #tpu.memory_space<vmem>>
      %dma_start3A_71 = arith.constant 0 : i32
      %dma_start3A_72 = tpu.memref_slice %arg6[%dma_start3A_67, %dma_start3A_71] : memref<4x128xi32, #tpu.memory_space<vmem>> -> memref<1x128xi32, #tpu.memory_space<vmem>>
      %dma_start3A_73 = tpu.memref_squeeze %dma_start3A_72 : memref<1x128xi32, #tpu.memory_space<vmem>> -> memref<128xi32, #tpu.memory_space<vmem>>
      %dma_start3A_74 = arith.constant 0 : i32
      %dma_start3A_75 = tpu.memref_slice %arg11[%dma_start3A_74] : memref<589824xf32, #tpu.memory_space<vmem_shared>> -> memref<589824xf32, #tpu.memory_space<vmem_shared>>
      tpu.enqueue_indirect_dma source(%dma_start3A_70 : memref<128xf32, #tpu.memory_space<vmem>>) target(%dma_start3A_75 : memref<589824xf32, #tpu.memory_space<vmem_shared>>) offsets(%dma_start3A_73 : memref<128xi32, #tpu.memory_space<vmem>>) semaphore(%arg12 : memref<!tpu.dma_semaphore, #tpu.memory_space<semaphore_mem>>) {add = true}
      %dma_start3A_76 = arith.constant 1 : i32
      %dma_start3A_77 = arith.constant 0 : i32
      %dma_start3A_78 = tpu.memref_slice %arg6[%dma_start3A_76, %dma_start3A_77] : memref<4x128xi32, #tpu.memory_space<vmem>> -> memref<1x128xi32, #tpu.memory_space<vmem>>
      %dma_start3A_79 = tpu.memref_squeeze %dma_start3A_78 : memref<1x128xi32, #tpu.memory_space<vmem>> -> memref<128xi32, #tpu.memory_space<vmem>>
      %dma_start3A_80 = arith.constant 0 : i32
      %dma_start3A_81 = tpu.memref_slice %arg10[%dma_start3A_80] : memref<589824xf32, #tpu.memory_space<vmem_shared>> -> memref<589824xf32, #tpu.memory_space<vmem_shared>>
      tpu.enqueue_indirect_dma source(%arg8 : memref<128xf32, #tpu.memory_space<vmem>>) target(%dma_start3A_81 : memref<589824xf32, #tpu.memory_space<vmem_shared>>) offsets(%dma_start3A_79 : memref<128xi32, #tpu.memory_space<vmem>>) semaphore(%arg12 : memref<!tpu.dma_semaphore, #tpu.memory_space<semaphore_mem>>) {add = true}
      %dma_start3A_82 = arith.constant 1 : i32
      %dma_start3A_83 = arith.constant 1 : i32
      %dma_start3A_84 = arith.constant 0 : i32
      %dma_start3A_85 = tpu.memref_slice %arg7[%dma_start3A_82, %dma_start3A_84] : memref<4x128xf32, #tpu.memory_space<vmem>> -> memref<1x128xf32, #tpu.memory_space<vmem>>
      %dma_start3A_86 = tpu.memref_squeeze %dma_start3A_85 : memref<1x128xf32, #tpu.memory_space<vmem>> -> memref<128xf32, #tpu.memory_space<vmem>>
      %dma_start3A_87 = arith.constant 0 : i32
      %dma_start3A_88 = tpu.memref_slice %arg6[%dma_start3A_83, %dma_start3A_87] : memref<4x128xi32, #tpu.memory_space<vmem>> -> memref<1x128xi32, #tpu.memory_space<vmem>>
      %dma_start3A_89 = tpu.memref_squeeze %dma_start3A_88 : memref<1x128xi32, #tpu.memory_space<vmem>> -> memref<128xi32, #tpu.memory_space<vmem>>
      %dma_start3A_90 = arith.constant 0 : i32
      %dma_start3A_91 = tpu.memref_slice %arg11[%dma_start3A_90] : memref<589824xf32, #tpu.memory_space<vmem_shared>> -> memref<589824xf32, #tpu.memory_space<vmem_shared>>
      tpu.enqueue_indirect_dma source(%dma_start3A_86 : memref<128xf32, #tpu.memory_space<vmem>>) target(%dma_start3A_91 : memref<589824xf32, #tpu.memory_space<vmem_shared>>) offsets(%dma_start3A_89 : memref<128xi32, #tpu.memory_space<vmem>>) semaphore(%arg12 : memref<!tpu.dma_semaphore, #tpu.memory_space<semaphore_mem>>) {add = true}
      %dma_start3A_92 = arith.constant 2 : i32
      %dma_start3A_93 = arith.constant 0 : i32
      %dma_start3A_94 = tpu.memref_slice %arg6[%dma_start3A_92, %dma_start3A_93] : memref<4x128xi32, #tpu.memory_space<vmem>> -> memref<1x128xi32, #tpu.memory_space<vmem>>
      %dma_start3A_95 = tpu.memref_squeeze %dma_start3A_94 : memref<1x128xi32, #tpu.memory_space<vmem>> -> memref<128xi32, #tpu.memory_space<vmem>>
      %dma_start3A_96 = arith.constant 0 : i32
      %dma_start3A_97 = tpu.memref_slice %arg10[%dma_start3A_96] : memref<589824xf32, #tpu.memory_space<vmem_shared>> -> memref<589824xf32, #tpu.memory_space<vmem_shared>>
      tpu.enqueue_indirect_dma source(%arg8 : memref<128xf32, #tpu.memory_space<vmem>>) target(%dma_start3A_97 : memref<589824xf32, #tpu.memory_space<vmem_shared>>) offsets(%dma_start3A_95 : memref<128xi32, #tpu.memory_space<vmem>>) semaphore(%arg12 : memref<!tpu.dma_semaphore, #tpu.memory_space<semaphore_mem>>) {add = true}
      %dma_start3A_98 = arith.constant 2 : i32
      %dma_start3A_99 = arith.constant 2 : i32
      %dma_start3A_100 = arith.constant 0 : i32
      %dma_start3A_101 = tpu.memref_slice %arg7[%dma_start3A_98, %dma_start3A_100] : memref<4x128xf32, #tpu.memory_space<vmem>> -> memref<1x128xf32, #tpu.memory_space<vmem>>
      %dma_start3A_102 = tpu.memref_squeeze %dma_start3A_101 : memref<1x128xf32, #tpu.memory_space<vmem>> -> memref<128xf32, #tpu.memory_space<vmem>>
      %dma_start3A_103 = arith.constant 0 : i32
      %dma_start3A_104 = tpu.memref_slice %arg6[%dma_start3A_99, %dma_start3A_103] : memref<4x128xi32, #tpu.memory_space<vmem>> -> memref<1x128xi32, #tpu.memory_space<vmem>>
      %dma_start3A_105 = tpu.memref_squeeze %dma_start3A_104 : memref<1x128xi32, #tpu.memory_space<vmem>> -> memref<128xi32, #tpu.memory_space<vmem>>
      %dma_start3A_106 = arith.constant 0 : i32
      %dma_start3A_107 = tpu.memref_slice %arg11[%dma_start3A_106] : memref<589824xf32, #tpu.memory_space<vmem_shared>> -> memref<589824xf32, #tpu.memory_space<vmem_shared>>
      tpu.enqueue_indirect_dma source(%dma_start3A_102 : memref<128xf32, #tpu.memory_space<vmem>>) target(%dma_start3A_107 : memref<589824xf32, #tpu.memory_space<vmem_shared>>) offsets(%dma_start3A_105 : memref<128xi32, #tpu.memory_space<vmem>>) semaphore(%arg12 : memref<!tpu.dma_semaphore, #tpu.memory_space<semaphore_mem>>) {add = true}
      %dma_start3A_108 = arith.constant 3 : i32
      %dma_start3A_109 = arith.constant 0 : i32
      %dma_start3A_110 = tpu.memref_slice %arg6[%dma_start3A_108, %dma_start3A_109] : memref<4x128xi32, #tpu.memory_space<vmem>> -> memref<1x128xi32, #tpu.memory_space<vmem>>
      %dma_start3A_111 = tpu.memref_squeeze %dma_start3A_110 : memref<1x128xi32, #tpu.memory_space<vmem>> -> memref<128xi32, #tpu.memory_space<vmem>>
      %dma_start3A_112 = arith.constant 0 : i32
      %dma_start3A_113 = tpu.memref_slice %arg10[%dma_start3A_112] : memref<589824xf32, #tpu.memory_space<vmem_shared>> -> memref<589824xf32, #tpu.memory_space<vmem_shared>>
      tpu.enqueue_indirect_dma source(%arg8 : memref<128xf32, #tpu.memory_space<vmem>>) target(%dma_start3A_113 : memref<589824xf32, #tpu.memory_space<vmem_shared>>) offsets(%dma_start3A_111 : memref<128xi32, #tpu.memory_space<vmem>>) semaphore(%arg12 : memref<!tpu.dma_semaphore, #tpu.memory_space<semaphore_mem>>) {add = true}
      %dma_start3A_114 = arith.constant 3 : i32
      %dma_start3A_115 = arith.constant 3 : i32
      %dma_start3A_116 = arith.constant 0 : i32
      %dma_start3A_117 = tpu.memref_slice %arg7[%dma_start3A_114, %dma_start3A_116] : memref<4x128xf32, #tpu.memory_space<vmem>> -> memref<1x128xf32, #tpu.memory_space<vmem>>
      %dma_start3A_118 = tpu.memref_squeeze %dma_start3A_117 : memref<1x128xf32, #tpu.memory_space<vmem>> -> memref<128xf32, #tpu.memory_space<vmem>>
      %dma_start3A_119 = arith.constant 0 : i32
      %dma_start3A_120 = tpu.memref_slice %arg6[%dma_start3A_115, %dma_start3A_119] : memref<4x128xi32, #tpu.memory_space<vmem>> -> memref<1x128xi32, #tpu.memory_space<vmem>>
      %dma_start3A_121 = tpu.memref_squeeze %dma_start3A_120 : memref<1x128xi32, #tpu.memory_space<vmem>> -> memref<128xi32, #tpu.memory_space<vmem>>
      %dma_start3A_122 = arith.constant 0 : i32
      %dma_start3A_123 = tpu.memref_slice %arg11[%dma_start3A_122] : memref<589824xf32, #tpu.memory_space<vmem_shared>> -> memref<589824xf32, #tpu.memory_space<vmem_shared>>
      tpu.enqueue_indirect_dma source(%dma_start3A_118 : memref<128xf32, #tpu.memory_space<vmem>>) target(%dma_start3A_123 : memref<589824xf32, #tpu.memory_space<vmem_shared>>) offsets(%dma_start3A_121 : memref<128xi32, #tpu.memory_space<vmem>>) semaphore(%arg12 : memref<!tpu.dma_semaphore, #tpu.memory_space<semaphore_mem>>) {add = true}
      %dma_wait3A_124 = arith.constant 0 : i32
      %dma_wait3A_125 = arith.constant 0 : i32
      %dma_wait3A_126 = tpu.memref_slice %arg6[%dma_wait3A_124, %dma_wait3A_125] : memref<4x128xi32, #tpu.memory_space<vmem>> -> memref<1x128xi32, #tpu.memory_space<vmem>>
      %dma_wait3A_127 = tpu.memref_squeeze %dma_wait3A_126 : memref<1x128xi32, #tpu.memory_space<vmem>> -> memref<128xi32, #tpu.memory_space<vmem>>
      %dma_wait3A_128 = arith.constant 0 : i32
      %dma_wait3A_129 = tpu.memref_slice %arg10[%dma_wait3A_128] : memref<589824xf32, #tpu.memory_space<vmem_shared>> -> memref<589824xf32, #tpu.memory_space<vmem_shared>>
      tpu.wait_indirect_dma semaphore(%arg12 : memref<!tpu.dma_semaphore, #tpu.memory_space<semaphore_mem>>) src(%arg8 : memref<128xf32, #tpu.memory_space<vmem>>) dst(%dma_wait3A_129 : memref<589824xf32, #tpu.memory_space<vmem_shared>>)
      %dma_wait3A_130 = arith.constant 0 : i32
      %dma_wait3A_131 = arith.constant 0 : i32
      %dma_wait3A_132 = arith.constant 0 : i32
      %dma_wait3A_133 = tpu.memref_slice %arg7[%dma_wait3A_130, %dma_wait3A_132] : memref<4x128xf32, #tpu.memory_space<vmem>> -> memref<1x128xf32, #tpu.memory_space<vmem>>
      %dma_wait3A_134 = tpu.memref_squeeze %dma_wait3A_133 : memref<1x128xf32, #tpu.memory_space<vmem>> -> memref<128xf32, #tpu.memory_space<vmem>>
      %dma_wait3A_135 = arith.constant 0 : i32
      %dma_wait3A_136 = tpu.memref_slice %arg6[%dma_wait3A_131, %dma_wait3A_135] : memref<4x128xi32, #tpu.memory_space<vmem>> -> memref<1x128xi32, #tpu.memory_space<vmem>>
      %dma_wait3A_137 = tpu.memref_squeeze %dma_wait3A_136 : memref<1x128xi32, #tpu.memory_space<vmem>> -> memref<128xi32, #tpu.memory_space<vmem>>
      %dma_wait3A_138 = arith.constant 0 : i32
      %dma_wait3A_139 = tpu.memref_slice %arg11[%dma_wait3A_138] : memref<589824xf32, #tpu.memory_space<vmem_shared>> -> memref<589824xf32, #tpu.memory_space<vmem_shared>>
      tpu.wait_indirect_dma semaphore(%arg12 : memref<!tpu.dma_semaphore, #tpu.memory_space<semaphore_mem>>) src(%dma_wait3A_134 : memref<128xf32, #tpu.memory_space<vmem>>) dst(%dma_wait3A_139 : memref<589824xf32, #tpu.memory_space<vmem_shared>>)
      %dma_wait3A_140 = arith.constant 1 : i32
      %dma_wait3A_141 = arith.constant 0 : i32
      %dma_wait3A_142 = tpu.memref_slice %arg6[%dma_wait3A_140, %dma_wait3A_141] : memref<4x128xi32, #tpu.memory_space<vmem>> -> memref<1x128xi32, #tpu.memory_space<vmem>>
      %dma_wait3A_143 = tpu.memref_squeeze %dma_wait3A_142 : memref<1x128xi32, #tpu.memory_space<vmem>> -> memref<128xi32, #tpu.memory_space<vmem>>
      %dma_wait3A_144 = arith.constant 0 : i32
      %dma_wait3A_145 = tpu.memref_slice %arg10[%dma_wait3A_144] : memref<589824xf32, #tpu.memory_space<vmem_shared>> -> memref<589824xf32, #tpu.memory_space<vmem_shared>>
      tpu.wait_indirect_dma semaphore(%arg12 : memref<!tpu.dma_semaphore, #tpu.memory_space<semaphore_mem>>) src(%arg8 : memref<128xf32, #tpu.memory_space<vmem>>) dst(%dma_wait3A_145 : memref<589824xf32, #tpu.memory_space<vmem_shared>>)
      %dma_wait3A_146 = arith.constant 1 : i32
      %dma_wait3A_147 = arith.constant 1 : i32
      %dma_wait3A_148 = arith.constant 0 : i32
      %dma_wait3A_149 = tpu.memref_slice %arg7[%dma_wait3A_146, %dma_wait3A_148] : memref<4x128xf32, #tpu.memory_space<vmem>> -> memref<1x128xf32, #tpu.memory_space<vmem>>
      %dma_wait3A_150 = tpu.memref_squeeze %dma_wait3A_149 : memref<1x128xf32, #tpu.memory_space<vmem>> -> memref<128xf32, #tpu.memory_space<vmem>>
      %dma_wait3A_151 = arith.constant 0 : i32
      %dma_wait3A_152 = tpu.memref_slice %arg6[%dma_wait3A_147, %dma_wait3A_151] : memref<4x128xi32, #tpu.memory_space<vmem>> -> memref<1x128xi32, #tpu.memory_space<vmem>>
      %dma_wait3A_153 = tpu.memref_squeeze %dma_wait3A_152 : memref<1x128xi32, #tpu.memory_space<vmem>> -> memref<128xi32, #tpu.memory_space<vmem>>
      %dma_wait3A_154 = arith.constant 0 : i32
      %dma_wait3A_155 = tpu.memref_slice %arg11[%dma_wait3A_154] : memref<589824xf32, #tpu.memory_space<vmem_shared>> -> memref<589824xf32, #tpu.memory_space<vmem_shared>>
      tpu.wait_indirect_dma semaphore(%arg12 : memref<!tpu.dma_semaphore, #tpu.memory_space<semaphore_mem>>) src(%dma_wait3A_150 : memref<128xf32, #tpu.memory_space<vmem>>) dst(%dma_wait3A_155 : memref<589824xf32, #tpu.memory_space<vmem_shared>>)
      %dma_wait3A_156 = arith.constant 2 : i32
      %dma_wait3A_157 = arith.constant 0 : i32
      %dma_wait3A_158 = tpu.memref_slice %arg6[%dma_wait3A_156, %dma_wait3A_157] : memref<4x128xi32, #tpu.memory_space<vmem>> -> memref<1x128xi32, #tpu.memory_space<vmem>>
      %dma_wait3A_159 = tpu.memref_squeeze %dma_wait3A_158 : memref<1x128xi32, #tpu.memory_space<vmem>> -> memref<128xi32, #tpu.memory_space<vmem>>
      %dma_wait3A_160 = arith.constant 0 : i32
      %dma_wait3A_161 = tpu.memref_slice %arg10[%dma_wait3A_160] : memref<589824xf32, #tpu.memory_space<vmem_shared>> -> memref<589824xf32, #tpu.memory_space<vmem_shared>>
      tpu.wait_indirect_dma semaphore(%arg12 : memref<!tpu.dma_semaphore, #tpu.memory_space<semaphore_mem>>) src(%arg8 : memref<128xf32, #tpu.memory_space<vmem>>) dst(%dma_wait3A_161 : memref<589824xf32, #tpu.memory_space<vmem_shared>>)
      %dma_wait3A_162 = arith.constant 2 : i32
      %dma_wait3A_163 = arith.constant 2 : i32
      %dma_wait3A_164 = arith.constant 0 : i32
      %dma_wait3A_165 = tpu.memref_slice %arg7[%dma_wait3A_162, %dma_wait3A_164] : memref<4x128xf32, #tpu.memory_space<vmem>> -> memref<1x128xf32, #tpu.memory_space<vmem>>
      %dma_wait3A_166 = tpu.memref_squeeze %dma_wait3A_165 : memref<1x128xf32, #tpu.memory_space<vmem>> -> memref<128xf32, #tpu.memory_space<vmem>>
      %dma_wait3A_167 = arith.constant 0 : i32
      %dma_wait3A_168 = tpu.memref_slice %arg6[%dma_wait3A_163, %dma_wait3A_167] : memref<4x128xi32, #tpu.memory_space<vmem>> -> memref<1x128xi32, #tpu.memory_space<vmem>>
      %dma_wait3A_169 = tpu.memref_squeeze %dma_wait3A_168 : memref<1x128xi32, #tpu.memory_space<vmem>> -> memref<128xi32, #tpu.memory_space<vmem>>
      %dma_wait3A_170 = arith.constant 0 : i32
      %dma_wait3A_171 = tpu.memref_slice %arg11[%dma_wait3A_170] : memref<589824xf32, #tpu.memory_space<vmem_shared>> -> memref<589824xf32, #tpu.memory_space<vmem_shared>>
      tpu.wait_indirect_dma semaphore(%arg12 : memref<!tpu.dma_semaphore, #tpu.memory_space<semaphore_mem>>) src(%dma_wait3A_166 : memref<128xf32, #tpu.memory_space<vmem>>) dst(%dma_wait3A_171 : memref<589824xf32, #tpu.memory_space<vmem_shared>>)
      %dma_wait3A_172 = arith.constant 3 : i32
      %dma_wait3A_173 = arith.constant 0 : i32
      %dma_wait3A_174 = tpu.memref_slice %arg6[%dma_wait3A_172, %dma_wait3A_173] : memref<4x128xi32, #tpu.memory_space<vmem>> -> memref<1x128xi32, #tpu.memory_space<vmem>>
      %dma_wait3A_175 = tpu.memref_squeeze %dma_wait3A_174 : memref<1x128xi32, #tpu.memory_space<vmem>> -> memref<128xi32, #tpu.memory_space<vmem>>
      %dma_wait3A_176 = arith.constant 0 : i32
      %dma_wait3A_177 = tpu.memref_slice %arg10[%dma_wait3A_176] : memref<589824xf32, #tpu.memory_space<vmem_shared>> -> memref<589824xf32, #tpu.memory_space<vmem_shared>>
      tpu.wait_indirect_dma semaphore(%arg12 : memref<!tpu.dma_semaphore, #tpu.memory_space<semaphore_mem>>) src(%arg8 : memref<128xf32, #tpu.memory_space<vmem>>) dst(%dma_wait3A_177 : memref<589824xf32, #tpu.memory_space<vmem_shared>>)
      %dma_wait3A_178 = arith.constant 3 : i32
      %dma_wait3A_179 = arith.constant 3 : i32
      %dma_wait3A_180 = arith.constant 0 : i32
      %dma_wait3A_181 = tpu.memref_slice %arg7[%dma_wait3A_178, %dma_wait3A_180] : memref<4x128xf32, #tpu.memory_space<vmem>> -> memref<1x128xf32, #tpu.memory_space<vmem>>
      %dma_wait3A_182 = tpu.memref_squeeze %dma_wait3A_181 : memref<1x128xf32, #tpu.memory_space<vmem>> -> memref<128xf32, #tpu.memory_space<vmem>>
      %dma_wait3A_183 = arith.constant 0 : i32
      %dma_wait3A_184 = tpu.memref_slice %arg6[%dma_wait3A_179, %dma_wait3A_183] : memref<4x128xi32, #tpu.memory_space<vmem>> -> memref<1x128xi32, #tpu.memory_space<vmem>>
      %dma_wait3A_185 = tpu.memref_squeeze %dma_wait3A_184 : memref<1x128xi32, #tpu.memory_space<vmem>> -> memref<128xi32, #tpu.memory_space<vmem>>
      %dma_wait3A_186 = arith.constant 0 : i32
      %dma_wait3A_187 = tpu.memref_slice %arg11[%dma_wait3A_186] : memref<589824xf32, #tpu.memory_space<vmem_shared>> -> memref<589824xf32, #tpu.memory_space<vmem_shared>>
      tpu.wait_indirect_dma semaphore(%arg12 : memref<!tpu.dma_semaphore, #tpu.memory_space<semaphore_mem>>) src(%dma_wait3A_182 : memref<128xf32, #tpu.memory_space<vmem>>) dst(%dma_wait3A_187 : memref<589824xf32, #tpu.memory_space<vmem_shared>>)
      "tpu.trace_stop"() : () -> ()
      %barrier3A_188 = arith.constant 0 : index
      tpu.barrier barrier_id(%barrier3A_188)
      "tpu.trace_start"() <{level = 10 : i32, message = "adj_drain"}> : () -> ()
      %scan3A_189 = arith.constant 0 : i32
      %scan3A_190 = arith.constant 48 : i32
      %scan3A_191 = arith.addi %scan3A_189, %scan3A_190 : i32
      %scan3A_192 = arith.constant 1 : i32
      scf.for %scan3A_204 = %scan3A_189 to %scan3A_191 step %scan3A_192  : i32 {
        %mul3A_205 = arith.constant 48 : i32
        %mul3A_206 = arith.muli %arg1, %mul3A_205 : i32
        %add3A_207 = arith.addi %mul3A_206, %scan3A_204 : i32
        %mul3A_208 = arith.constant 768 : i32
        %mul3A_209 = arith.muli %add3A_207, %mul3A_208 : i32
        %dma_start3A_210 = arith.constant 0 : i32
        %dma_start3A_211 = tpu.memref_slice %arg4[%add3A, %add3A_207, %dma_start3A_210] : memref<16x768x768xf32, #tpu.memory_space<hbm>> -> memref<1x1x768xf32, #tpu.memory_space<hbm>>
        %dma_start3A_212 = tpu.memref_squeeze %dma_start3A_211 : memref<1x1x768xf32, #tpu.memory_space<hbm>> -> memref<768xf32, #tpu.memory_space<hbm>>
        %dma_start3A_213 = tpu.memref_slice %arg10[%mul3A_209] : memref<589824xf32, #tpu.memory_space<vmem_shared>> -> memref<768xf32, #tpu.memory_space<vmem_shared>>
        tpu.enqueue_dma source(%dma_start3A_213 : memref<768xf32, #tpu.memory_space<vmem_shared>>) target(%dma_start3A_212 : memref<768xf32, #tpu.memory_space<hbm>>) target_semaphore(%arg13 : memref<!tpu.dma_semaphore, #tpu.memory_space<semaphore_mem>>)
        %mul3A_214 = arith.constant 768 : i32
        %mul3A_215 = arith.muli %add3A_207, %mul3A_214 : i32
        %dma_start3A_216 = arith.constant 0 : i32
        %dma_start3A_217 = tpu.memref_slice %arg5[%add3A, %add3A_207, %dma_start3A_216] : memref<16x768x768xf32, #tpu.memory_space<hbm>> -> memref<1x1x768xf32, #tpu.memory_space<hbm>>
        %dma_start3A_218 = tpu.memref_squeeze %dma_start3A_217 : memref<1x1x768xf32, #tpu.memory_space<hbm>> -> memref<768xf32, #tpu.memory_space<hbm>>
        %dma_start3A_219 = tpu.memref_slice %arg11[%mul3A_215] : memref<589824xf32, #tpu.memory_space<vmem_shared>> -> memref<768xf32, #tpu.memory_space<vmem_shared>>
        tpu.enqueue_dma source(%dma_start3A_219 : memref<768xf32, #tpu.memory_space<vmem_shared>>) target(%dma_start3A_218 : memref<768xf32, #tpu.memory_space<hbm>>) target_semaphore(%arg13 : memref<!tpu.dma_semaphore, #tpu.memory_space<semaphore_mem>>)
      }
      %scan3A_193 = arith.constant 48 : i32
      %scan3A_194 = arith.constant 0 : i32
      %scan3A_195 = arith.constant 48 : i32
      %scan3A_196 = arith.addi %scan3A_194, %scan3A_195 : i32
      %scan3A_197 = arith.constant 1 : i32
      scf.for %scan3A_204 = %scan3A_194 to %scan3A_196 step %scan3A_197  : i32 {
        %dma_wait3A_205 = arith.constant 0 : i32
        %dma_wait3A_206 = arith.constant 0 : i32
        %dma_wait3A_207 = tpu.memref_slice %arg4[%add3A, %dma_wait3A_205, %dma_wait3A_206] : memref<16x768x768xf32, #tpu.memory_space<hbm>> -> memref<1x1x768xf32, #tpu.memory_space<hbm>>
        %dma_wait3A_208 = tpu.memref_squeeze %dma_wait3A_207 : memref<1x1x768xf32, #tpu.memory_space<hbm>> -> memref<768xf32, #tpu.memory_space<hbm>>
        %dma_wait3A_209 = arith.constant 0 : i32
        %dma_wait3A_210 = tpu.memref_slice %arg10[%dma_wait3A_209] : memref<589824xf32, #tpu.memory_space<vmem_shared>> -> memref<768xf32, #tpu.memory_space<vmem_shared>>
        tpu.wait_dma2 semaphore(%arg13 : memref<!tpu.dma_semaphore, #tpu.memory_space<semaphore_mem>>) src(%dma_wait3A_210 : memref<768xf32, #tpu.memory_space<vmem_shared>>) dst(%dma_wait3A_208 : memref<768xf32, #tpu.memory_space<hbm>>)
        %dma_wait3A_211 = arith.constant 0 : i32
        %dma_wait3A_212 = arith.constant 0 : i32
        %dma_wait3A_213 = tpu.memref_slice %arg5[%add3A, %dma_wait3A_211, %dma_wait3A_212] : memref<16x768x768xf32, #tpu.memory_space<hbm>> -> memref<1x1x768xf32, #tpu.memory_space<hbm>>
        %dma_wait3A_214 = tpu.memref_squeeze %dma_wait3A_213 : memref<1x1x768xf32, #tpu.memory_space<hbm>> -> memref<768xf32, #tpu.memory_space<hbm>>
        %dma_wait3A_215 = arith.constant 0 : i32
        %dma_wait3A_216 = tpu.memref_slice %arg11[%dma_wait3A_215] : memref<589824xf32, #tpu.memory_space<vmem_shared>> -> memref<768xf32, #tpu.memory_space<vmem_shared>>
        tpu.wait_dma2 semaphore(%arg13 : memref<!tpu.dma_semaphore, #tpu.memory_space<semaphore_mem>>) src(%dma_wait3A_216 : memref<768xf32, #tpu.memory_space<vmem_shared>>) dst(%dma_wait3A_214 : memref<768xf32, #tpu.memory_space<hbm>>)
      }
      %scan3A_198 = arith.constant 48 : i32
      "tpu.trace_stop"() : () -> ()
      %add3A_199 = arith.constant 1 : i32
      %add3A_200 = arith.addi %scan3A_57, %add3A_199 : i32
      %lt3A = arith.constant 8 : i32
      %lt3A_201 = arith.cmpi slt, %add3A_200, %lt3A : i32
      %convert_element_type3A = arith.extui %lt3A_201 : i1 to i32
      %cond3A = arith.constant 0 : i32
      %cond3A_202 = arith.cmpi ne, %convert_element_type3A, %cond3A : i32
      scf.if %cond3A_202 {
        "tpu.trace_start"() <{level = 10 : i32, message = "adj_refill"}> : () -> ()
        %add3A_204 = arith.constant 1 : i32
        %add3A_205 = arith.addi %add3A, %add3A_204 : i32
        %dma_start3A_206 = arith.constant 0 : i32
        %dma_start3A_207 = arith.constant 0 : i32
        %dma_start3A_208 = tpu.memref_slice %arg2[%add3A_205, %arg1, %dma_start3A_206, %dma_start3A_207] : memref<16x16x4x128xi32, #tpu.memory_space<hbm>> -> memref<1x1x4x128xi32, #tpu.memory_space<hbm>>
        %dma_start3A_209 = tpu.memref_squeeze %dma_start3A_208 : memref<1x1x4x128xi32, #tpu.memory_space<hbm>> -> memref<4x128xi32, #tpu.memory_space<hbm>>
        %dma_start3A_210 = arith.constant 0 : i32
        %dma_start3A_211 = arith.constant 0 : i32
        %dma_start3A_212 = tpu.memref_slice %arg2[%add3A_205, %arg1, %dma_start3A_210, %dma_start3A_211] : memref<16x16x4x128xi32, #tpu.memory_space<hbm>> -> memref<1x1x4x128xi32, #tpu.memory_space<hbm>>
        %dma_start3A_213 = tpu.memref_squeeze %dma_start3A_212 : memref<1x1x4x128xi32, #tpu.memory_space<hbm>> -> memref<4x128xi32, #tpu.memory_space<hbm>>
        tpu.enqueue_dma source(%dma_start3A_213 : memref<4x128xi32, #tpu.memory_space<hbm>>) target(%arg6 : memref<4x128xi32, #tpu.memory_space<vmem>>) target_semaphore(%arg14 : memref<!tpu.dma_semaphore, #tpu.memory_space<semaphore_mem>>)
        %add3A_214 = arith.constant 1 : i32
        %add3A_215 = arith.addi %add3A, %add3A_214 : i32
        %dma_start3A_216 = arith.constant 0 : i32
        %dma_start3A_217 = arith.constant 0 : i32
        %dma_start3A_218 = tpu.memref_slice %arg3[%add3A_215, %arg1, %dma_start3A_216, %dma_start3A_217] : memref<16x16x4x128xf32, #tpu.memory_space<hbm>> -> memref<1x1x4x128xf32, #tpu.memory_space<hbm>>
        %dma_start3A_219 = tpu.memref_squeeze %dma_start3A_218 : memref<1x1x4x128xf32, #tpu.memory_space<hbm>> -> memref<4x128xf32, #tpu.memory_space<hbm>>
        %dma_start3A_220 = arith.constant 0 : i32
        %dma_start3A_221 = arith.constant 0 : i32
        %dma_start3A_222 = tpu.memref_slice %arg3[%add3A_215, %arg1, %dma_start3A_220, %dma_start3A_221] : memref<16x16x4x128xf32, #tpu.memory_space<hbm>> -> memref<1x1x4x128xf32, #tpu.memory_space<hbm>>
        %dma_start3A_223 = tpu.memref_squeeze %dma_start3A_222 : memref<1x1x4x128xf32, #tpu.memory_space<hbm>> -> memref<4x128xf32, #tpu.memory_space<hbm>>
        tpu.enqueue_dma source(%dma_start3A_223 : memref<4x128xf32, #tpu.memory_space<hbm>>) target(%arg7 : memref<4x128xf32, #tpu.memory_space<vmem>>) target_semaphore(%arg14 : memref<!tpu.dma_semaphore, #tpu.memory_space<semaphore_mem>>)
        %dma_start3A_224 = tpu.memref_slice %arg10[%mul3A_9] : memref<589824xf32, #tpu.memory_space<vmem_shared>> -> memref<36864xf32, #tpu.memory_space<vmem_shared>>
        %dma_start3A_225 = tpu.memref_slice %arg10[%mul3A_9] : memref<589824xf32, #tpu.memory_space<vmem_shared>> -> memref<36864xf32, #tpu.memory_space<vmem_shared>>
        tpu.enqueue_dma source(%arg9 : memref<36864xf32, #tpu.memory_space<vmem>>) target(%dma_start3A_225 : memref<36864xf32, #tpu.memory_space<vmem_shared>>) target_semaphore(%arg13 : memref<!tpu.dma_semaphore, #tpu.memory_space<semaphore_mem>>)
        %dma_start3A_226 = tpu.memref_slice %arg11[%mul3A_9] : memref<589824xf32, #tpu.memory_space<vmem_shared>> -> memref<36864xf32, #tpu.memory_space<vmem_shared>>
        %dma_start3A_227 = tpu.memref_slice %arg11[%mul3A_9] : memref<589824xf32, #tpu.memory_space<vmem_shared>> -> memref<36864xf32, #tpu.memory_space<vmem_shared>>
        tpu.enqueue_dma source(%arg9 : memref<36864xf32, #tpu.memory_space<vmem>>) target(%dma_start3A_227 : memref<36864xf32, #tpu.memory_space<vmem_shared>>) target_semaphore(%arg13 : memref<!tpu.dma_semaphore, #tpu.memory_space<semaphore_mem>>)
        %dma_wait3A_228 = tpu.memref_slice %arg10[%mul3A_9] : memref<589824xf32, #tpu.memory_space<vmem_shared>> -> memref<36864xf32, #tpu.memory_space<vmem_shared>>
        %dma_wait3A_229 = tpu.memref_slice %arg10[%mul3A_9] : memref<589824xf32, #tpu.memory_space<vmem_shared>> -> memref<36864xf32, #tpu.memory_space<vmem_shared>>
        tpu.wait_dma2 semaphore(%arg13 : memref<!tpu.dma_semaphore, #tpu.memory_space<semaphore_mem>>) src(%arg9 : memref<36864xf32, #tpu.memory_space<vmem>>) dst(%dma_wait3A_229 : memref<36864xf32, #tpu.memory_space<vmem_shared>>)
        %dma_wait3A_230 = tpu.memref_slice %arg11[%mul3A_9] : memref<589824xf32, #tpu.memory_space<vmem_shared>> -> memref<36864xf32, #tpu.memory_space<vmem_shared>>
        %dma_wait3A_231 = tpu.memref_slice %arg11[%mul3A_9] : memref<589824xf32, #tpu.memory_space<vmem_shared>> -> memref<36864xf32, #tpu.memory_space<vmem_shared>>
        tpu.wait_dma2 semaphore(%arg13 : memref<!tpu.dma_semaphore, #tpu.memory_space<semaphore_mem>>) src(%arg9 : memref<36864xf32, #tpu.memory_space<vmem>>) dst(%dma_wait3A_231 : memref<36864xf32, #tpu.memory_space<vmem_shared>>)
        %dma_wait3A_232 = arith.constant 0 : i32
        %dma_wait3A_233 = arith.constant 0 : i32
        %dma_wait3A_234 = tpu.memref_slice %arg2[%add3A_205, %arg1, %dma_wait3A_232, %dma_wait3A_233] : memref<16x16x4x128xi32, #tpu.memory_space<hbm>> -> memref<1x1x4x128xi32, #tpu.memory_space<hbm>>
        %dma_wait3A_235 = tpu.memref_squeeze %dma_wait3A_234 : memref<1x1x4x128xi32, #tpu.memory_space<hbm>> -> memref<4x128xi32, #tpu.memory_space<hbm>>
        %dma_wait3A_236 = arith.constant 0 : i32
        %dma_wait3A_237 = arith.constant 0 : i32
        %dma_wait3A_238 = tpu.memref_slice %arg2[%add3A_205, %arg1, %dma_wait3A_236, %dma_wait3A_237] : memref<16x16x4x128xi32, #tpu.memory_space<hbm>> -> memref<1x1x4x128xi32, #tpu.memory_space<hbm>>
        %dma_wait3A_239 = tpu.memref_squeeze %dma_wait3A_238 : memref<1x1x4x128xi32, #tpu.memory_space<hbm>> -> memref<4x128xi32, #tpu.memory_space<hbm>>
        tpu.wait_dma2 semaphore(%arg14 : memref<!tpu.dma_semaphore, #tpu.memory_space<semaphore_mem>>) src(%dma_wait3A_239 : memref<4x128xi32, #tpu.memory_space<hbm>>) dst(%arg6 : memref<4x128xi32, #tpu.memory_space<vmem>>)
        %dma_wait3A_240 = arith.constant 0 : i32
        %dma_wait3A_241 = arith.constant 0 : i32
        %dma_wait3A_242 = tpu.memref_slice %arg3[%add3A_215, %arg1, %dma_wait3A_240, %dma_wait3A_241] : memref<16x16x4x128xf32, #tpu.memory_space<hbm>> -> memref<1x1x4x128xf32, #tpu.memory_space<hbm>>
        %dma_wait3A_243 = tpu.memref_squeeze %dma_wait3A_242 : memref<1x1x4x128xf32, #tpu.memory_space<hbm>> -> memref<4x128xf32, #tpu.memory_space<hbm>>
        %dma_wait3A_244 = arith.constant 0 : i32
        %dma_wait3A_245 = arith.constant 0 : i32
        %dma_wait3A_246 = tpu.memref_slice %arg3[%add3A_215, %arg1, %dma_wait3A_244, %dma_wait3A_245] : memref<16x16x4x128xf32, #tpu.memory_space<hbm>> -> memref<1x1x4x128xf32, #tpu.memory_space<hbm>>
        %dma_wait3A_247 = tpu.memref_squeeze %dma_wait3A_246 : memref<1x1x4x128xf32, #tpu.memory_space<hbm>> -> memref<4x128xf32, #tpu.memory_space<hbm>>
        tpu.wait_dma2 semaphore(%arg14 : memref<!tpu.dma_semaphore, #tpu.memory_space<semaphore_mem>>) src(%dma_wait3A_247 : memref<4x128xf32, #tpu.memory_space<hbm>>) dst(%arg7 : memref<4x128xf32, #tpu.memory_space<vmem>>)
        "tpu.trace_stop"() : () -> ()
      } else {
      }
      %barrier3A_203 = arith.constant 0 : index
      tpu.barrier barrier_id(%barrier3A_203)
    }
    %scan3A_56 = arith.constant 8 : i32
    return
  }
}

#map = affine_map<(d0, d1) -> (0, 0, 0, 0)>
#map1 = affine_map<(d0, d1) -> (0, 0, 0)>
module attributes {stable_mosaic.version = 14 : i64} {
  func.func @k(%arg0: i32, %arg1: i32, %arg2: memref<16x16x4x128xi32, #tpu.memory_space<hbm>>, %arg3: memref<16x16x4x128xf32, #tpu.memory_space<hbm>>, %arg4: memref<16x768x768xf32, #tpu.memory_space<hbm>>, %arg5: memref<16x768x768xf32, #tpu.memory_space<hbm>>, %arg6: memref<4x128xi32, #tpu.memory_space<vmem>>, %arg7: memref<4x128xf32, #tpu.memory_space<vmem>>, %arg8: memref<128xf32, #tpu.memory_space<vmem>>, %arg9: memref<36864xf32, #tpu.memory_space<vmem>>, %arg10: memref<589824xf32, #tpu.memory_space<vmem_shared>>, %arg11: memref<589824xf32, #tpu.memory_space<vmem_shared>>, %arg12: memref<!tpu.dma_semaphore, #tpu.memory_space<semaphore_mem>>, %arg13: memref<!tpu.dma_semaphore, #tpu.memory_space<semaphore_mem>>, %arg14: memref<!tpu.dma_semaphore, #tpu.memory_space<semaphore_mem>>) attributes {dimension_semantics = [#tpu.dimension_semantics<core_parallel>, #tpu.dimension_semantics<subcore_parallel>], iteration_bounds = array<i64: 2, 16>, scalar_prefetch = 0 : i64, scratch_operands = 9 : i64, tpu.core_type = #tpu.core_type<sc_vector_subcore>, window_params = [{transform_indices = #map}, {transform_indices = #map}, {transform_indices = #map1}, {transform_indices = #map1}]} {
    %scan3A = arith.constant 0 : i32
    %scan3A_0 = arith.constant 8 : i32
    %scan3A_1 = arith.addi %scan3A, %scan3A_0 : i32
    %scan3A_2 = arith.constant 1 : i32
    scf.for %scan3A_57 = %scan3A to %scan3A_1 step %scan3A_2  : i32 {
      %broadcast_in_dim3A = arith.constant 1.000000e+00 : f32
      %broadcast_in_dim3A_58 = vector.broadcast %broadcast_in_dim3A : f32 to vector<16xf32>
      %mul3A_59 = arith.constant 16 : i32
      %mul3A_60 = arith.muli %scan3A_57, %mul3A_59 : i32
      %swap3A = arith.index_cast %mul3A_60 : i32 to index
      %swap3A_61 = tpu.vector_load %arg8[%swap3A] {strides = array<i32>} : memref<128xf32, #tpu.memory_space<vmem>>, vector<16xf32>,
      %swap3A_62 = vector.shape_cast %swap3A_61 : vector<16xf32> to vector<16xf32>
      %swap3A_63 = vector.shape_cast %broadcast_in_dim3A_58 : vector<16xf32> to vector<16xf32>
      tpu.vector_store %arg8[%swap3A], %swap3A_63 {strides = array<i32>} : memref<128xf32, #tpu.memory_space<vmem>>, vector<16xf32>,
    }
    %scan3A_3 = arith.constant 8 : i32
    %scan3A_4 = arith.constant 0 : i32
    %scan3A_5 = arith.constant 2304 : i32
    %scan3A_6 = arith.addi %scan3A_4, %scan3A_5 : i32
    %scan3A_7 = arith.constant 1 : i32
    scf.for %scan3A_57 = %scan3A_4 to %scan3A_6 step %scan3A_7  : i32 {
      %broadcast_in_dim3A = arith.constant 0.000000e+00 : f32
      %broadcast_in_dim3A_58 = vector.broadcast %broadcast_in_dim3A : f32 to vector<16xf32>
      %mul3A_59 = arith.constant 16 : i32
      %mul3A_60 = arith.muli %scan3A_57, %mul3A_59 : i32
      %swap3A = arith.index_cast %mul3A_60 : i32 to index
      %swap3A_61 = tpu.vector_load %arg9[%swap3A] {strides = array<i32>} : memref<36864xf32, #tpu.memory_space<vmem>>, vector<16xf32>,
      %swap3A_62 = vector.shape_cast %swap3A_61 : vector<16xf32> to vector<16xf32>
      %swap3A_63 = vector.shape_cast %broadcast_in_dim3A_58 : vector<16xf32> to vector<16xf32>
      tpu.vector_store %arg9[%swap3A], %swap3A_63 {strides = array<i32>} : memref<36864xf32, #tpu.memory_space<vmem>>, vector<16xf32>,
    }
    %scan3A_8 = arith.constant 2304 : i32
    %mul3A = arith.constant 36864 : i32
    %mul3A_9 = arith.muli %arg1, %mul3A : i32
    %dma_start3A = tpu.memref_slice %arg10[%mul3A_9] : memref<589824xf32, #tpu.memory_space<vmem_shared>> -> memref<36864xf32, #tpu.memory_space<vmem_shared>>
    %dma_start3A_10 = tpu.memref_slice %arg10[%mul3A_9] : memref<589824xf32, #tpu.memory_space<vmem_shared>> -> memref<36864xf32, #tpu.memory_space<vmem_shared>>
    tpu.enqueue_dma source(%arg9 : memref<36864xf32, #tpu.memory_space<vmem>>) target(%dma_start3A_10 : memref<36864xf32, #tpu.memory_space<vmem_shared>>) target_semaphore(%arg13 : memref<!tpu.dma_semaphore, #tpu.memory_space<semaphore_mem>>)
    %dma_start3A_11 = tpu.memref_slice %arg11[%mul3A_9] : memref<589824xf32, #tpu.memory_space<vmem_shared>> -> memref<36864xf32, #tpu.memory_space<vmem_shared>>
    %dma_start3A_12 = tpu.memref_slice %arg11[%mul3A_9] : memref<589824xf32, #tpu.memory_space<vmem_shared>> -> memref<36864xf32, #tpu.memory_space<vmem_shared>>
    tpu.enqueue_dma source(%arg9 : memref<36864xf32, #tpu.memory_space<vmem>>) target(%dma_start3A_12 : memref<36864xf32, #tpu.memory_space<vmem_shared>>) target_semaphore(%arg13 : memref<!tpu.dma_semaphore, #tpu.memory_space<semaphore_mem>>)
    %mul3A_13 = arith.constant 8 : i32
    %mul3A_14 = arith.muli %arg0, %mul3A_13 : i32
    %dma_start3A_15 = arith.constant 0 : i32
    %dma_start3A_16 = arith.constant 0 : i32
    %dma_start3A_17 = tpu.memref_slice %arg2[%mul3A_14, %arg1, %dma_start3A_15, %dma_start3A_16] : memref<16x16x4x128xi32, #tpu.memory_space<hbm>> -> memref<1x1x4x128xi32, #tpu.memory_space<hbm>>
    %dma_start3A_18 = tpu.memref_squeeze %dma_start3A_17 : memref<1x1x4x128xi32, #tpu.memory_space<hbm>> -> memref<4x128xi32, #tpu.memory_space<hbm>>
    %dma_start3A_19 = arith.constant 0 : i32
    %dma_start3A_20 = arith.constant 0 : i32
    %dma_start3A_21 = tpu.memref_slice %arg2[%mul3A_14, %arg1, %dma_start3A_19, %dma_start3A_20] : memref<16x16x4x128xi32, #tpu.memory_space<hbm>> -> memref<1x1x4x128xi32, #tpu.memory_space<hbm>>
    %dma_start3A_22 = tpu.memref_squeeze %dma_start3A_21 : memref<1x1x4x128xi32, #tpu.memory_space<hbm>> -> memref<4x128xi32, #tpu.memory_space<hbm>>
    tpu.enqueue_dma source(%dma_start3A_22 : memref<4x128xi32, #tpu.memory_space<hbm>>) target(%arg6 : memref<4x128xi32, #tpu.memory_space<vmem>>) target_semaphore(%arg14 : memref<!tpu.dma_semaphore, #tpu.memory_space<semaphore_mem>>)
    %mul3A_23 = arith.constant 8 : i32
    %mul3A_24 = arith.muli %arg0, %mul3A_23 : i32
    %dma_start3A_25 = arith.constant 0 : i32
    %dma_start3A_26 = arith.constant 0 : i32
    %dma_start3A_27 = tpu.memref_slice %arg3[%mul3A_24, %arg1, %dma_start3A_25, %dma_start3A_26] : memref<16x16x4x128xf32, #tpu.memory_space<hbm>> -> memref<1x1x4x128xf32, #tpu.memory_space<hbm>>
    %dma_start3A_28 = tpu.memref_squeeze %dma_start3A_27 : memref<1x1x4x128xf32, #tpu.memory_space<hbm>> -> memref<4x128xf32, #tpu.memory_space<hbm>>
    %dma_start3A_29 = arith.constant 0 : i32
    %dma_start3A_30 = arith.constant 0 : i32
    %dma_start3A_31 = tpu.memref_slice %arg3[%mul3A_24, %arg1, %dma_start3A_29, %dma_start3A_30] : memref<16x16x4x128xf32, #tpu.memory_space<hbm>> -> memref<1x1x4x128xf32, #tpu.memory_space<hbm>>
    %dma_start3A_32 = tpu.memref_squeeze %dma_start3A_31 : memref<1x1x4x128xf32, #tpu.memory_space<hbm>> -> memref<4x128xf32, #tpu.memory_space<hbm>>
    tpu.enqueue_dma source(%dma_start3A_32 : memref<4x128xf32, #tpu.memory_space<hbm>>) target(%arg7 : memref<4x128xf32, #tpu.memory_space<vmem>>) target_semaphore(%arg14 : memref<!tpu.dma_semaphore, #tpu.memory_space<semaphore_mem>>)
    %dma_wait3A = tpu.memref_slice %arg10[%mul3A_9] : memref<589824xf32, #tpu.memory_space<vmem_shared>> -> memref<36864xf32, #tpu.memory_space<vmem_shared>>
    %dma_wait3A_33 = tpu.memref_slice %arg10[%mul3A_9] : memref<589824xf32, #tpu.memory_space<vmem_shared>> -> memref<36864xf32, #tpu.memory_space<vmem_shared>>
    tpu.wait_dma2 semaphore(%arg13 : memref<!tpu.dma_semaphore, #tpu.memory_space<semaphore_mem>>) src(%arg9 : memref<36864xf32, #tpu.memory_space<vmem>>) dst(%dma_wait3A_33 : memref<36864xf32, #tpu.memory_space<vmem_shared>>)
    %dma_wait3A_34 = tpu.memref_slice %arg11[%mul3A_9] : memref<589824xf32, #tpu.memory_space<vmem_shared>> -> memref<36864xf32, #tpu.memory_space<vmem_shared>>
    %dma_wait3A_35 = tpu.memref_slice %arg11[%mul3A_9] : memref<589824xf32, #tpu.memory_space<vmem_shared>> -> memref<36864xf32, #tpu.memory_space<vmem_shared>>
    tpu.wait_dma2 semaphore(%arg13 : memref<!tpu.dma_semaphore, #tpu.memory_space<semaphore_mem>>) src(%arg9 : memref<36864xf32, #tpu.memory_space<vmem>>) dst(%dma_wait3A_35 : memref<36864xf32, #tpu.memory_space<vmem_shared>>)
    %dma_wait3A_36 = arith.constant 0 : i32
    %dma_wait3A_37 = arith.constant 0 : i32
    %dma_wait3A_38 = tpu.memref_slice %arg2[%mul3A_14, %arg1, %dma_wait3A_36, %dma_wait3A_37] : memref<16x16x4x128xi32, #tpu.memory_space<hbm>> -> memref<1x1x4x128xi32, #tpu.memory_space<hbm>>
    %dma_wait3A_39 = tpu.memref_squeeze %dma_wait3A_38 : memref<1x1x4x128xi32, #tpu.memory_space<hbm>> -> memref<4x128xi32, #tpu.memory_space<hbm>>
    %dma_wait3A_40 = arith.constant 0 : i32
    %dma_wait3A_41 = arith.constant 0 : i32
    %dma_wait3A_42 = tpu.memref_slice %arg2[%mul3A_14, %arg1, %dma_wait3A_40, %dma_wait3A_41] : memref<16x16x4x128xi32, #tpu.memory_space<hbm>> -> memref<1x1x4x128xi32, #tpu.memory_space<hbm>>
    %dma_wait3A_43 = tpu.memref_squeeze %dma_wait3A_42 : memref<1x1x4x128xi32, #tpu.memory_space<hbm>> -> memref<4x128xi32, #tpu.memory_space<hbm>>
    tpu.wait_dma2 semaphore(%arg14 : memref<!tpu.dma_semaphore, #tpu.memory_space<semaphore_mem>>) src(%dma_wait3A_43 : memref<4x128xi32, #tpu.memory_space<hbm>>) dst(%arg6 : memref<4x128xi32, #tpu.memory_space<vmem>>)
    %dma_wait3A_44 = arith.constant 0 : i32
    %dma_wait3A_45 = arith.constant 0 : i32
    %dma_wait3A_46 = tpu.memref_slice %arg3[%mul3A_24, %arg1, %dma_wait3A_44, %dma_wait3A_45] : memref<16x16x4x128xf32, #tpu.memory_space<hbm>> -> memref<1x1x4x128xf32, #tpu.memory_space<hbm>>
    %dma_wait3A_47 = tpu.memref_squeeze %dma_wait3A_46 : memref<1x1x4x128xf32, #tpu.memory_space<hbm>> -> memref<4x128xf32, #tpu.memory_space<hbm>>
    %dma_wait3A_48 = arith.constant 0 : i32
    %dma_wait3A_49 = arith.constant 0 : i32
    %dma_wait3A_50 = tpu.memref_slice %arg3[%mul3A_24, %arg1, %dma_wait3A_48, %dma_wait3A_49] : memref<16x16x4x128xf32, #tpu.memory_space<hbm>> -> memref<1x1x4x128xf32, #tpu.memory_space<hbm>>
    %dma_wait3A_51 = tpu.memref_squeeze %dma_wait3A_50 : memref<1x1x4x128xf32, #tpu.memory_space<hbm>> -> memref<4x128xf32, #tpu.memory_space<hbm>>
    tpu.wait_dma2 semaphore(%arg14 : memref<!tpu.dma_semaphore, #tpu.memory_space<semaphore_mem>>) src(%dma_wait3A_51 : memref<4x128xf32, #tpu.memory_space<hbm>>) dst(%arg7 : memref<4x128xf32, #tpu.memory_space<vmem>>)
    %barrier3A = arith.constant 0 : index
    tpu.barrier barrier_id(%barrier3A)
    %scan3A_52 = arith.constant 0 : i32
    %scan3A_53 = arith.constant 8 : i32
    %scan3A_54 = arith.addi %scan3A_52, %scan3A_53 : i32
    %scan3A_55 = arith.constant 1 : i32
    scf.for %scan3A_57 = %scan3A_52 to %scan3A_54 step %scan3A_55  : i32 {
      %mul3A_58 = arith.constant 8 : i32
      %mul3A_59 = arith.muli %arg0, %mul3A_58 : i32
      %add3A = arith.addi %mul3A_59, %scan3A_57 : i32
      %dma_start3A_60 = arith.constant 0 : i32
      "tpu.trace_start"() <{level = 10 : i32, message = "adj_scatter"}> : () -> ()
      %dma_start3A_61 = arith.constant 0 : i32
      %dma_start3A_62 = tpu.memref_slice %arg6[%dma_start3A_60, %dma_start3A_61] : memref<4x128xi32, #tpu.memory_space<vmem>> -> memref<1x128xi32, #tpu.memory_space<vmem>>
      %dma_start3A_63 = tpu.memref_squeeze %dma_start3A_62 : memref<1x128xi32, #tpu.memory_space<vmem>> -> memref<128xi32, #tpu.memory_space<vmem>>
      %dma_start3A_64 = arith.constant 0 : i32
      %dma_start3A_65 = tpu.memref_slice %arg10[%dma_start3A_64] : memref<589824xf32, #tpu.memory_space<vmem_shared>> -> memref<589824xf32, #tpu.memory_space<vmem_shared>>
      tpu.enqueue_indirect_dma source(%arg8 : memref<128xf32, #tpu.memory_space<vmem>>) target(%dma_start3A_65 : memref<589824xf32, #tpu.memory_space<vmem_shared>>) offsets(%dma_start3A_63 : memref<128xi32, #tpu.memory_space<vmem>>) semaphore(%arg12 : memref<!tpu.dma_semaphore, #tpu.memory_space<semaphore_mem>>) {add = true}
      %dma_start3A_66 = arith.constant 0 : i32
      %dma_start3A_67 = arith.constant 0 : i32
      %dma_start3A_68 = arith.constant 0 : i32
      %dma_start3A_69 = tpu.memref_slice %arg7[%dma_start3A_66, %dma_start3A_68] : memref<4x128xf32, #tpu.memory_space<vmem>> -> memref<1x128xf32, #tpu.memory_space<vmem>>
      %dma_start3A_70 = tpu.memref_squeeze %dma_start3A_69 : memref<1x128xf32, #tpu.memory_space<vmem>> -> memref<128xf32, #tpu.memory_space<vmem>>
      %dma_start3A_71 = arith.constant 0 : i32
      %dma_start3A_72 = tpu.memref_slice %arg6[%dma_start3A_67, %dma_start3A_71] : memref<4x128xi32, #tpu.memory_space<vmem>> -> memref<1x128xi32, #tpu.memory_space<vmem>>
      %dma_start3A_73 = tpu.memref_squeeze %dma_start3A_72 : memref<1x128xi32, #tpu.memory_space<vmem>> -> memref<128xi32, #tpu.memory_space<vmem>>
      %dma_start3A_74 = arith.constant 0 : i32
      %dma_start3A_75 = tpu.memref_slice %arg11[%dma_start3A_74] : memref<589824xf32, #tpu.memory_space<vmem_shared>> -> memref<589824xf32, #tpu.memory_space<vmem_shared>>
      tpu.enqueue_indirect_dma source(%dma_start3A_70 : memref<128xf32, #tpu.memory_space<vmem>>) target(%dma_start3A_75 : memref<589824xf32, #tpu.memory_space<vmem_shared>>) offsets(%dma_start3A_73 : memref<128xi32, #tpu.memory_space<vmem>>) semaphore(%arg12 : memref<!tpu.dma_semaphore, #tpu.memory_space<semaphore_mem>>) {add = true}
      %dma_start3A_76 = arith.constant 1 : i32
      %dma_start3A_77 = arith.constant 0 : i32
      %dma_start3A_78 = tpu.memref_slice %arg6[%dma_start3A_76, %dma_start3A_77] : memref<4x128xi32, #tpu.memory_space<vmem>> -> memref<1x128xi32, #tpu.memory_space<vmem>>
      %dma_start3A_79 = tpu.memref_squeeze %dma_start3A_78 : memref<1x128xi32, #tpu.memory_space<vmem>> -> memref<128xi32, #tpu.memory_space<vmem>>
      %dma_start3A_80 = arith.constant 0 : i32
      %dma_start3A_81 = tpu.memref_slice %arg10[%dma_start3A_80] : memref<589824xf32, #tpu.memory_space<vmem_shared>> -> memref<589824xf32, #tpu.memory_space<vmem_shared>>
      tpu.enqueue_indirect_dma source(%arg8 : memref<128xf32, #tpu.memory_space<vmem>>) target(%dma_start3A_81 : memref<589824xf32, #tpu.memory_space<vmem_shared>>) offsets(%dma_start3A_79 : memref<128xi32, #tpu.memory_space<vmem>>) semaphore(%arg12 : memref<!tpu.dma_semaphore, #tpu.memory_space<semaphore_mem>>) {add = true}
      %dma_start3A_82 = arith.constant 1 : i32
      %dma_start3A_83 = arith.constant 1 : i32
      %dma_start3A_84 = arith.constant 0 : i32
      %dma_start3A_85 = tpu.memref_slice %arg7[%dma_start3A_82, %dma_start3A_84] : memref<4x128xf32, #tpu.memory_space<vmem>> -> memref<1x128xf32, #tpu.memory_space<vmem>>
      %dma_start3A_86 = tpu.memref_squeeze %dma_start3A_85 : memref<1x128xf32, #tpu.memory_space<vmem>> -> memref<128xf32, #tpu.memory_space<vmem>>
      %dma_start3A_87 = arith.constant 0 : i32
      %dma_start3A_88 = tpu.memref_slice %arg6[%dma_start3A_83, %dma_start3A_87] : memref<4x128xi32, #tpu.memory_space<vmem>> -> memref<1x128xi32, #tpu.memory_space<vmem>>
      %dma_start3A_89 = tpu.memref_squeeze %dma_start3A_88 : memref<1x128xi32, #tpu.memory_space<vmem>> -> memref<128xi32, #tpu.memory_space<vmem>>
      %dma_start3A_90 = arith.constant 0 : i32
      %dma_start3A_91 = tpu.memref_slice %arg11[%dma_start3A_90] : memref<589824xf32, #tpu.memory_space<vmem_shared>> -> memref<589824xf32, #tpu.memory_space<vmem_shared>>
      tpu.enqueue_indirect_dma source(%dma_start3A_86 : memref<128xf32, #tpu.memory_space<vmem>>) target(%dma_start3A_91 : memref<589824xf32, #tpu.memory_space<vmem_shared>>) offsets(%dma_start3A_89 : memref<128xi32, #tpu.memory_space<vmem>>) semaphore(%arg12 : memref<!tpu.dma_semaphore, #tpu.memory_space<semaphore_mem>>) {add = true}
      %dma_start3A_92 = arith.constant 2 : i32
      %dma_start3A_93 = arith.constant 0 : i32
      %dma_start3A_94 = tpu.memref_slice %arg6[%dma_start3A_92, %dma_start3A_93] : memref<4x128xi32, #tpu.memory_space<vmem>> -> memref<1x128xi32, #tpu.memory_space<vmem>>
      %dma_start3A_95 = tpu.memref_squeeze %dma_start3A_94 : memref<1x128xi32, #tpu.memory_space<vmem>> -> memref<128xi32, #tpu.memory_space<vmem>>
      %dma_start3A_96 = arith.constant 0 : i32
      %dma_start3A_97 = tpu.memref_slice %arg10[%dma_start3A_96] : memref<589824xf32, #tpu.memory_space<vmem_shared>> -> memref<589824xf32, #tpu.memory_space<vmem_shared>>
      tpu.enqueue_indirect_dma source(%arg8 : memref<128xf32, #tpu.memory_space<vmem>>) target(%dma_start3A_97 : memref<589824xf32, #tpu.memory_space<vmem_shared>>) offsets(%dma_start3A_95 : memref<128xi32, #tpu.memory_space<vmem>>) semaphore(%arg12 : memref<!tpu.dma_semaphore, #tpu.memory_space<semaphore_mem>>) {add = true}
      %dma_start3A_98 = arith.constant 2 : i32
      %dma_start3A_99 = arith.constant 2 : i32
      %dma_start3A_100 = arith.constant 0 : i32
      %dma_start3A_101 = tpu.memref_slice %arg7[%dma_start3A_98, %dma_start3A_100] : memref<4x128xf32, #tpu.memory_space<vmem>> -> memref<1x128xf32, #tpu.memory_space<vmem>>
      %dma_start3A_102 = tpu.memref_squeeze %dma_start3A_101 : memref<1x128xf32, #tpu.memory_space<vmem>> -> memref<128xf32, #tpu.memory_space<vmem>>
      %dma_start3A_103 = arith.constant 0 : i32
      %dma_start3A_104 = tpu.memref_slice %arg6[%dma_start3A_99, %dma_start3A_103] : memref<4x128xi32, #tpu.memory_space<vmem>> -> memref<1x128xi32, #tpu.memory_space<vmem>>
      %dma_start3A_105 = tpu.memref_squeeze %dma_start3A_104 : memref<1x128xi32, #tpu.memory_space<vmem>> -> memref<128xi32, #tpu.memory_space<vmem>>
      %dma_start3A_106 = arith.constant 0 : i32
      %dma_start3A_107 = tpu.memref_slice %arg11[%dma_start3A_106] : memref<589824xf32, #tpu.memory_space<vmem_shared>> -> memref<589824xf32, #tpu.memory_space<vmem_shared>>
      tpu.enqueue_indirect_dma source(%dma_start3A_102 : memref<128xf32, #tpu.memory_space<vmem>>) target(%dma_start3A_107 : memref<589824xf32, #tpu.memory_space<vmem_shared>>) offsets(%dma_start3A_105 : memref<128xi32, #tpu.memory_space<vmem>>) semaphore(%arg12 : memref<!tpu.dma_semaphore, #tpu.memory_space<semaphore_mem>>) {add = true}
      %dma_start3A_108 = arith.constant 3 : i32
      %dma_start3A_109 = arith.constant 0 : i32
      %dma_start3A_110 = tpu.memref_slice %arg6[%dma_start3A_108, %dma_start3A_109] : memref<4x128xi32, #tpu.memory_space<vmem>> -> memref<1x128xi32, #tpu.memory_space<vmem>>
      %dma_start3A_111 = tpu.memref_squeeze %dma_start3A_110 : memref<1x128xi32, #tpu.memory_space<vmem>> -> memref<128xi32, #tpu.memory_space<vmem>>
      %dma_start3A_112 = arith.constant 0 : i32
      %dma_start3A_113 = tpu.memref_slice %arg10[%dma_start3A_112] : memref<589824xf32, #tpu.memory_space<vmem_shared>> -> memref<589824xf32, #tpu.memory_space<vmem_shared>>
      tpu.enqueue_indirect_dma source(%arg8 : memref<128xf32, #tpu.memory_space<vmem>>) target(%dma_start3A_113 : memref<589824xf32, #tpu.memory_space<vmem_shared>>) offsets(%dma_start3A_111 : memref<128xi32, #tpu.memory_space<vmem>>) semaphore(%arg12 : memref<!tpu.dma_semaphore, #tpu.memory_space<semaphore_mem>>) {add = true}
      %dma_start3A_114 = arith.constant 3 : i32
      %dma_start3A_115 = arith.constant 3 : i32
      %dma_start3A_116 = arith.constant 0 : i32
      %dma_start3A_117 = tpu.memref_slice %arg7[%dma_start3A_114, %dma_start3A_116] : memref<4x128xf32, #tpu.memory_space<vmem>> -> memref<1x128xf32, #tpu.memory_space<vmem>>
      %dma_start3A_118 = tpu.memref_squeeze %dma_start3A_117 : memref<1x128xf32, #tpu.memory_space<vmem>> -> memref<128xf32, #tpu.memory_space<vmem>>
      %dma_start3A_119 = arith.constant 0 : i32
      %dma_start3A_120 = tpu.memref_slice %arg6[%dma_start3A_115, %dma_start3A_119] : memref<4x128xi32, #tpu.memory_space<vmem>> -> memref<1x128xi32, #tpu.memory_space<vmem>>
      %dma_start3A_121 = tpu.memref_squeeze %dma_start3A_120 : memref<1x128xi32, #tpu.memory_space<vmem>> -> memref<128xi32, #tpu.memory_space<vmem>>
      %dma_start3A_122 = arith.constant 0 : i32
      %dma_start3A_123 = tpu.memref_slice %arg11[%dma_start3A_122] : memref<589824xf32, #tpu.memory_space<vmem_shared>> -> memref<589824xf32, #tpu.memory_space<vmem_shared>>
      tpu.enqueue_indirect_dma source(%dma_start3A_118 : memref<128xf32, #tpu.memory_space<vmem>>) target(%dma_start3A_123 : memref<589824xf32, #tpu.memory_space<vmem_shared>>) offsets(%dma_start3A_121 : memref<128xi32, #tpu.memory_space<vmem>>) semaphore(%arg12 : memref<!tpu.dma_semaphore, #tpu.memory_space<semaphore_mem>>) {add = true}
      %dma_wait3A_124 = arith.constant 0 : i32
      %dma_wait3A_125 = arith.constant 0 : i32
      %dma_wait3A_126 = tpu.memref_slice %arg6[%dma_wait3A_124, %dma_wait3A_125] : memref<4x128xi32, #tpu.memory_space<vmem>> -> memref<1x128xi32, #tpu.memory_space<vmem>>
      %dma_wait3A_127 = tpu.memref_squeeze %dma_wait3A_126 : memref<1x128xi32, #tpu.memory_space<vmem>> -> memref<128xi32, #tpu.memory_space<vmem>>
      %dma_wait3A_128 = arith.constant 0 : i32
      %dma_wait3A_129 = tpu.memref_slice %arg10[%dma_wait3A_128] : memref<589824xf32, #tpu.memory_space<vmem_shared>> -> memref<589824xf32, #tpu.memory_space<vmem_shared>>
      tpu.wait_indirect_dma semaphore(%arg12 : memref<!tpu.dma_semaphore, #tpu.memory_space<semaphore_mem>>) src(%arg8 : memref<128xf32, #tpu.memory_space<vmem>>) dst(%dma_wait3A_129 : memref<589824xf32, #tpu.memory_space<vmem_shared>>)
      %dma_wait3A_130 = arith.constant 0 : i32
      %dma_wait3A_131 = arith.constant 0 : i32
      %dma_wait3A_132 = arith.constant 0 : i32
      %dma_wait3A_133 = tpu.memref_slice %arg7[%dma_wait3A_130, %dma_wait3A_132] : memref<4x128xf32, #tpu.memory_space<vmem>> -> memref<1x128xf32, #tpu.memory_space<vmem>>
      %dma_wait3A_134 = tpu.memref_squeeze %dma_wait3A_133 : memref<1x128xf32, #tpu.memory_space<vmem>> -> memref<128xf32, #tpu.memory_space<vmem>>
      %dma_wait3A_135 = arith.constant 0 : i32
      %dma_wait3A_136 = tpu.memref_slice %arg6[%dma_wait3A_131, %dma_wait3A_135] : memref<4x128xi32, #tpu.memory_space<vmem>> -> memref<1x128xi32, #tpu.memory_space<vmem>>
      %dma_wait3A_137 = tpu.memref_squeeze %dma_wait3A_136 : memref<1x128xi32, #tpu.memory_space<vmem>> -> memref<128xi32, #tpu.memory_space<vmem>>
      %dma_wait3A_138 = arith.constant 0 : i32
      %dma_wait3A_139 = tpu.memref_slice %arg11[%dma_wait3A_138] : memref<589824xf32, #tpu.memory_space<vmem_shared>> -> memref<589824xf32, #tpu.memory_space<vmem_shared>>
      tpu.wait_indirect_dma semaphore(%arg12 : memref<!tpu.dma_semaphore, #tpu.memory_space<semaphore_mem>>) src(%dma_wait3A_134 : memref<128xf32, #tpu.memory_space<vmem>>) dst(%dma_wait3A_139 : memref<589824xf32, #tpu.memory_space<vmem_shared>>)
      %dma_wait3A_140 = arith.constant 1 : i32
      %dma_wait3A_141 = arith.constant 0 : i32
      %dma_wait3A_142 = tpu.memref_slice %arg6[%dma_wait3A_140, %dma_wait3A_141] : memref<4x128xi32, #tpu.memory_space<vmem>> -> memref<1x128xi32, #tpu.memory_space<vmem>>
      %dma_wait3A_143 = tpu.memref_squeeze %dma_wait3A_142 : memref<1x128xi32, #tpu.memory_space<vmem>> -> memref<128xi32, #tpu.memory_space<vmem>>
      %dma_wait3A_144 = arith.constant 0 : i32
      %dma_wait3A_145 = tpu.memref_slice %arg10[%dma_wait3A_144] : memref<589824xf32, #tpu.memory_space<vmem_shared>> -> memref<589824xf32, #tpu.memory_space<vmem_shared>>
      tpu.wait_indirect_dma semaphore(%arg12 : memref<!tpu.dma_semaphore, #tpu.memory_space<semaphore_mem>>) src(%arg8 : memref<128xf32, #tpu.memory_space<vmem>>) dst(%dma_wait3A_145 : memref<589824xf32, #tpu.memory_space<vmem_shared>>)
      %dma_wait3A_146 = arith.constant 1 : i32
      %dma_wait3A_147 = arith.constant 1 : i32
      %dma_wait3A_148 = arith.constant 0 : i32
      %dma_wait3A_149 = tpu.memref_slice %arg7[%dma_wait3A_146, %dma_wait3A_148] : memref<4x128xf32, #tpu.memory_space<vmem>> -> memref<1x128xf32, #tpu.memory_space<vmem>>
      %dma_wait3A_150 = tpu.memref_squeeze %dma_wait3A_149 : memref<1x128xf32, #tpu.memory_space<vmem>> -> memref<128xf32, #tpu.memory_space<vmem>>
      %dma_wait3A_151 = arith.constant 0 : i32
      %dma_wait3A_152 = tpu.memref_slice %arg6[%dma_wait3A_147, %dma_wait3A_151] : memref<4x128xi32, #tpu.memory_space<vmem>> -> memref<1x128xi32, #tpu.memory_space<vmem>>
      %dma_wait3A_153 = tpu.memref_squeeze %dma_wait3A_152 : memref<1x128xi32, #tpu.memory_space<vmem>> -> memref<128xi32, #tpu.memory_space<vmem>>
      %dma_wait3A_154 = arith.constant 0 : i32
      %dma_wait3A_155 = tpu.memref_slice %arg11[%dma_wait3A_154] : memref<589824xf32, #tpu.memory_space<vmem_shared>> -> memref<589824xf32, #tpu.memory_space<vmem_shared>>
      tpu.wait_indirect_dma semaphore(%arg12 : memref<!tpu.dma_semaphore, #tpu.memory_space<semaphore_mem>>) src(%dma_wait3A_150 : memref<128xf32, #tpu.memory_space<vmem>>) dst(%dma_wait3A_155 : memref<589824xf32, #tpu.memory_space<vmem_shared>>)
      %dma_wait3A_156 = arith.constant 2 : i32
      %dma_wait3A_157 = arith.constant 0 : i32
      %dma_wait3A_158 = tpu.memref_slice %arg6[%dma_wait3A_156, %dma_wait3A_157] : memref<4x128xi32, #tpu.memory_space<vmem>> -> memref<1x128xi32, #tpu.memory_space<vmem>>
      %dma_wait3A_159 = tpu.memref_squeeze %dma_wait3A_158 : memref<1x128xi32, #tpu.memory_space<vmem>> -> memref<128xi32, #tpu.memory_space<vmem>>
      %dma_wait3A_160 = arith.constant 0 : i32
      %dma_wait3A_161 = tpu.memref_slice %arg10[%dma_wait3A_160] : memref<589824xf32, #tpu.memory_space<vmem_shared>> -> memref<589824xf32, #tpu.memory_space<vmem_shared>>
      tpu.wait_indirect_dma semaphore(%arg12 : memref<!tpu.dma_semaphore, #tpu.memory_space<semaphore_mem>>) src(%arg8 : memref<128xf32, #tpu.memory_space<vmem>>) dst(%dma_wait3A_161 : memref<589824xf32, #tpu.memory_space<vmem_shared>>)
      %dma_wait3A_162 = arith.constant 2 : i32
      %dma_wait3A_163 = arith.constant 2 : i32
      %dma_wait3A_164 = arith.constant 0 : i32
      %dma_wait3A_165 = tpu.memref_slice %arg7[%dma_wait3A_162, %dma_wait3A_164] : memref<4x128xf32, #tpu.memory_space<vmem>> -> memref<1x128xf32, #tpu.memory_space<vmem>>
      %dma_wait3A_166 = tpu.memref_squeeze %dma_wait3A_165 : memref<1x128xf32, #tpu.memory_space<vmem>> -> memref<128xf32, #tpu.memory_space<vmem>>
      %dma_wait3A_167 = arith.constant 0 : i32
      %dma_wait3A_168 = tpu.memref_slice %arg6[%dma_wait3A_163, %dma_wait3A_167] : memref<4x128xi32, #tpu.memory_space<vmem>> -> memref<1x128xi32, #tpu.memory_space<vmem>>
      %dma_wait3A_169 = tpu.memref_squeeze %dma_wait3A_168 : memref<1x128xi32, #tpu.memory_space<vmem>> -> memref<128xi32, #tpu.memory_space<vmem>>
      %dma_wait3A_170 = arith.constant 0 : i32
      %dma_wait3A_171 = tpu.memref_slice %arg11[%dma_wait3A_170] : memref<589824xf32, #tpu.memory_space<vmem_shared>> -> memref<589824xf32, #tpu.memory_space<vmem_shared>>
      tpu.wait_indirect_dma semaphore(%arg12 : memref<!tpu.dma_semaphore, #tpu.memory_space<semaphore_mem>>) src(%dma_wait3A_166 : memref<128xf32, #tpu.memory_space<vmem>>) dst(%dma_wait3A_171 : memref<589824xf32, #tpu.memory_space<vmem_shared>>)
      %dma_wait3A_172 = arith.constant 3 : i32
      %dma_wait3A_173 = arith.constant 0 : i32
      %dma_wait3A_174 = tpu.memref_slice %arg6[%dma_wait3A_172, %dma_wait3A_173] : memref<4x128xi32, #tpu.memory_space<vmem>> -> memref<1x128xi32, #tpu.memory_space<vmem>>
      %dma_wait3A_175 = tpu.memref_squeeze %dma_wait3A_174 : memref<1x128xi32, #tpu.memory_space<vmem>> -> memref<128xi32, #tpu.memory_space<vmem>>
      %dma_wait3A_176 = arith.constant 0 : i32
      %dma_wait3A_177 = tpu.memref_slice %arg10[%dma_wait3A_176] : memref<589824xf32, #tpu.memory_space<vmem_shared>> -> memref<589824xf32, #tpu.memory_space<vmem_shared>>
      tpu.wait_indirect_dma semaphore(%arg12 : memref<!tpu.dma_semaphore, #tpu.memory_space<semaphore_mem>>) src(%arg8 : memref<128xf32, #tpu.memory_space<vmem>>) dst(%dma_wait3A_177 : memref<589824xf32, #tpu.memory_space<vmem_shared>>)
      %dma_wait3A_178 = arith.constant 3 : i32
      %dma_wait3A_179 = arith.constant 3 : i32
      %dma_wait3A_180 = arith.constant 0 : i32
      %dma_wait3A_181 = tpu.memref_slice %arg7[%dma_wait3A_178, %dma_wait3A_180] : memref<4x128xf32, #tpu.memory_space<vmem>> -> memref<1x128xf32, #tpu.memory_space<vmem>>
      %dma_wait3A_182 = tpu.memref_squeeze %dma_wait3A_181 : memref<1x128xf32, #tpu.memory_space<vmem>> -> memref<128xf32, #tpu.memory_space<vmem>>
      %dma_wait3A_183 = arith.constant 0 : i32
      %dma_wait3A_184 = tpu.memref_slice %arg6[%dma_wait3A_179, %dma_wait3A_183] : memref<4x128xi32, #tpu.memory_space<vmem>> -> memref<1x128xi32, #tpu.memory_space<vmem>>
      %dma_wait3A_185 = tpu.memref_squeeze %dma_wait3A_184 : memref<1x128xi32, #tpu.memory_space<vmem>> -> memref<128xi32, #tpu.memory_space<vmem>>
      %dma_wait3A_186 = arith.constant 0 : i32
      %dma_wait3A_187 = tpu.memref_slice %arg11[%dma_wait3A_186] : memref<589824xf32, #tpu.memory_space<vmem_shared>> -> memref<589824xf32, #tpu.memory_space<vmem_shared>>
      tpu.wait_indirect_dma semaphore(%arg12 : memref<!tpu.dma_semaphore, #tpu.memory_space<semaphore_mem>>) src(%dma_wait3A_182 : memref<128xf32, #tpu.memory_space<vmem>>) dst(%dma_wait3A_187 : memref<589824xf32, #tpu.memory_space<vmem_shared>>)
      "tpu.trace_stop"() : () -> ()
      %barrier3A_188 = arith.constant 0 : index
      tpu.barrier barrier_id(%barrier3A_188)
      "tpu.trace_start"() <{level = 10 : i32, message = "adj_drain"}> : () -> ()
      %scan3A_189 = arith.constant 0 : i32
      %scan3A_190 = arith.constant 48 : i32
      %scan3A_191 = arith.addi %scan3A_189, %scan3A_190 : i32
      %scan3A_192 = arith.constant 1 : i32
      scf.for %scan3A_204 = %scan3A_189 to %scan3A_191 step %scan3A_192  : i32 {
        %mul3A_205 = arith.constant 48 : i32
        %mul3A_206 = arith.muli %arg1, %mul3A_205 : i32
        %add3A_207 = arith.addi %mul3A_206, %scan3A_204 : i32
        %mul3A_208 = arith.constant 768 : i32
        %mul3A_209 = arith.muli %add3A_207, %mul3A_208 : i32
        %dma_start3A_210 = arith.constant 0 : i32
        %dma_start3A_211 = tpu.memref_slice %arg4[%add3A, %add3A_207, %dma_start3A_210] : memref<16x768x768xf32, #tpu.memory_space<hbm>> -> memref<1x1x768xf32, #tpu.memory_space<hbm>>
        %dma_start3A_212 = tpu.memref_squeeze %dma_start3A_211 : memref<1x1x768xf32, #tpu.memory_space<hbm>> -> memref<768xf32, #tpu.memory_space<hbm>>
        %dma_start3A_213 = tpu.memref_slice %arg10[%mul3A_209] : memref<589824xf32, #tpu.memory_space<vmem_shared>> -> memref<768xf32, #tpu.memory_space<vmem_shared>>
        tpu.enqueue_dma source(%dma_start3A_213 : memref<768xf32, #tpu.memory_space<vmem_shared>>) target(%dma_start3A_212 : memref<768xf32, #tpu.memory_space<hbm>>) target_semaphore(%arg13 : memref<!tpu.dma_semaphore, #tpu.memory_space<semaphore_mem>>)
        %mul3A_214 = arith.constant 768 : i32
        %mul3A_215 = arith.muli %add3A_207, %mul3A_214 : i32
        %dma_start3A_216 = arith.constant 0 : i32
        %dma_start3A_217 = tpu.memref_slice %arg5[%add3A, %add3A_207, %dma_start3A_216] : memref<16x768x768xf32, #tpu.memory_space<hbm>> -> memref<1x1x768xf32, #tpu.memory_space<hbm>>
        %dma_start3A_218 = tpu.memref_squeeze %dma_start3A_217 : memref<1x1x768xf32, #tpu.memory_space<hbm>> -> memref<768xf32, #tpu.memory_space<hbm>>
        %dma_start3A_219 = tpu.memref_slice %arg11[%mul3A_215] : memref<589824xf32, #tpu.memory_space<vmem_shared>> -> memref<768xf32, #tpu.memory_space<vmem_shared>>
        tpu.enqueue_dma source(%dma_start3A_219 : memref<768xf32, #tpu.memory_space<vmem_shared>>) target(%dma_start3A_218 : memref<768xf32, #tpu.memory_space<hbm>>) target_semaphore(%arg13 : memref<!tpu.dma_semaphore, #tpu.memory_space<semaphore_mem>>)
      }
      %scan3A_193 = arith.constant 48 : i32
      %scan3A_194 = arith.constant 0 : i32
      %scan3A_195 = arith.constant 48 : i32
      %scan3A_196 = arith.addi %scan3A_194, %scan3A_195 : i32
      %scan3A_197 = arith.constant 1 : i32
      scf.for %scan3A_204 = %scan3A_194 to %scan3A_196 step %scan3A_197  : i32 {
        %dma_wait3A_205 = arith.constant 0 : i32
        %dma_wait3A_206 = arith.constant 0 : i32
        %dma_wait3A_207 = tpu.memref_slice %arg4[%add3A, %dma_wait3A_205, %dma_wait3A_206] : memref<16x768x768xf32, #tpu.memory_space<hbm>> -> memref<1x1x768xf32, #tpu.memory_space<hbm>>
        %dma_wait3A_208 = tpu.memref_squeeze %dma_wait3A_207 : memref<1x1x768xf32, #tpu.memory_space<hbm>> -> memref<768xf32, #tpu.memory_space<hbm>>
        %dma_wait3A_209 = arith.constant 0 : i32
        %dma_wait3A_210 = tpu.memref_slice %arg10[%dma_wait3A_209] : memref<589824xf32, #tpu.memory_space<vmem_shared>> -> memref<768xf32, #tpu.memory_space<vmem_shared>>
        tpu.wait_dma2 semaphore(%arg13 : memref<!tpu.dma_semaphore, #tpu.memory_space<semaphore_mem>>) src(%dma_wait3A_210 : memref<768xf32, #tpu.memory_space<vmem_shared>>) dst(%dma_wait3A_208 : memref<768xf32, #tpu.memory_space<hbm>>)
        %dma_wait3A_211 = arith.constant 0 : i32
        %dma_wait3A_212 = arith.constant 0 : i32
        %dma_wait3A_213 = tpu.memref_slice %arg5[%add3A, %dma_wait3A_211, %dma_wait3A_212] : memref<16x768x768xf32, #tpu.memory_space<hbm>> -> memref<1x1x768xf32, #tpu.memory_space<hbm>>
        %dma_wait3A_214 = tpu.memref_squeeze %dma_wait3A_213 : memref<1x1x768xf32, #tpu.memory_space<hbm>> -> memref<768xf32, #tpu.memory_space<hbm>>
        %dma_wait3A_215 = arith.constant 0 : i32
        %dma_wait3A_216 = tpu.memref_slice %arg11[%dma_wait3A_215] : memref<589824xf32, #tpu.memory_space<vmem_shared>> -> memref<768xf32, #tpu.memory_space<vmem_shared>>
        tpu.wait_dma2 semaphore(%arg13 : memref<!tpu.dma_semaphore, #tpu.memory_space<semaphore_mem>>) src(%dma_wait3A_216 : memref<768xf32, #tpu.memory_space<vmem_shared>>) dst(%dma_wait3A_214 : memref<768xf32, #tpu.memory_space<hbm>>)
      }
      %scan3A_198 = arith.constant 48 : i32
      "tpu.trace_stop"() : () -> ()
      %add3A_199 = arith.constant 1 : i32
      %add3A_200 = arith.addi %scan3A_57, %add3A_199 : i32
      %lt3A = arith.constant 8 : i32
      %lt3A_201 = arith.cmpi slt, %add3A_200, %lt3A : i32
      %convert_element_type3A = arith.extui %lt3A_201 : i1 to i32
      %cond3A = arith.constant 0 : i32
      %cond3A_202 = arith.cmpi ne, %convert_element_type3A, %cond3A : i32
      scf.if %cond3A_202 {
        "tpu.trace_start"() <{level = 10 : i32, message = "adj_refill"}> : () -> ()
        %add3A_204 = arith.constant 1 : i32
        %add3A_205 = arith.addi %add3A, %add3A_204 : i32
        %dma_start3A_206 = arith.constant 0 : i32
        %dma_start3A_207 = arith.constant 0 : i32
        %dma_start3A_208 = tpu.memref_slice %arg2[%add3A_205, %arg1, %dma_start3A_206, %dma_start3A_207] : memref<16x16x4x128xi32, #tpu.memory_space<hbm>> -> memref<1x1x4x128xi32, #tpu.memory_space<hbm>>
        %dma_start3A_209 = tpu.memref_squeeze %dma_start3A_208 : memref<1x1x4x128xi32, #tpu.memory_space<hbm>> -> memref<4x128xi32, #tpu.memory_space<hbm>>
        %dma_start3A_210 = arith.constant 0 : i32
        %dma_start3A_211 = arith.constant 0 : i32
        %dma_start3A_212 = tpu.memref_slice %arg2[%add3A_205, %arg1, %dma_start3A_210, %dma_start3A_211] : memref<16x16x4x128xi32, #tpu.memory_space<hbm>> -> memref<1x1x4x128xi32, #tpu.memory_space<hbm>>
        %dma_start3A_213 = tpu.memref_squeeze %dma_start3A_212 : memref<1x1x4x128xi32, #tpu.memory_space<hbm>> -> memref<4x128xi32, #tpu.memory_space<hbm>>
        tpu.enqueue_dma source(%dma_start3A_213 : memref<4x128xi32, #tpu.memory_space<hbm>>) target(%arg6 : memref<4x128xi32, #tpu.memory_space<vmem>>) target_semaphore(%arg14 : memref<!tpu.dma_semaphore, #tpu.memory_space<semaphore_mem>>)
        %add3A_214 = arith.constant 1 : i32
        %add3A_215 = arith.addi %add3A, %add3A_214 : i32
        %dma_start3A_216 = arith.constant 0 : i32
        %dma_start3A_217 = arith.constant 0 : i32
        %dma_start3A_218 = tpu.memref_slice %arg3[%add3A_215, %arg1, %dma_start3A_216, %dma_start3A_217] : memref<16x16x4x128xf32, #tpu.memory_space<hbm>> -> memref<1x1x4x128xf32, #tpu.memory_space<hbm>>
        %dma_start3A_219 = tpu.memref_squeeze %dma_start3A_218 : memref<1x1x4x128xf32, #tpu.memory_space<hbm>> -> memref<4x128xf32, #tpu.memory_space<hbm>>
        %dma_start3A_220 = arith.constant 0 : i32
        %dma_start3A_221 = arith.constant 0 : i32
        %dma_start3A_222 = tpu.memref_slice %arg3[%add3A_215, %arg1, %dma_start3A_220, %dma_start3A_221] : memref<16x16x4x128xf32, #tpu.memory_space<hbm>> -> memref<1x1x4x128xf32, #tpu.memory_space<hbm>>
        %dma_start3A_223 = tpu.memref_squeeze %dma_start3A_222 : memref<1x1x4x128xf32, #tpu.memory_space<hbm>> -> memref<4x128xf32, #tpu.memory_space<hbm>>
        tpu.enqueue_dma source(%dma_start3A_223 : memref<4x128xf32, #tpu.memory_space<hbm>>) target(%arg7 : memref<4x128xf32, #tpu.memory_space<vmem>>) target_semaphore(%arg14 : memref<!tpu.dma_semaphore, #tpu.memory_space<semaphore_mem>>)
        %dma_start3A_224 = tpu.memref_slice %arg10[%mul3A_9] : memref<589824xf32, #tpu.memory_space<vmem_shared>> -> memref<36864xf32, #tpu.memory_space<vmem_shared>>
        %dma_start3A_225 = tpu.memref_slice %arg10[%mul3A_9] : memref<589824xf32, #tpu.memory_space<vmem_shared>> -> memref<36864xf32, #tpu.memory_space<vmem_shared>>
        tpu.enqueue_dma source(%arg9 : memref<36864xf32, #tpu.memory_space<vmem>>) target(%dma_start3A_225 : memref<36864xf32, #tpu.memory_space<vmem_shared>>) target_semaphore(%arg13 : memref<!tpu.dma_semaphore, #tpu.memory_space<semaphore_mem>>)
        %dma_start3A_226 = tpu.memref_slice %arg11[%mul3A_9] : memref<589824xf32, #tpu.memory_space<vmem_shared>> -> memref<36864xf32, #tpu.memory_space<vmem_shared>>
        %dma_start3A_227 = tpu.memref_slice %arg11[%mul3A_9] : memref<589824xf32, #tpu.memory_space<vmem_shared>> -> memref<36864xf32, #tpu.memory_space<vmem_shared>>
        tpu.enqueue_dma source(%arg9 : memref<36864xf32, #tpu.memory_space<vmem>>) target(%dma_start3A_227 : memref<36864xf32, #tpu.memory_space<vmem_shared>>) target_semaphore(%arg13 : memref<!tpu.dma_semaphore, #tpu.memory_space<semaphore_mem>>)
        %dma_wait3A_228 = tpu.memref_slice %arg10[%mul3A_9] : memref<589824xf32, #tpu.memory_space<vmem_shared>> -> memref<36864xf32, #tpu.memory_space<vmem_shared>>
        %dma_wait3A_229 = tpu.memref_slice %arg10[%mul3A_9] : memref<589824xf32, #tpu.memory_space<vmem_shared>> -> memref<36864xf32, #tpu.memory_space<vmem_shared>>
        tpu.wait_dma2 semaphore(%arg13 : memref<!tpu.dma_semaphore, #tpu.memory_space<semaphore_mem>>) src(%arg9 : memref<36864xf32, #tpu.memory_space<vmem>>) dst(%dma_wait3A_229 : memref<36864xf32, #tpu.memory_space<vmem_shared>>)
        %dma_wait3A_230 = tpu.memref_slice %arg11[%mul3A_9] : memref<589824xf32, #tpu.memory_space<vmem_shared>> -> memref<36864xf32, #tpu.memory_space<vmem_shared>>
        %dma_wait3A_231 = tpu.memref_slice %arg11[%mul3A_9] : memref<589824xf32, #tpu.memory_space<vmem_shared>> -> memref<36864xf32, #tpu.memory_space<vmem_shared>>
        tpu.wait_dma2 semaphore(%arg13 : memref<!tpu.dma_semaphore, #tpu.memory_space<semaphore_mem>>) src(%arg9 : memref<36864xf32, #tpu.memory_space<vmem>>) dst(%dma_wait3A_231 : memref<36864xf32, #tpu.memory_space<vmem_shared>>)
        %dma_wait3A_232 = arith.constant 0 : i32
        %dma_wait3A_233 = arith.constant 0 : i32
        %dma_wait3A_234 = tpu.memref_slice %arg2[%add3A_205, %arg1, %dma_wait3A_232, %dma_wait3A_233] : memref<16x16x4x128xi32, #tpu.memory_space<hbm>> -> memref<1x1x4x128xi32, #tpu.memory_space<hbm>>
        %dma_wait3A_235 = tpu.memref_squeeze %dma_wait3A_234 : memref<1x1x4x128xi32, #tpu.memory_space<hbm>> -> memref<4x128xi32, #tpu.memory_space<hbm>>
        %dma_wait3A_236 = arith.constant 0 : i32
        %dma_wait3A_237 = arith.constant 0 : i32
        %dma_wait3A_238 = tpu.memref_slice %arg2[%add3A_205, %arg1, %dma_wait3A_236, %dma_wait3A_237] : memref<16x16x4x128xi32, #tpu.memory_space<hbm>> -> memref<1x1x4x128xi32, #tpu.memory_space<hbm>>
        %dma_wait3A_239 = tpu.memref_squeeze %dma_wait3A_238 : memref<1x1x4x128xi32, #tpu.memory_space<hbm>> -> memref<4x128xi32, #tpu.memory_space<hbm>>
        tpu.wait_dma2 semaphore(%arg14 : memref<!tpu.dma_semaphore, #tpu.memory_space<semaphore_mem>>) src(%dma_wait3A_239 : memref<4x128xi32, #tpu.memory_space<hbm>>) dst(%arg6 : memref<4x128xi32, #tpu.memory_space<vmem>>)
        %dma_wait3A_240 = arith.constant 0 : i32
        %dma_wait3A_241 = arith.constant 0 : i32
        %dma_wait3A_242 = tpu.memref_slice %arg3[%add3A_215, %arg1, %dma_wait3A_240, %dma_wait3A_241] : memref<16x16x4x128xf32, #tpu.memory_space<hbm>> -> memref<1x1x4x128xf32, #tpu.memory_space<hbm>>
        %dma_wait3A_243 = tpu.memref_squeeze %dma_wait3A_242 : memref<1x1x4x128xf32, #tpu.memory_space<hbm>> -> memref<4x128xf32, #tpu.memory_space<hbm>>
        %dma_wait3A_244 = arith.constant 0 : i32
        %dma_wait3A_245 = arith.constant 0 : i32
        %dma_wait3A_246 = tpu.memref_slice %arg3[%add3A_215, %arg1, %dma_wait3A_244, %dma_wait3A_245] : memref<16x16x4x128xf32, #tpu.memory_space<hbm>> -> memref<1x1x4x128xf32, #tpu.memory_space<hbm>>
        %dma_wait3A_247 = tpu.memref_squeeze %dma_wait3A_246 : memref<1x1x4x128xf32, #tpu.memory_space<hbm>> -> memref<4x128xf32, #tpu.memory_space<hbm>>
        tpu.wait_dma2 semaphore(%arg14 : memref<!tpu.dma_semaphore, #tpu.memory_space<semaphore_mem>>) src(%dma_wait3A_247 : memref<4x128xf32, #tpu.memory_space<hbm>>) dst(%arg7 : memref<4x128xf32, #tpu.memory_space<vmem>>)
        "tpu.trace_stop"() : () -> ()
      } else {
      }
      %barrier3A_203 = arith.constant 0 : index
      tpu.barrier barrier_id(%barrier3A_203)
    }
    %scan3A_56 = arith.constant 8 : i32
    return
  }
}

#map = affine_map<(d0, d1) -> (0, 0)>
#map1 = affine_map<(d0, d1) -> (0, 0, 0)>
module attributes {stable_mosaic.version = 14 : i64} {
  func.func @k(%arg0: i32, %arg1: i32, %arg2: memref<163328x128xf32, #tpu.memory_space<hbm>>, %arg3: memref<13056x128xf32, #tpu.memory_space<hbm>>, %arg4: memref<32x12x128xi32, #tpu.memory_space<hbm>>, %arg5: memref<32x12x128xi32, #tpu.memory_space<hbm>>, %arg6: memref<49152x128xf32, #tpu.memory_space<hbm>>, %arg7: memref<12x128xi32, #tpu.memory_space<vmem>>, %arg8: memref<12x128xi32, #tpu.memory_space<vmem>>, %arg9: memref<128x128xf32, #tpu.memory_space<vmem>>, %arg10: memref<128x128xf32, #tpu.memory_space<vmem>>, %arg11: memref<!tpu.dma_semaphore, #tpu.memory_space<semaphore_mem>>, %arg12: memref<!tpu.dma_semaphore, #tpu.memory_space<semaphore_mem>>, %arg13: memref<!tpu.dma_semaphore, #tpu.memory_space<semaphore_mem>>) attributes {dimension_semantics = [#tpu.dimension_semantics<core_parallel>, #tpu.dimension_semantics<subcore_parallel>], iteration_bounds = array<i64: 2, 16>, scalar_prefetch = 0 : i64, scratch_operands = 7 : i64, tpu.core_type = #tpu.core_type<sc_vector_subcore>, window_params = [{transform_indices = #map}, {transform_indices = #map}, {transform_indices = #map1}, {transform_indices = #map1}, {transform_indices = #map}]} {
    %mul3A = arith.constant 16 : i32
    %mul3A_0 = arith.muli %arg0, %mul3A : i32
    %add3A = arith.addi %mul3A_0, %arg1 : i32
    "tpu.region"() ({
      %run_scoped3A = tpu.sem_alloc : memref<!tpu.dma_semaphore, #tpu.memory_space<semaphore_mem>>
      %dma_start3A = arith.constant 0 : i32
      %dma_start3A_5 = arith.constant 0 : i32
      %dma_start3A_6 = tpu.memref_slice %arg4[%add3A, %dma_start3A, %dma_start3A_5] : memref<32x12x128xi32, #tpu.memory_space<hbm>> -> memref<1x12x128xi32, #tpu.memory_space<hbm>>
      %dma_start3A_7 = tpu.memref_squeeze %dma_start3A_6 : memref<1x12x128xi32, #tpu.memory_space<hbm>> -> memref<12x128xi32, #tpu.memory_space<hbm>>
      %dma_start3A_8 = arith.constant 0 : i32
      %dma_start3A_9 = arith.constant 0 : i32
      %dma_start3A_10 = tpu.memref_slice %arg4[%add3A, %dma_start3A_8, %dma_start3A_9] : memref<32x12x128xi32, #tpu.memory_space<hbm>> -> memref<1x12x128xi32, #tpu.memory_space<hbm>>
      %dma_start3A_11 = tpu.memref_squeeze %dma_start3A_10 : memref<1x12x128xi32, #tpu.memory_space<hbm>> -> memref<12x128xi32, #tpu.memory_space<hbm>>
      tpu.enqueue_dma source(%dma_start3A_11 : memref<12x128xi32, #tpu.memory_space<hbm>>) target(%arg7 : memref<12x128xi32, #tpu.memory_space<vmem>>) target_semaphore(%run_scoped3A : memref<!tpu.dma_semaphore, #tpu.memory_space<semaphore_mem>>)
      %dma_wait3A = arith.constant 0 : i32
      %dma_wait3A_12 = arith.constant 0 : i32
      %dma_wait3A_13 = tpu.memref_slice %arg4[%add3A, %dma_wait3A, %dma_wait3A_12] : memref<32x12x128xi32, #tpu.memory_space<hbm>> -> memref<1x12x128xi32, #tpu.memory_space<hbm>>
      %dma_wait3A_14 = tpu.memref_squeeze %dma_wait3A_13 : memref<1x12x128xi32, #tpu.memory_space<hbm>> -> memref<12x128xi32, #tpu.memory_space<hbm>>
      %dma_wait3A_15 = arith.constant 0 : i32
      %dma_wait3A_16 = arith.constant 0 : i32
      %dma_wait3A_17 = tpu.memref_slice %arg4[%add3A, %dma_wait3A_15, %dma_wait3A_16] : memref<32x12x128xi32, #tpu.memory_space<hbm>> -> memref<1x12x128xi32, #tpu.memory_space<hbm>>
      %dma_wait3A_18 = tpu.memref_squeeze %dma_wait3A_17 : memref<1x12x128xi32, #tpu.memory_space<hbm>> -> memref<12x128xi32, #tpu.memory_space<hbm>>
      tpu.wait_dma2 semaphore(%run_scoped3A : memref<!tpu.dma_semaphore, #tpu.memory_space<semaphore_mem>>) src(%dma_wait3A_18 : memref<12x128xi32, #tpu.memory_space<hbm>>) dst(%arg7 : memref<12x128xi32, #tpu.memory_space<vmem>>)
      tpu.yield
    }) : () -> ()
    "tpu.region"() ({
      %run_scoped3A = tpu.sem_alloc : memref<!tpu.dma_semaphore, #tpu.memory_space<semaphore_mem>>
      %dma_start3A = arith.constant 0 : i32
      %dma_start3A_5 = arith.constant 0 : i32
      %dma_start3A_6 = tpu.memref_slice %arg5[%add3A, %dma_start3A, %dma_start3A_5] : memref<32x12x128xi32, #tpu.memory_space<hbm>> -> memref<1x12x128xi32, #tpu.memory_space<hbm>>
      %dma_start3A_7 = tpu.memref_squeeze %dma_start3A_6 : memref<1x12x128xi32, #tpu.memory_space<hbm>> -> memref<12x128xi32, #tpu.memory_space<hbm>>
      %dma_start3A_8 = arith.constant 0 : i32
      %dma_start3A_9 = arith.constant 0 : i32
      %dma_start3A_10 = tpu.memref_slice %arg5[%add3A, %dma_start3A_8, %dma_start3A_9] : memref<32x12x128xi32, #tpu.memory_space<hbm>> -> memref<1x12x128xi32, #tpu.memory_space<hbm>>
      %dma_start3A_11 = tpu.memref_squeeze %dma_start3A_10 : memref<1x12x128xi32, #tpu.memory_space<hbm>> -> memref<12x128xi32, #tpu.memory_space<hbm>>
      tpu.enqueue_dma source(%dma_start3A_11 : memref<12x128xi32, #tpu.memory_space<hbm>>) target(%arg8 : memref<12x128xi32, #tpu.memory_space<vmem>>) target_semaphore(%run_scoped3A : memref<!tpu.dma_semaphore, #tpu.memory_space<semaphore_mem>>)
      %dma_wait3A = arith.constant 0 : i32
      %dma_wait3A_12 = arith.constant 0 : i32
      %dma_wait3A_13 = tpu.memref_slice %arg5[%add3A, %dma_wait3A, %dma_wait3A_12] : memref<32x12x128xi32, #tpu.memory_space<hbm>> -> memref<1x12x128xi32, #tpu.memory_space<hbm>>
      %dma_wait3A_14 = tpu.memref_squeeze %dma_wait3A_13 : memref<1x12x128xi32, #tpu.memory_space<hbm>> -> memref<12x128xi32, #tpu.memory_space<hbm>>
      %dma_wait3A_15 = arith.constant 0 : i32
      %dma_wait3A_16 = arith.constant 0 : i32
      %dma_wait3A_17 = tpu.memref_slice %arg5[%add3A, %dma_wait3A_15, %dma_wait3A_16] : memref<32x12x128xi32, #tpu.memory_space<hbm>> -> memref<1x12x128xi32, #tpu.memory_space<hbm>>
      %dma_wait3A_18 = tpu.memref_squeeze %dma_wait3A_17 : memref<1x12x128xi32, #tpu.memory_space<hbm>> -> memref<12x128xi32, #tpu.memory_space<hbm>>
      tpu.wait_dma2 semaphore(%run_scoped3A : memref<!tpu.dma_semaphore, #tpu.memory_space<semaphore_mem>>) src(%dma_wait3A_18 : memref<12x128xi32, #tpu.memory_space<hbm>>) dst(%arg8 : memref<12x128xi32, #tpu.memory_space<vmem>>)
      tpu.yield
    }) : () -> ()
    %scan3A = arith.constant 0 : i32
    %scan3A_1 = arith.constant 12 : i32
    %scan3A_2 = arith.addi %scan3A, %scan3A_1 : i32
    %scan3A_3 = arith.constant 1 : i32
    scf.for %scan3A_5 = %scan3A to %scan3A_2 step %scan3A_3  : i32 {
      %mul3A_6 = arith.constant 1536 : i32
      %mul3A_7 = arith.muli %add3A, %mul3A_6 : i32
      %mul3A_8 = arith.constant 128 : i32
      %mul3A_9 = arith.muli %scan3A_5, %mul3A_8 : i32
      %add3A_10 = arith.addi %mul3A_7, %mul3A_9 : i32
      %dma_start3A = arith.constant 0 : i32
      %dma_start3A_11 = tpu.memref_slice %arg7[%scan3A_5, %dma_start3A] : memref<12x128xi32, #tpu.memory_space<vmem>> -> memref<1x128xi32, #tpu.memory_space<vmem>>
      %dma_start3A_12 = tpu.memref_squeeze %dma_start3A_11 : memref<1x128xi32, #tpu.memory_space<vmem>> -> memref<128xi32, #tpu.memory_space<vmem>>
      %dma_start3A_13 = arith.constant 0 : i32
      %dma_start3A_14 = arith.constant 0 : i32
      %dma_start3A_15 = tpu.memref_slice %arg2[%dma_start3A_13, %dma_start3A_14] : memref<163328x128xf32, #tpu.memory_space<hbm>> -> memref<163328x128xf32, #tpu.memory_space<hbm>>
      tpu.enqueue_indirect_dma source(%dma_start3A_15 : memref<163328x128xf32, #tpu.memory_space<hbm>>) target(%arg9 : memref<128x128xf32, #tpu.memory_space<vmem>>) offsets(%dma_start3A_12 : memref<128xi32, #tpu.memory_space<vmem>>) semaphore(%arg11 : memref<!tpu.dma_semaphore, #tpu.memory_space<semaphore_mem>>)
      %dma_start3A_16 = arith.constant 0 : i32
      %dma_start3A_17 = tpu.memref_slice %arg8[%scan3A_5, %dma_start3A_16] : memref<12x128xi32, #tpu.memory_space<vmem>> -> memref<1x128xi32, #tpu.memory_space<vmem>>
      %dma_start3A_18 = tpu.memref_squeeze %dma_start3A_17 : memref<1x128xi32, #tpu.memory_space<vmem>> -> memref<128xi32, #tpu.memory_space<vmem>>
      %dma_start3A_19 = arith.constant 0 : i32
      %dma_start3A_20 = arith.constant 0 : i32
      %dma_start3A_21 = tpu.memref_slice %arg3[%dma_start3A_19, %dma_start3A_20] : memref<13056x128xf32, #tpu.memory_space<hbm>> -> memref<13056x128xf32, #tpu.memory_space<hbm>>
      tpu.enqueue_indirect_dma source(%dma_start3A_21 : memref<13056x128xf32, #tpu.memory_space<hbm>>) target(%arg10 : memref<128x128xf32, #tpu.memory_space<vmem>>) offsets(%dma_start3A_18 : memref<128xi32, #tpu.memory_space<vmem>>) semaphore(%arg12 : memref<!tpu.dma_semaphore, #tpu.memory_space<semaphore_mem>>)
      %dma_wait3A = arith.constant 0 : i32
      %dma_wait3A_22 = tpu.memref_slice %arg7[%scan3A_5, %dma_wait3A] : memref<12x128xi32, #tpu.memory_space<vmem>> -> memref<1x128xi32, #tpu.memory_space<vmem>>
      %dma_wait3A_23 = tpu.memref_squeeze %dma_wait3A_22 : memref<1x128xi32, #tpu.memory_space<vmem>> -> memref<128xi32, #tpu.memory_space<vmem>>
      %dma_wait3A_24 = arith.constant 0 : i32
      %dma_wait3A_25 = arith.constant 0 : i32
      %dma_wait3A_26 = tpu.memref_slice %arg2[%dma_wait3A_24, %dma_wait3A_25] : memref<163328x128xf32, #tpu.memory_space<hbm>> -> memref<163328x128xf32, #tpu.memory_space<hbm>>
      tpu.wait_indirect_dma semaphore(%arg11 : memref<!tpu.dma_semaphore, #tpu.memory_space<semaphore_mem>>) src(%dma_wait3A_26 : memref<163328x128xf32, #tpu.memory_space<hbm>>) dst(%arg9 : memref<128x128xf32, #tpu.memory_space<vmem>>)
      %dma_wait3A_27 = arith.constant 0 : i32
      %dma_wait3A_28 = tpu.memref_slice %arg8[%scan3A_5, %dma_wait3A_27] : memref<12x128xi32, #tpu.memory_space<vmem>> -> memref<1x128xi32, #tpu.memory_space<vmem>>
      %dma_wait3A_29 = tpu.memref_squeeze %dma_wait3A_28 : memref<1x128xi32, #tpu.memory_space<vmem>> -> memref<128xi32, #tpu.memory_space<vmem>>
      %dma_wait3A_30 = arith.constant 0 : i32
      %dma_wait3A_31 = arith.constant 0 : i32
      %dma_wait3A_32 = tpu.memref_slice %arg3[%dma_wait3A_30, %dma_wait3A_31] : memref<13056x128xf32, #tpu.memory_space<hbm>> -> memref<13056x128xf32, #tpu.memory_space<hbm>>
      tpu.wait_indirect_dma semaphore(%arg12 : memref<!tpu.dma_semaphore, #tpu.memory_space<semaphore_mem>>) src(%dma_wait3A_32 : memref<13056x128xf32, #tpu.memory_space<hbm>>) dst(%arg10 : memref<128x128xf32, #tpu.memory_space<vmem>>)
      %scan3A_33 = arith.constant 0 : i32
      %scan3A_34 = arith.constant 128 : i32
      %scan3A_35 = arith.addi %scan3A_33, %scan3A_34 : i32
      %scan3A_36 = arith.constant 1 : i32
      scf.for %scan3A_46 = %scan3A_33 to %scan3A_35 step %scan3A_36  : i32 {
        %get3A = arith.index_cast %scan3A_46 : i32 to index
        %get3A_47 = arith.constant 0 : index
        %get3A_48 = tpu.vector_load %arg9[%get3A, %get3A_47] {strides = array<i32>} : memref<128x128xf32, #tpu.memory_space<vmem>>, vector<1x16xf32>,
        %get3A_49 = vector.shape_cast %get3A_48 : vector<1x16xf32> to vector<16xf32>
        %get3A_50 = arith.index_cast %scan3A_46 : i32 to index
        %get3A_51 = arith.constant 0 : index
        %get3A_52 = tpu.vector_load %arg10[%get3A_50, %get3A_51] {strides = array<i32>} : memref<128x128xf32, #tpu.memory_space<vmem>>, vector<1x16xf32>,
        %get3A_53 = vector.shape_cast %get3A_52 : vector<1x16xf32> to vector<16xf32>
        %add3A_54 = arith.addf %get3A_49, %get3A_53 : vector<16xf32>
        %swap3A = arith.index_cast %scan3A_46 : i32 to index
        %swap3A_55 = arith.constant 0 : index
        %swap3A_56 = tpu.vector_load %arg9[%swap3A, %swap3A_55] {strides = array<i32>} : memref<128x128xf32, #tpu.memory_space<vmem>>, vector<1x16xf32>,
        %swap3A_57 = vector.shape_cast %swap3A_56 : vector<1x16xf32> to vector<16xf32>
        %swap3A_58 = vector.shape_cast %add3A_54 : vector<16xf32> to vector<1x16xf32>
        tpu.vector_store %arg9[%swap3A, %swap3A_55], %swap3A_58 {strides = array<i32>} : memref<128x128xf32, #tpu.memory_space<vmem>>, vector<1x16xf32>,
        %get3A_59 = arith.index_cast %scan3A_46 : i32 to index
        %get3A_60 = arith.constant 16 : index
        %get3A_61 = tpu.vector_load %arg9[%get3A_59, %get3A_60] {strides = array<i32>} : memref<128x128xf32, #tpu.memory_space<vmem>>, vector<1x16xf32>,
        %get3A_62 = vector.shape_cast %get3A_61 : vector<1x16xf32> to vector<16xf32>
        %get3A_63 = arith.index_cast %scan3A_46 : i32 to index
        %get3A_64 = arith.constant 16 : index
        %get3A_65 = tpu.vector_load %arg10[%get3A_63, %get3A_64] {strides = array<i32>} : memref<128x128xf32, #tpu.memory_space<vmem>>, vector<1x16xf32>,
        %get3A_66 = vector.shape_cast %get3A_65 : vector<1x16xf32> to vector<16xf32>
        %add3A_67 = arith.addf %get3A_62, %get3A_66 : vector<16xf32>
        %swap3A_68 = arith.index_cast %scan3A_46 : i32 to index
        %swap3A_69 = arith.constant 16 : index
        %swap3A_70 = tpu.vector_load %arg9[%swap3A_68, %swap3A_69] {strides = array<i32>} : memref<128x128xf32, #tpu.memory_space<vmem>>, vector<1x16xf32>,
        %swap3A_71 = vector.shape_cast %swap3A_70 : vector<1x16xf32> to vector<16xf32>
        %swap3A_72 = vector.shape_cast %add3A_67 : vector<16xf32> to vector<1x16xf32>
        tpu.vector_store %arg9[%swap3A_68, %swap3A_69], %swap3A_72 {strides = array<i32>} : memref<128x128xf32, #tpu.memory_space<vmem>>, vector<1x16xf32>,
        %get3A_73 = arith.index_cast %scan3A_46 : i32 to index
        %get3A_74 = arith.constant 32 : index
        %get3A_75 = tpu.vector_load %arg9[%get3A_73, %get3A_74] {strides = array<i32>} : memref<128x128xf32, #tpu.memory_space<vmem>>, vector<1x16xf32>,
        %get3A_76 = vector.shape_cast %get3A_75 : vector<1x16xf32> to vector<16xf32>
        %get3A_77 = arith.index_cast %scan3A_46 : i32 to index
        %get3A_78 = arith.constant 32 : index
        %get3A_79 = tpu.vector_load %arg10[%get3A_77, %get3A_78] {strides = array<i32>} : memref<128x128xf32, #tpu.memory_space<vmem>>, vector<1x16xf32>,
        %get3A_80 = vector.shape_cast %get3A_79 : vector<1x16xf32> to vector<16xf32>
        %add3A_81 = arith.addf %get3A_76, %get3A_80 : vector<16xf32>
        %swap3A_82 = arith.index_cast %scan3A_46 : i32 to index
        %swap3A_83 = arith.constant 32 : index
        %swap3A_84 = tpu.vector_load %arg9[%swap3A_82, %swap3A_83] {strides = array<i32>} : memref<128x128xf32, #tpu.memory_space<vmem>>, vector<1x16xf32>,
        %swap3A_85 = vector.shape_cast %swap3A_84 : vector<1x16xf32> to vector<16xf32>
        %swap3A_86 = vector.shape_cast %add3A_81 : vector<16xf32> to vector<1x16xf32>
        tpu.vector_store %arg9[%swap3A_82, %swap3A_83], %swap3A_86 {strides = array<i32>} : memref<128x128xf32, #tpu.memory_space<vmem>>, vector<1x16xf32>,
        %get3A_87 = arith.index_cast %scan3A_46 : i32 to index
        %get3A_88 = arith.constant 48 : index
        %get3A_89 = tpu.vector_load %arg9[%get3A_87, %get3A_88] {strides = array<i32>} : memref<128x128xf32, #tpu.memory_space<vmem>>, vector<1x16xf32>,
        %get3A_90 = vector.shape_cast %get3A_89 : vector<1x16xf32> to vector<16xf32>
        %get3A_91 = arith.index_cast %scan3A_46 : i32 to index
        %get3A_92 = arith.constant 48 : index
        %get3A_93 = tpu.vector_load %arg10[%get3A_91, %get3A_92] {strides = array<i32>} : memref<128x128xf32, #tpu.memory_space<vmem>>, vector<1x16xf32>,
        %get3A_94 = vector.shape_cast %get3A_93 : vector<1x16xf32> to vector<16xf32>
        %add3A_95 = arith.addf %get3A_90, %get3A_94 : vector<16xf32>
        %swap3A_96 = arith.index_cast %scan3A_46 : i32 to index
        %swap3A_97 = arith.constant 48 : index
        %swap3A_98 = tpu.vector_load %arg9[%swap3A_96, %swap3A_97] {strides = array<i32>} : memref<128x128xf32, #tpu.memory_space<vmem>>, vector<1x16xf32>,
        %swap3A_99 = vector.shape_cast %swap3A_98 : vector<1x16xf32> to vector<16xf32>
        %swap3A_100 = vector.shape_cast %add3A_95 : vector<16xf32> to vector<1x16xf32>
        tpu.vector_store %arg9[%swap3A_96, %swap3A_97], %swap3A_100 {strides = array<i32>} : memref<128x128xf32, #tpu.memory_space<vmem>>, vector<1x16xf32>,
        %get3A_101 = arith.index_cast %scan3A_46 : i32 to index
        %get3A_102 = arith.constant 64 : index
        %get3A_103 = tpu.vector_load %arg9[%get3A_101, %get3A_102] {strides = array<i32>} : memref<128x128xf32, #tpu.memory_space<vmem>>, vector<1x16xf32>,
        %get3A_104 = vector.shape_cast %get3A_103 : vector<1x16xf32> to vector<16xf32>
        %get3A_105 = arith.index_cast %scan3A_46 : i32 to index
        %get3A_106 = arith.constant 64 : index
        %get3A_107 = tpu.vector_load %arg10[%get3A_105, %get3A_106] {strides = array<i32>} : memref<128x128xf32, #tpu.memory_space<vmem>>, vector<1x16xf32>,
        %get3A_108 = vector.shape_cast %get3A_107 : vector<1x16xf32> to vector<16xf32>
        %add3A_109 = arith.addf %get3A_104, %get3A_108 : vector<16xf32>
        %swap3A_110 = arith.index_cast %scan3A_46 : i32 to index
        %swap3A_111 = arith.constant 64 : index
        %swap3A_112 = tpu.vector_load %arg9[%swap3A_110, %swap3A_111] {strides = array<i32>} : memref<128x128xf32, #tpu.memory_space<vmem>>, vector<1x16xf32>,
        %swap3A_113 = vector.shape_cast %swap3A_112 : vector<1x16xf32> to vector<16xf32>
        %swap3A_114 = vector.shape_cast %add3A_109 : vector<16xf32> to vector<1x16xf32>
        tpu.vector_store %arg9[%swap3A_110, %swap3A_111], %swap3A_114 {strides = array<i32>} : memref<128x128xf32, #tpu.memory_space<vmem>>, vector<1x16xf32>,
        %get3A_115 = arith.index_cast %scan3A_46 : i32 to index
        %get3A_116 = arith.constant 80 : index
        %get3A_117 = tpu.vector_load %arg9[%get3A_115, %get3A_116] {strides = array<i32>} : memref<128x128xf32, #tpu.memory_space<vmem>>, vector<1x16xf32>,
        %get3A_118 = vector.shape_cast %get3A_117 : vector<1x16xf32> to vector<16xf32>
        %get3A_119 = arith.index_cast %scan3A_46 : i32 to index
        %get3A_120 = arith.constant 80 : index
        %get3A_121 = tpu.vector_load %arg10[%get3A_119, %get3A_120] {strides = array<i32>} : memref<128x128xf32, #tpu.memory_space<vmem>>, vector<1x16xf32>,
        %get3A_122 = vector.shape_cast %get3A_121 : vector<1x16xf32> to vector<16xf32>
        %add3A_123 = arith.addf %get3A_118, %get3A_122 : vector<16xf32>
        %swap3A_124 = arith.index_cast %scan3A_46 : i32 to index
        %swap3A_125 = arith.constant 80 : index
        %swap3A_126 = tpu.vector_load %arg9[%swap3A_124, %swap3A_125] {strides = array<i32>} : memref<128x128xf32, #tpu.memory_space<vmem>>, vector<1x16xf32>,
        %swap3A_127 = vector.shape_cast %swap3A_126 : vector<1x16xf32> to vector<16xf32>
        %swap3A_128 = vector.shape_cast %add3A_123 : vector<16xf32> to vector<1x16xf32>
        tpu.vector_store %arg9[%swap3A_124, %swap3A_125], %swap3A_128 {strides = array<i32>} : memref<128x128xf32, #tpu.memory_space<vmem>>, vector<1x16xf32>,
        %get3A_129 = arith.index_cast %scan3A_46 : i32 to index
        %get3A_130 = arith.constant 96 : index
        %get3A_131 = tpu.vector_load %arg9[%get3A_129, %get3A_130] {strides = array<i32>} : memref<128x128xf32, #tpu.memory_space<vmem>>, vector<1x16xf32>,
        %get3A_132 = vector.shape_cast %get3A_131 : vector<1x16xf32> to vector<16xf32>
        %get3A_133 = arith.index_cast %scan3A_46 : i32 to index
        %get3A_134 = arith.constant 96 : index
        %get3A_135 = tpu.vector_load %arg10[%get3A_133, %get3A_134] {strides = array<i32>} : memref<128x128xf32, #tpu.memory_space<vmem>>, vector<1x16xf32>,
        %get3A_136 = vector.shape_cast %get3A_135 : vector<1x16xf32> to vector<16xf32>
        %add3A_137 = arith.addf %get3A_132, %get3A_136 : vector<16xf32>
        %swap3A_138 = arith.index_cast %scan3A_46 : i32 to index
        %swap3A_139 = arith.constant 96 : index
        %swap3A_140 = tpu.vector_load %arg9[%swap3A_138, %swap3A_139] {strides = array<i32>} : memref<128x128xf32, #tpu.memory_space<vmem>>, vector<1x16xf32>,
        %swap3A_141 = vector.shape_cast %swap3A_140 : vector<1x16xf32> to vector<16xf32>
        %swap3A_142 = vector.shape_cast %add3A_137 : vector<16xf32> to vector<1x16xf32>
        tpu.vector_store %arg9[%swap3A_138, %swap3A_139], %swap3A_142 {strides = array<i32>} : memref<128x128xf32, #tpu.memory_space<vmem>>, vector<1x16xf32>,
        %get3A_143 = arith.index_cast %scan3A_46 : i32 to index
        %get3A_144 = arith.constant 112 : index
        %get3A_145 = tpu.vector_load %arg9[%get3A_143, %get3A_144] {strides = array<i32>} : memref<128x128xf32, #tpu.memory_space<vmem>>, vector<1x16xf32>,
        %get3A_146 = vector.shape_cast %get3A_145 : vector<1x16xf32> to vector<16xf32>
        %get3A_147 = arith.index_cast %scan3A_46 : i32 to index
        %get3A_148 = arith.constant 112 : index
        %get3A_149 = tpu.vector_load %arg10[%get3A_147, %get3A_148] {strides = array<i32>} : memref<128x128xf32, #tpu.memory_space<vmem>>, vector<1x16xf32>,
        %get3A_150 = vector.shape_cast %get3A_149 : vector<1x16xf32> to vector<16xf32>
        %add3A_151 = arith.addf %get3A_146, %get3A_150 : vector<16xf32>
        %swap3A_152 = arith.index_cast %scan3A_46 : i32 to index
        %swap3A_153 = arith.constant 112 : index
        %swap3A_154 = tpu.vector_load %arg9[%swap3A_152, %swap3A_153] {strides = array<i32>} : memref<128x128xf32, #tpu.memory_space<vmem>>, vector<1x16xf32>,
        %swap3A_155 = vector.shape_cast %swap3A_154 : vector<1x16xf32> to vector<16xf32>
        %swap3A_156 = vector.shape_cast %add3A_151 : vector<16xf32> to vector<1x16xf32>
        tpu.vector_store %arg9[%swap3A_152, %swap3A_153], %swap3A_156 {strides = array<i32>} : memref<128x128xf32, #tpu.memory_space<vmem>>, vector<1x16xf32>,
      }
      %scan3A_37 = arith.constant 128 : i32
      %dma_start3A_38 = arith.constant 0 : i32
      %dma_start3A_39 = tpu.memref_slice %arg6[%add3A_10, %dma_start3A_38] : memref<49152x128xf32, #tpu.memory_space<hbm>> -> memref<128x128xf32, #tpu.memory_space<hbm>>
      %dma_start3A_40 = arith.constant 0 : i32
      %dma_start3A_41 = tpu.memref_slice %arg6[%add3A_10, %dma_start3A_40] : memref<49152x128xf32, #tpu.memory_space<hbm>> -> memref<128x128xf32, #tpu.memory_space<hbm>>
      tpu.enqueue_dma source(%arg9 : memref<128x128xf32, #tpu.memory_space<vmem>>) target(%dma_start3A_41 : memref<128x128xf32, #tpu.memory_space<hbm>>) target_semaphore(%arg13 : memref<!tpu.dma_semaphore, #tpu.memory_space<semaphore_mem>>)
      %dma_wait3A_42 = arith.constant 0 : i32
      %dma_wait3A_43 = tpu.memref_slice %arg6[%add3A_10, %dma_wait3A_42] : memref<49152x128xf32, #tpu.memory_space<hbm>> -> memref<128x128xf32, #tpu.memory_space<hbm>>
      %dma_wait3A_44 = arith.constant 0 : i32
      %dma_wait3A_45 = tpu.memref_slice %arg6[%add3A_10, %dma_wait3A_44] : memref<49152x128xf32, #tpu.memory_space<hbm>> -> memref<128x128xf32, #tpu.memory_space<hbm>>
      tpu.wait_dma2 semaphore(%arg13 : memref<!tpu.dma_semaphore, #tpu.memory_space<semaphore_mem>>) src(%arg9 : memref<128x128xf32, #tpu.memory_space<vmem>>) dst(%dma_wait3A_45 : memref<128x128xf32, #tpu.memory_space<hbm>>)
    }
    %scan3A_4 = arith.constant 12 : i32
    return
  }
}

#map = affine_map<(d0, d1) -> (0, 0, 0, 0)>
#map1 = affine_map<(d0, d1) -> (0, 0, 0)>
module attributes {stable_mosaic.version = 14 : i64} {
  func.func @k(%arg0: i32, %arg1: i32, %arg2: memref<16x16x4x128xi32, #tpu.memory_space<hbm>>, %arg3: memref<16x16x4x128xf32, #tpu.memory_space<hbm>>, %arg4: memref<16x768x768xf32, #tpu.memory_space<hbm>>, %arg5: memref<16x768x768xf32, #tpu.memory_space<hbm>>, %arg6: memref<4x128xi32, #tpu.memory_space<vmem>>, %arg7: memref<4x128xf32, #tpu.memory_space<vmem>>, %arg8: memref<128xf32, #tpu.memory_space<vmem>>, %arg9: memref<36864xf32, #tpu.memory_space<vmem>>, %arg10: memref<589824xf32, #tpu.memory_space<vmem_shared>>, %arg11: memref<589824xf32, #tpu.memory_space<vmem_shared>>, %arg12: memref<!tpu.dma_semaphore, #tpu.memory_space<semaphore_mem>>, %arg13: memref<!tpu.dma_semaphore, #tpu.memory_space<semaphore_mem>>, %arg14: memref<!tpu.dma_semaphore, #tpu.memory_space<semaphore_mem>>) attributes {dimension_semantics = [#tpu.dimension_semantics<core_parallel>, #tpu.dimension_semantics<subcore_parallel>], iteration_bounds = array<i64: 2, 16>, scalar_prefetch = 0 : i64, scratch_operands = 9 : i64, tpu.core_type = #tpu.core_type<sc_vector_subcore>, window_params = [{transform_indices = #map}, {transform_indices = #map}, {transform_indices = #map1}, {transform_indices = #map1}]} {
    %scan3A = arith.constant 0 : i32
    %scan3A_0 = arith.constant 8 : i32
    %scan3A_1 = arith.addi %scan3A, %scan3A_0 : i32
    %scan3A_2 = arith.constant 1 : i32
    scf.for %scan3A_57 = %scan3A to %scan3A_1 step %scan3A_2  : i32 {
      %broadcast_in_dim3A = arith.constant 1.000000e+00 : f32
      %broadcast_in_dim3A_58 = vector.broadcast %broadcast_in_dim3A : f32 to vector<16xf32>
      %mul3A_59 = arith.constant 16 : i32
      %mul3A_60 = arith.muli %scan3A_57, %mul3A_59 : i32
      %swap3A = arith.index_cast %mul3A_60 : i32 to index
      %swap3A_61 = tpu.vector_load %arg8[%swap3A] {strides = array<i32>} : memref<128xf32, #tpu.memory_space<vmem>>, vector<16xf32>,
      %swap3A_62 = vector.shape_cast %swap3A_61 : vector<16xf32> to vector<16xf32>
      %swap3A_63 = vector.shape_cast %broadcast_in_dim3A_58 : vector<16xf32> to vector<16xf32>
      tpu.vector_store %arg8[%swap3A], %swap3A_63 {strides = array<i32>} : memref<128xf32, #tpu.memory_space<vmem>>, vector<16xf32>,
    }
    %scan3A_3 = arith.constant 8 : i32
    %scan3A_4 = arith.constant 0 : i32
    %scan3A_5 = arith.constant 2304 : i32
    %scan3A_6 = arith.addi %scan3A_4, %scan3A_5 : i32
    %scan3A_7 = arith.constant 1 : i32
    scf.for %scan3A_57 = %scan3A_4 to %scan3A_6 step %scan3A_7  : i32 {
      %broadcast_in_dim3A = arith.constant 0.000000e+00 : f32
      %broadcast_in_dim3A_58 = vector.broadcast %broadcast_in_dim3A : f32 to vector<16xf32>
      %mul3A_59 = arith.constant 16 : i32
      %mul3A_60 = arith.muli %scan3A_57, %mul3A_59 : i32
      %swap3A = arith.index_cast %mul3A_60 : i32 to index
      %swap3A_61 = tpu.vector_load %arg9[%swap3A] {strides = array<i32>} : memref<36864xf32, #tpu.memory_space<vmem>>, vector<16xf32>,
      %swap3A_62 = vector.shape_cast %swap3A_61 : vector<16xf32> to vector<16xf32>
      %swap3A_63 = vector.shape_cast %broadcast_in_dim3A_58 : vector<16xf32> to vector<16xf32>
      tpu.vector_store %arg9[%swap3A], %swap3A_63 {strides = array<i32>} : memref<36864xf32, #tpu.memory_space<vmem>>, vector<16xf32>,
    }
    %scan3A_8 = arith.constant 2304 : i32
    %mul3A = arith.constant 36864 : i32
    %mul3A_9 = arith.muli %arg1, %mul3A : i32
    %dma_start3A = tpu.memref_slice %arg10[%mul3A_9] : memref<589824xf32, #tpu.memory_space<vmem_shared>> -> memref<36864xf32, #tpu.memory_space<vmem_shared>>
    %dma_start3A_10 = tpu.memref_slice %arg10[%mul3A_9] : memref<589824xf32, #tpu.memory_space<vmem_shared>> -> memref<36864xf32, #tpu.memory_space<vmem_shared>>
    tpu.enqueue_dma source(%arg9 : memref<36864xf32, #tpu.memory_space<vmem>>) target(%dma_start3A_10 : memref<36864xf32, #tpu.memory_space<vmem_shared>>) target_semaphore(%arg13 : memref<!tpu.dma_semaphore, #tpu.memory_space<semaphore_mem>>)
    %dma_start3A_11 = tpu.memref_slice %arg11[%mul3A_9] : memref<589824xf32, #tpu.memory_space<vmem_shared>> -> memref<36864xf32, #tpu.memory_space<vmem_shared>>
    %dma_start3A_12 = tpu.memref_slice %arg11[%mul3A_9] : memref<589824xf32, #tpu.memory_space<vmem_shared>> -> memref<36864xf32, #tpu.memory_space<vmem_shared>>
    tpu.enqueue_dma source(%arg9 : memref<36864xf32, #tpu.memory_space<vmem>>) target(%dma_start3A_12 : memref<36864xf32, #tpu.memory_space<vmem_shared>>) target_semaphore(%arg13 : memref<!tpu.dma_semaphore, #tpu.memory_space<semaphore_mem>>)
    %mul3A_13 = arith.constant 8 : i32
    %mul3A_14 = arith.muli %arg0, %mul3A_13 : i32
    %dma_start3A_15 = arith.constant 0 : i32
    %dma_start3A_16 = arith.constant 0 : i32
    %dma_start3A_17 = tpu.memref_slice %arg2[%mul3A_14, %arg1, %dma_start3A_15, %dma_start3A_16] : memref<16x16x4x128xi32, #tpu.memory_space<hbm>> -> memref<1x1x4x128xi32, #tpu.memory_space<hbm>>
    %dma_start3A_18 = tpu.memref_squeeze %dma_start3A_17 : memref<1x1x4x128xi32, #tpu.memory_space<hbm>> -> memref<4x128xi32, #tpu.memory_space<hbm>>
    %dma_start3A_19 = arith.constant 0 : i32
    %dma_start3A_20 = arith.constant 0 : i32
    %dma_start3A_21 = tpu.memref_slice %arg2[%mul3A_14, %arg1, %dma_start3A_19, %dma_start3A_20] : memref<16x16x4x128xi32, #tpu.memory_space<hbm>> -> memref<1x1x4x128xi32, #tpu.memory_space<hbm>>
    %dma_start3A_22 = tpu.memref_squeeze %dma_start3A_21 : memref<1x1x4x128xi32, #tpu.memory_space<hbm>> -> memref<4x128xi32, #tpu.memory_space<hbm>>
    tpu.enqueue_dma source(%dma_start3A_22 : memref<4x128xi32, #tpu.memory_space<hbm>>) target(%arg6 : memref<4x128xi32, #tpu.memory_space<vmem>>) target_semaphore(%arg14 : memref<!tpu.dma_semaphore, #tpu.memory_space<semaphore_mem>>)
    %mul3A_23 = arith.constant 8 : i32
    %mul3A_24 = arith.muli %arg0, %mul3A_23 : i32
    %dma_start3A_25 = arith.constant 0 : i32
    %dma_start3A_26 = arith.constant 0 : i32
    %dma_start3A_27 = tpu.memref_slice %arg3[%mul3A_24, %arg1, %dma_start3A_25, %dma_start3A_26] : memref<16x16x4x128xf32, #tpu.memory_space<hbm>> -> memref<1x1x4x128xf32, #tpu.memory_space<hbm>>
    %dma_start3A_28 = tpu.memref_squeeze %dma_start3A_27 : memref<1x1x4x128xf32, #tpu.memory_space<hbm>> -> memref<4x128xf32, #tpu.memory_space<hbm>>
    %dma_start3A_29 = arith.constant 0 : i32
    %dma_start3A_30 = arith.constant 0 : i32
    %dma_start3A_31 = tpu.memref_slice %arg3[%mul3A_24, %arg1, %dma_start3A_29, %dma_start3A_30] : memref<16x16x4x128xf32, #tpu.memory_space<hbm>> -> memref<1x1x4x128xf32, #tpu.memory_space<hbm>>
    %dma_start3A_32 = tpu.memref_squeeze %dma_start3A_31 : memref<1x1x4x128xf32, #tpu.memory_space<hbm>> -> memref<4x128xf32, #tpu.memory_space<hbm>>
    tpu.enqueue_dma source(%dma_start3A_32 : memref<4x128xf32, #tpu.memory_space<hbm>>) target(%arg7 : memref<4x128xf32, #tpu.memory_space<vmem>>) target_semaphore(%arg14 : memref<!tpu.dma_semaphore, #tpu.memory_space<semaphore_mem>>)
    %dma_wait3A = tpu.memref_slice %arg10[%mul3A_9] : memref<589824xf32, #tpu.memory_space<vmem_shared>> -> memref<36864xf32, #tpu.memory_space<vmem_shared>>
    %dma_wait3A_33 = tpu.memref_slice %arg10[%mul3A_9] : memref<589824xf32, #tpu.memory_space<vmem_shared>> -> memref<36864xf32, #tpu.memory_space<vmem_shared>>
    tpu.wait_dma2 semaphore(%arg13 : memref<!tpu.dma_semaphore, #tpu.memory_space<semaphore_mem>>) src(%arg9 : memref<36864xf32, #tpu.memory_space<vmem>>) dst(%dma_wait3A_33 : memref<36864xf32, #tpu.memory_space<vmem_shared>>)
    %dma_wait3A_34 = tpu.memref_slice %arg11[%mul3A_9] : memref<589824xf32, #tpu.memory_space<vmem_shared>> -> memref<36864xf32, #tpu.memory_space<vmem_shared>>
    %dma_wait3A_35 = tpu.memref_slice %arg11[%mul3A_9] : memref<589824xf32, #tpu.memory_space<vmem_shared>> -> memref<36864xf32, #tpu.memory_space<vmem_shared>>
    tpu.wait_dma2 semaphore(%arg13 : memref<!tpu.dma_semaphore, #tpu.memory_space<semaphore_mem>>) src(%arg9 : memref<36864xf32, #tpu.memory_space<vmem>>) dst(%dma_wait3A_35 : memref<36864xf32, #tpu.memory_space<vmem_shared>>)
    %dma_wait3A_36 = arith.constant 0 : i32
    %dma_wait3A_37 = arith.constant 0 : i32
    %dma_wait3A_38 = tpu.memref_slice %arg2[%mul3A_14, %arg1, %dma_wait3A_36, %dma_wait3A_37] : memref<16x16x4x128xi32, #tpu.memory_space<hbm>> -> memref<1x1x4x128xi32, #tpu.memory_space<hbm>>
    %dma_wait3A_39 = tpu.memref_squeeze %dma_wait3A_38 : memref<1x1x4x128xi32, #tpu.memory_space<hbm>> -> memref<4x128xi32, #tpu.memory_space<hbm>>
    %dma_wait3A_40 = arith.constant 0 : i32
    %dma_wait3A_41 = arith.constant 0 : i32
    %dma_wait3A_42 = tpu.memref_slice %arg2[%mul3A_14, %arg1, %dma_wait3A_40, %dma_wait3A_41] : memref<16x16x4x128xi32, #tpu.memory_space<hbm>> -> memref<1x1x4x128xi32, #tpu.memory_space<hbm>>
    %dma_wait3A_43 = tpu.memref_squeeze %dma_wait3A_42 : memref<1x1x4x128xi32, #tpu.memory_space<hbm>> -> memref<4x128xi32, #tpu.memory_space<hbm>>
    tpu.wait_dma2 semaphore(%arg14 : memref<!tpu.dma_semaphore, #tpu.memory_space<semaphore_mem>>) src(%dma_wait3A_43 : memref<4x128xi32, #tpu.memory_space<hbm>>) dst(%arg6 : memref<4x128xi32, #tpu.memory_space<vmem>>)
    %dma_wait3A_44 = arith.constant 0 : i32
    %dma_wait3A_45 = arith.constant 0 : i32
    %dma_wait3A_46 = tpu.memref_slice %arg3[%mul3A_24, %arg1, %dma_wait3A_44, %dma_wait3A_45] : memref<16x16x4x128xf32, #tpu.memory_space<hbm>> -> memref<1x1x4x128xf32, #tpu.memory_space<hbm>>
    %dma_wait3A_47 = tpu.memref_squeeze %dma_wait3A_46 : memref<1x1x4x128xf32, #tpu.memory_space<hbm>> -> memref<4x128xf32, #tpu.memory_space<hbm>>
    %dma_wait3A_48 = arith.constant 0 : i32
    %dma_wait3A_49 = arith.constant 0 : i32
    %dma_wait3A_50 = tpu.memref_slice %arg3[%mul3A_24, %arg1, %dma_wait3A_48, %dma_wait3A_49] : memref<16x16x4x128xf32, #tpu.memory_space<hbm>> -> memref<1x1x4x128xf32, #tpu.memory_space<hbm>>
    %dma_wait3A_51 = tpu.memref_squeeze %dma_wait3A_50 : memref<1x1x4x128xf32, #tpu.memory_space<hbm>> -> memref<4x128xf32, #tpu.memory_space<hbm>>
    tpu.wait_dma2 semaphore(%arg14 : memref<!tpu.dma_semaphore, #tpu.memory_space<semaphore_mem>>) src(%dma_wait3A_51 : memref<4x128xf32, #tpu.memory_space<hbm>>) dst(%arg7 : memref<4x128xf32, #tpu.memory_space<vmem>>)
    %barrier3A = arith.constant 0 : index
    tpu.barrier barrier_id(%barrier3A)
    %scan3A_52 = arith.constant 0 : i32
    %scan3A_53 = arith.constant 8 : i32
    %scan3A_54 = arith.addi %scan3A_52, %scan3A_53 : i32
    %scan3A_55 = arith.constant 1 : i32
    scf.for %scan3A_57 = %scan3A_52 to %scan3A_54 step %scan3A_55  : i32 {
      %mul3A_58 = arith.constant 8 : i32
      %mul3A_59 = arith.muli %arg0, %mul3A_58 : i32
      %add3A = arith.addi %mul3A_59, %scan3A_57 : i32
      %dma_start3A_60 = arith.constant 0 : i32
      "tpu.trace_start"() <{level = 10 : i32, message = "adj_scatter"}> : () -> ()
      %dma_start3A_61 = arith.constant 0 : i32
      %dma_start3A_62 = tpu.memref_slice %arg6[%dma_start3A_60, %dma_start3A_61] : memref<4x128xi32, #tpu.memory_space<vmem>> -> memref<1x128xi32, #tpu.memory_space<vmem>>
      %dma_start3A_63 = tpu.memref_squeeze %dma_start3A_62 : memref<1x128xi32, #tpu.memory_space<vmem>> -> memref<128xi32, #tpu.memory_space<vmem>>
      %dma_start3A_64 = arith.constant 0 : i32
      %dma_start3A_65 = tpu.memref_slice %arg10[%dma_start3A_64] : memref<589824xf32, #tpu.memory_space<vmem_shared>> -> memref<589824xf32, #tpu.memory_space<vmem_shared>>
      tpu.enqueue_indirect_dma source(%arg8 : memref<128xf32, #tpu.memory_space<vmem>>) target(%dma_start3A_65 : memref<589824xf32, #tpu.memory_space<vmem_shared>>) offsets(%dma_start3A_63 : memref<128xi32, #tpu.memory_space<vmem>>) semaphore(%arg12 : memref<!tpu.dma_semaphore, #tpu.memory_space<semaphore_mem>>) {add = true}
      %dma_start3A_66 = arith.constant 0 : i32
      %dma_start3A_67 = arith.constant 0 : i32
      %dma_start3A_68 = arith.constant 0 : i32
      %dma_start3A_69 = tpu.memref_slice %arg7[%dma_start3A_66, %dma_start3A_68] : memref<4x128xf32, #tpu.memory_space<vmem>> -> memref<1x128xf32, #tpu.memory_space<vmem>>
      %dma_start3A_70 = tpu.memref_squeeze %dma_start3A_69 : memref<1x128xf32, #tpu.memory_space<vmem>> -> memref<128xf32, #tpu.memory_space<vmem>>
      %dma_start3A_71 = arith.constant 0 : i32
      %dma_start3A_72 = tpu.memref_slice %arg6[%dma_start3A_67, %dma_start3A_71] : memref<4x128xi32, #tpu.memory_space<vmem>> -> memref<1x128xi32, #tpu.memory_space<vmem>>
      %dma_start3A_73 = tpu.memref_squeeze %dma_start3A_72 : memref<1x128xi32, #tpu.memory_space<vmem>> -> memref<128xi32, #tpu.memory_space<vmem>>
      %dma_start3A_74 = arith.constant 0 : i32
      %dma_start3A_75 = tpu.memref_slice %arg11[%dma_start3A_74] : memref<589824xf32, #tpu.memory_space<vmem_shared>> -> memref<589824xf32, #tpu.memory_space<vmem_shared>>
      tpu.enqueue_indirect_dma source(%dma_start3A_70 : memref<128xf32, #tpu.memory_space<vmem>>) target(%dma_start3A_75 : memref<589824xf32, #tpu.memory_space<vmem_shared>>) offsets(%dma_start3A_73 : memref<128xi32, #tpu.memory_space<vmem>>) semaphore(%arg12 : memref<!tpu.dma_semaphore, #tpu.memory_space<semaphore_mem>>) {add = true}
      %dma_start3A_76 = arith.constant 1 : i32
      %dma_start3A_77 = arith.constant 0 : i32
      %dma_start3A_78 = tpu.memref_slice %arg6[%dma_start3A_76, %dma_start3A_77] : memref<4x128xi32, #tpu.memory_space<vmem>> -> memref<1x128xi32, #tpu.memory_space<vmem>>
      %dma_start3A_79 = tpu.memref_squeeze %dma_start3A_78 : memref<1x128xi32, #tpu.memory_space<vmem>> -> memref<128xi32, #tpu.memory_space<vmem>>
      %dma_start3A_80 = arith.constant 0 : i32
      %dma_start3A_81 = tpu.memref_slice %arg10[%dma_start3A_80] : memref<589824xf32, #tpu.memory_space<vmem_shared>> -> memref<589824xf32, #tpu.memory_space<vmem_shared>>
      tpu.enqueue_indirect_dma source(%arg8 : memref<128xf32, #tpu.memory_space<vmem>>) target(%dma_start3A_81 : memref<589824xf32, #tpu.memory_space<vmem_shared>>) offsets(%dma_start3A_79 : memref<128xi32, #tpu.memory_space<vmem>>) semaphore(%arg12 : memref<!tpu.dma_semaphore, #tpu.memory_space<semaphore_mem>>) {add = true}
      %dma_start3A_82 = arith.constant 1 : i32
      %dma_start3A_83 = arith.constant 1 : i32
      %dma_start3A_84 = arith.constant 0 : i32
      %dma_start3A_85 = tpu.memref_slice %arg7[%dma_start3A_82, %dma_start3A_84] : memref<4x128xf32, #tpu.memory_space<vmem>> -> memref<1x128xf32, #tpu.memory_space<vmem>>
      %dma_start3A_86 = tpu.memref_squeeze %dma_start3A_85 : memref<1x128xf32, #tpu.memory_space<vmem>> -> memref<128xf32, #tpu.memory_space<vmem>>
      %dma_start3A_87 = arith.constant 0 : i32
      %dma_start3A_88 = tpu.memref_slice %arg6[%dma_start3A_83, %dma_start3A_87] : memref<4x128xi32, #tpu.memory_space<vmem>> -> memref<1x128xi32, #tpu.memory_space<vmem>>
      %dma_start3A_89 = tpu.memref_squeeze %dma_start3A_88 : memref<1x128xi32, #tpu.memory_space<vmem>> -> memref<128xi32, #tpu.memory_space<vmem>>
      %dma_start3A_90 = arith.constant 0 : i32
      %dma_start3A_91 = tpu.memref_slice %arg11[%dma_start3A_90] : memref<589824xf32, #tpu.memory_space<vmem_shared>> -> memref<589824xf32, #tpu.memory_space<vmem_shared>>
      tpu.enqueue_indirect_dma source(%dma_start3A_86 : memref<128xf32, #tpu.memory_space<vmem>>) target(%dma_start3A_91 : memref<589824xf32, #tpu.memory_space<vmem_shared>>) offsets(%dma_start3A_89 : memref<128xi32, #tpu.memory_space<vmem>>) semaphore(%arg12 : memref<!tpu.dma_semaphore, #tpu.memory_space<semaphore_mem>>) {add = true}
      %dma_start3A_92 = arith.constant 2 : i32
      %dma_start3A_93 = arith.constant 0 : i32
      %dma_start3A_94 = tpu.memref_slice %arg6[%dma_start3A_92, %dma_start3A_93] : memref<4x128xi32, #tpu.memory_space<vmem>> -> memref<1x128xi32, #tpu.memory_space<vmem>>
      %dma_start3A_95 = tpu.memref_squeeze %dma_start3A_94 : memref<1x128xi32, #tpu.memory_space<vmem>> -> memref<128xi32, #tpu.memory_space<vmem>>
      %dma_start3A_96 = arith.constant 0 : i32
      %dma_start3A_97 = tpu.memref_slice %arg10[%dma_start3A_96] : memref<589824xf32, #tpu.memory_space<vmem_shared>> -> memref<589824xf32, #tpu.memory_space<vmem_shared>>
      tpu.enqueue_indirect_dma source(%arg8 : memref<128xf32, #tpu.memory_space<vmem>>) target(%dma_start3A_97 : memref<589824xf32, #tpu.memory_space<vmem_shared>>) offsets(%dma_start3A_95 : memref<128xi32, #tpu.memory_space<vmem>>) semaphore(%arg12 : memref<!tpu.dma_semaphore, #tpu.memory_space<semaphore_mem>>) {add = true}
      %dma_start3A_98 = arith.constant 2 : i32
      %dma_start3A_99 = arith.constant 2 : i32
      %dma_start3A_100 = arith.constant 0 : i32
      %dma_start3A_101 = tpu.memref_slice %arg7[%dma_start3A_98, %dma_start3A_100] : memref<4x128xf32, #tpu.memory_space<vmem>> -> memref<1x128xf32, #tpu.memory_space<vmem>>
      %dma_start3A_102 = tpu.memref_squeeze %dma_start3A_101 : memref<1x128xf32, #tpu.memory_space<vmem>> -> memref<128xf32, #tpu.memory_space<vmem>>
      %dma_start3A_103 = arith.constant 0 : i32
      %dma_start3A_104 = tpu.memref_slice %arg6[%dma_start3A_99, %dma_start3A_103] : memref<4x128xi32, #tpu.memory_space<vmem>> -> memref<1x128xi32, #tpu.memory_space<vmem>>
      %dma_start3A_105 = tpu.memref_squeeze %dma_start3A_104 : memref<1x128xi32, #tpu.memory_space<vmem>> -> memref<128xi32, #tpu.memory_space<vmem>>
      %dma_start3A_106 = arith.constant 0 : i32
      %dma_start3A_107 = tpu.memref_slice %arg11[%dma_start3A_106] : memref<589824xf32, #tpu.memory_space<vmem_shared>> -> memref<589824xf32, #tpu.memory_space<vmem_shared>>
      tpu.enqueue_indirect_dma source(%dma_start3A_102 : memref<128xf32, #tpu.memory_space<vmem>>) target(%dma_start3A_107 : memref<589824xf32, #tpu.memory_space<vmem_shared>>) offsets(%dma_start3A_105 : memref<128xi32, #tpu.memory_space<vmem>>) semaphore(%arg12 : memref<!tpu.dma_semaphore, #tpu.memory_space<semaphore_mem>>) {add = true}
      %dma_start3A_108 = arith.constant 3 : i32
      %dma_start3A_109 = arith.constant 0 : i32
      %dma_start3A_110 = tpu.memref_slice %arg6[%dma_start3A_108, %dma_start3A_109] : memref<4x128xi32, #tpu.memory_space<vmem>> -> memref<1x128xi32, #tpu.memory_space<vmem>>
      %dma_start3A_111 = tpu.memref_squeeze %dma_start3A_110 : memref<1x128xi32, #tpu.memory_space<vmem>> -> memref<128xi32, #tpu.memory_space<vmem>>
      %dma_start3A_112 = arith.constant 0 : i32
      %dma_start3A_113 = tpu.memref_slice %arg10[%dma_start3A_112] : memref<589824xf32, #tpu.memory_space<vmem_shared>> -> memref<589824xf32, #tpu.memory_space<vmem_shared>>
      tpu.enqueue_indirect_dma source(%arg8 : memref<128xf32, #tpu.memory_space<vmem>>) target(%dma_start3A_113 : memref<589824xf32, #tpu.memory_space<vmem_shared>>) offsets(%dma_start3A_111 : memref<128xi32, #tpu.memory_space<vmem>>) semaphore(%arg12 : memref<!tpu.dma_semaphore, #tpu.memory_space<semaphore_mem>>) {add = true}
      %dma_start3A_114 = arith.constant 3 : i32
      %dma_start3A_115 = arith.constant 3 : i32
      %dma_start3A_116 = arith.constant 0 : i32
      %dma_start3A_117 = tpu.memref_slice %arg7[%dma_start3A_114, %dma_start3A_116] : memref<4x128xf32, #tpu.memory_space<vmem>> -> memref<1x128xf32, #tpu.memory_space<vmem>>
      %dma_start3A_118 = tpu.memref_squeeze %dma_start3A_117 : memref<1x128xf32, #tpu.memory_space<vmem>> -> memref<128xf32, #tpu.memory_space<vmem>>
      %dma_start3A_119 = arith.constant 0 : i32
      %dma_start3A_120 = tpu.memref_slice %arg6[%dma_start3A_115, %dma_start3A_119] : memref<4x128xi32, #tpu.memory_space<vmem>> -> memref<1x128xi32, #tpu.memory_space<vmem>>
      %dma_start3A_121 = tpu.memref_squeeze %dma_start3A_120 : memref<1x128xi32, #tpu.memory_space<vmem>> -> memref<128xi32, #tpu.memory_space<vmem>>
      %dma_start3A_122 = arith.constant 0 : i32
      %dma_start3A_123 = tpu.memref_slice %arg11[%dma_start3A_122] : memref<589824xf32, #tpu.memory_space<vmem_shared>> -> memref<589824xf32, #tpu.memory_space<vmem_shared>>
      tpu.enqueue_indirect_dma source(%dma_start3A_118 : memref<128xf32, #tpu.memory_space<vmem>>) target(%dma_start3A_123 : memref<589824xf32, #tpu.memory_space<vmem_shared>>) offsets(%dma_start3A_121 : memref<128xi32, #tpu.memory_space<vmem>>) semaphore(%arg12 : memref<!tpu.dma_semaphore, #tpu.memory_space<semaphore_mem>>) {add = true}
      %dma_wait3A_124 = arith.constant 0 : i32
      %dma_wait3A_125 = arith.constant 0 : i32
      %dma_wait3A_126 = tpu.memref_slice %arg6[%dma_wait3A_124, %dma_wait3A_125] : memref<4x128xi32, #tpu.memory_space<vmem>> -> memref<1x128xi32, #tpu.memory_space<vmem>>
      %dma_wait3A_127 = tpu.memref_squeeze %dma_wait3A_126 : memref<1x128xi32, #tpu.memory_space<vmem>> -> memref<128xi32, #tpu.memory_space<vmem>>
      %dma_wait3A_128 = arith.constant 0 : i32
      %dma_wait3A_129 = tpu.memref_slice %arg10[%dma_wait3A_128] : memref<589824xf32, #tpu.memory_space<vmem_shared>> -> memref<589824xf32, #tpu.memory_space<vmem_shared>>
      tpu.wait_indirect_dma semaphore(%arg12 : memref<!tpu.dma_semaphore, #tpu.memory_space<semaphore_mem>>) src(%arg8 : memref<128xf32, #tpu.memory_space<vmem>>) dst(%dma_wait3A_129 : memref<589824xf32, #tpu.memory_space<vmem_shared>>)
      %dma_wait3A_130 = arith.constant 0 : i32
      %dma_wait3A_131 = arith.constant 0 : i32
      %dma_wait3A_132 = arith.constant 0 : i32
      %dma_wait3A_133 = tpu.memref_slice %arg7[%dma_wait3A_130, %dma_wait3A_132] : memref<4x128xf32, #tpu.memory_space<vmem>> -> memref<1x128xf32, #tpu.memory_space<vmem>>
      %dma_wait3A_134 = tpu.memref_squeeze %dma_wait3A_133 : memref<1x128xf32, #tpu.memory_space<vmem>> -> memref<128xf32, #tpu.memory_space<vmem>>
      %dma_wait3A_135 = arith.constant 0 : i32
      %dma_wait3A_136 = tpu.memref_slice %arg6[%dma_wait3A_131, %dma_wait3A_135] : memref<4x128xi32, #tpu.memory_space<vmem>> -> memref<1x128xi32, #tpu.memory_space<vmem>>
      %dma_wait3A_137 = tpu.memref_squeeze %dma_wait3A_136 : memref<1x128xi32, #tpu.memory_space<vmem>> -> memref<128xi32, #tpu.memory_space<vmem>>
      %dma_wait3A_138 = arith.constant 0 : i32
      %dma_wait3A_139 = tpu.memref_slice %arg11[%dma_wait3A_138] : memref<589824xf32, #tpu.memory_space<vmem_shared>> -> memref<589824xf32, #tpu.memory_space<vmem_shared>>
      tpu.wait_indirect_dma semaphore(%arg12 : memref<!tpu.dma_semaphore, #tpu.memory_space<semaphore_mem>>) src(%dma_wait3A_134 : memref<128xf32, #tpu.memory_space<vmem>>) dst(%dma_wait3A_139 : memref<589824xf32, #tpu.memory_space<vmem_shared>>)
      %dma_wait3A_140 = arith.constant 1 : i32
      %dma_wait3A_141 = arith.constant 0 : i32
      %dma_wait3A_142 = tpu.memref_slice %arg6[%dma_wait3A_140, %dma_wait3A_141] : memref<4x128xi32, #tpu.memory_space<vmem>> -> memref<1x128xi32, #tpu.memory_space<vmem>>
      %dma_wait3A_143 = tpu.memref_squeeze %dma_wait3A_142 : memref<1x128xi32, #tpu.memory_space<vmem>> -> memref<128xi32, #tpu.memory_space<vmem>>
      %dma_wait3A_144 = arith.constant 0 : i32
      %dma_wait3A_145 = tpu.memref_slice %arg10[%dma_wait3A_144] : memref<589824xf32, #tpu.memory_space<vmem_shared>> -> memref<589824xf32, #tpu.memory_space<vmem_shared>>
      tpu.wait_indirect_dma semaphore(%arg12 : memref<!tpu.dma_semaphore, #tpu.memory_space<semaphore_mem>>) src(%arg8 : memref<128xf32, #tpu.memory_space<vmem>>) dst(%dma_wait3A_145 : memref<589824xf32, #tpu.memory_space<vmem_shared>>)
      %dma_wait3A_146 = arith.constant 1 : i32
      %dma_wait3A_147 = arith.constant 1 : i32
      %dma_wait3A_148 = arith.constant 0 : i32
      %dma_wait3A_149 = tpu.memref_slice %arg7[%dma_wait3A_146, %dma_wait3A_148] : memref<4x128xf32, #tpu.memory_space<vmem>> -> memref<1x128xf32, #tpu.memory_space<vmem>>
      %dma_wait3A_150 = tpu.memref_squeeze %dma_wait3A_149 : memref<1x128xf32, #tpu.memory_space<vmem>> -> memref<128xf32, #tpu.memory_space<vmem>>
      %dma_wait3A_151 = arith.constant 0 : i32
      %dma_wait3A_152 = tpu.memref_slice %arg6[%dma_wait3A_147, %dma_wait3A_151] : memref<4x128xi32, #tpu.memory_space<vmem>> -> memref<1x128xi32, #tpu.memory_space<vmem>>
      %dma_wait3A_153 = tpu.memref_squeeze %dma_wait3A_152 : memref<1x128xi32, #tpu.memory_space<vmem>> -> memref<128xi32, #tpu.memory_space<vmem>>
      %dma_wait3A_154 = arith.constant 0 : i32
      %dma_wait3A_155 = tpu.memref_slice %arg11[%dma_wait3A_154] : memref<589824xf32, #tpu.memory_space<vmem_shared>> -> memref<589824xf32, #tpu.memory_space<vmem_shared>>
      tpu.wait_indirect_dma semaphore(%arg12 : memref<!tpu.dma_semaphore, #tpu.memory_space<semaphore_mem>>) src(%dma_wait3A_150 : memref<128xf32, #tpu.memory_space<vmem>>) dst(%dma_wait3A_155 : memref<589824xf32, #tpu.memory_space<vmem_shared>>)
      %dma_wait3A_156 = arith.constant 2 : i32
      %dma_wait3A_157 = arith.constant 0 : i32
      %dma_wait3A_158 = tpu.memref_slice %arg6[%dma_wait3A_156, %dma_wait3A_157] : memref<4x128xi32, #tpu.memory_space<vmem>> -> memref<1x128xi32, #tpu.memory_space<vmem>>
      %dma_wait3A_159 = tpu.memref_squeeze %dma_wait3A_158 : memref<1x128xi32, #tpu.memory_space<vmem>> -> memref<128xi32, #tpu.memory_space<vmem>>
      %dma_wait3A_160 = arith.constant 0 : i32
      %dma_wait3A_161 = tpu.memref_slice %arg10[%dma_wait3A_160] : memref<589824xf32, #tpu.memory_space<vmem_shared>> -> memref<589824xf32, #tpu.memory_space<vmem_shared>>
      tpu.wait_indirect_dma semaphore(%arg12 : memref<!tpu.dma_semaphore, #tpu.memory_space<semaphore_mem>>) src(%arg8 : memref<128xf32, #tpu.memory_space<vmem>>) dst(%dma_wait3A_161 : memref<589824xf32, #tpu.memory_space<vmem_shared>>)
      %dma_wait3A_162 = arith.constant 2 : i32
      %dma_wait3A_163 = arith.constant 2 : i32
      %dma_wait3A_164 = arith.constant 0 : i32
      %dma_wait3A_165 = tpu.memref_slice %arg7[%dma_wait3A_162, %dma_wait3A_164] : memref<4x128xf32, #tpu.memory_space<vmem>> -> memref<1x128xf32, #tpu.memory_space<vmem>>
      %dma_wait3A_166 = tpu.memref_squeeze %dma_wait3A_165 : memref<1x128xf32, #tpu.memory_space<vmem>> -> memref<128xf32, #tpu.memory_space<vmem>>
      %dma_wait3A_167 = arith.constant 0 : i32
      %dma_wait3A_168 = tpu.memref_slice %arg6[%dma_wait3A_163, %dma_wait3A_167] : memref<4x128xi32, #tpu.memory_space<vmem>> -> memref<1x128xi32, #tpu.memory_space<vmem>>
      %dma_wait3A_169 = tpu.memref_squeeze %dma_wait3A_168 : memref<1x128xi32, #tpu.memory_space<vmem>> -> memref<128xi32, #tpu.memory_space<vmem>>
      %dma_wait3A_170 = arith.constant 0 : i32
      %dma_wait3A_171 = tpu.memref_slice %arg11[%dma_wait3A_170] : memref<589824xf32, #tpu.memory_space<vmem_shared>> -> memref<589824xf32, #tpu.memory_space<vmem_shared>>
      tpu.wait_indirect_dma semaphore(%arg12 : memref<!tpu.dma_semaphore, #tpu.memory_space<semaphore_mem>>) src(%dma_wait3A_166 : memref<128xf32, #tpu.memory_space<vmem>>) dst(%dma_wait3A_171 : memref<589824xf32, #tpu.memory_space<vmem_shared>>)
      %dma_wait3A_172 = arith.constant 3 : i32
      %dma_wait3A_173 = arith.constant 0 : i32
      %dma_wait3A_174 = tpu.memref_slice %arg6[%dma_wait3A_172, %dma_wait3A_173] : memref<4x128xi32, #tpu.memory_space<vmem>> -> memref<1x128xi32, #tpu.memory_space<vmem>>
      %dma_wait3A_175 = tpu.memref_squeeze %dma_wait3A_174 : memref<1x128xi32, #tpu.memory_space<vmem>> -> memref<128xi32, #tpu.memory_space<vmem>>
      %dma_wait3A_176 = arith.constant 0 : i32
      %dma_wait3A_177 = tpu.memref_slice %arg10[%dma_wait3A_176] : memref<589824xf32, #tpu.memory_space<vmem_shared>> -> memref<589824xf32, #tpu.memory_space<vmem_shared>>
      tpu.wait_indirect_dma semaphore(%arg12 : memref<!tpu.dma_semaphore, #tpu.memory_space<semaphore_mem>>) src(%arg8 : memref<128xf32, #tpu.memory_space<vmem>>) dst(%dma_wait3A_177 : memref<589824xf32, #tpu.memory_space<vmem_shared>>)
      %dma_wait3A_178 = arith.constant 3 : i32
      %dma_wait3A_179 = arith.constant 3 : i32
      %dma_wait3A_180 = arith.constant 0 : i32
      %dma_wait3A_181 = tpu.memref_slice %arg7[%dma_wait3A_178, %dma_wait3A_180] : memref<4x128xf32, #tpu.memory_space<vmem>> -> memref<1x128xf32, #tpu.memory_space<vmem>>
      %dma_wait3A_182 = tpu.memref_squeeze %dma_wait3A_181 : memref<1x128xf32, #tpu.memory_space<vmem>> -> memref<128xf32, #tpu.memory_space<vmem>>
      %dma_wait3A_183 = arith.constant 0 : i32
      %dma_wait3A_184 = tpu.memref_slice %arg6[%dma_wait3A_179, %dma_wait3A_183] : memref<4x128xi32, #tpu.memory_space<vmem>> -> memref<1x128xi32, #tpu.memory_space<vmem>>
      %dma_wait3A_185 = tpu.memref_squeeze %dma_wait3A_184 : memref<1x128xi32, #tpu.memory_space<vmem>> -> memref<128xi32, #tpu.memory_space<vmem>>
      %dma_wait3A_186 = arith.constant 0 : i32
      %dma_wait3A_187 = tpu.memref_slice %arg11[%dma_wait3A_186] : memref<589824xf32, #tpu.memory_space<vmem_shared>> -> memref<589824xf32, #tpu.memory_space<vmem_shared>>
      tpu.wait_indirect_dma semaphore(%arg12 : memref<!tpu.dma_semaphore, #tpu.memory_space<semaphore_mem>>) src(%dma_wait3A_182 : memref<128xf32, #tpu.memory_space<vmem>>) dst(%dma_wait3A_187 : memref<589824xf32, #tpu.memory_space<vmem_shared>>)
      "tpu.trace_stop"() : () -> ()
      %barrier3A_188 = arith.constant 0 : index
      tpu.barrier barrier_id(%barrier3A_188)
      "tpu.trace_start"() <{level = 10 : i32, message = "adj_drain"}> : () -> ()
      %scan3A_189 = arith.constant 0 : i32
      %scan3A_190 = arith.constant 48 : i32
      %scan3A_191 = arith.addi %scan3A_189, %scan3A_190 : i32
      %scan3A_192 = arith.constant 1 : i32
      scf.for %scan3A_204 = %scan3A_189 to %scan3A_191 step %scan3A_192  : i32 {
        %mul3A_205 = arith.constant 48 : i32
        %mul3A_206 = arith.muli %arg1, %mul3A_205 : i32
        %add3A_207 = arith.addi %mul3A_206, %scan3A_204 : i32
        %mul3A_208 = arith.constant 768 : i32
        %mul3A_209 = arith.muli %add3A_207, %mul3A_208 : i32
        %dma_start3A_210 = arith.constant 0 : i32
        %dma_start3A_211 = tpu.memref_slice %arg4[%add3A, %add3A_207, %dma_start3A_210] : memref<16x768x768xf32, #tpu.memory_space<hbm>> -> memref<1x1x768xf32, #tpu.memory_space<hbm>>
        %dma_start3A_212 = tpu.memref_squeeze %dma_start3A_211 : memref<1x1x768xf32, #tpu.memory_space<hbm>> -> memref<768xf32, #tpu.memory_space<hbm>>
        %dma_start3A_213 = tpu.memref_slice %arg10[%mul3A_209] : memref<589824xf32, #tpu.memory_space<vmem_shared>> -> memref<768xf32, #tpu.memory_space<vmem_shared>>
        tpu.enqueue_dma source(%dma_start3A_213 : memref<768xf32, #tpu.memory_space<vmem_shared>>) target(%dma_start3A_212 : memref<768xf32, #tpu.memory_space<hbm>>) target_semaphore(%arg13 : memref<!tpu.dma_semaphore, #tpu.memory_space<semaphore_mem>>)
        %mul3A_214 = arith.constant 768 : i32
        %mul3A_215 = arith.muli %add3A_207, %mul3A_214 : i32
        %dma_start3A_216 = arith.constant 0 : i32
        %dma_start3A_217 = tpu.memref_slice %arg5[%add3A, %add3A_207, %dma_start3A_216] : memref<16x768x768xf32, #tpu.memory_space<hbm>> -> memref<1x1x768xf32, #tpu.memory_space<hbm>>
        %dma_start3A_218 = tpu.memref_squeeze %dma_start3A_217 : memref<1x1x768xf32, #tpu.memory_space<hbm>> -> memref<768xf32, #tpu.memory_space<hbm>>
        %dma_start3A_219 = tpu.memref_slice %arg11[%mul3A_215] : memref<589824xf32, #tpu.memory_space<vmem_shared>> -> memref<768xf32, #tpu.memory_space<vmem_shared>>
        tpu.enqueue_dma source(%dma_start3A_219 : memref<768xf32, #tpu.memory_space<vmem_shared>>) target(%dma_start3A_218 : memref<768xf32, #tpu.memory_space<hbm>>) target_semaphore(%arg13 : memref<!tpu.dma_semaphore, #tpu.memory_space<semaphore_mem>>)
      }
      %scan3A_193 = arith.constant 48 : i32
      %scan3A_194 = arith.constant 0 : i32
      %scan3A_195 = arith.constant 48 : i32
      %scan3A_196 = arith.addi %scan3A_194, %scan3A_195 : i32
      %scan3A_197 = arith.constant 1 : i32
      scf.for %scan3A_204 = %scan3A_194 to %scan3A_196 step %scan3A_197  : i32 {
        %dma_wait3A_205 = arith.constant 0 : i32
        %dma_wait3A_206 = arith.constant 0 : i32
        %dma_wait3A_207 = tpu.memref_slice %arg4[%add3A, %dma_wait3A_205, %dma_wait3A_206] : memref<16x768x768xf32, #tpu.memory_space<hbm>> -> memref<1x1x768xf32, #tpu.memory_space<hbm>>
        %dma_wait3A_208 = tpu.memref_squeeze %dma_wait3A_207 : memref<1x1x768xf32, #tpu.memory_space<hbm>> -> memref<768xf32, #tpu.memory_space<hbm>>
        %dma_wait3A_209 = arith.constant 0 : i32
        %dma_wait3A_210 = tpu.memref_slice %arg10[%dma_wait3A_209] : memref<589824xf32, #tpu.memory_space<vmem_shared>> -> memref<768xf32, #tpu.memory_space<vmem_shared>>
        tpu.wait_dma2 semaphore(%arg13 : memref<!tpu.dma_semaphore, #tpu.memory_space<semaphore_mem>>) src(%dma_wait3A_210 : memref<768xf32, #tpu.memory_space<vmem_shared>>) dst(%dma_wait3A_208 : memref<768xf32, #tpu.memory_space<hbm>>)
        %dma_wait3A_211 = arith.constant 0 : i32
        %dma_wait3A_212 = arith.constant 0 : i32
        %dma_wait3A_213 = tpu.memref_slice %arg5[%add3A, %dma_wait3A_211, %dma_wait3A_212] : memref<16x768x768xf32, #tpu.memory_space<hbm>> -> memref<1x1x768xf32, #tpu.memory_space<hbm>>
        %dma_wait3A_214 = tpu.memref_squeeze %dma_wait3A_213 : memref<1x1x768xf32, #tpu.memory_space<hbm>> -> memref<768xf32, #tpu.memory_space<hbm>>
        %dma_wait3A_215 = arith.constant 0 : i32
        %dma_wait3A_216 = tpu.memref_slice %arg11[%dma_wait3A_215] : memref<589824xf32, #tpu.memory_space<vmem_shared>> -> memref<768xf32, #tpu.memory_space<vmem_shared>>
        tpu.wait_dma2 semaphore(%arg13 : memref<!tpu.dma_semaphore, #tpu.memory_space<semaphore_mem>>) src(%dma_wait3A_216 : memref<768xf32, #tpu.memory_space<vmem_shared>>) dst(%dma_wait3A_214 : memref<768xf32, #tpu.memory_space<hbm>>)
      }
      %scan3A_198 = arith.constant 48 : i32
      "tpu.trace_stop"() : () -> ()
      %add3A_199 = arith.constant 1 : i32
      %add3A_200 = arith.addi %scan3A_57, %add3A_199 : i32
      %lt3A = arith.constant 8 : i32
      %lt3A_201 = arith.cmpi slt, %add3A_200, %lt3A : i32
      %convert_element_type3A = arith.extui %lt3A_201 : i1 to i32
      %cond3A = arith.constant 0 : i32
      %cond3A_202 = arith.cmpi ne, %convert_element_type3A, %cond3A : i32
      scf.if %cond3A_202 {
        "tpu.trace_start"() <{level = 10 : i32, message = "adj_refill"}> : () -> ()
        %add3A_204 = arith.constant 1 : i32
        %add3A_205 = arith.addi %add3A, %add3A_204 : i32
        %dma_start3A_206 = arith.constant 0 : i32
        %dma_start3A_207 = arith.constant 0 : i32
        %dma_start3A_208 = tpu.memref_slice %arg2[%add3A_205, %arg1, %dma_start3A_206, %dma_start3A_207] : memref<16x16x4x128xi32, #tpu.memory_space<hbm>> -> memref<1x1x4x128xi32, #tpu.memory_space<hbm>>
        %dma_start3A_209 = tpu.memref_squeeze %dma_start3A_208 : memref<1x1x4x128xi32, #tpu.memory_space<hbm>> -> memref<4x128xi32, #tpu.memory_space<hbm>>
        %dma_start3A_210 = arith.constant 0 : i32
        %dma_start3A_211 = arith.constant 0 : i32
        %dma_start3A_212 = tpu.memref_slice %arg2[%add3A_205, %arg1, %dma_start3A_210, %dma_start3A_211] : memref<16x16x4x128xi32, #tpu.memory_space<hbm>> -> memref<1x1x4x128xi32, #tpu.memory_space<hbm>>
        %dma_start3A_213 = tpu.memref_squeeze %dma_start3A_212 : memref<1x1x4x128xi32, #tpu.memory_space<hbm>> -> memref<4x128xi32, #tpu.memory_space<hbm>>
        tpu.enqueue_dma source(%dma_start3A_213 : memref<4x128xi32, #tpu.memory_space<hbm>>) target(%arg6 : memref<4x128xi32, #tpu.memory_space<vmem>>) target_semaphore(%arg14 : memref<!tpu.dma_semaphore, #tpu.memory_space<semaphore_mem>>)
        %add3A_214 = arith.constant 1 : i32
        %add3A_215 = arith.addi %add3A, %add3A_214 : i32
        %dma_start3A_216 = arith.constant 0 : i32
        %dma_start3A_217 = arith.constant 0 : i32
        %dma_start3A_218 = tpu.memref_slice %arg3[%add3A_215, %arg1, %dma_start3A_216, %dma_start3A_217] : memref<16x16x4x128xf32, #tpu.memory_space<hbm>> -> memref<1x1x4x128xf32, #tpu.memory_space<hbm>>
        %dma_start3A_219 = tpu.memref_squeeze %dma_start3A_218 : memref<1x1x4x128xf32, #tpu.memory_space<hbm>> -> memref<4x128xf32, #tpu.memory_space<hbm>>
        %dma_start3A_220 = arith.constant 0 : i32
        %dma_start3A_221 = arith.constant 0 : i32
        %dma_start3A_222 = tpu.memref_slice %arg3[%add3A_215, %arg1, %dma_start3A_220, %dma_start3A_221] : memref<16x16x4x128xf32, #tpu.memory_space<hbm>> -> memref<1x1x4x128xf32, #tpu.memory_space<hbm>>
        %dma_start3A_223 = tpu.memref_squeeze %dma_start3A_222 : memref<1x1x4x128xf32, #tpu.memory_space<hbm>> -> memref<4x128xf32, #tpu.memory_space<hbm>>
        tpu.enqueue_dma source(%dma_start3A_223 : memref<4x128xf32, #tpu.memory_space<hbm>>) target(%arg7 : memref<4x128xf32, #tpu.memory_space<vmem>>) target_semaphore(%arg14 : memref<!tpu.dma_semaphore, #tpu.memory_space<semaphore_mem>>)
        %dma_start3A_224 = tpu.memref_slice %arg10[%mul3A_9] : memref<589824xf32, #tpu.memory_space<vmem_shared>> -> memref<36864xf32, #tpu.memory_space<vmem_shared>>
        %dma_start3A_225 = tpu.memref_slice %arg10[%mul3A_9] : memref<589824xf32, #tpu.memory_space<vmem_shared>> -> memref<36864xf32, #tpu.memory_space<vmem_shared>>
        tpu.enqueue_dma source(%arg9 : memref<36864xf32, #tpu.memory_space<vmem>>) target(%dma_start3A_225 : memref<36864xf32, #tpu.memory_space<vmem_shared>>) target_semaphore(%arg13 : memref<!tpu.dma_semaphore, #tpu.memory_space<semaphore_mem>>)
        %dma_start3A_226 = tpu.memref_slice %arg11[%mul3A_9] : memref<589824xf32, #tpu.memory_space<vmem_shared>> -> memref<36864xf32, #tpu.memory_space<vmem_shared>>
        %dma_start3A_227 = tpu.memref_slice %arg11[%mul3A_9] : memref<589824xf32, #tpu.memory_space<vmem_shared>> -> memref<36864xf32, #tpu.memory_space<vmem_shared>>
        tpu.enqueue_dma source(%arg9 : memref<36864xf32, #tpu.memory_space<vmem>>) target(%dma_start3A_227 : memref<36864xf32, #tpu.memory_space<vmem_shared>>) target_semaphore(%arg13 : memref<!tpu.dma_semaphore, #tpu.memory_space<semaphore_mem>>)
        %dma_wait3A_228 = tpu.memref_slice %arg10[%mul3A_9] : memref<589824xf32, #tpu.memory_space<vmem_shared>> -> memref<36864xf32, #tpu.memory_space<vmem_shared>>
        %dma_wait3A_229 = tpu.memref_slice %arg10[%mul3A_9] : memref<589824xf32, #tpu.memory_space<vmem_shared>> -> memref<36864xf32, #tpu.memory_space<vmem_shared>>
        tpu.wait_dma2 semaphore(%arg13 : memref<!tpu.dma_semaphore, #tpu.memory_space<semaphore_mem>>) src(%arg9 : memref<36864xf32, #tpu.memory_space<vmem>>) dst(%dma_wait3A_229 : memref<36864xf32, #tpu.memory_space<vmem_shared>>)
        %dma_wait3A_230 = tpu.memref_slice %arg11[%mul3A_9] : memref<589824xf32, #tpu.memory_space<vmem_shared>> -> memref<36864xf32, #tpu.memory_space<vmem_shared>>
        %dma_wait3A_231 = tpu.memref_slice %arg11[%mul3A_9] : memref<589824xf32, #tpu.memory_space<vmem_shared>> -> memref<36864xf32, #tpu.memory_space<vmem_shared>>
        tpu.wait_dma2 semaphore(%arg13 : memref<!tpu.dma_semaphore, #tpu.memory_space<semaphore_mem>>) src(%arg9 : memref<36864xf32, #tpu.memory_space<vmem>>) dst(%dma_wait3A_231 : memref<36864xf32, #tpu.memory_space<vmem_shared>>)
        %dma_wait3A_232 = arith.constant 0 : i32
        %dma_wait3A_233 = arith.constant 0 : i32
        %dma_wait3A_234 = tpu.memref_slice %arg2[%add3A_205, %arg1, %dma_wait3A_232, %dma_wait3A_233] : memref<16x16x4x128xi32, #tpu.memory_space<hbm>> -> memref<1x1x4x128xi32, #tpu.memory_space<hbm>>
        %dma_wait3A_235 = tpu.memref_squeeze %dma_wait3A_234 : memref<1x1x4x128xi32, #tpu.memory_space<hbm>> -> memref<4x128xi32, #tpu.memory_space<hbm>>
        %dma_wait3A_236 = arith.constant 0 : i32
        %dma_wait3A_237 = arith.constant 0 : i32
        %dma_wait3A_238 = tpu.memref_slice %arg2[%add3A_205, %arg1, %dma_wait3A_236, %dma_wait3A_237] : memref<16x16x4x128xi32, #tpu.memory_space<hbm>> -> memref<1x1x4x128xi32, #tpu.memory_space<hbm>>
        %dma_wait3A_239 = tpu.memref_squeeze %dma_wait3A_238 : memref<1x1x4x128xi32, #tpu.memory_space<hbm>> -> memref<4x128xi32, #tpu.memory_space<hbm>>
        tpu.wait_dma2 semaphore(%arg14 : memref<!tpu.dma_semaphore, #tpu.memory_space<semaphore_mem>>) src(%dma_wait3A_239 : memref<4x128xi32, #tpu.memory_space<hbm>>) dst(%arg6 : memref<4x128xi32, #tpu.memory_space<vmem>>)
        %dma_wait3A_240 = arith.constant 0 : i32
        %dma_wait3A_241 = arith.constant 0 : i32
        %dma_wait3A_242 = tpu.memref_slice %arg3[%add3A_215, %arg1, %dma_wait3A_240, %dma_wait3A_241] : memref<16x16x4x128xf32, #tpu.memory_space<hbm>> -> memref<1x1x4x128xf32, #tpu.memory_space<hbm>>
        %dma_wait3A_243 = tpu.memref_squeeze %dma_wait3A_242 : memref<1x1x4x128xf32, #tpu.memory_space<hbm>> -> memref<4x128xf32, #tpu.memory_space<hbm>>
        %dma_wait3A_244 = arith.constant 0 : i32
        %dma_wait3A_245 = arith.constant 0 : i32
        %dma_wait3A_246 = tpu.memref_slice %arg3[%add3A_215, %arg1, %dma_wait3A_244, %dma_wait3A_245] : memref<16x16x4x128xf32, #tpu.memory_space<hbm>> -> memref<1x1x4x128xf32, #tpu.memory_space<hbm>>
        %dma_wait3A_247 = tpu.memref_squeeze %dma_wait3A_246 : memref<1x1x4x128xf32, #tpu.memory_space<hbm>> -> memref<4x128xf32, #tpu.memory_space<hbm>>
        tpu.wait_dma2 semaphore(%arg14 : memref<!tpu.dma_semaphore, #tpu.memory_space<semaphore_mem>>) src(%dma_wait3A_247 : memref<4x128xf32, #tpu.memory_space<hbm>>) dst(%arg7 : memref<4x128xf32, #tpu.memory_space<vmem>>)
        "tpu.trace_stop"() : () -> ()
      } else {
      }
      %barrier3A_203 = arith.constant 0 : index
      tpu.barrier barrier_id(%barrier3A_203)
    }
    %scan3A_56 = arith.constant 8 : i32
    return
  }
}

#map = affine_map<(d0, d1) -> (0, 0, 0, 0)>
#map1 = affine_map<(d0, d1) -> (0, 0, 0)>
module attributes {stable_mosaic.version = 14 : i64} {
  func.func @k(%arg0: i32, %arg1: i32, %arg2: memref<16x16x4x128xi32, #tpu.memory_space<hbm>>, %arg3: memref<16x16x4x128xf32, #tpu.memory_space<hbm>>, %arg4: memref<16x768x768xf32, #tpu.memory_space<hbm>>, %arg5: memref<16x768x768xf32, #tpu.memory_space<hbm>>, %arg6: memref<4x128xi32, #tpu.memory_space<vmem>>, %arg7: memref<4x128xf32, #tpu.memory_space<vmem>>, %arg8: memref<128xf32, #tpu.memory_space<vmem>>, %arg9: memref<36864xf32, #tpu.memory_space<vmem>>, %arg10: memref<589824xf32, #tpu.memory_space<vmem_shared>>, %arg11: memref<589824xf32, #tpu.memory_space<vmem_shared>>, %arg12: memref<!tpu.dma_semaphore, #tpu.memory_space<semaphore_mem>>, %arg13: memref<!tpu.dma_semaphore, #tpu.memory_space<semaphore_mem>>, %arg14: memref<!tpu.dma_semaphore, #tpu.memory_space<semaphore_mem>>) attributes {dimension_semantics = [#tpu.dimension_semantics<core_parallel>, #tpu.dimension_semantics<subcore_parallel>], iteration_bounds = array<i64: 2, 16>, scalar_prefetch = 0 : i64, scratch_operands = 9 : i64, tpu.core_type = #tpu.core_type<sc_vector_subcore>, window_params = [{transform_indices = #map}, {transform_indices = #map}, {transform_indices = #map1}, {transform_indices = #map1}]} {
    %scan3A = arith.constant 0 : i32
    %scan3A_0 = arith.constant 8 : i32
    %scan3A_1 = arith.addi %scan3A, %scan3A_0 : i32
    %scan3A_2 = arith.constant 1 : i32
    scf.for %scan3A_57 = %scan3A to %scan3A_1 step %scan3A_2  : i32 {
      %broadcast_in_dim3A = arith.constant 1.000000e+00 : f32
      %broadcast_in_dim3A_58 = vector.broadcast %broadcast_in_dim3A : f32 to vector<16xf32>
      %mul3A_59 = arith.constant 16 : i32
      %mul3A_60 = arith.muli %scan3A_57, %mul3A_59 : i32
      %swap3A = arith.index_cast %mul3A_60 : i32 to index
      %swap3A_61 = tpu.vector_load %arg8[%swap3A] {strides = array<i32>} : memref<128xf32, #tpu.memory_space<vmem>>, vector<16xf32>,
      %swap3A_62 = vector.shape_cast %swap3A_61 : vector<16xf32> to vector<16xf32>
      %swap3A_63 = vector.shape_cast %broadcast_in_dim3A_58 : vector<16xf32> to vector<16xf32>
      tpu.vector_store %arg8[%swap3A], %swap3A_63 {strides = array<i32>} : memref<128xf32, #tpu.memory_space<vmem>>, vector<16xf32>,
    }
    %scan3A_3 = arith.constant 8 : i32
    %scan3A_4 = arith.constant 0 : i32
    %scan3A_5 = arith.constant 2304 : i32
    %scan3A_6 = arith.addi %scan3A_4, %scan3A_5 : i32
    %scan3A_7 = arith.constant 1 : i32
    scf.for %scan3A_57 = %scan3A_4 to %scan3A_6 step %scan3A_7  : i32 {
      %broadcast_in_dim3A = arith.constant 0.000000e+00 : f32
      %broadcast_in_dim3A_58 = vector.broadcast %broadcast_in_dim3A : f32 to vector<16xf32>
      %mul3A_59 = arith.constant 16 : i32
      %mul3A_60 = arith.muli %scan3A_57, %mul3A_59 : i32
      %swap3A = arith.index_cast %mul3A_60 : i32 to index
      %swap3A_61 = tpu.vector_load %arg9[%swap3A] {strides = array<i32>} : memref<36864xf32, #tpu.memory_space<vmem>>, vector<16xf32>,
      %swap3A_62 = vector.shape_cast %swap3A_61 : vector<16xf32> to vector<16xf32>
      %swap3A_63 = vector.shape_cast %broadcast_in_dim3A_58 : vector<16xf32> to vector<16xf32>
      tpu.vector_store %arg9[%swap3A], %swap3A_63 {strides = array<i32>} : memref<36864xf32, #tpu.memory_space<vmem>>, vector<16xf32>,
    }
    %scan3A_8 = arith.constant 2304 : i32
    %mul3A = arith.constant 36864 : i32
    %mul3A_9 = arith.muli %arg1, %mul3A : i32
    %dma_start3A = tpu.memref_slice %arg10[%mul3A_9] : memref<589824xf32, #tpu.memory_space<vmem_shared>> -> memref<36864xf32, #tpu.memory_space<vmem_shared>>
    %dma_start3A_10 = tpu.memref_slice %arg10[%mul3A_9] : memref<589824xf32, #tpu.memory_space<vmem_shared>> -> memref<36864xf32, #tpu.memory_space<vmem_shared>>
    tpu.enqueue_dma source(%arg9 : memref<36864xf32, #tpu.memory_space<vmem>>) target(%dma_start3A_10 : memref<36864xf32, #tpu.memory_space<vmem_shared>>) target_semaphore(%arg13 : memref<!tpu.dma_semaphore, #tpu.memory_space<semaphore_mem>>)
    %dma_start3A_11 = tpu.memref_slice %arg11[%mul3A_9] : memref<589824xf32, #tpu.memory_space<vmem_shared>> -> memref<36864xf32, #tpu.memory_space<vmem_shared>>
    %dma_start3A_12 = tpu.memref_slice %arg11[%mul3A_9] : memref<589824xf32, #tpu.memory_space<vmem_shared>> -> memref<36864xf32, #tpu.memory_space<vmem_shared>>
    tpu.enqueue_dma source(%arg9 : memref<36864xf32, #tpu.memory_space<vmem>>) target(%dma_start3A_12 : memref<36864xf32, #tpu.memory_space<vmem_shared>>) target_semaphore(%arg13 : memref<!tpu.dma_semaphore, #tpu.memory_space<semaphore_mem>>)
    %mul3A_13 = arith.constant 8 : i32
    %mul3A_14 = arith.muli %arg0, %mul3A_13 : i32
    %dma_start3A_15 = arith.constant 0 : i32
    %dma_start3A_16 = arith.constant 0 : i32
    %dma_start3A_17 = tpu.memref_slice %arg2[%mul3A_14, %arg1, %dma_start3A_15, %dma_start3A_16] : memref<16x16x4x128xi32, #tpu.memory_space<hbm>> -> memref<1x1x4x128xi32, #tpu.memory_space<hbm>>
    %dma_start3A_18 = tpu.memref_squeeze %dma_start3A_17 : memref<1x1x4x128xi32, #tpu.memory_space<hbm>> -> memref<4x128xi32, #tpu.memory_space<hbm>>
    %dma_start3A_19 = arith.constant 0 : i32
    %dma_start3A_20 = arith.constant 0 : i32
    %dma_start3A_21 = tpu.memref_slice %arg2[%mul3A_14, %arg1, %dma_start3A_19, %dma_start3A_20] : memref<16x16x4x128xi32, #tpu.memory_space<hbm>> -> memref<1x1x4x128xi32, #tpu.memory_space<hbm>>
    %dma_start3A_22 = tpu.memref_squeeze %dma_start3A_21 : memref<1x1x4x128xi32, #tpu.memory_space<hbm>> -> memref<4x128xi32, #tpu.memory_space<hbm>>
    tpu.enqueue_dma source(%dma_start3A_22 : memref<4x128xi32, #tpu.memory_space<hbm>>) target(%arg6 : memref<4x128xi32, #tpu.memory_space<vmem>>) target_semaphore(%arg14 : memref<!tpu.dma_semaphore, #tpu.memory_space<semaphore_mem>>)
    %mul3A_23 = arith.constant 8 : i32
    %mul3A_24 = arith.muli %arg0, %mul3A_23 : i32
    %dma_start3A_25 = arith.constant 0 : i32
    %dma_start3A_26 = arith.constant 0 : i32
    %dma_start3A_27 = tpu.memref_slice %arg3[%mul3A_24, %arg1, %dma_start3A_25, %dma_start3A_26] : memref<16x16x4x128xf32, #tpu.memory_space<hbm>> -> memref<1x1x4x128xf32, #tpu.memory_space<hbm>>
    %dma_start3A_28 = tpu.memref_squeeze %dma_start3A_27 : memref<1x1x4x128xf32, #tpu.memory_space<hbm>> -> memref<4x128xf32, #tpu.memory_space<hbm>>
    %dma_start3A_29 = arith.constant 0 : i32
    %dma_start3A_30 = arith.constant 0 : i32
    %dma_start3A_31 = tpu.memref_slice %arg3[%mul3A_24, %arg1, %dma_start3A_29, %dma_start3A_30] : memref<16x16x4x128xf32, #tpu.memory_space<hbm>> -> memref<1x1x4x128xf32, #tpu.memory_space<hbm>>
    %dma_start3A_32 = tpu.memref_squeeze %dma_start3A_31 : memref<1x1x4x128xf32, #tpu.memory_space<hbm>> -> memref<4x128xf32, #tpu.memory_space<hbm>>
    tpu.enqueue_dma source(%dma_start3A_32 : memref<4x128xf32, #tpu.memory_space<hbm>>) target(%arg7 : memref<4x128xf32, #tpu.memory_space<vmem>>) target_semaphore(%arg14 : memref<!tpu.dma_semaphore, #tpu.memory_space<semaphore_mem>>)
    %dma_wait3A = tpu.memref_slice %arg10[%mul3A_9] : memref<589824xf32, #tpu.memory_space<vmem_shared>> -> memref<36864xf32, #tpu.memory_space<vmem_shared>>
    %dma_wait3A_33 = tpu.memref_slice %arg10[%mul3A_9] : memref<589824xf32, #tpu.memory_space<vmem_shared>> -> memref<36864xf32, #tpu.memory_space<vmem_shared>>
    tpu.wait_dma2 semaphore(%arg13 : memref<!tpu.dma_semaphore, #tpu.memory_space<semaphore_mem>>) src(%arg9 : memref<36864xf32, #tpu.memory_space<vmem>>) dst(%dma_wait3A_33 : memref<36864xf32, #tpu.memory_space<vmem_shared>>)
    %dma_wait3A_34 = tpu.memref_slice %arg11[%mul3A_9] : memref<589824xf32, #tpu.memory_space<vmem_shared>> -> memref<36864xf32, #tpu.memory_space<vmem_shared>>
    %dma_wait3A_35 = tpu.memref_slice %arg11[%mul3A_9] : memref<589824xf32, #tpu.memory_space<vmem_shared>> -> memref<36864xf32, #tpu.memory_space<vmem_shared>>
    tpu.wait_dma2 semaphore(%arg13 : memref<!tpu.dma_semaphore, #tpu.memory_space<semaphore_mem>>) src(%arg9 : memref<36864xf32, #tpu.memory_space<vmem>>) dst(%dma_wait3A_35 : memref<36864xf32, #tpu.memory_space<vmem_shared>>)
    %dma_wait3A_36 = arith.constant 0 : i32
    %dma_wait3A_37 = arith.constant 0 : i32
    %dma_wait3A_38 = tpu.memref_slice %arg2[%mul3A_14, %arg1, %dma_wait3A_36, %dma_wait3A_37] : memref<16x16x4x128xi32, #tpu.memory_space<hbm>> -> memref<1x1x4x128xi32, #tpu.memory_space<hbm>>
    %dma_wait3A_39 = tpu.memref_squeeze %dma_wait3A_38 : memref<1x1x4x128xi32, #tpu.memory_space<hbm>> -> memref<4x128xi32, #tpu.memory_space<hbm>>
    %dma_wait3A_40 = arith.constant 0 : i32
    %dma_wait3A_41 = arith.constant 0 : i32
    %dma_wait3A_42 = tpu.memref_slice %arg2[%mul3A_14, %arg1, %dma_wait3A_40, %dma_wait3A_41] : memref<16x16x4x128xi32, #tpu.memory_space<hbm>> -> memref<1x1x4x128xi32, #tpu.memory_space<hbm>>
    %dma_wait3A_43 = tpu.memref_squeeze %dma_wait3A_42 : memref<1x1x4x128xi32, #tpu.memory_space<hbm>> -> memref<4x128xi32, #tpu.memory_space<hbm>>
    tpu.wait_dma2 semaphore(%arg14 : memref<!tpu.dma_semaphore, #tpu.memory_space<semaphore_mem>>) src(%dma_wait3A_43 : memref<4x128xi32, #tpu.memory_space<hbm>>) dst(%arg6 : memref<4x128xi32, #tpu.memory_space<vmem>>)
    %dma_wait3A_44 = arith.constant 0 : i32
    %dma_wait3A_45 = arith.constant 0 : i32
    %dma_wait3A_46 = tpu.memref_slice %arg3[%mul3A_24, %arg1, %dma_wait3A_44, %dma_wait3A_45] : memref<16x16x4x128xf32, #tpu.memory_space<hbm>> -> memref<1x1x4x128xf32, #tpu.memory_space<hbm>>
    %dma_wait3A_47 = tpu.memref_squeeze %dma_wait3A_46 : memref<1x1x4x128xf32, #tpu.memory_space<hbm>> -> memref<4x128xf32, #tpu.memory_space<hbm>>
    %dma_wait3A_48 = arith.constant 0 : i32
    %dma_wait3A_49 = arith.constant 0 : i32
    %dma_wait3A_50 = tpu.memref_slice %arg3[%mul3A_24, %arg1, %dma_wait3A_48, %dma_wait3A_49] : memref<16x16x4x128xf32, #tpu.memory_space<hbm>> -> memref<1x1x4x128xf32, #tpu.memory_space<hbm>>
    %dma_wait3A_51 = tpu.memref_squeeze %dma_wait3A_50 : memref<1x1x4x128xf32, #tpu.memory_space<hbm>> -> memref<4x128xf32, #tpu.memory_space<hbm>>
    tpu.wait_dma2 semaphore(%arg14 : memref<!tpu.dma_semaphore, #tpu.memory_space<semaphore_mem>>) src(%dma_wait3A_51 : memref<4x128xf32, #tpu.memory_space<hbm>>) dst(%arg7 : memref<4x128xf32, #tpu.memory_space<vmem>>)
    %barrier3A = arith.constant 0 : index
    tpu.barrier barrier_id(%barrier3A)
    %scan3A_52 = arith.constant 0 : i32
    %scan3A_53 = arith.constant 8 : i32
    %scan3A_54 = arith.addi %scan3A_52, %scan3A_53 : i32
    %scan3A_55 = arith.constant 1 : i32
    scf.for %scan3A_57 = %scan3A_52 to %scan3A_54 step %scan3A_55  : i32 {
      %mul3A_58 = arith.constant 8 : i32
      %mul3A_59 = arith.muli %arg0, %mul3A_58 : i32
      %add3A = arith.addi %mul3A_59, %scan3A_57 : i32
      %dma_start3A_60 = arith.constant 0 : i32
      "tpu.trace_start"() <{level = 10 : i32, message = "adj_scatter"}> : () -> ()
      %dma_start3A_61 = arith.constant 0 : i32
      %dma_start3A_62 = tpu.memref_slice %arg6[%dma_start3A_60, %dma_start3A_61] : memref<4x128xi32, #tpu.memory_space<vmem>> -> memref<1x128xi32, #tpu.memory_space<vmem>>
      %dma_start3A_63 = tpu.memref_squeeze %dma_start3A_62 : memref<1x128xi32, #tpu.memory_space<vmem>> -> memref<128xi32, #tpu.memory_space<vmem>>
      %dma_start3A_64 = arith.constant 0 : i32
      %dma_start3A_65 = tpu.memref_slice %arg10[%dma_start3A_64] : memref<589824xf32, #tpu.memory_space<vmem_shared>> -> memref<589824xf32, #tpu.memory_space<vmem_shared>>
      tpu.enqueue_indirect_dma source(%arg8 : memref<128xf32, #tpu.memory_space<vmem>>) target(%dma_start3A_65 : memref<589824xf32, #tpu.memory_space<vmem_shared>>) offsets(%dma_start3A_63 : memref<128xi32, #tpu.memory_space<vmem>>) semaphore(%arg12 : memref<!tpu.dma_semaphore, #tpu.memory_space<semaphore_mem>>) {add = true}
      %dma_start3A_66 = arith.constant 0 : i32
      %dma_start3A_67 = arith.constant 0 : i32
      %dma_start3A_68 = arith.constant 0 : i32
      %dma_start3A_69 = tpu.memref_slice %arg7[%dma_start3A_66, %dma_start3A_68] : memref<4x128xf32, #tpu.memory_space<vmem>> -> memref<1x128xf32, #tpu.memory_space<vmem>>
      %dma_start3A_70 = tpu.memref_squeeze %dma_start3A_69 : memref<1x128xf32, #tpu.memory_space<vmem>> -> memref<128xf32, #tpu.memory_space<vmem>>
      %dma_start3A_71 = arith.constant 0 : i32
      %dma_start3A_72 = tpu.memref_slice %arg6[%dma_start3A_67, %dma_start3A_71] : memref<4x128xi32, #tpu.memory_space<vmem>> -> memref<1x128xi32, #tpu.memory_space<vmem>>
      %dma_start3A_73 = tpu.memref_squeeze %dma_start3A_72 : memref<1x128xi32, #tpu.memory_space<vmem>> -> memref<128xi32, #tpu.memory_space<vmem>>
      %dma_start3A_74 = arith.constant 0 : i32
      %dma_start3A_75 = tpu.memref_slice %arg11[%dma_start3A_74] : memref<589824xf32, #tpu.memory_space<vmem_shared>> -> memref<589824xf32, #tpu.memory_space<vmem_shared>>
      tpu.enqueue_indirect_dma source(%dma_start3A_70 : memref<128xf32, #tpu.memory_space<vmem>>) target(%dma_start3A_75 : memref<589824xf32, #tpu.memory_space<vmem_shared>>) offsets(%dma_start3A_73 : memref<128xi32, #tpu.memory_space<vmem>>) semaphore(%arg12 : memref<!tpu.dma_semaphore, #tpu.memory_space<semaphore_mem>>) {add = true}
      %dma_start3A_76 = arith.constant 1 : i32
      %dma_start3A_77 = arith.constant 0 : i32
      %dma_start3A_78 = tpu.memref_slice %arg6[%dma_start3A_76, %dma_start3A_77] : memref<4x128xi32, #tpu.memory_space<vmem>> -> memref<1x128xi32, #tpu.memory_space<vmem>>
      %dma_start3A_79 = tpu.memref_squeeze %dma_start3A_78 : memref<1x128xi32, #tpu.memory_space<vmem>> -> memref<128xi32, #tpu.memory_space<vmem>>
      %dma_start3A_80 = arith.constant 0 : i32
      %dma_start3A_81 = tpu.memref_slice %arg10[%dma_start3A_80] : memref<589824xf32, #tpu.memory_space<vmem_shared>> -> memref<589824xf32, #tpu.memory_space<vmem_shared>>
      tpu.enqueue_indirect_dma source(%arg8 : memref<128xf32, #tpu.memory_space<vmem>>) target(%dma_start3A_81 : memref<589824xf32, #tpu.memory_space<vmem_shared>>) offsets(%dma_start3A_79 : memref<128xi32, #tpu.memory_space<vmem>>) semaphore(%arg12 : memref<!tpu.dma_semaphore, #tpu.memory_space<semaphore_mem>>) {add = true}
      %dma_start3A_82 = arith.constant 1 : i32
      %dma_start3A_83 = arith.constant 1 : i32
      %dma_start3A_84 = arith.constant 0 : i32
      %dma_start3A_85 = tpu.memref_slice %arg7[%dma_start3A_82, %dma_start3A_84] : memref<4x128xf32, #tpu.memory_space<vmem>> -> memref<1x128xf32, #tpu.memory_space<vmem>>
      %dma_start3A_86 = tpu.memref_squeeze %dma_start3A_85 : memref<1x128xf32, #tpu.memory_space<vmem>> -> memref<128xf32, #tpu.memory_space<vmem>>
      %dma_start3A_87 = arith.constant 0 : i32
      %dma_start3A_88 = tpu.memref_slice %arg6[%dma_start3A_83, %dma_start3A_87] : memref<4x128xi32, #tpu.memory_space<vmem>> -> memref<1x128xi32, #tpu.memory_space<vmem>>
      %dma_start3A_89 = tpu.memref_squeeze %dma_start3A_88 : memref<1x128xi32, #tpu.memory_space<vmem>> -> memref<128xi32, #tpu.memory_space<vmem>>
      %dma_start3A_90 = arith.constant 0 : i32
      %dma_start3A_91 = tpu.memref_slice %arg11[%dma_start3A_90] : memref<589824xf32, #tpu.memory_space<vmem_shared>> -> memref<589824xf32, #tpu.memory_space<vmem_shared>>
      tpu.enqueue_indirect_dma source(%dma_start3A_86 : memref<128xf32, #tpu.memory_space<vmem>>) target(%dma_start3A_91 : memref<589824xf32, #tpu.memory_space<vmem_shared>>) offsets(%dma_start3A_89 : memref<128xi32, #tpu.memory_space<vmem>>) semaphore(%arg12 : memref<!tpu.dma_semaphore, #tpu.memory_space<semaphore_mem>>) {add = true}
      %dma_start3A_92 = arith.constant 2 : i32
      %dma_start3A_93 = arith.constant 0 : i32
      %dma_start3A_94 = tpu.memref_slice %arg6[%dma_start3A_92, %dma_start3A_93] : memref<4x128xi32, #tpu.memory_space<vmem>> -> memref<1x128xi32, #tpu.memory_space<vmem>>
      %dma_start3A_95 = tpu.memref_squeeze %dma_start3A_94 : memref<1x128xi32, #tpu.memory_space<vmem>> -> memref<128xi32, #tpu.memory_space<vmem>>
      %dma_start3A_96 = arith.constant 0 : i32
      %dma_start3A_97 = tpu.memref_slice %arg10[%dma_start3A_96] : memref<589824xf32, #tpu.memory_space<vmem_shared>> -> memref<589824xf32, #tpu.memory_space<vmem_shared>>
      tpu.enqueue_indirect_dma source(%arg8 : memref<128xf32, #tpu.memory_space<vmem>>) target(%dma_start3A_97 : memref<589824xf32, #tpu.memory_space<vmem_shared>>) offsets(%dma_start3A_95 : memref<128xi32, #tpu.memory_space<vmem>>) semaphore(%arg12 : memref<!tpu.dma_semaphore, #tpu.memory_space<semaphore_mem>>) {add = true}
      %dma_start3A_98 = arith.constant 2 : i32
      %dma_start3A_99 = arith.constant 2 : i32
      %dma_start3A_100 = arith.constant 0 : i32
      %dma_start3A_101 = tpu.memref_slice %arg7[%dma_start3A_98, %dma_start3A_100] : memref<4x128xf32, #tpu.memory_space<vmem>> -> memref<1x128xf32, #tpu.memory_space<vmem>>
      %dma_start3A_102 = tpu.memref_squeeze %dma_start3A_101 : memref<1x128xf32, #tpu.memory_space<vmem>> -> memref<128xf32, #tpu.memory_space<vmem>>
      %dma_start3A_103 = arith.constant 0 : i32
      %dma_start3A_104 = tpu.memref_slice %arg6[%dma_start3A_99, %dma_start3A_103] : memref<4x128xi32, #tpu.memory_space<vmem>> -> memref<1x128xi32, #tpu.memory_space<vmem>>
      %dma_start3A_105 = tpu.memref_squeeze %dma_start3A_104 : memref<1x128xi32, #tpu.memory_space<vmem>> -> memref<128xi32, #tpu.memory_space<vmem>>
      %dma_start3A_106 = arith.constant 0 : i32
      %dma_start3A_107 = tpu.memref_slice %arg11[%dma_start3A_106] : memref<589824xf32, #tpu.memory_space<vmem_shared>> -> memref<589824xf32, #tpu.memory_space<vmem_shared>>
      tpu.enqueue_indirect_dma source(%dma_start3A_102 : memref<128xf32, #tpu.memory_space<vmem>>) target(%dma_start3A_107 : memref<589824xf32, #tpu.memory_space<vmem_shared>>) offsets(%dma_start3A_105 : memref<128xi32, #tpu.memory_space<vmem>>) semaphore(%arg12 : memref<!tpu.dma_semaphore, #tpu.memory_space<semaphore_mem>>) {add = true}
      %dma_start3A_108 = arith.constant 3 : i32
      %dma_start3A_109 = arith.constant 0 : i32
      %dma_start3A_110 = tpu.memref_slice %arg6[%dma_start3A_108, %dma_start3A_109] : memref<4x128xi32, #tpu.memory_space<vmem>> -> memref<1x128xi32, #tpu.memory_space<vmem>>
      %dma_start3A_111 = tpu.memref_squeeze %dma_start3A_110 : memref<1x128xi32, #tpu.memory_space<vmem>> -> memref<128xi32, #tpu.memory_space<vmem>>
      %dma_start3A_112 = arith.constant 0 : i32
      %dma_start3A_113 = tpu.memref_slice %arg10[%dma_start3A_112] : memref<589824xf32, #tpu.memory_space<vmem_shared>> -> memref<589824xf32, #tpu.memory_space<vmem_shared>>
      tpu.enqueue_indirect_dma source(%arg8 : memref<128xf32, #tpu.memory_space<vmem>>) target(%dma_start3A_113 : memref<589824xf32, #tpu.memory_space<vmem_shared>>) offsets(%dma_start3A_111 : memref<128xi32, #tpu.memory_space<vmem>>) semaphore(%arg12 : memref<!tpu.dma_semaphore, #tpu.memory_space<semaphore_mem>>) {add = true}
      %dma_start3A_114 = arith.constant 3 : i32
      %dma_start3A_115 = arith.constant 3 : i32
      %dma_start3A_116 = arith.constant 0 : i32
      %dma_start3A_117 = tpu.memref_slice %arg7[%dma_start3A_114, %dma_start3A_116] : memref<4x128xf32, #tpu.memory_space<vmem>> -> memref<1x128xf32, #tpu.memory_space<vmem>>
      %dma_start3A_118 = tpu.memref_squeeze %dma_start3A_117 : memref<1x128xf32, #tpu.memory_space<vmem>> -> memref<128xf32, #tpu.memory_space<vmem>>
      %dma_start3A_119 = arith.constant 0 : i32
      %dma_start3A_120 = tpu.memref_slice %arg6[%dma_start3A_115, %dma_start3A_119] : memref<4x128xi32, #tpu.memory_space<vmem>> -> memref<1x128xi32, #tpu.memory_space<vmem>>
      %dma_start3A_121 = tpu.memref_squeeze %dma_start3A_120 : memref<1x128xi32, #tpu.memory_space<vmem>> -> memref<128xi32, #tpu.memory_space<vmem>>
      %dma_start3A_122 = arith.constant 0 : i32
      %dma_start3A_123 = tpu.memref_slice %arg11[%dma_start3A_122] : memref<589824xf32, #tpu.memory_space<vmem_shared>> -> memref<589824xf32, #tpu.memory_space<vmem_shared>>
      tpu.enqueue_indirect_dma source(%dma_start3A_118 : memref<128xf32, #tpu.memory_space<vmem>>) target(%dma_start3A_123 : memref<589824xf32, #tpu.memory_space<vmem_shared>>) offsets(%dma_start3A_121 : memref<128xi32, #tpu.memory_space<vmem>>) semaphore(%arg12 : memref<!tpu.dma_semaphore, #tpu.memory_space<semaphore_mem>>) {add = true}
      %dma_wait3A_124 = arith.constant 0 : i32
      %dma_wait3A_125 = arith.constant 0 : i32
      %dma_wait3A_126 = tpu.memref_slice %arg6[%dma_wait3A_124, %dma_wait3A_125] : memref<4x128xi32, #tpu.memory_space<vmem>> -> memref<1x128xi32, #tpu.memory_space<vmem>>
      %dma_wait3A_127 = tpu.memref_squeeze %dma_wait3A_126 : memref<1x128xi32, #tpu.memory_space<vmem>> -> memref<128xi32, #tpu.memory_space<vmem>>
      %dma_wait3A_128 = arith.constant 0 : i32
      %dma_wait3A_129 = tpu.memref_slice %arg10[%dma_wait3A_128] : memref<589824xf32, #tpu.memory_space<vmem_shared>> -> memref<589824xf32, #tpu.memory_space<vmem_shared>>
      tpu.wait_indirect_dma semaphore(%arg12 : memref<!tpu.dma_semaphore, #tpu.memory_space<semaphore_mem>>) src(%arg8 : memref<128xf32, #tpu.memory_space<vmem>>) dst(%dma_wait3A_129 : memref<589824xf32, #tpu.memory_space<vmem_shared>>)
      %dma_wait3A_130 = arith.constant 0 : i32
      %dma_wait3A_131 = arith.constant 0 : i32
      %dma_wait3A_132 = arith.constant 0 : i32
      %dma_wait3A_133 = tpu.memref_slice %arg7[%dma_wait3A_130, %dma_wait3A_132] : memref<4x128xf32, #tpu.memory_space<vmem>> -> memref<1x128xf32, #tpu.memory_space<vmem>>
      %dma_wait3A_134 = tpu.memref_squeeze %dma_wait3A_133 : memref<1x128xf32, #tpu.memory_space<vmem>> -> memref<128xf32, #tpu.memory_space<vmem>>
      %dma_wait3A_135 = arith.constant 0 : i32
      %dma_wait3A_136 = tpu.memref_slice %arg6[%dma_wait3A_131, %dma_wait3A_135] : memref<4x128xi32, #tpu.memory_space<vmem>> -> memref<1x128xi32, #tpu.memory_space<vmem>>
      %dma_wait3A_137 = tpu.memref_squeeze %dma_wait3A_136 : memref<1x128xi32, #tpu.memory_space<vmem>> -> memref<128xi32, #tpu.memory_space<vmem>>
      %dma_wait3A_138 = arith.constant 0 : i32
      %dma_wait3A_139 = tpu.memref_slice %arg11[%dma_wait3A_138] : memref<589824xf32, #tpu.memory_space<vmem_shared>> -> memref<589824xf32, #tpu.memory_space<vmem_shared>>
      tpu.wait_indirect_dma semaphore(%arg12 : memref<!tpu.dma_semaphore, #tpu.memory_space<semaphore_mem>>) src(%dma_wait3A_134 : memref<128xf32, #tpu.memory_space<vmem>>) dst(%dma_wait3A_139 : memref<589824xf32, #tpu.memory_space<vmem_shared>>)
      %dma_wait3A_140 = arith.constant 1 : i32
      %dma_wait3A_141 = arith.constant 0 : i32
      %dma_wait3A_142 = tpu.memref_slice %arg6[%dma_wait3A_140, %dma_wait3A_141] : memref<4x128xi32, #tpu.memory_space<vmem>> -> memref<1x128xi32, #tpu.memory_space<vmem>>
      %dma_wait3A_143 = tpu.memref_squeeze %dma_wait3A_142 : memref<1x128xi32, #tpu.memory_space<vmem>> -> memref<128xi32, #tpu.memory_space<vmem>>
      %dma_wait3A_144 = arith.constant 0 : i32
      %dma_wait3A_145 = tpu.memref_slice %arg10[%dma_wait3A_144] : memref<589824xf32, #tpu.memory_space<vmem_shared>> -> memref<589824xf32, #tpu.memory_space<vmem_shared>>
      tpu.wait_indirect_dma semaphore(%arg12 : memref<!tpu.dma_semaphore, #tpu.memory_space<semaphore_mem>>) src(%arg8 : memref<128xf32, #tpu.memory_space<vmem>>) dst(%dma_wait3A_145 : memref<589824xf32, #tpu.memory_space<vmem_shared>>)
      %dma_wait3A_146 = arith.constant 1 : i32
      %dma_wait3A_147 = arith.constant 1 : i32
      %dma_wait3A_148 = arith.constant 0 : i32
      %dma_wait3A_149 = tpu.memref_slice %arg7[%dma_wait3A_146, %dma_wait3A_148] : memref<4x128xf32, #tpu.memory_space<vmem>> -> memref<1x128xf32, #tpu.memory_space<vmem>>
      %dma_wait3A_150 = tpu.memref_squeeze %dma_wait3A_149 : memref<1x128xf32, #tpu.memory_space<vmem>> -> memref<128xf32, #tpu.memory_space<vmem>>
      %dma_wait3A_151 = arith.constant 0 : i32
      %dma_wait3A_152 = tpu.memref_slice %arg6[%dma_wait3A_147, %dma_wait3A_151] : memref<4x128xi32, #tpu.memory_space<vmem>> -> memref<1x128xi32, #tpu.memory_space<vmem>>
      %dma_wait3A_153 = tpu.memref_squeeze %dma_wait3A_152 : memref<1x128xi32, #tpu.memory_space<vmem>> -> memref<128xi32, #tpu.memory_space<vmem>>
      %dma_wait3A_154 = arith.constant 0 : i32
      %dma_wait3A_155 = tpu.memref_slice %arg11[%dma_wait3A_154] : memref<589824xf32, #tpu.memory_space<vmem_shared>> -> memref<589824xf32, #tpu.memory_space<vmem_shared>>
      tpu.wait_indirect_dma semaphore(%arg12 : memref<!tpu.dma_semaphore, #tpu.memory_space<semaphore_mem>>) src(%dma_wait3A_150 : memref<128xf32, #tpu.memory_space<vmem>>) dst(%dma_wait3A_155 : memref<589824xf32, #tpu.memory_space<vmem_shared>>)
      %dma_wait3A_156 = arith.constant 2 : i32
      %dma_wait3A_157 = arith.constant 0 : i32
      %dma_wait3A_158 = tpu.memref_slice %arg6[%dma_wait3A_156, %dma_wait3A_157] : memref<4x128xi32, #tpu.memory_space<vmem>> -> memref<1x128xi32, #tpu.memory_space<vmem>>
      %dma_wait3A_159 = tpu.memref_squeeze %dma_wait3A_158 : memref<1x128xi32, #tpu.memory_space<vmem>> -> memref<128xi32, #tpu.memory_space<vmem>>
      %dma_wait3A_160 = arith.constant 0 : i32
      %dma_wait3A_161 = tpu.memref_slice %arg10[%dma_wait3A_160] : memref<589824xf32, #tpu.memory_space<vmem_shared>> -> memref<589824xf32, #tpu.memory_space<vmem_shared>>
      tpu.wait_indirect_dma semaphore(%arg12 : memref<!tpu.dma_semaphore, #tpu.memory_space<semaphore_mem>>) src(%arg8 : memref<128xf32, #tpu.memory_space<vmem>>) dst(%dma_wait3A_161 : memref<589824xf32, #tpu.memory_space<vmem_shared>>)
      %dma_wait3A_162 = arith.constant 2 : i32
      %dma_wait3A_163 = arith.constant 2 : i32
      %dma_wait3A_164 = arith.constant 0 : i32
      %dma_wait3A_165 = tpu.memref_slice %arg7[%dma_wait3A_162, %dma_wait3A_164] : memref<4x128xf32, #tpu.memory_space<vmem>> -> memref<1x128xf32, #tpu.memory_space<vmem>>
      %dma_wait3A_166 = tpu.memref_squeeze %dma_wait3A_165 : memref<1x128xf32, #tpu.memory_space<vmem>> -> memref<128xf32, #tpu.memory_space<vmem>>
      %dma_wait3A_167 = arith.constant 0 : i32
      %dma_wait3A_168 = tpu.memref_slice %arg6[%dma_wait3A_163, %dma_wait3A_167] : memref<4x128xi32, #tpu.memory_space<vmem>> -> memref<1x128xi32, #tpu.memory_space<vmem>>
      %dma_wait3A_169 = tpu.memref_squeeze %dma_wait3A_168 : memref<1x128xi32, #tpu.memory_space<vmem>> -> memref<128xi32, #tpu.memory_space<vmem>>
      %dma_wait3A_170 = arith.constant 0 : i32
      %dma_wait3A_171 = tpu.memref_slice %arg11[%dma_wait3A_170] : memref<589824xf32, #tpu.memory_space<vmem_shared>> -> memref<589824xf32, #tpu.memory_space<vmem_shared>>
      tpu.wait_indirect_dma semaphore(%arg12 : memref<!tpu.dma_semaphore, #tpu.memory_space<semaphore_mem>>) src(%dma_wait3A_166 : memref<128xf32, #tpu.memory_space<vmem>>) dst(%dma_wait3A_171 : memref<589824xf32, #tpu.memory_space<vmem_shared>>)
      %dma_wait3A_172 = arith.constant 3 : i32
      %dma_wait3A_173 = arith.constant 0 : i32
      %dma_wait3A_174 = tpu.memref_slice %arg6[%dma_wait3A_172, %dma_wait3A_173] : memref<4x128xi32, #tpu.memory_space<vmem>> -> memref<1x128xi32, #tpu.memory_space<vmem>>
      %dma_wait3A_175 = tpu.memref_squeeze %dma_wait3A_174 : memref<1x128xi32, #tpu.memory_space<vmem>> -> memref<128xi32, #tpu.memory_space<vmem>>
      %dma_wait3A_176 = arith.constant 0 : i32
      %dma_wait3A_177 = tpu.memref_slice %arg10[%dma_wait3A_176] : memref<589824xf32, #tpu.memory_space<vmem_shared>> -> memref<589824xf32, #tpu.memory_space<vmem_shared>>
      tpu.wait_indirect_dma semaphore(%arg12 : memref<!tpu.dma_semaphore, #tpu.memory_space<semaphore_mem>>) src(%arg8 : memref<128xf32, #tpu.memory_space<vmem>>) dst(%dma_wait3A_177 : memref<589824xf32, #tpu.memory_space<vmem_shared>>)
      %dma_wait3A_178 = arith.constant 3 : i32
      %dma_wait3A_179 = arith.constant 3 : i32
      %dma_wait3A_180 = arith.constant 0 : i32
      %dma_wait3A_181 = tpu.memref_slice %arg7[%dma_wait3A_178, %dma_wait3A_180] : memref<4x128xf32, #tpu.memory_space<vmem>> -> memref<1x128xf32, #tpu.memory_space<vmem>>
      %dma_wait3A_182 = tpu.memref_squeeze %dma_wait3A_181 : memref<1x128xf32, #tpu.memory_space<vmem>> -> memref<128xf32, #tpu.memory_space<vmem>>
      %dma_wait3A_183 = arith.constant 0 : i32
      %dma_wait3A_184 = tpu.memref_slice %arg6[%dma_wait3A_179, %dma_wait3A_183] : memref<4x128xi32, #tpu.memory_space<vmem>> -> memref<1x128xi32, #tpu.memory_space<vmem>>
      %dma_wait3A_185 = tpu.memref_squeeze %dma_wait3A_184 : memref<1x128xi32, #tpu.memory_space<vmem>> -> memref<128xi32, #tpu.memory_space<vmem>>
      %dma_wait3A_186 = arith.constant 0 : i32
      %dma_wait3A_187 = tpu.memref_slice %arg11[%dma_wait3A_186] : memref<589824xf32, #tpu.memory_space<vmem_shared>> -> memref<589824xf32, #tpu.memory_space<vmem_shared>>
      tpu.wait_indirect_dma semaphore(%arg12 : memref<!tpu.dma_semaphore, #tpu.memory_space<semaphore_mem>>) src(%dma_wait3A_182 : memref<128xf32, #tpu.memory_space<vmem>>) dst(%dma_wait3A_187 : memref<589824xf32, #tpu.memory_space<vmem_shared>>)
      "tpu.trace_stop"() : () -> ()
      %barrier3A_188 = arith.constant 0 : index
      tpu.barrier barrier_id(%barrier3A_188)
      "tpu.trace_start"() <{level = 10 : i32, message = "adj_drain"}> : () -> ()
      %scan3A_189 = arith.constant 0 : i32
      %scan3A_190 = arith.constant 48 : i32
      %scan3A_191 = arith.addi %scan3A_189, %scan3A_190 : i32
      %scan3A_192 = arith.constant 1 : i32
      scf.for %scan3A_204 = %scan3A_189 to %scan3A_191 step %scan3A_192  : i32 {
        %mul3A_205 = arith.constant 48 : i32
        %mul3A_206 = arith.muli %arg1, %mul3A_205 : i32
        %add3A_207 = arith.addi %mul3A_206, %scan3A_204 : i32
        %mul3A_208 = arith.constant 768 : i32
        %mul3A_209 = arith.muli %add3A_207, %mul3A_208 : i32
        %dma_start3A_210 = arith.constant 0 : i32
        %dma_start3A_211 = tpu.memref_slice %arg4[%add3A, %add3A_207, %dma_start3A_210] : memref<16x768x768xf32, #tpu.memory_space<hbm>> -> memref<1x1x768xf32, #tpu.memory_space<hbm>>
        %dma_start3A_212 = tpu.memref_squeeze %dma_start3A_211 : memref<1x1x768xf32, #tpu.memory_space<hbm>> -> memref<768xf32, #tpu.memory_space<hbm>>
        %dma_start3A_213 = tpu.memref_slice %arg10[%mul3A_209] : memref<589824xf32, #tpu.memory_space<vmem_shared>> -> memref<768xf32, #tpu.memory_space<vmem_shared>>
        tpu.enqueue_dma source(%dma_start3A_213 : memref<768xf32, #tpu.memory_space<vmem_shared>>) target(%dma_start3A_212 : memref<768xf32, #tpu.memory_space<hbm>>) target_semaphore(%arg13 : memref<!tpu.dma_semaphore, #tpu.memory_space<semaphore_mem>>)
        %mul3A_214 = arith.constant 768 : i32
        %mul3A_215 = arith.muli %add3A_207, %mul3A_214 : i32
        %dma_start3A_216 = arith.constant 0 : i32
        %dma_start3A_217 = tpu.memref_slice %arg5[%add3A, %add3A_207, %dma_start3A_216] : memref<16x768x768xf32, #tpu.memory_space<hbm>> -> memref<1x1x768xf32, #tpu.memory_space<hbm>>
        %dma_start3A_218 = tpu.memref_squeeze %dma_start3A_217 : memref<1x1x768xf32, #tpu.memory_space<hbm>> -> memref<768xf32, #tpu.memory_space<hbm>>
        %dma_start3A_219 = tpu.memref_slice %arg11[%mul3A_215] : memref<589824xf32, #tpu.memory_space<vmem_shared>> -> memref<768xf32, #tpu.memory_space<vmem_shared>>
        tpu.enqueue_dma source(%dma_start3A_219 : memref<768xf32, #tpu.memory_space<vmem_shared>>) target(%dma_start3A_218 : memref<768xf32, #tpu.memory_space<hbm>>) target_semaphore(%arg13 : memref<!tpu.dma_semaphore, #tpu.memory_space<semaphore_mem>>)
      }
      %scan3A_193 = arith.constant 48 : i32
      %scan3A_194 = arith.constant 0 : i32
      %scan3A_195 = arith.constant 48 : i32
      %scan3A_196 = arith.addi %scan3A_194, %scan3A_195 : i32
      %scan3A_197 = arith.constant 1 : i32
      scf.for %scan3A_204 = %scan3A_194 to %scan3A_196 step %scan3A_197  : i32 {
        %dma_wait3A_205 = arith.constant 0 : i32
        %dma_wait3A_206 = arith.constant 0 : i32
        %dma_wait3A_207 = tpu.memref_slice %arg4[%add3A, %dma_wait3A_205, %dma_wait3A_206] : memref<16x768x768xf32, #tpu.memory_space<hbm>> -> memref<1x1x768xf32, #tpu.memory_space<hbm>>
        %dma_wait3A_208 = tpu.memref_squeeze %dma_wait3A_207 : memref<1x1x768xf32, #tpu.memory_space<hbm>> -> memref<768xf32, #tpu.memory_space<hbm>>
        %dma_wait3A_209 = arith.constant 0 : i32
        %dma_wait3A_210 = tpu.memref_slice %arg10[%dma_wait3A_209] : memref<589824xf32, #tpu.memory_space<vmem_shared>> -> memref<768xf32, #tpu.memory_space<vmem_shared>>
        tpu.wait_dma2 semaphore(%arg13 : memref<!tpu.dma_semaphore, #tpu.memory_space<semaphore_mem>>) src(%dma_wait3A_210 : memref<768xf32, #tpu.memory_space<vmem_shared>>) dst(%dma_wait3A_208 : memref<768xf32, #tpu.memory_space<hbm>>)
        %dma_wait3A_211 = arith.constant 0 : i32
        %dma_wait3A_212 = arith.constant 0 : i32
        %dma_wait3A_213 = tpu.memref_slice %arg5[%add3A, %dma_wait3A_211, %dma_wait3A_212] : memref<16x768x768xf32, #tpu.memory_space<hbm>> -> memref<1x1x768xf32, #tpu.memory_space<hbm>>
        %dma_wait3A_214 = tpu.memref_squeeze %dma_wait3A_213 : memref<1x1x768xf32, #tpu.memory_space<hbm>> -> memref<768xf32, #tpu.memory_space<hbm>>
        %dma_wait3A_215 = arith.constant 0 : i32
        %dma_wait3A_216 = tpu.memref_slice %arg11[%dma_wait3A_215] : memref<589824xf32, #tpu.memory_space<vmem_shared>> -> memref<768xf32, #tpu.memory_space<vmem_shared>>
        tpu.wait_dma2 semaphore(%arg13 : memref<!tpu.dma_semaphore, #tpu.memory_space<semaphore_mem>>) src(%dma_wait3A_216 : memref<768xf32, #tpu.memory_space<vmem_shared>>) dst(%dma_wait3A_214 : memref<768xf32, #tpu.memory_space<hbm>>)
      }
      %scan3A_198 = arith.constant 48 : i32
      "tpu.trace_stop"() : () -> ()
      %add3A_199 = arith.constant 1 : i32
      %add3A_200 = arith.addi %scan3A_57, %add3A_199 : i32
      %lt3A = arith.constant 8 : i32
      %lt3A_201 = arith.cmpi slt, %add3A_200, %lt3A : i32
      %convert_element_type3A = arith.extui %lt3A_201 : i1 to i32
      %cond3A = arith.constant 0 : i32
      %cond3A_202 = arith.cmpi ne, %convert_element_type3A, %cond3A : i32
      scf.if %cond3A_202 {
        "tpu.trace_start"() <{level = 10 : i32, message = "adj_refill"}> : () -> ()
        %add3A_204 = arith.constant 1 : i32
        %add3A_205 = arith.addi %add3A, %add3A_204 : i32
        %dma_start3A_206 = arith.constant 0 : i32
        %dma_start3A_207 = arith.constant 0 : i32
        %dma_start3A_208 = tpu.memref_slice %arg2[%add3A_205, %arg1, %dma_start3A_206, %dma_start3A_207] : memref<16x16x4x128xi32, #tpu.memory_space<hbm>> -> memref<1x1x4x128xi32, #tpu.memory_space<hbm>>
        %dma_start3A_209 = tpu.memref_squeeze %dma_start3A_208 : memref<1x1x4x128xi32, #tpu.memory_space<hbm>> -> memref<4x128xi32, #tpu.memory_space<hbm>>
        %dma_start3A_210 = arith.constant 0 : i32
        %dma_start3A_211 = arith.constant 0 : i32
        %dma_start3A_212 = tpu.memref_slice %arg2[%add3A_205, %arg1, %dma_start3A_210, %dma_start3A_211] : memref<16x16x4x128xi32, #tpu.memory_space<hbm>> -> memref<1x1x4x128xi32, #tpu.memory_space<hbm>>
        %dma_start3A_213 = tpu.memref_squeeze %dma_start3A_212 : memref<1x1x4x128xi32, #tpu.memory_space<hbm>> -> memref<4x128xi32, #tpu.memory_space<hbm>>
        tpu.enqueue_dma source(%dma_start3A_213 : memref<4x128xi32, #tpu.memory_space<hbm>>) target(%arg6 : memref<4x128xi32, #tpu.memory_space<vmem>>) target_semaphore(%arg14 : memref<!tpu.dma_semaphore, #tpu.memory_space<semaphore_mem>>)
        %add3A_214 = arith.constant 1 : i32
        %add3A_215 = arith.addi %add3A, %add3A_214 : i32
        %dma_start3A_216 = arith.constant 0 : i32
        %dma_start3A_217 = arith.constant 0 : i32
        %dma_start3A_218 = tpu.memref_slice %arg3[%add3A_215, %arg1, %dma_start3A_216, %dma_start3A_217] : memref<16x16x4x128xf32, #tpu.memory_space<hbm>> -> memref<1x1x4x128xf32, #tpu.memory_space<hbm>>
        %dma_start3A_219 = tpu.memref_squeeze %dma_start3A_218 : memref<1x1x4x128xf32, #tpu.memory_space<hbm>> -> memref<4x128xf32, #tpu.memory_space<hbm>>
        %dma_start3A_220 = arith.constant 0 : i32
        %dma_start3A_221 = arith.constant 0 : i32
        %dma_start3A_222 = tpu.memref_slice %arg3[%add3A_215, %arg1, %dma_start3A_220, %dma_start3A_221] : memref<16x16x4x128xf32, #tpu.memory_space<hbm>> -> memref<1x1x4x128xf32, #tpu.memory_space<hbm>>
        %dma_start3A_223 = tpu.memref_squeeze %dma_start3A_222 : memref<1x1x4x128xf32, #tpu.memory_space<hbm>> -> memref<4x128xf32, #tpu.memory_space<hbm>>
        tpu.enqueue_dma source(%dma_start3A_223 : memref<4x128xf32, #tpu.memory_space<hbm>>) target(%arg7 : memref<4x128xf32, #tpu.memory_space<vmem>>) target_semaphore(%arg14 : memref<!tpu.dma_semaphore, #tpu.memory_space<semaphore_mem>>)
        %dma_start3A_224 = tpu.memref_slice %arg10[%mul3A_9] : memref<589824xf32, #tpu.memory_space<vmem_shared>> -> memref<36864xf32, #tpu.memory_space<vmem_shared>>
        %dma_start3A_225 = tpu.memref_slice %arg10[%mul3A_9] : memref<589824xf32, #tpu.memory_space<vmem_shared>> -> memref<36864xf32, #tpu.memory_space<vmem_shared>>
        tpu.enqueue_dma source(%arg9 : memref<36864xf32, #tpu.memory_space<vmem>>) target(%dma_start3A_225 : memref<36864xf32, #tpu.memory_space<vmem_shared>>) target_semaphore(%arg13 : memref<!tpu.dma_semaphore, #tpu.memory_space<semaphore_mem>>)
        %dma_start3A_226 = tpu.memref_slice %arg11[%mul3A_9] : memref<589824xf32, #tpu.memory_space<vmem_shared>> -> memref<36864xf32, #tpu.memory_space<vmem_shared>>
        %dma_start3A_227 = tpu.memref_slice %arg11[%mul3A_9] : memref<589824xf32, #tpu.memory_space<vmem_shared>> -> memref<36864xf32, #tpu.memory_space<vmem_shared>>
        tpu.enqueue_dma source(%arg9 : memref<36864xf32, #tpu.memory_space<vmem>>) target(%dma_start3A_227 : memref<36864xf32, #tpu.memory_space<vmem_shared>>) target_semaphore(%arg13 : memref<!tpu.dma_semaphore, #tpu.memory_space<semaphore_mem>>)
        %dma_wait3A_228 = tpu.memref_slice %arg10[%mul3A_9] : memref<589824xf32, #tpu.memory_space<vmem_shared>> -> memref<36864xf32, #tpu.memory_space<vmem_shared>>
        %dma_wait3A_229 = tpu.memref_slice %arg10[%mul3A_9] : memref<589824xf32, #tpu.memory_space<vmem_shared>> -> memref<36864xf32, #tpu.memory_space<vmem_shared>>
        tpu.wait_dma2 semaphore(%arg13 : memref<!tpu.dma_semaphore, #tpu.memory_space<semaphore_mem>>) src(%arg9 : memref<36864xf32, #tpu.memory_space<vmem>>) dst(%dma_wait3A_229 : memref<36864xf32, #tpu.memory_space<vmem_shared>>)
        %dma_wait3A_230 = tpu.memref_slice %arg11[%mul3A_9] : memref<589824xf32, #tpu.memory_space<vmem_shared>> -> memref<36864xf32, #tpu.memory_space<vmem_shared>>
        %dma_wait3A_231 = tpu.memref_slice %arg11[%mul3A_9] : memref<589824xf32, #tpu.memory_space<vmem_shared>> -> memref<36864xf32, #tpu.memory_space<vmem_shared>>
        tpu.wait_dma2 semaphore(%arg13 : memref<!tpu.dma_semaphore, #tpu.memory_space<semaphore_mem>>) src(%arg9 : memref<36864xf32, #tpu.memory_space<vmem>>) dst(%dma_wait3A_231 : memref<36864xf32, #tpu.memory_space<vmem_shared>>)
        %dma_wait3A_232 = arith.constant 0 : i32
        %dma_wait3A_233 = arith.constant 0 : i32
        %dma_wait3A_234 = tpu.memref_slice %arg2[%add3A_205, %arg1, %dma_wait3A_232, %dma_wait3A_233] : memref<16x16x4x128xi32, #tpu.memory_space<hbm>> -> memref<1x1x4x128xi32, #tpu.memory_space<hbm>>
        %dma_wait3A_235 = tpu.memref_squeeze %dma_wait3A_234 : memref<1x1x4x128xi32, #tpu.memory_space<hbm>> -> memref<4x128xi32, #tpu.memory_space<hbm>>
        %dma_wait3A_236 = arith.constant 0 : i32
        %dma_wait3A_237 = arith.constant 0 : i32
        %dma_wait3A_238 = tpu.memref_slice %arg2[%add3A_205, %arg1, %dma_wait3A_236, %dma_wait3A_237] : memref<16x16x4x128xi32, #tpu.memory_space<hbm>> -> memref<1x1x4x128xi32, #tpu.memory_space<hbm>>
        %dma_wait3A_239 = tpu.memref_squeeze %dma_wait3A_238 : memref<1x1x4x128xi32, #tpu.memory_space<hbm>> -> memref<4x128xi32, #tpu.memory_space<hbm>>
        tpu.wait_dma2 semaphore(%arg14 : memref<!tpu.dma_semaphore, #tpu.memory_space<semaphore_mem>>) src(%dma_wait3A_239 : memref<4x128xi32, #tpu.memory_space<hbm>>) dst(%arg6 : memref<4x128xi32, #tpu.memory_space<vmem>>)
        %dma_wait3A_240 = arith.constant 0 : i32
        %dma_wait3A_241 = arith.constant 0 : i32
        %dma_wait3A_242 = tpu.memref_slice %arg3[%add3A_215, %arg1, %dma_wait3A_240, %dma_wait3A_241] : memref<16x16x4x128xf32, #tpu.memory_space<hbm>> -> memref<1x1x4x128xf32, #tpu.memory_space<hbm>>
        %dma_wait3A_243 = tpu.memref_squeeze %dma_wait3A_242 : memref<1x1x4x128xf32, #tpu.memory_space<hbm>> -> memref<4x128xf32, #tpu.memory_space<hbm>>
        %dma_wait3A_244 = arith.constant 0 : i32
        %dma_wait3A_245 = arith.constant 0 : i32
        %dma_wait3A_246 = tpu.memref_slice %arg3[%add3A_215, %arg1, %dma_wait3A_244, %dma_wait3A_245] : memref<16x16x4x128xf32, #tpu.memory_space<hbm>> -> memref<1x1x4x128xf32, #tpu.memory_space<hbm>>
        %dma_wait3A_247 = tpu.memref_squeeze %dma_wait3A_246 : memref<1x1x4x128xf32, #tpu.memory_space<hbm>> -> memref<4x128xf32, #tpu.memory_space<hbm>>
        tpu.wait_dma2 semaphore(%arg14 : memref<!tpu.dma_semaphore, #tpu.memory_space<semaphore_mem>>) src(%dma_wait3A_247 : memref<4x128xf32, #tpu.memory_space<hbm>>) dst(%arg7 : memref<4x128xf32, #tpu.memory_space<vmem>>)
        "tpu.trace_stop"() : () -> ()
      } else {
      }
      %barrier3A_203 = arith.constant 0 : index
      tpu.barrier barrier_id(%barrier3A_203)
    }
    %scan3A_56 = arith.constant 8 : i32
    return
  }
}

module attributes {stable_mosaic.version = 14 : i64} {
  func.func @body(%arg0: i32, %arg1: memref<5104x304xf32, #tpu.memory_space<vmem>>, %arg2: memref<408x112xf32, #tpu.memory_space<vmem>>, %arg3: memref<304x128xf32, #tpu.memory_space<vmem>>, %arg4: memref<112x128xf32, #tpu.memory_space<vmem>>, %arg5: memref<1x5104x128xf32, #tpu.memory_space<vmem>>, %arg6: memref<1x408x128xf32, #tpu.memory_space<vmem>>) attributes {dimension_semantics = [#tpu.dimension_semantics<arbitrary>], iteration_bounds = array<i64: 32>, scalar_prefetch = 0 : i64, scratch_operands = 0 : i64, tpu.core_type = #tpu.core_type<tc>, window_params = [{pipeline_mode = #tpu.pipeline_mode<synchronous>, transform_indices = @transform_0, window_bounds = array<i64: 5104, 304>}, {pipeline_mode = #tpu.pipeline_mode<synchronous>, transform_indices = @transform_1, window_bounds = array<i64: 408, 112>}, {pipeline_mode = #tpu.pipeline_mode<synchronous>, transform_indices = @transform_2, window_bounds = array<i64: 304, 128>}, {pipeline_mode = #tpu.pipeline_mode<synchronous>, transform_indices = @transform_3, window_bounds = array<i64: 112, 128>}, {transform_indices = @transform_4, window_bounds = array<i64: 1, 5104, 128>}, {transform_indices = @transform_5, window_bounds = array<i64: 1, 408, 128>}]} {
    %get3A = arith.constant 0 : index
    %get3A_0 = arith.constant 0 : index
    %get3A_1 = vector.load %arg1[%get3A, %get3A_0] : memref<5104x304xf32, #tpu.memory_space<vmem>>, vector<5104x304xf32>
    %get3A_2 = arith.constant 0 : index
    %get3A_3 = arith.constant 0 : index
    %get3A_4 = vector.load %arg3[%get3A_2, %get3A_3] : memref<304x128xf32, #tpu.memory_space<vmem>>, vector<304x128xf32>
    %dot_general3A = arith.constant dense<0.000000e+00> : vector<5104x128xf32>
    %dot_general3A_5 = tpu.matmul %get3A_1, %get3A_4, %dot_general3A {dimension_numbers = #tpu.dot_dimension_numbers<[1], [0], [0], [1], [0, 0, 1, 1], [], []>, transpose_lhs_hint = false} : vector<5104x304xf32>, vector<304x128xf32>, vector<5104x128xf32> -> vector<5104x128xf32>
    %swap3A = arith.constant 0 : index
    %swap3A_6 = arith.constant 0 : index
    %swap3A_7 = arith.constant 0 : index
    %swap3A_8 = vector.load %arg5[%swap3A, %swap3A_6, %swap3A_7] : memref<1x5104x128xf32, #tpu.memory_space<vmem>>, vector<1x5104x128xf32>
    %swap3A_9 = vector.shape_cast %swap3A_8 : vector<1x5104x128xf32> to vector<5104x128xf32>
    %swap3A_10 = vector.shape_cast %dot_general3A_5 : vector<5104x128xf32> to vector<1x5104x128xf32>
    tpu.vector_store %arg5[%swap3A, %swap3A_6, %swap3A_7], %swap3A_10 {strides = array<i32>} : memref<1x5104x128xf32, #tpu.memory_space<vmem>>, vector<1x5104x128xf32>,
    %get3A_11 = arith.constant 0 : index
    %get3A_12 = arith.constant 0 : index
    %get3A_13 = vector.load %arg2[%get3A_11, %get3A_12] : memref<408x112xf32, #tpu.memory_space<vmem>>, vector<408x112xf32>
    %get3A_14 = arith.constant 0 : index
    %get3A_15 = arith.constant 0 : index
    %get3A_16 = vector.load %arg4[%get3A_14, %get3A_15] : memref<112x128xf32, #tpu.memory_space<vmem>>, vector<112x128xf32>
    %dot_general3A_17 = arith.constant dense<0.000000e+00> : vector<408x128xf32>
    %dot_general3A_18 = tpu.matmul %get3A_13, %get3A_16, %dot_general3A_17 {dimension_numbers = #tpu.dot_dimension_numbers<[1], [0], [0], [1], [0, 0, 1, 1], [], []>, transpose_lhs_hint = false} : vector<408x112xf32>, vector<112x128xf32>, vector<408x128xf32> -> vector<408x128xf32>
    %swap3A_19 = arith.constant 0 : index
    %swap3A_20 = arith.constant 0 : index
    %swap3A_21 = arith.constant 0 : index
    %swap3A_22 = vector.load %arg6[%swap3A_19, %swap3A_20, %swap3A_21] : memref<1x408x128xf32, #tpu.memory_space<vmem>>, vector<1x408x128xf32>
    %swap3A_23 = vector.shape_cast %swap3A_22 : vector<1x408x128xf32> to vector<408x128xf32>
    %swap3A_24 = vector.shape_cast %dot_general3A_18 : vector<408x128xf32> to vector<1x408x128xf32>
    tpu.vector_store %arg6[%swap3A_19, %swap3A_20, %swap3A_21], %swap3A_24 {strides = array<i32>} : memref<1x408x128xf32, #tpu.memory_space<vmem>>, vector<1x408x128xf32>,
    return
  }
  func.func @transform_0(%arg0: i32) -> (i32, i32) {
    %c0_i32 = arith.constant 0 : i32
    %c0_i32_0 = arith.constant 0 : i32
    %c0_i32_1 = arith.constant 0 : i32
    return %c0_i32, %c0_i32_0 : i32, i32
  }
  func.func @transform_1(%arg0: i32) -> (i32, i32) {
    %c0_i32 = arith.constant 0 : i32
    %c0_i32_0 = arith.constant 0 : i32
    %c0_i32_1 = arith.constant 0 : i32
    return %c0_i32, %c0_i32_0 : i32, i32
  }
  func.func @transform_2(%arg0: i32) -> (i32, i32) {
    %c0_i32 = arith.constant 0 : i32
    %c0_i32_0 = arith.constant 0 : i32
    %c0_i32_1 = arith.constant 0 : i32
    return %c0_i32, %c0_i32_0 : i32, i32
  }
  func.func @transform_3(%arg0: i32) -> (i32, i32) {
    %c0_i32 = arith.constant 0 : i32
    %c0_i32_0 = arith.constant 0 : i32
    %c0_i32_1 = arith.constant 0 : i32
    return %c0_i32, %c0_i32_0 : i32, i32
  }
  func.func @transform_4(%arg0: i32) -> (i32, i32, i32) {
    %c0_i32 = arith.constant 0 : i32
    %c0_i32_0 = arith.constant 0 : i32
    %c0_i32_1 = arith.constant 0 : i32
    return %arg0, %c0_i32, %c0_i32_0 : i32, i32, i32
  }
  func.func @transform_5(%arg0: i32) -> (i32, i32, i32) {
    %c0_i32 = arith.constant 0 : i32
    %c0_i32_0 = arith.constant 0 : i32
    %c0_i32_1 = arith.constant 0 : i32
    return %arg0, %c0_i32, %c0_i32_0 : i32, i32, i32
  }
}

module attributes {stable_mosaic.version = 14 : i64} {
  func.func @body(%arg0: i32, %arg1: memref<1x768x128xf32, #tpu.memory_space<vmem>>, %arg2: memref<1x768x8xf32, #tpu.memory_space<vmem>>, %arg3: memref<1x768x768xf32, #tpu.memory_space<vmem>>, %arg4: memref<1x768x768xf32, #tpu.memory_space<vmem>>, %arg5: memref<8x128xf32, #tpu.memory_space<vmem>>, %arg6: memref<1x128xf32, #tpu.memory_space<vmem>>, %arg7: memref<3x128x136xf32, #tpu.memory_space<vmem>>, %arg8: memref<8x128xf32, #tpu.memory_space<vmem>>, %arg9: memref<128x8xf32, #tpu.memory_space<vmem>>, %arg10: memref<1x8xf32, #tpu.memory_space<vmem>>, %arg11: memref<1x1x768xf32, #tpu.memory_space<vmem>>) attributes {dimension_semantics = [#tpu.dimension_semantics<arbitrary>], iteration_bounds = array<i64: 16>, scalar_prefetch = 0 : i64, scratch_operands = 0 : i64, tpu.core_type = #tpu.core_type<tc>, window_params = [{transform_indices = @transform_0, window_bounds = array<i64: 1, 768, 128>}, {transform_indices = @transform_1, window_bounds = array<i64: 1, 768, 8>}, {transform_indices = @transform_2, window_bounds = array<i64: 1, 768, 768>}, {transform_indices = @transform_3, window_bounds = array<i64: 1, 768, 768>}, {pipeline_mode = #tpu.pipeline_mode<synchronous>, transform_indices = @transform_4, window_bounds = array<i64: 8, 128>}, {pipeline_mode = #tpu.pipeline_mode<synchronous>, transform_indices = @transform_5, window_bounds = array<i64: 1, 128>}, {pipeline_mode = #tpu.pipeline_mode<synchronous>, transform_indices = @transform_6, window_bounds = array<i64: 3, 128, 136>}, {pipeline_mode = #tpu.pipeline_mode<synchronous>, transform_indices = @transform_7, window_bounds = array<i64: 8, 128>}, {pipeline_mode = #tpu.pipeline_mode<synchronous>, transform_indices = @transform_8, window_bounds = array<i64: 128, 8>}, {pipeline_mode = #tpu.pipeline_mode<synchronous>, transform_indices = @transform_9, window_bounds = array<i64: 1, 8>}, {transform_indices = @transform_10, window_bounds = array<i64: 1, 1, 768>}]} {
    %get3A = arith.constant 0 : index
    %get3A_0 = arith.constant 0 : index
    %get3A_1 = arith.constant 0 : index
    %get3A_2 = vector.load %arg3[%get3A, %get3A_0, %get3A_1] : memref<1x768x768xf32, #tpu.memory_space<vmem>>, vector<1x768x768xf32>
    %get3A_3 = vector.shape_cast %get3A_2 : vector<1x768x768xf32> to vector<768x768xf32>
    %get3A_4 = arith.constant 0 : index
    %get3A_5 = arith.constant 0 : index
    %get3A_6 = arith.constant 0 : index
    %get3A_7 = vector.load %arg4[%get3A_4, %get3A_5, %get3A_6] : memref<1x768x768xf32, #tpu.memory_space<vmem>>, vector<1x768x768xf32>
    %get3A_8 = vector.shape_cast %get3A_7 : vector<1x768x768xf32> to vector<768x768xf32>
    %get3A_9 = arith.constant 0 : index
    %get3A_10 = arith.constant 0 : index
    %get3A_11 = arith.constant 0 : index
    %get3A_12 = vector.load %arg1[%get3A_9, %get3A_10, %get3A_11] : memref<1x768x128xf32, #tpu.memory_space<vmem>>, vector<1x768x128xf32>
    %get3A_13 = vector.shape_cast %get3A_12 : vector<1x768x128xf32> to vector<768x128xf32>
    %get3A_14 = arith.constant 0 : index
    %get3A_15 = arith.constant 0 : index
    %get3A_16 = arith.constant 0 : index
    %get3A_17 = vector.load %arg2[%get3A_14, %get3A_15, %get3A_16] : memref<1x768x8xf32, #tpu.memory_space<vmem>>, vector<1x768x8xf32>
    %get3A_18 = vector.shape_cast %get3A_17 : vector<1x768x8xf32> to vector<768x8xf32>
    %get3A_19 = arith.constant 0 : index
    %get3A_20 = arith.constant 0 : index
    %get3A_21 = vector.load %arg5[%get3A_19, %get3A_20] : memref<8x128xf32, #tpu.memory_space<vmem>>, vector<8x128xf32>
    %dot_general3A = arith.constant dense<0.000000e+00> : vector<768x128xf32>
    %dot_general3A_22 = tpu.matmul %get3A_18, %get3A_21, %dot_general3A {dimension_numbers = #tpu.dot_dimension_numbers<[1], [0], [0], [1], [0, 0, 1, 1], [], []>, transpose_lhs_hint = false} : vector<768x8xf32>, vector<8x128xf32>, vector<768x128xf32> -> vector<768x128xf32>
    %add3A = arith.addf %get3A_13, %dot_general3A_22 : vector<768x128xf32>
    %reduce_sum3A = arith.constant dense<0.000000e+00> : vector<768xf32>
    %reduce_sum3A_23 = vector.multi_reduction <add>, %get3A_8, %reduce_sum3A [1] : vector<768x768xf32> to vector<768xf32>
    %broadcast_in_dim3A = vector.shape_cast %reduce_sum3A_23 : vector<768xf32> to vector<768x1xf32>
    %add3A_24 = arith.constant 1.000000e+00 : f32
    %add3A_25 = vector.broadcast %add3A_24 : f32 to vector<768x1xf32>
    %add3A_26 = arith.addf %broadcast_in_dim3A, %add3A_25 : vector<768x1xf32>
    %sqrt3A = math.sqrt %add3A_26 : vector<768x1xf32>
    %div3A = arith.constant 1.000000e+00 : f32
    %div3A_27 = vector.broadcast %div3A : f32 to vector<768x1xf32>
    %div3A_28 = arith.divf %div3A_27, %sqrt3A : vector<768x1xf32>
    %mul3A = arith.mulf %div3A_28, %div3A_28 : vector<768x1xf32>
    %mul3A_29 = vector.broadcast %div3A_28 : vector<768x1xf32> to vector<768x128xf32>
    %mul3A_30 = arith.mulf %add3A, %mul3A_29 : vector<768x128xf32>
    %dot_general3A_31 = arith.constant dense<0.000000e+00> : vector<768x128xf32>
    %dot_general3A_32 = tpu.matmul %get3A_8, %mul3A_30, %dot_general3A_31 {dimension_numbers = #tpu.dot_dimension_numbers<[1], [0], [0], [1], [0, 0, 1, 1], [], []>, transpose_lhs_hint = false} : vector<768x768xf32>, vector<768x128xf32>, vector<768x128xf32> -> vector<768x128xf32>
    %mul3A_33 = vector.broadcast %div3A_28 : vector<768x1xf32> to vector<768x128xf32>
    %mul3A_34 = arith.mulf %mul3A_33, %dot_general3A_32 : vector<768x128xf32>
    %mul3A_35 = vector.broadcast %mul3A : vector<768x1xf32> to vector<768x128xf32>
    %mul3A_36 = arith.mulf %mul3A_35, %add3A : vector<768x128xf32>
    %add3A_37 = arith.addf %mul3A_34, %mul3A_36 : vector<768x128xf32>
    %get3A_38 = arith.constant 0 : index
    %get3A_39 = arith.constant 0 : index
    %get3A_40 = vector.load %arg6[%get3A_38, %get3A_39] : memref<1x128xf32, #tpu.memory_space<vmem>>, vector<1x128xf32>
    %get3A_41 = vector.shape_cast %get3A_40 : vector<1x128xf32> to vector<128xf32>
    %broadcast_in_dim3A_42 = vector.shape_cast %get3A_41 : vector<128xf32> to vector<1x128xf32>
    %add3A_43 = vector.broadcast %broadcast_in_dim3A_42 : vector<1x128xf32> to vector<768x128xf32>
    %add3A_44 = arith.addf %add3A_37, %add3A_43 : vector<768x128xf32>
    %ge3A = arith.constant 0.000000e+00 : f32
    %ge3A_45 = vector.broadcast %ge3A : f32 to vector<768x128xf32>
    %ge3A_46 = arith.cmpf oge, %add3A_44, %ge3A_45 : vector<768x128xf32>
    %mul3A_47 = arith.constant 0.00999999977 : f32
    %mul3A_48 = vector.broadcast %mul3A_47 : f32 to vector<768x128xf32>
    %mul3A_49 = arith.mulf %mul3A_48, %add3A_44 : vector<768x128xf32>
    %select_n3A = arith.select %ge3A_46, %add3A_44, %mul3A_49 : vector<768x128xi1>, vector<768x128xf32>
    %iota3A = tpu.iota {dimensions = array<i32: 0>} : vector<768x768xi32>
    %iota3A_50 = tpu.iota {dimensions = array<i32: 1>} : vector<768x768xi32>
    %eq3A = arith.cmpi eq, %iota3A, %iota3A_50 : vector<768x768xi32>
    %jit3A = arith.constant 1.000000e+00 : f32
    %jit3A_51 = arith.constant 0.000000e+00 : f32
    %broadcast_in_dim3A_52 = vector.broadcast %jit3A : f32 to vector<768x768xf32>
    %broadcast_in_dim3A_53 = vector.broadcast %jit3A_51 : f32 to vector<768x768xf32>
    %select_n3A_54 = arith.select %eq3A, %broadcast_in_dim3A_52, %broadcast_in_dim3A_53 : vector<768x768xi1>, vector<768x768xf32>
    %add3A_55 = arith.addf %get3A_3, %select_n3A_54 : vector<768x768xf32>
    %iota3A_56 = tpu.iota {dimensions = array<i32: 1>} : vector<768x136xi32>
    %get3A_57 = arith.constant 0 : index
    %get3A_58 = arith.constant 0 : index
    %get3A_59 = arith.constant 0 : index
    %get3A_60 = vector.load %arg7[%get3A_57, %get3A_58, %get3A_59] : memref<3x128x136xf32, #tpu.memory_space<vmem>>, vector<1x128x136xf32>
    %get3A_61 = vector.shape_cast %get3A_60 : vector<1x128x136xf32> to vector<128x136xf32>
    %dot_general3A_62 = arith.constant dense<0.000000e+00> : vector<768x136xf32>
    %dot_general3A_63 = tpu.matmul %select_n3A, %get3A_61, %dot_general3A_62 {dimension_numbers = #tpu.dot_dimension_numbers<[1], [0], [0], [1], [0, 0, 1, 1], [], []>, transpose_lhs_hint = false} : vector<768x128xf32>, vector<128x136xf32>, vector<768x136xf32> -> vector<768x136xf32>
    %slice3A = vector.extract_strided_slice %dot_general3A_63 {offsets = [0, 128], sizes = [768, 1], strides = [1, 1]} : vector<768x136xf32> to vector<768x1xf32>
    %squeeze3A = vector.shape_cast %slice3A : vector<768x1xf32> to vector<768xf32>
    %slice3A_64 = vector.extract_strided_slice %dot_general3A_63 {offsets = [0, 129], sizes = [768, 1], strides = [1, 1]} : vector<768x136xf32> to vector<768x1xf32>
    %squeeze3A_65 = vector.shape_cast %slice3A_64 : vector<768x1xf32> to vector<768xf32>
    %broadcast_in_dim3A_66 = vector.shape_cast %squeeze3A_65 : vector<768xf32> to vector<768x1xf32>
    %broadcast_in_dim3A_67 = vector.shape_cast %squeeze3A : vector<768xf32> to vector<1x768xf32>
    %add3A_68 = vector.broadcast %broadcast_in_dim3A_66 : vector<768x1xf32> to vector<768x768xf32>
    %add3A_69 = vector.broadcast %broadcast_in_dim3A_67 : vector<1x768xf32> to vector<768x768xf32>
    %add3A_70 = arith.addf %add3A_68, %add3A_69 : vector<768x768xf32>
    %mul3A_71 = arith.constant 2.000000e-01 : f32
    %mul3A_72 = vector.broadcast %mul3A_71 : f32 to vector<768x768xf32>
    %mul3A_73 = arith.mulf %mul3A_72, %add3A_70 : vector<768x768xf32>
    %max3A = arith.maximumf %add3A_70, %mul3A_73 : vector<768x768xf32>
    %reduce_max3A = vector.shape_cast %squeeze3A : vector<768xf32> to vector<1x768xf32>
    %reduce_max3A_74 = arith.constant dense<0xFF800000> : vector<1xf32>
    %reduce_max3A_75 = vector.multi_reduction <maximumf>, %reduce_max3A, %reduce_max3A_74 [1] : vector<1x768xf32> to vector<1xf32>
    %reduce_max3A_76 = vector.shape_cast %reduce_max3A_75 : vector<1xf32> to vector<1x1xf32>
    %reduce_max3A_77 = vector.extract %reduce_max3A_76[0, 0] : f32 from vector<1x1xf32>
    %add3A_78 = vector.broadcast %reduce_max3A_77 : f32 to vector<768xf32>
    %add3A_79 = arith.addf %squeeze3A_65, %add3A_78 : vector<768xf32>
    %mul3A_80 = arith.constant 2.000000e-01 : f32
    %mul3A_81 = vector.broadcast %mul3A_80 : f32 to vector<768xf32>
    %mul3A_82 = arith.mulf %mul3A_81, %add3A_79 : vector<768xf32>
    %max3A_83 = arith.maximumf %add3A_79, %mul3A_82 : vector<768xf32>
    %broadcast_in_dim3A_84 = vector.shape_cast %max3A_83 : vector<768xf32> to vector<768x1xf32>
    %sub3A = vector.broadcast %broadcast_in_dim3A_84 : vector<768x1xf32> to vector<768x768xf32>
    %sub3A_85 = arith.subf %max3A, %sub3A : vector<768x768xf32>
    %exp3A = math.exp %sub3A_85 : vector<768x768xf32>
    %mul3A_86 = arith.mulf %add3A_55, %exp3A : vector<768x768xf32>
    %eq3A_87 = arith.constant 130 : i32
    %eq3A_88 = vector.broadcast %eq3A_87 : i32 to vector<768x136xi32>
    %eq3A_89 = arith.cmpi eq, %iota3A_56, %eq3A_88 : vector<768x136xi32>
    %jit3A_90 = arith.constant 1.000000e+00 : f32
    %broadcast_in_dim3A_91 = vector.broadcast %jit3A_90 : f32 to vector<768x136xf32>
    %select_n3A_92 = arith.select %eq3A_89, %broadcast_in_dim3A_91, %dot_general3A_63 : vector<768x136xi1>, vector<768x136xf32>
    %dot_general3A_93 = arith.constant dense<0.000000e+00> : vector<768x136xf32>
    %dot_general3A_94 = tpu.matmul %mul3A_86, %select_n3A_92, %dot_general3A_93 {dimension_numbers = #tpu.dot_dimension_numbers<[1], [0], [0], [1], [0, 0, 1, 1], [], []>, transpose_lhs_hint = false} : vector<768x768xf32>, vector<768x136xf32>, vector<768x136xf32> -> vector<768x136xf32>
    %slice3A_95 = vector.extract_strided_slice %dot_general3A_94 {offsets = [0, 130], sizes = [768, 1], strides = [1, 1]} : vector<768x136xf32> to vector<768x1xf32>
    %slice3A_96 = vector.extract_strided_slice %dot_general3A_94 {offsets = [0, 0], sizes = [768, 128], strides = [1, 1]} : vector<768x136xf32> to vector<768x128xf32>
    %div3A_97 = vector.broadcast %slice3A_95 : vector<768x1xf32> to vector<768x128xf32>
    %div3A_98 = arith.divf %slice3A_96, %div3A_97 : vector<768x128xf32>
    %get3A_99 = arith.constant 0 : index
    %get3A_100 = arith.constant 0 : index
    %get3A_101 = vector.load %arg8[%get3A_99, %get3A_100] : memref<8x128xf32, #tpu.memory_space<vmem>>, vector<1x128xf32>
    %get3A_102 = vector.shape_cast %get3A_101 : vector<1x128xf32> to vector<128xf32>
    %broadcast_in_dim3A_103 = vector.shape_cast %get3A_102 : vector<128xf32> to vector<1x128xf32>
    %add3A_104 = vector.broadcast %broadcast_in_dim3A_103 : vector<1x128xf32> to vector<768x128xf32>
    %add3A_105 = arith.addf %div3A_98, %add3A_104 : vector<768x128xf32>
    %ge3A_106 = arith.constant 0.000000e+00 : f32
    %ge3A_107 = vector.broadcast %ge3A_106 : f32 to vector<768x128xf32>
    %ge3A_108 = arith.cmpf oge, %add3A_105, %ge3A_107 : vector<768x128xf32>
    %mul3A_109 = arith.constant 0.00999999977 : f32
    %mul3A_110 = vector.broadcast %mul3A_109 : f32 to vector<768x128xf32>
    %mul3A_111 = arith.mulf %mul3A_110, %add3A_105 : vector<768x128xf32>
    %select_n3A_112 = arith.select %ge3A_108, %add3A_105, %mul3A_111 : vector<768x128xi1>, vector<768x128xf32>
    %add3A_113 = arith.addf %select_n3A_112, %add3A_105 : vector<768x128xf32>
    %get3A_114 = arith.constant 0 : index
    %get3A_115 = arith.constant 0 : index
    %get3A_116 = arith.constant 0 : index
    %get3A_117 = vector.load %arg7[%get3A_114, %get3A_115, %get3A_116] : memref<3x128x136xf32, #tpu.memory_space<vmem>>, vector<1x128x136xf32>
    %get3A_118 = vector.shape_cast %get3A_117 : vector<1x128x136xf32> to vector<128x136xf32>
    %dot_general3A_119 = arith.constant dense<0.000000e+00> : vector<768x136xf32>
    %dot_general3A_120 = tpu.matmul %add3A_113, %get3A_118, %dot_general3A_119 {dimension_numbers = #tpu.dot_dimension_numbers<[1], [0], [0], [1], [0, 0, 1, 1], [], []>, transpose_lhs_hint = false} : vector<768x128xf32>, vector<128x136xf32>, vector<768x136xf32> -> vector<768x136xf32>
    %slice3A_121 = vector.extract_strided_slice %dot_general3A_120 {offsets = [0, 128], sizes = [768, 1], strides = [1, 1]} : vector<768x136xf32> to vector<768x1xf32>
    %squeeze3A_122 = vector.shape_cast %slice3A_121 : vector<768x1xf32> to vector<768xf32>
    %slice3A_123 = vector.extract_strided_slice %dot_general3A_120 {offsets = [0, 129], sizes = [768, 1], strides = [1, 1]} : vector<768x136xf32> to vector<768x1xf32>
    %squeeze3A_124 = vector.shape_cast %slice3A_123 : vector<768x1xf32> to vector<768xf32>
    %broadcast_in_dim3A_125 = vector.shape_cast %squeeze3A_124 : vector<768xf32> to vector<768x1xf32>
    %broadcast_in_dim3A_126 = vector.shape_cast %squeeze3A_122 : vector<768xf32> to vector<1x768xf32>
    %add3A_127 = vector.broadcast %broadcast_in_dim3A_125 : vector<768x1xf32> to vector<768x768xf32>
    %add3A_128 = vector.broadcast %broadcast_in_dim3A_126 : vector<1x768xf32> to vector<768x768xf32>
    %add3A_129 = arith.addf %add3A_127, %add3A_128 : vector<768x768xf32>
    %mul3A_130 = arith.constant 2.000000e-01 : f32
    %mul3A_131 = vector.broadcast %mul3A_130 : f32 to vector<768x768xf32>
    %mul3A_132 = arith.mulf %mul3A_131, %add3A_129 : vector<768x768xf32>
    %max3A_133 = arith.maximumf %add3A_129, %mul3A_132 : vector<768x768xf32>
    %reduce_max3A_134 = vector.shape_cast %squeeze3A_122 : vector<768xf32> to vector<1x768xf32>
    %reduce_max3A_135 = arith.constant dense<0xFF800000> : vector<1xf32>
    %reduce_max3A_136 = vector.multi_reduction <maximumf>, %reduce_max3A_134, %reduce_max3A_135 [1] : vector<1x768xf32> to vector<1xf32>
    %reduce_max3A_137 = vector.shape_cast %reduce_max3A_136 : vector<1xf32> to vector<1x1xf32>
    %reduce_max3A_138 = vector.extract %reduce_max3A_137[0, 0] : f32 from vector<1x1xf32>
    %add3A_139 = vector.broadcast %reduce_max3A_138 : f32 to vector<768xf32>
    %add3A_140 = arith.addf %squeeze3A_124, %add3A_139 : vector<768xf32>
    %mul3A_141 = arith.constant 2.000000e-01 : f32
    %mul3A_142 = vector.broadcast %mul3A_141 : f32 to vector<768xf32>
    %mul3A_143 = arith.mulf %mul3A_142, %add3A_140 : vector<768xf32>
    %max3A_144 = arith.maximumf %add3A_140, %mul3A_143 : vector<768xf32>
    %broadcast_in_dim3A_145 = vector.shape_cast %max3A_144 : vector<768xf32> to vector<768x1xf32>
    %sub3A_146 = vector.broadcast %broadcast_in_dim3A_145 : vector<768x1xf32> to vector<768x768xf32>
    %sub3A_147 = arith.subf %max3A_133, %sub3A_146 : vector<768x768xf32>
    %exp3A_148 = math.exp %sub3A_147 : vector<768x768xf32>
    %mul3A_149 = arith.mulf %add3A_55, %exp3A_148 : vector<768x768xf32>
    %eq3A_150 = arith.constant 130 : i32
    %eq3A_151 = vector.broadcast %eq3A_150 : i32 to vector<768x136xi32>
    %eq3A_152 = arith.cmpi eq, %iota3A_56, %eq3A_151 : vector<768x136xi32>
    %jit3A_153 = arith.constant 1.000000e+00 : f32
    %broadcast_in_dim3A_154 = vector.broadcast %jit3A_153 : f32 to vector<768x136xf32>
    %select_n3A_155 = arith.select %eq3A_152, %broadcast_in_dim3A_154, %dot_general3A_120 : vector<768x136xi1>, vector<768x136xf32>
    %dot_general3A_156 = arith.constant dense<0.000000e+00> : vector<768x136xf32>
    %dot_general3A_157 = tpu.matmul %mul3A_149, %select_n3A_155, %dot_general3A_156 {dimension_numbers = #tpu.dot_dimension_numbers<[1], [0], [0], [1], [0, 0, 1, 1], [], []>, transpose_lhs_hint = false} : vector<768x768xf32>, vector<768x136xf32>, vector<768x136xf32> -> vector<768x136xf32>
    %slice3A_158 = vector.extract_strided_slice %dot_general3A_157 {offsets = [0, 130], sizes = [768, 1], strides = [1, 1]} : vector<768x136xf32> to vector<768x1xf32>
    %slice3A_159 = vector.extract_strided_slice %dot_general3A_157 {offsets = [0, 0], sizes = [768, 128], strides = [1, 1]} : vector<768x136xf32> to vector<768x128xf32>
    %div3A_160 = vector.broadcast %slice3A_158 : vector<768x1xf32> to vector<768x128xf32>
    %div3A_161 = arith.divf %slice3A_159, %div3A_160 : vector<768x128xf32>
    %get3A_162 = arith.constant 0 : index
    %get3A_163 = arith.constant 0 : index
    %get3A_164 = vector.load %arg8[%get3A_162, %get3A_163] : memref<8x128xf32, #tpu.memory_space<vmem>>, vector<1x128xf32>
    %get3A_165 = vector.shape_cast %get3A_164 : vector<1x128xf32> to vector<128xf32>
    %broadcast_in_dim3A_166 = vector.shape_cast %get3A_165 : vector<128xf32> to vector<1x128xf32>
    %add3A_167 = vector.broadcast %broadcast_in_dim3A_166 : vector<1x128xf32> to vector<768x128xf32>
    %add3A_168 = arith.addf %div3A_161, %add3A_167 : vector<768x128xf32>
    %ge3A_169 = arith.constant 0.000000e+00 : f32
    %ge3A_170 = vector.broadcast %ge3A_169 : f32 to vector<768x128xf32>
    %ge3A_171 = arith.cmpf oge, %add3A_168, %ge3A_170 : vector<768x128xf32>
    %mul3A_172 = arith.constant 0.00999999977 : f32
    %mul3A_173 = vector.broadcast %mul3A_172 : f32 to vector<768x128xf32>
    %mul3A_174 = arith.mulf %mul3A_173, %add3A_168 : vector<768x128xf32>
    %select_n3A_175 = arith.select %ge3A_171, %add3A_168, %mul3A_174 : vector<768x128xi1>, vector<768x128xf32>
    %get3A_176 = arith.constant 1 : index
    %get3A_177 = arith.constant 0 : index
    %get3A_178 = arith.constant 0 : index
    %get3A_179 = vector.load %arg7[%get3A_176, %get3A_177, %get3A_178] : memref<3x128x136xf32, #tpu.memory_space<vmem>>, vector<1x128x136xf32>
    %get3A_180 = vector.shape_cast %get3A_179 : vector<1x128x136xf32> to vector<128x136xf32>
    %dot_general3A_181 = arith.constant dense<0.000000e+00> : vector<768x136xf32>
    %dot_general3A_182 = tpu.matmul %select_n3A_175, %get3A_180, %dot_general3A_181 {dimension_numbers = #tpu.dot_dimension_numbers<[1], [0], [0], [1], [0, 0, 1, 1], [], []>, transpose_lhs_hint = false} : vector<768x128xf32>, vector<128x136xf32>, vector<768x136xf32> -> vector<768x136xf32>
    %slice3A_183 = vector.extract_strided_slice %dot_general3A_182 {offsets = [0, 128], sizes = [768, 1], strides = [1, 1]} : vector<768x136xf32> to vector<768x1xf32>
    %squeeze3A_184 = vector.shape_cast %slice3A_183 : vector<768x1xf32> to vector<768xf32>
    %slice3A_185 = vector.extract_strided_slice %dot_general3A_182 {offsets = [0, 129], sizes = [768, 1], strides = [1, 1]} : vector<768x136xf32> to vector<768x1xf32>
    %squeeze3A_186 = vector.shape_cast %slice3A_185 : vector<768x1xf32> to vector<768xf32>
    %broadcast_in_dim3A_187 = vector.shape_cast %squeeze3A_186 : vector<768xf32> to vector<768x1xf32>
    %broadcast_in_dim3A_188 = vector.shape_cast %squeeze3A_184 : vector<768xf32> to vector<1x768xf32>
    %add3A_189 = vector.broadcast %broadcast_in_dim3A_187 : vector<768x1xf32> to vector<768x768xf32>
    %add3A_190 = vector.broadcast %broadcast_in_dim3A_188 : vector<1x768xf32> to vector<768x768xf32>
    %add3A_191 = arith.addf %add3A_189, %add3A_190 : vector<768x768xf32>
    %mul3A_192 = arith.constant 2.000000e-01 : f32
    %mul3A_193 = vector.broadcast %mul3A_192 : f32 to vector<768x768xf32>
    %mul3A_194 = arith.mulf %mul3A_193, %add3A_191 : vector<768x768xf32>
    %max3A_195 = arith.maximumf %add3A_191, %mul3A_194 : vector<768x768xf32>
    %reduce_max3A_196 = vector.shape_cast %squeeze3A_184 : vector<768xf32> to vector<1x768xf32>
    %reduce_max3A_197 = arith.constant dense<0xFF800000> : vector<1xf32>
    %reduce_max3A_198 = vector.multi_reduction <maximumf>, %reduce_max3A_196, %reduce_max3A_197 [1] : vector<1x768xf32> to vector<1xf32>
    %reduce_max3A_199 = vector.shape_cast %reduce_max3A_198 : vector<1xf32> to vector<1x1xf32>
    %reduce_max3A_200 = vector.extract %reduce_max3A_199[0, 0] : f32 from vector<1x1xf32>
    %add3A_201 = vector.broadcast %reduce_max3A_200 : f32 to vector<768xf32>
    %add3A_202 = arith.addf %squeeze3A_186, %add3A_201 : vector<768xf32>
    %mul3A_203 = arith.constant 2.000000e-01 : f32
    %mul3A_204 = vector.broadcast %mul3A_203 : f32 to vector<768xf32>
    %mul3A_205 = arith.mulf %mul3A_204, %add3A_202 : vector<768xf32>
    %max3A_206 = arith.maximumf %add3A_202, %mul3A_205 : vector<768xf32>
    %broadcast_in_dim3A_207 = vector.shape_cast %max3A_206 : vector<768xf32> to vector<768x1xf32>
    %sub3A_208 = vector.broadcast %broadcast_in_dim3A_207 : vector<768x1xf32> to vector<768x768xf32>
    %sub3A_209 = arith.subf %max3A_195, %sub3A_208 : vector<768x768xf32>
    %exp3A_210 = math.exp %sub3A_209 : vector<768x768xf32>
    %mul3A_211 = arith.mulf %add3A_55, %exp3A_210 : vector<768x768xf32>
    %eq3A_212 = arith.constant 130 : i32
    %eq3A_213 = vector.broadcast %eq3A_212 : i32 to vector<768x136xi32>
    %eq3A_214 = arith.cmpi eq, %iota3A_56, %eq3A_213 : vector<768x136xi32>
    %jit3A_215 = arith.constant 1.000000e+00 : f32
    %broadcast_in_dim3A_216 = vector.broadcast %jit3A_215 : f32 to vector<768x136xf32>
    %select_n3A_217 = arith.select %eq3A_214, %broadcast_in_dim3A_216, %dot_general3A_182 : vector<768x136xi1>, vector<768x136xf32>
    %dot_general3A_218 = arith.constant dense<0.000000e+00> : vector<768x136xf32>
    %dot_general3A_219 = tpu.matmul %mul3A_211, %select_n3A_217, %dot_general3A_218 {dimension_numbers = #tpu.dot_dimension_numbers<[1], [0], [0], [1], [0, 0, 1, 1], [], []>, transpose_lhs_hint = false} : vector<768x768xf32>, vector<768x136xf32>, vector<768x136xf32> -> vector<768x136xf32>
    %slice3A_220 = vector.extract_strided_slice %dot_general3A_219 {offsets = [0, 130], sizes = [768, 1], strides = [1, 1]} : vector<768x136xf32> to vector<768x1xf32>
    %slice3A_221 = vector.extract_strided_slice %dot_general3A_219 {offsets = [0, 0], sizes = [768, 128], strides = [1, 1]} : vector<768x136xf32> to vector<768x128xf32>
    %div3A_222 = vector.broadcast %slice3A_220 : vector<768x1xf32> to vector<768x128xf32>
    %div3A_223 = arith.divf %slice3A_221, %div3A_222 : vector<768x128xf32>
    %get3A_224 = arith.constant 1 : index
    %get3A_225 = arith.constant 0 : index
    %get3A_226 = vector.load %arg8[%get3A_224, %get3A_225] : memref<8x128xf32, #tpu.memory_space<vmem>>, vector<1x128xf32>
    %get3A_227 = vector.shape_cast %get3A_226 : vector<1x128xf32> to vector<128xf32>
    %broadcast_in_dim3A_228 = vector.shape_cast %get3A_227 : vector<128xf32> to vector<1x128xf32>
    %add3A_229 = vector.broadcast %broadcast_in_dim3A_228 : vector<1x128xf32> to vector<768x128xf32>
    %add3A_230 = arith.addf %div3A_223, %add3A_229 : vector<768x128xf32>
    %ge3A_231 = arith.constant 0.000000e+00 : f32
    %ge3A_232 = vector.broadcast %ge3A_231 : f32 to vector<768x128xf32>
    %ge3A_233 = arith.cmpf oge, %add3A_230, %ge3A_232 : vector<768x128xf32>
    %mul3A_234 = arith.constant 0.00999999977 : f32
    %mul3A_235 = vector.broadcast %mul3A_234 : f32 to vector<768x128xf32>
    %mul3A_236 = arith.mulf %mul3A_235, %add3A_230 : vector<768x128xf32>
    %select_n3A_237 = arith.select %ge3A_233, %add3A_230, %mul3A_236 : vector<768x128xi1>, vector<768x128xf32>
    %add3A_238 = arith.addf %select_n3A_237, %add3A_230 : vector<768x128xf32>
    %get3A_239 = arith.constant 1 : index
    %get3A_240 = arith.constant 0 : index
    %get3A_241 = arith.constant 0 : index
    %get3A_242 = vector.load %arg7[%get3A_239, %get3A_240, %get3A_241] : memref<3x128x136xf32, #tpu.memory_space<vmem>>, vector<1x128x136xf32>
    %get3A_243 = vector.shape_cast %get3A_242 : vector<1x128x136xf32> to vector<128x136xf32>
    %dot_general3A_244 = arith.constant dense<0.000000e+00> : vector<768x136xf32>
    %dot_general3A_245 = tpu.matmul %add3A_238, %get3A_243, %dot_general3A_244 {dimension_numbers = #tpu.dot_dimension_numbers<[1], [0], [0], [1], [0, 0, 1, 1], [], []>, transpose_lhs_hint = false} : vector<768x128xf32>, vector<128x136xf32>, vector<768x136xf32> -> vector<768x136xf32>
    %slice3A_246 = vector.extract_strided_slice %dot_general3A_245 {offsets = [0, 128], sizes = [768, 1], strides = [1, 1]} : vector<768x136xf32> to vector<768x1xf32>
    %squeeze3A_247 = vector.shape_cast %slice3A_246 : vector<768x1xf32> to vector<768xf32>
    %slice3A_248 = vector.extract_strided_slice %dot_general3A_245 {offsets = [0, 129], sizes = [768, 1], strides = [1, 1]} : vector<768x136xf32> to vector<768x1xf32>
    %squeeze3A_249 = vector.shape_cast %slice3A_248 : vector<768x1xf32> to vector<768xf32>
    %broadcast_in_dim3A_250 = vector.shape_cast %squeeze3A_249 : vector<768xf32> to vector<768x1xf32>
    %broadcast_in_dim3A_251 = vector.shape_cast %squeeze3A_247 : vector<768xf32> to vector<1x768xf32>
    %add3A_252 = vector.broadcast %broadcast_in_dim3A_250 : vector<768x1xf32> to vector<768x768xf32>
    %add3A_253 = vector.broadcast %broadcast_in_dim3A_251 : vector<1x768xf32> to vector<768x768xf32>
    %add3A_254 = arith.addf %add3A_252, %add3A_253 : vector<768x768xf32>
    %mul3A_255 = arith.constant 2.000000e-01 : f32
    %mul3A_256 = vector.broadcast %mul3A_255 : f32 to vector<768x768xf32>
    %mul3A_257 = arith.mulf %mul3A_256, %add3A_254 : vector<768x768xf32>
    %max3A_258 = arith.maximumf %add3A_254, %mul3A_257 : vector<768x768xf32>
    %reduce_max3A_259 = vector.shape_cast %squeeze3A_247 : vector<768xf32> to vector<1x768xf32>
    %reduce_max3A_260 = arith.constant dense<0xFF800000> : vector<1xf32>
    %reduce_max3A_261 = vector.multi_reduction <maximumf>, %reduce_max3A_259, %reduce_max3A_260 [1] : vector<1x768xf32> to vector<1xf32>
    %reduce_max3A_262 = vector.shape_cast %reduce_max3A_261 : vector<1xf32> to vector<1x1xf32>
    %reduce_max3A_263 = vector.extract %reduce_max3A_262[0, 0] : f32 from vector<1x1xf32>
    %add3A_264 = vector.broadcast %reduce_max3A_263 : f32 to vector<768xf32>
    %add3A_265 = arith.addf %squeeze3A_249, %add3A_264 : vector<768xf32>
    %mul3A_266 = arith.constant 2.000000e-01 : f32
    %mul3A_267 = vector.broadcast %mul3A_266 : f32 to vector<768xf32>
    %mul3A_268 = arith.mulf %mul3A_267, %add3A_265 : vector<768xf32>
    %max3A_269 = arith.maximumf %add3A_265, %mul3A_268 : vector<768xf32>
    %broadcast_in_dim3A_270 = vector.shape_cast %max3A_269 : vector<768xf32> to vector<768x1xf32>
    %sub3A_271 = vector.broadcast %broadcast_in_dim3A_270 : vector<768x1xf32> to vector<768x768xf32>
    %sub3A_272 = arith.subf %max3A_258, %sub3A_271 : vector<768x768xf32>
    %exp3A_273 = math.exp %sub3A_272 : vector<768x768xf32>
    %mul3A_274 = arith.mulf %add3A_55, %exp3A_273 : vector<768x768xf32>
    %eq3A_275 = arith.constant 130 : i32
    %eq3A_276 = vector.broadcast %eq3A_275 : i32 to vector<768x136xi32>
    %eq3A_277 = arith.cmpi eq, %iota3A_56, %eq3A_276 : vector<768x136xi32>
    %jit3A_278 = arith.constant 1.000000e+00 : f32
    %broadcast_in_dim3A_279 = vector.broadcast %jit3A_278 : f32 to vector<768x136xf32>
    %select_n3A_280 = arith.select %eq3A_277, %broadcast_in_dim3A_279, %dot_general3A_245 : vector<768x136xi1>, vector<768x136xf32>
    %dot_general3A_281 = arith.constant dense<0.000000e+00> : vector<768x136xf32>
    %dot_general3A_282 = tpu.matmul %mul3A_274, %select_n3A_280, %dot_general3A_281 {dimension_numbers = #tpu.dot_dimension_numbers<[1], [0], [0], [1], [0, 0, 1, 1], [], []>, transpose_lhs_hint = false} : vector<768x768xf32>, vector<768x136xf32>, vector<768x136xf32> -> vector<768x136xf32>
    %slice3A_283 = vector.extract_strided_slice %dot_general3A_282 {offsets = [0, 130], sizes = [768, 1], strides = [1, 1]} : vector<768x136xf32> to vector<768x1xf32>
    %slice3A_284 = vector.extract_strided_slice %dot_general3A_282 {offsets = [0, 0], sizes = [768, 128], strides = [1, 1]} : vector<768x136xf32> to vector<768x128xf32>
    %div3A_285 = vector.broadcast %slice3A_283 : vector<768x1xf32> to vector<768x128xf32>
    %div3A_286 = arith.divf %slice3A_284, %div3A_285 : vector<768x128xf32>
    %get3A_287 = arith.constant 1 : index
    %get3A_288 = arith.constant 0 : index
    %get3A_289 = vector.load %arg8[%get3A_287, %get3A_288] : memref<8x128xf32, #tpu.memory_space<vmem>>, vector<1x128xf32>
    %get3A_290 = vector.shape_cast %get3A_289 : vector<1x128xf32> to vector<128xf32>
    %broadcast_in_dim3A_291 = vector.shape_cast %get3A_290 : vector<128xf32> to vector<1x128xf32>
    %add3A_292 = vector.broadcast %broadcast_in_dim3A_291 : vector<1x128xf32> to vector<768x128xf32>
    %add3A_293 = arith.addf %div3A_286, %add3A_292 : vector<768x128xf32>
    %ge3A_294 = arith.constant 0.000000e+00 : f32
    %ge3A_295 = vector.broadcast %ge3A_294 : f32 to vector<768x128xf32>
    %ge3A_296 = arith.cmpf oge, %add3A_293, %ge3A_295 : vector<768x128xf32>
    %mul3A_297 = arith.constant 0.00999999977 : f32
    %mul3A_298 = vector.broadcast %mul3A_297 : f32 to vector<768x128xf32>
    %mul3A_299 = arith.mulf %mul3A_298, %add3A_293 : vector<768x128xf32>
    %select_n3A_300 = arith.select %ge3A_296, %add3A_293, %mul3A_299 : vector<768x128xi1>, vector<768x128xf32>
    %get3A_301 = arith.constant 2 : index
    %get3A_302 = arith.constant 0 : index
    %get3A_303 = arith.constant 0 : index
    %get3A_304 = vector.load %arg7[%get3A_301, %get3A_302, %get3A_303] : memref<3x128x136xf32, #tpu.memory_space<vmem>>, vector<1x128x136xf32>
    %get3A_305 = vector.shape_cast %get3A_304 : vector<1x128x136xf32> to vector<128x136xf32>
    %dot_general3A_306 = arith.constant dense<0.000000e+00> : vector<768x136xf32>
    %dot_general3A_307 = tpu.matmul %select_n3A_300, %get3A_305, %dot_general3A_306 {dimension_numbers = #tpu.dot_dimension_numbers<[1], [0], [0], [1], [0, 0, 1, 1], [], []>, transpose_lhs_hint = false} : vector<768x128xf32>, vector<128x136xf32>, vector<768x136xf32> -> vector<768x136xf32>
    %slice3A_308 = vector.extract_strided_slice %dot_general3A_307 {offsets = [0, 128], sizes = [768, 1], strides = [1, 1]} : vector<768x136xf32> to vector<768x1xf32>
    %squeeze3A_309 = vector.shape_cast %slice3A_308 : vector<768x1xf32> to vector<768xf32>
    %slice3A_310 = vector.extract_strided_slice %dot_general3A_307 {offsets = [0, 129], sizes = [768, 1], strides = [1, 1]} : vector<768x136xf32> to vector<768x1xf32>
    %squeeze3A_311 = vector.shape_cast %slice3A_310 : vector<768x1xf32> to vector<768xf32>
    %broadcast_in_dim3A_312 = vector.shape_cast %squeeze3A_311 : vector<768xf32> to vector<768x1xf32>
    %broadcast_in_dim3A_313 = vector.shape_cast %squeeze3A_309 : vector<768xf32> to vector<1x768xf32>
    %add3A_314 = vector.broadcast %broadcast_in_dim3A_312 : vector<768x1xf32> to vector<768x768xf32>
    %add3A_315 = vector.broadcast %broadcast_in_dim3A_313 : vector<1x768xf32> to vector<768x768xf32>
    %add3A_316 = arith.addf %add3A_314, %add3A_315 : vector<768x768xf32>
    %mul3A_317 = arith.constant 2.000000e-01 : f32
    %mul3A_318 = vector.broadcast %mul3A_317 : f32 to vector<768x768xf32>
    %mul3A_319 = arith.mulf %mul3A_318, %add3A_316 : vector<768x768xf32>
    %max3A_320 = arith.maximumf %add3A_316, %mul3A_319 : vector<768x768xf32>
    %reduce_max3A_321 = vector.shape_cast %squeeze3A_309 : vector<768xf32> to vector<1x768xf32>
    %reduce_max3A_322 = arith.constant dense<0xFF800000> : vector<1xf32>
    %reduce_max3A_323 = vector.multi_reduction <maximumf>, %reduce_max3A_321, %reduce_max3A_322 [1] : vector<1x768xf32> to vector<1xf32>
    %reduce_max3A_324 = vector.shape_cast %reduce_max3A_323 : vector<1xf32> to vector<1x1xf32>
    %reduce_max3A_325 = vector.extract %reduce_max3A_324[0, 0] : f32 from vector<1x1xf32>
    %add3A_326 = vector.broadcast %reduce_max3A_325 : f32 to vector<768xf32>
    %add3A_327 = arith.addf %squeeze3A_311, %add3A_326 : vector<768xf32>
    %mul3A_328 = arith.constant 2.000000e-01 : f32
    %mul3A_329 = vector.broadcast %mul3A_328 : f32 to vector<768xf32>
    %mul3A_330 = arith.mulf %mul3A_329, %add3A_327 : vector<768xf32>
    %max3A_331 = arith.maximumf %add3A_327, %mul3A_330 : vector<768xf32>
    %broadcast_in_dim3A_332 = vector.shape_cast %max3A_331 : vector<768xf32> to vector<768x1xf32>
    %sub3A_333 = vector.broadcast %broadcast_in_dim3A_332 : vector<768x1xf32> to vector<768x768xf32>
    %sub3A_334 = arith.subf %max3A_320, %sub3A_333 : vector<768x768xf32>
    %exp3A_335 = math.exp %sub3A_334 : vector<768x768xf32>
    %mul3A_336 = arith.mulf %add3A_55, %exp3A_335 : vector<768x768xf32>
    %eq3A_337 = arith.constant 130 : i32
    %eq3A_338 = vector.broadcast %eq3A_337 : i32 to vector<768x136xi32>
    %eq3A_339 = arith.cmpi eq, %iota3A_56, %eq3A_338 : vector<768x136xi32>
    %jit3A_340 = arith.constant 1.000000e+00 : f32
    %broadcast_in_dim3A_341 = vector.broadcast %jit3A_340 : f32 to vector<768x136xf32>
    %select_n3A_342 = arith.select %eq3A_339, %broadcast_in_dim3A_341, %dot_general3A_307 : vector<768x136xi1>, vector<768x136xf32>
    %dot_general3A_343 = arith.constant dense<0.000000e+00> : vector<768x136xf32>
    %dot_general3A_344 = tpu.matmul %mul3A_336, %select_n3A_342, %dot_general3A_343 {dimension_numbers = #tpu.dot_dimension_numbers<[1], [0], [0], [1], [0, 0, 1, 1], [], []>, transpose_lhs_hint = false} : vector<768x768xf32>, vector<768x136xf32>, vector<768x136xf32> -> vector<768x136xf32>
    %slice3A_345 = vector.extract_strided_slice %dot_general3A_344 {offsets = [0, 130], sizes = [768, 1], strides = [1, 1]} : vector<768x136xf32> to vector<768x1xf32>
    %slice3A_346 = vector.extract_strided_slice %dot_general3A_344 {offsets = [0, 0], sizes = [768, 128], strides = [1, 1]} : vector<768x136xf32> to vector<768x128xf32>
    %div3A_347 = vector.broadcast %slice3A_345 : vector<768x1xf32> to vector<768x128xf32>
    %div3A_348 = arith.divf %slice3A_346, %div3A_347 : vector<768x128xf32>
    %get3A_349 = arith.constant 2 : index
    %get3A_350 = arith.constant 0 : index
    %get3A_351 = vector.load %arg8[%get3A_349, %get3A_350] : memref<8x128xf32, #tpu.memory_space<vmem>>, vector<1x128xf32>
    %get3A_352 = vector.shape_cast %get3A_351 : vector<1x128xf32> to vector<128xf32>
    %broadcast_in_dim3A_353 = vector.shape_cast %get3A_352 : vector<128xf32> to vector<1x128xf32>
    %add3A_354 = vector.broadcast %broadcast_in_dim3A_353 : vector<1x128xf32> to vector<768x128xf32>
    %add3A_355 = arith.addf %div3A_348, %add3A_354 : vector<768x128xf32>
    %ge3A_356 = arith.constant 0.000000e+00 : f32
    %ge3A_357 = vector.broadcast %ge3A_356 : f32 to vector<768x128xf32>
    %ge3A_358 = arith.cmpf oge, %add3A_355, %ge3A_357 : vector<768x128xf32>
    %mul3A_359 = arith.constant 0.00999999977 : f32
    %mul3A_360 = vector.broadcast %mul3A_359 : f32 to vector<768x128xf32>
    %mul3A_361 = arith.mulf %mul3A_360, %add3A_355 : vector<768x128xf32>
    %select_n3A_362 = arith.select %ge3A_358, %add3A_355, %mul3A_361 : vector<768x128xi1>, vector<768x128xf32>
    %add3A_363 = arith.addf %select_n3A_362, %add3A_355 : vector<768x128xf32>
    %get3A_364 = arith.constant 2 : index
    %get3A_365 = arith.constant 0 : index
    %get3A_366 = arith.constant 0 : index
    %get3A_367 = vector.load %arg7[%get3A_364, %get3A_365, %get3A_366] : memref<3x128x136xf32, #tpu.memory_space<vmem>>, vector<1x128x136xf32>
    %get3A_368 = vector.shape_cast %get3A_367 : vector<1x128x136xf32> to vector<128x136xf32>
    %dot_general3A_369 = arith.constant dense<0.000000e+00> : vector<768x136xf32>
    %dot_general3A_370 = tpu.matmul %add3A_363, %get3A_368, %dot_general3A_369 {dimension_numbers = #tpu.dot_dimension_numbers<[1], [0], [0], [1], [0, 0, 1, 1], [], []>, transpose_lhs_hint = false} : vector<768x128xf32>, vector<128x136xf32>, vector<768x136xf32> -> vector<768x136xf32>
    %slice3A_371 = vector.extract_strided_slice %dot_general3A_370 {offsets = [0, 128], sizes = [768, 1], strides = [1, 1]} : vector<768x136xf32> to vector<768x1xf32>
    %squeeze3A_372 = vector.shape_cast %slice3A_371 : vector<768x1xf32> to vector<768xf32>
    %slice3A_373 = vector.extract_strided_slice %dot_general3A_370 {offsets = [0, 129], sizes = [768, 1], strides = [1, 1]} : vector<768x136xf32> to vector<768x1xf32>
    %squeeze3A_374 = vector.shape_cast %slice3A_373 : vector<768x1xf32> to vector<768xf32>
    %broadcast_in_dim3A_375 = vector.shape_cast %squeeze3A_374 : vector<768xf32> to vector<768x1xf32>
    %broadcast_in_dim3A_376 = vector.shape_cast %squeeze3A_372 : vector<768xf32> to vector<1x768xf32>
    %add3A_377 = vector.broadcast %broadcast_in_dim3A_375 : vector<768x1xf32> to vector<768x768xf32>
    %add3A_378 = vector.broadcast %broadcast_in_dim3A_376 : vector<1x768xf32> to vector<768x768xf32>
    %add3A_379 = arith.addf %add3A_377, %add3A_378 : vector<768x768xf32>
    %mul3A_380 = arith.constant 2.000000e-01 : f32
    %mul3A_381 = vector.broadcast %mul3A_380 : f32 to vector<768x768xf32>
    %mul3A_382 = arith.mulf %mul3A_381, %add3A_379 : vector<768x768xf32>
    %max3A_383 = arith.maximumf %add3A_379, %mul3A_382 : vector<768x768xf32>
    %reduce_max3A_384 = vector.shape_cast %squeeze3A_372 : vector<768xf32> to vector<1x768xf32>
    %reduce_max3A_385 = arith.constant dense<0xFF800000> : vector<1xf32>
    %reduce_max3A_386 = vector.multi_reduction <maximumf>, %reduce_max3A_384, %reduce_max3A_385 [1] : vector<1x768xf32> to vector<1xf32>
    %reduce_max3A_387 = vector.shape_cast %reduce_max3A_386 : vector<1xf32> to vector<1x1xf32>
    %reduce_max3A_388 = vector.extract %reduce_max3A_387[0, 0] : f32 from vector<1x1xf32>
    %add3A_389 = vector.broadcast %reduce_max3A_388 : f32 to vector<768xf32>
    %add3A_390 = arith.addf %squeeze3A_374, %add3A_389 : vector<768xf32>
    %mul3A_391 = arith.constant 2.000000e-01 : f32
    %mul3A_392 = vector.broadcast %mul3A_391 : f32 to vector<768xf32>
    %mul3A_393 = arith.mulf %mul3A_392, %add3A_390 : vector<768xf32>
    %max3A_394 = arith.maximumf %add3A_390, %mul3A_393 : vector<768xf32>
    %broadcast_in_dim3A_395 = vector.shape_cast %max3A_394 : vector<768xf32> to vector<768x1xf32>
    %sub3A_396 = vector.broadcast %broadcast_in_dim3A_395 : vector<768x1xf32> to vector<768x768xf32>
    %sub3A_397 = arith.subf %max3A_383, %sub3A_396 : vector<768x768xf32>
    %exp3A_398 = math.exp %sub3A_397 : vector<768x768xf32>
    %mul3A_399 = arith.mulf %add3A_55, %exp3A_398 : vector<768x768xf32>
    %eq3A_400 = arith.constant 130 : i32
    %eq3A_401 = vector.broadcast %eq3A_400 : i32 to vector<768x136xi32>
    %eq3A_402 = arith.cmpi eq, %iota3A_56, %eq3A_401 : vector<768x136xi32>
    %jit3A_403 = arith.constant 1.000000e+00 : f32
    %broadcast_in_dim3A_404 = vector.broadcast %jit3A_403 : f32 to vector<768x136xf32>
    %select_n3A_405 = arith.select %eq3A_402, %broadcast_in_dim3A_404, %dot_general3A_370 : vector<768x136xi1>, vector<768x136xf32>
    %dot_general3A_406 = arith.constant dense<0.000000e+00> : vector<768x136xf32>
    %dot_general3A_407 = tpu.matmul %mul3A_399, %select_n3A_405, %dot_general3A_406 {dimension_numbers = #tpu.dot_dimension_numbers<[1], [0], [0], [1], [0, 0, 1, 1], [], []>, transpose_lhs_hint = false} : vector<768x768xf32>, vector<768x136xf32>, vector<768x136xf32> -> vector<768x136xf32>
    %slice3A_408 = vector.extract_strided_slice %dot_general3A_407 {offsets = [0, 130], sizes = [768, 1], strides = [1, 1]} : vector<768x136xf32> to vector<768x1xf32>
    %slice3A_409 = vector.extract_strided_slice %dot_general3A_407 {offsets = [0, 0], sizes = [768, 128], strides = [1, 1]} : vector<768x136xf32> to vector<768x128xf32>
    %div3A_410 = vector.broadcast %slice3A_408 : vector<768x1xf32> to vector<768x128xf32>
    %div3A_411 = arith.divf %slice3A_409, %div3A_410 : vector<768x128xf32>
    %get3A_412 = arith.constant 2 : index
    %get3A_413 = arith.constant 0 : index
    %get3A_414 = vector.load %arg8[%get3A_412, %get3A_413] : memref<8x128xf32, #tpu.memory_space<vmem>>, vector<1x128xf32>
    %get3A_415 = vector.shape_cast %get3A_414 : vector<1x128xf32> to vector<128xf32>
    %broadcast_in_dim3A_416 = vector.shape_cast %get3A_415 : vector<128xf32> to vector<1x128xf32>
    %add3A_417 = vector.broadcast %broadcast_in_dim3A_416 : vector<1x128xf32> to vector<768x128xf32>
    %add3A_418 = arith.addf %div3A_411, %add3A_417 : vector<768x128xf32>
    %ge3A_419 = arith.constant 0.000000e+00 : f32
    %ge3A_420 = vector.broadcast %ge3A_419 : f32 to vector<768x128xf32>
    %ge3A_421 = arith.cmpf oge, %add3A_418, %ge3A_420 : vector<768x128xf32>
    %mul3A_422 = arith.constant 0.00999999977 : f32
    %mul3A_423 = vector.broadcast %mul3A_422 : f32 to vector<768x128xf32>
    %mul3A_424 = arith.mulf %mul3A_423, %add3A_418 : vector<768x128xf32>
    %select_n3A_425 = arith.select %ge3A_421, %add3A_418, %mul3A_424 : vector<768x128xi1>, vector<768x128xf32>
    %get3A_426 = arith.constant 0 : index
    %get3A_427 = arith.constant 0 : index
    %get3A_428 = vector.load %arg9[%get3A_426, %get3A_427] : memref<128x8xf32, #tpu.memory_space<vmem>>, vector<128x8xf32>
    %dot_general3A_429 = arith.constant dense<0.000000e+00> : vector<768x8xf32>
    %dot_general3A_430 = tpu.matmul %select_n3A_425, %get3A_428, %dot_general3A_429 {dimension_numbers = #tpu.dot_dimension_numbers<[1], [0], [0], [1], [0, 0, 1, 1], [], []>, transpose_lhs_hint = false} : vector<768x128xf32>, vector<128x8xf32>, vector<768x8xf32> -> vector<768x8xf32>
    %mul3A_431 = vector.broadcast %div3A_28 : vector<768x1xf32> to vector<768x8xf32>
    %mul3A_432 = arith.mulf %dot_general3A_430, %mul3A_431 : vector<768x8xf32>
    %dot_general3A_433 = arith.constant dense<0.000000e+00> : vector<768x8xf32>
    %dot_general3A_434 = tpu.matmul %get3A_8, %mul3A_432, %dot_general3A_433 {dimension_numbers = #tpu.dot_dimension_numbers<[1], [0], [0], [1], [0, 0, 1, 1], [], []>, transpose_lhs_hint = false} : vector<768x768xf32>, vector<768x8xf32>, vector<768x8xf32> -> vector<768x8xf32>
    %mul3A_435 = vector.broadcast %div3A_28 : vector<768x1xf32> to vector<768x8xf32>
    %mul3A_436 = arith.mulf %mul3A_435, %dot_general3A_434 : vector<768x8xf32>
    %mul3A_437 = vector.broadcast %mul3A : vector<768x1xf32> to vector<768x8xf32>
    %mul3A_438 = arith.mulf %mul3A_437, %dot_general3A_430 : vector<768x8xf32>
    %add3A_439 = arith.addf %mul3A_436, %mul3A_438 : vector<768x8xf32>
    %get3A_440 = arith.constant 0 : index
    %get3A_441 = arith.constant 0 : index
    %get3A_442 = vector.load %arg10[%get3A_440, %get3A_441] : memref<1x8xf32, #tpu.memory_space<vmem>>, vector<1x8xf32>
    %get3A_443 = vector.shape_cast %get3A_442 : vector<1x8xf32> to vector<8xf32>
    %broadcast_in_dim3A_444 = vector.shape_cast %get3A_443 : vector<8xf32> to vector<1x8xf32>
    %add3A_445 = vector.broadcast %broadcast_in_dim3A_444 : vector<1x8xf32> to vector<768x8xf32>
    %add3A_446 = arith.addf %add3A_439, %add3A_445 : vector<768x8xf32>
    %ge3A_447 = arith.constant 0.000000e+00 : f32
    %ge3A_448 = vector.broadcast %ge3A_447 : f32 to vector<768x8xf32>
    %ge3A_449 = arith.cmpf oge, %add3A_446, %ge3A_448 : vector<768x8xf32>
    %mul3A_450 = arith.constant 0.00999999977 : f32
    %mul3A_451 = vector.broadcast %mul3A_450 : f32 to vector<768x8xf32>
    %mul3A_452 = arith.mulf %mul3A_451, %add3A_446 : vector<768x8xf32>
    %select_n3A_453 = arith.select %ge3A_449, %add3A_446, %mul3A_452 : vector<768x8xi1>, vector<768x8xf32>
    %slice3A_454 = vector.extract_strided_slice %select_n3A_453 {offsets = [0, 0], sizes = [768, 1], strides = [1, 1]} : vector<768x8xf32> to vector<768x1xf32>
    %squeeze3A_455 = vector.shape_cast %slice3A_454 : vector<768x1xf32> to vector<768xf32>
    %swap3A = arith.constant 0 : index
    %swap3A_456 = arith.constant 0 : index
    %swap3A_457 = arith.constant 0 : index
    %swap3A_458 = vector.load %arg11[%swap3A, %swap3A_456, %swap3A_457] : memref<1x1x768xf32, #tpu.memory_space<vmem>>, vector<1x1x768xf32>
    %swap3A_459 = vector.shape_cast %swap3A_458 : vector<1x1x768xf32> to vector<768xf32>
    %swap3A_460 = vector.shape_cast %squeeze3A_455 : vector<768xf32> to vector<1x1x768xf32>
    tpu.vector_store %arg11[%swap3A, %swap3A_456, %swap3A_457], %swap3A_460 {strides = array<i32>} : memref<1x1x768xf32, #tpu.memory_space<vmem>>, vector<1x1x768xf32>,
    return
  }
  func.func @transform_0(%arg0: i32) -> (i32, i32, i32) {
    %c0_i32 = arith.constant 0 : i32
    %c0_i32_0 = arith.constant 0 : i32
    %c0_i32_1 = arith.constant 0 : i32
    return %arg0, %c0_i32, %c0_i32_0 : i32, i32, i32
  }
  func.func @transform_1(%arg0: i32) -> (i32, i32, i32) {
    %c0_i32 = arith.constant 0 : i32
    %c0_i32_0 = arith.constant 0 : i32
    %c0_i32_1 = arith.constant 0 : i32
    return %arg0, %c0_i32, %c0_i32_0 : i32, i32, i32
  }
  func.func @transform_2(%arg0: i32) -> (i32, i32, i32) {
    %c0_i32 = arith.constant 0 : i32
    %c0_i32_0 = arith.constant 0 : i32
    %c0_i32_1 = arith.constant 0 : i32
    return %arg0, %c0_i32, %c0_i32_0 : i32, i32, i32
  }
  func.func @transform_3(%arg0: i32) -> (i32, i32, i32) {
    %c0_i32 = arith.constant 0 : i32
    %c0_i32_0 = arith.constant 0 : i32
    %c0_i32_1 = arith.constant 0 : i32
    return %arg0, %c0_i32, %c0_i32_0 : i32, i32, i32
  }
  func.func @transform_4(%arg0: i32) -> (i32, i32) {
    %c0_i32 = arith.constant 0 : i32
    %c0_i32_0 = arith.constant 0 : i32
    %c0_i32_1 = arith.constant 0 : i32
    return %c0_i32, %c0_i32_0 : i32, i32
  }
  func.func @transform_5(%arg0: i32) -> (i32, i32) {
    %c0_i32 = arith.constant 0 : i32
    %c0_i32_0 = arith.constant 0 : i32
    %c0_i32_1 = arith.constant 0 : i32
    return %c0_i32, %c0_i32_0 : i32, i32
  }
  func.func @transform_6(%arg0: i32) -> (i32, i32, i32) {
    %c0_i32 = arith.constant 0 : i32
    %c0_i32_0 = arith.constant 0 : i32
    %c0_i32_1 = arith.constant 0 : i32
    %c0_i32_2 = arith.constant 0 : i32
    return %c0_i32, %c0_i32_0, %c0_i32_1 : i32, i32, i32
  }
  func.func @transform_7(%arg0: i32) -> (i32, i32) {
    %c0_i32 = arith.constant 0 : i32
    %c0_i32_0 = arith.constant 0 : i32
    %c0_i32_1 = arith.constant 0 : i32
    return %c0_i32, %c0_i32_0 : i32, i32
  }
  func.func @transform_8(%arg0: i32) -> (i32, i32) {
    %c0_i32 = arith.constant 0 : i32
    %c0_i32_0 = arith.constant 0 : i32
    %c0_i32_1 = arith.constant 0 : i32
    return %c0_i32, %c0_i32_0 : i32, i32
  }
  func.func @transform_9(%arg0: i32) -> (i32, i32) {
    %c0_i32 = arith.constant 0 : i32
    %c0_i32_0 = arith.constant 0 : i32
    %c0_i32_1 = arith.constant 0 : i32
    return %c0_i32, %c0_i32_0 : i32, i32
  }
  func.func @transform_10(%arg0: i32) -> (i32, i32, i32) {
    %c0_i32 = arith.constant 0 : i32
    %c0_i32_0 = arith.constant 0 : i32
    %c0_i32_1 = arith.constant 0 : i32
    return %arg0, %c0_i32, %c0_i32_0 : i32, i32, i32
  }
}

module attributes {stable_mosaic.version = 14 : i64} {
  func.func @body(%arg0: memref<64x768xf32, #tpu.memory_space<vmem>>, %arg1: memref<768x128xf32, #tpu.memory_space<vmem>>, %arg2: memref<1x128xf32, #tpu.memory_space<vmem>>, %arg3: memref<128x5120xf32, #tpu.memory_space<vmem>>, %arg4: memref<1x5120xf32, #tpu.memory_space<vmem>>, %arg5: memref<64x5120xf32, #tpu.memory_space<vmem>>) attributes {dimension_semantics = [], scalar_prefetch = 0 : i64, scratch_operands = 0 : i64, tpu.core_type = #tpu.core_type<tc>} {
    %get3A = arith.constant 0 : index
    %get3A_0 = arith.constant 0 : index
    %get3A_1 = vector.load %arg0[%get3A, %get3A_0] : memref<64x768xf32, #tpu.memory_space<vmem>>, vector<64x768xf32>
    %get3A_2 = arith.constant 0 : index
    %get3A_3 = arith.constant 0 : index
    %get3A_4 = vector.load %arg1[%get3A_2, %get3A_3] : memref<768x128xf32, #tpu.memory_space<vmem>>, vector<768x128xf32>
    %dot_general3A = arith.constant dense<0.000000e+00> : vector<64x128xf32>
    %dot_general3A_5 = tpu.matmul %get3A_1, %get3A_4, %dot_general3A {dimension_numbers = #tpu.dot_dimension_numbers<[1], [0], [0], [1], [0, 0, 1, 1], [], []>, transpose_lhs_hint = false} : vector<64x768xf32>, vector<768x128xf32>, vector<64x128xf32> -> vector<64x128xf32>
    %get3A_6 = arith.constant 0 : index
    %get3A_7 = arith.constant 0 : index
    %get3A_8 = vector.load %arg2[%get3A_6, %get3A_7] : memref<1x128xf32, #tpu.memory_space<vmem>>, vector<1x128xf32>
    %add3A = vector.broadcast %get3A_8 : vector<1x128xf32> to vector<64x128xf32>
    %add3A_9 = arith.addf %dot_general3A_5, %add3A : vector<64x128xf32>
    %max3A = arith.constant 0.000000e+00 : f32
    %max3A_10 = vector.broadcast %max3A : f32 to vector<64x128xf32>
    %max3A_11 = arith.maximumf %add3A_9, %max3A_10 : vector<64x128xf32>
    %get3A_12 = arith.constant 0 : index
    %get3A_13 = arith.constant 0 : index
    %get3A_14 = vector.load %arg3[%get3A_12, %get3A_13] : memref<128x5120xf32, #tpu.memory_space<vmem>>, vector<128x5120xf32>
    %dot_general3A_15 = arith.constant dense<0.000000e+00> : vector<64x5120xf32>
    %dot_general3A_16 = tpu.matmul %max3A_11, %get3A_14, %dot_general3A_15 {dimension_numbers = #tpu.dot_dimension_numbers<[1], [0], [0], [1], [0, 0, 1, 1], [], []>, transpose_lhs_hint = false} : vector<64x128xf32>, vector<128x5120xf32>, vector<64x5120xf32> -> vector<64x5120xf32>
    %get3A_17 = arith.constant 0 : index
    %get3A_18 = arith.constant 0 : index
    %get3A_19 = vector.load %arg4[%get3A_17, %get3A_18] : memref<1x5120xf32, #tpu.memory_space<vmem>>, vector<1x5120xf32>
    %add3A_20 = vector.broadcast %get3A_19 : vector<1x5120xf32> to vector<64x5120xf32>
    %add3A_21 = arith.addf %dot_general3A_16, %add3A_20 : vector<64x5120xf32>
    %max3A_22 = arith.constant 0.000000e+00 : f32
    %max3A_23 = vector.broadcast %max3A_22 : f32 to vector<64x5120xf32>
    %max3A_24 = arith.maximumf %add3A_21, %max3A_23 : vector<64x5120xf32>
    %swap3A = arith.constant 0 : index
    %swap3A_25 = arith.constant 0 : index
    %swap3A_26 = vector.load %arg5[%swap3A, %swap3A_25] : memref<64x5120xf32, #tpu.memory_space<vmem>>, vector<64x5120xf32>
    tpu.vector_store %arg5[%swap3A, %swap3A_25], %max3A_24 {strides = array<i32>} : memref<64x5120xf32, #tpu.memory_space<vmem>>, vector<64x5120xf32>,
    return
  }
}

</mosaic_0001>

<sc_bundles>
// kernel: kernel.13.cloned.1.call-start
scs
__scs_entry_jumppad:
0x0: {  	(pc) =	sbr.rel $0x88, $3  }
0x1: {  	(tag) =	ssettag $0x0;
	lr =	simm.s32 $0x1  }
0x2: {  	[smem:$0x3F88] =	sst lr;
	_ =	strace $0xD0000000  }
0x3: {  	_ = 	snop  }
0x4: {  	_ = 	snop  }
0x5: {  	_ = 	snop  }
0x6: {  	_ = 	snop  }
0x7: {  	_ = 	snop  }
__scs_overlays_trampoline_lowered:
0x8: {  	[smem:$0x3F97] =	sst s0  }
0x9: {  	[smem:$0x3F98] =	sst s1  }
0xa: {  	[smem:$0x3F99] =	sst s2  }
0xb: {  	[smem:$0x3F9A] =	sst s3  }
0xc: {  	[smem:$0x3F9B] =	sst s4  }
0xd: {  	[smem:$0x3F9C] =	sst s5  }
0xe: {  	[smem:$0x3F9D] =	sst s6  }
0xf: {  	[smem:$0x3F9E] =	sst s7  }
0x10: {  	[smem:$0x3F9F] =	sst s8  }
0x11: {  	[smem:$0x3FA0] =	sst s9;
	s0 =	simm.s32 @!p0 $0x0  }
0x12: {  	s1 =	sld [smem:$0x3F86];
	s0 =	simm.s32 @p0 $0x1  }
0x13: {  	[smem:$0x3FA1] =	sst s0;
	s0 =	simm.s32 @!p1 $0x0  }
0x14: {  	s2 =	sld [smem:$0x3F85];
	s0 =	simm.s32 @p1 $0x1  }
0x15: {  	[smem:$0x3FA2] =	sst s0;
	s0 =	simm.s32 @!p2 $0x0  }
0x16: {  	s3 =	sld [smem:$0x3FDB];
	s0 =	simm.s32 @p2 $0x1  }
0x17: {  	s4 =	simm.s32 $0x1BF5;
	[smem:$0x3FA4] =	sst s0  }
0x18: {  	s0 =	sld [smem:$0x3F87];
	_ =	swait.ge [sflag:s4], $0x0  }
0x19: {  	s7 =	sld [smem:$0x3F88]  }
0x1a: {  	s8 =	sadd.s32 $0xFFFFE003, lr  }
0x1b: {  	s9 =	sadd.s32 $0xFFFFFEF7, lr;
	s5 =	simm.s32 $0xFFFFFFFF;
	p2 =	slt.u32 s8, $0xFFFFF086  }
0x1c: {  	p1 =	slt.u32 s9, $0xF7A;
	s5 =	simm.s32 @!p2 $0x0  }
0x1d: {  	s5 =	simm.s32 @p1 $0x1;
	p0 =	seq.s32 s7, s2  }
0x1e: {  	s7 =	smul.u32 @!p0 $0xF7A, s2;
	p2 =	seq.s32 @!p0 s5, $0x0  }
0x1f: {  	s9 =	smul.u32 $0xF7A, s1;
	s8 =	simm.s32 @!p0 $0x1BF5;
	p2 =	por !p2, p0  }
0x20: {  	[sflag:s8] =	ssyncset.s32 @!p0 $0xFFFFF086;
	s6 =	sadd.s32 @!p0 s3, s7;
	s7 =	simm.s32 @!p0 $0x108  }
0x21: {  	s3 =	sadd.s32 s3, s9;
	s6 =	sadd.s32 @!p0 $0x88, s6;
	s7 =	simm.s32 @p2 $0x1082  }
0x22: {  	[simem:s7], [sflag:s8] =	dma.local @!p0 [hbm:s6], $0xF7A  }
0x23: {  	s9 =	sor.u32 $0xD0000000, s2;
	s6 =	simm.s32 $0x108;
	_ =	swait.ge @!p0 [sflag:s8], $0x0  }
0x24: {  	s3 =	sadd.s32 $0x88, s3;
	s6 =	simm.s32 @!p1 $0x1082;
	[sflag:s4] =	ssyncset.s32 $0xFFFFF086  }
0x25: {  	[simem:s6], [sflag:s4] =	dma.local [hbm:s3], $0xF7A  }
0x26: {  	[smem:$0x3F88] =	sst s1;
	(tag) =	ssettag s2;
	_ =	strace s9  }
0x27: {  	s1 =	sld [smem:$0x3F98]  }
0x28: {  	s2 =	sld [smem:$0x3F99]  }
0x29: {  	s4 =	sld [smem:$0x3F9B]  }
0x2a: {  	p0 =	seq.s32 s5, $0x0;
	s5 =	sld [smem:$0x3F9C]  }
0x2b: {  	s6 =	sld [smem:$0x3F9D]  }
0x2c: {  	s7 =	sld [smem:$0x3F9E]  }
0x2d: {  	s3 =	simm.s32 $0x108;
	s8 =	sld [smem:$0x3F9F]  }
0x2e: {  	s3 =	simm.s32 @!p0 $0x1082;
	s9 =	sld [smem:$0x3FA0]  }
0x2f: {  	lr =	sadd.s32 s0, s3;
	s0 =	sld [smem:$0x3F97]  }
0x30: {  	s3 =	sld [smem:$0x3F9A]  }
0x31: {  	[smem:$0x3FA3] =	sst s10  }
0x32: {  	s10 =	sld [smem:$0x3FA1];
	_ =	sdelay $0x3  }
0x33: {  	p0 =	seq.s32 s10, $0x1;
	s10 =	sld [smem:$0x3FA3];
	_ =	sdelay $0x3  }
0x34: {  	[smem:$0x3FA3] =	sst s10  }
0x35: {  	s10 =	sld [smem:$0x3FA2];
	_ =	sdelay $0x3  }
0x36: {  	p1 =	seq.s32 s10, $0x1;
	s10 =	sld [smem:$0x3FA3];
	_ =	sdelay $0x3  }
0x37: {  	[smem:$0x3FA3] =	sst s10  }
0x38: {  	s10 =	sld [smem:$0x3FA4]  }
0x39: {  	_ = 	snop;
	(pc) =	sbr.ind lr, $3  }
0x3a: {  	_ = 	snop  }
0x3b: {  	_ = 	snop  }
0x3c: {  	p2 =	seq.s32 s10, $0x1;
	s10 =	sld [smem:$0x3FA3]  }
0x3d: {  	_ =	shalt  }
0x3e: {  	_ =	shalt  }
0x3f: {  	_ =	shalt  }
0x40: {  	_ =	shalt  }
0x41: {  	_ =	shalt  }
0x42: {  	_ =	shalt  }
0x43: {  	_ =	shalt  }
0x44: {  	_ =	shalt  }
0x45: {  	_ =	shalt  }
0x46: {  	_ =	shalt  }
0x47: {  	_ =	shalt  }
0x48: {  	_ =	shalt  }
0x49: {  	_ =	shalt  }
0x4a: {  	_ =	shalt  }
0x4b: {  	_ =	shalt  }
0x4c: {  	_ =	shalt  }
0x4d: {  	_ =	shalt  }
0x4e: {  	_ =	shalt  }
0x4f: {  	_ =	shalt  }
0x50: {  	_ =	shalt  }
0x51: {  	_ =	shalt  }
0x52: {  	_ =	shalt  }
0x53: {  	_ =	shalt  }
0x54: {  	_ =	shalt  }
0x55: {  	_ =	shalt  }
0x56: {  	_ =	shalt  }
0x57: {  	_ =	shalt  }
0x58: {  	_ =	shalt  }
0x59: {  	_ =	shalt  }
0x5a: {  	_ =	shalt  }
0x5b: {  	_ =	shalt  }
0x5c: {  	_ =	shalt  }
0x5d: {  	_ =	shalt  }
0x5e: {  	_ =	shalt  }
0x5f: {  	_ =	shalt  }
0x60: {  	_ =	shalt  }
0x61: {  	_ =	shalt  }
0x62: {  	_ =	shalt  }
0x63: {  	_ =	shalt  }
0x64: {  	_ =	shalt  }
0x65: {  	_ =	shalt  }
0x66: {  	_ =	shalt  }
0x67: {  	_ =	shalt  }
0x68: {  	_ =	shalt  }
0x69: {  	_ =	shalt  }
0x6a: {  	_ =	shalt  }
0x6b: {  	_ =	shalt  }
0x6c: {  	_ =	shalt  }
0x6d: {  	_ =	shalt  }
0x6e: {  	_ =	shalt  }
0x6f: {  	_ =	shalt  }
0x70: {  	_ =	shalt  }
0x71: {  	_ =	shalt  }
0x72: {  	_ =	shalt  }
0x73: {  	_ =	shalt  }
0x74: {  	_ =	shalt  }
0x75: {  	_ =	shalt  }
0x76: {  	_ =	shalt  }
0x77: {  	_ =	shalt  }
0x78: {  	_ =	shalt  }
0x79: {  	_ =	shalt  }
0x7a: {  	_ =	shalt  }
0x7b: {  	_ =	shalt  }
0x7c: {  	_ =	shalt  }
0x7d: {  	_ =	shalt  }
0x7e: {  	_ =	shalt  }
0x7f: {  	_ =	shalt  }
0x80: {  	_ =	shalt  }
0x81: {  	_ =	shalt  }
0x82: {  	_ =	shalt  }
0x83: {  	_ =	shalt  }
0x84: {  	_ =	shalt  }
0x85: {  	_ =	shalt  }
0x86: {  	_ =	shalt  }
0x87: {  	_ =	shalt  }
.Lfunc_end0:
.L_simem_size_0:
called_computation_lowered:
.L_overlay_start_0:
0x88: {  	s2 =	sld [smem:$0x3FD9]  }
0x89: {  	s3 =	sld [smem:$0x3FFE];
	_ =	sdelay $0x1  }
0x8a: {  	s1 =	srdreg.scid  }
0x8b: {  	s0 =	sand.u32 $0x1, s1  }
0x8c: {  	s16 =	sshll.u32 s0, $0xA;
	s2 =	sadd.s32 s3, s2  }
0x8d: {  	s2 =	sadd.s32 s2, s16  }
0x8e: {  	[smem:$0x3FAF] =	sst s2  }
0x8f: {  	_ = 	snop  }
0x90: {  	(tm) =	ssettm $0x1  }
0x91: {  	s17 =	sld [smem:$0x3FFB];
	_ =	sdelay $0x3  }
0x92: {  	_ =	strace s17  }
0x93: {  	s2 =	sld [smem:$0x3FFC];
	_ =	sdelay $0x3  }
0x94: {  	_ =	strace s2  }
0x95: {  	s2 =	sld [smem:$0x3FFD];
	_ =	sdelay $0x3  }
0x96: {  	_ =	strace s2  }
0x97: {  	_ =	strace $0x8FFFFFFF  }
0x98: {  	s18 =	sld [smem:$0x3FDB];
	_ =	sdelay $0x1  }
0x99: {  	s19 =	simm.s32 $_scs_section_size  }
0x9a: {  	s4 =	simm.s32 $_size__tile_overlayer_lowered;
	s5 =	simm.s32 $_tile_overlayer_lowered  }
0x9b: {  	s22 =	simm.s32 $0x1BFF;
	s21 =	sshll.u32 s5, $0x1;
	s2 =	sadd.s32 s19, s18  }
0x9c: {  	s6 =	simm.s32 $0x0;
	s20 =	sshll.u32 s4, $0x1;
	s4 =	sadd.s32 s21, s2  }
0x9d: {  	[timem:s6], [sflag:s22] =	dma.local [hbm:s4], s20  }
0x9e: {  	_ =	swait.ge [sflag:s22], s20  }
0x9f: {  	s3 =	ssub.s32 $0x0, s20;
	[sflag:s22] =	ssyncset.done $0x0  }
0xa0: {  	[sflag:s22] =	ssyncadd.s32 s3;
	_ =	sdelay $0x1  }
0xa1: {  	s23 =	simm.s32 $0x1B8B  }
0xa2: {  	_ =	swait.ge [sflag:s23], $0x1  }
0xa3: {  	[sflag:s23] =	ssyncset.done $0x0  }
0xa4: {  	s25 =	simm.s32 $0x1B8E;
	s24 =	sld [smem:$0x3FFE];
	[sflag:s23] =	ssyncadd.s32 $0xFFFFFFFF  }
0xa5: {  	s26 =	simm.s32 $execute0_lowered;
	[smem:$0x3FD2] =	sst s25  }
0xa6: {  	s4 =	sshll.u32 s26, $0x1;
	_ =	strace $0x80000046;
	[dreg:$0x1] =	wrdreg $0xFFFFFFFF  }
0xa7: {  	s28 =	simm.s32 $_size_execute0_lowered;
	s2 =	sadd.s32 s2, s4;
	[dreg:$0x0] =	wrdreg $0x0  }
0xa8: {  	s4 =	sshll.u32 s28, $0x1;
	[dreg:$0x2] =	wrdreg s2  }
0xa9: {  	[dreg:$0x3] =	wrdreg s4  }
0xaa: {  	[dreg:$0x4] =	wrdreg $0xC0  }
0xab: {  	_ =	task [dreg:s6], $0x5FFFF  }
0xac: {  	[dreg:$0x1] =	wrdreg $0xFFFFFFFF  }
0xad: {  	[dreg:$0x0] =	wrdreg $0x60  }
0xae: {  	[dreg:$0x2] =	wrdreg s24  }
0xaf: {  	[dreg:$0x3] =	wrdreg $0x9  }
0xb0: {  	_ =	task.clear_ibuf [dreg:s6], $0x4FFFF;
	_ =	strace $0x90000046  }
0xb1: {  	s29 =	simm.s32 $0x9;
	_ =	strace $0x80000048  }
0xb2: {  	_ =	swait.ge [sflag:s29], $0x1  }
0xb3: {  	[sflag:s29] =	ssyncadd.s32 $0xFFFFFFFF  }
0xb4: {  	_ =	strace $0x90000048  }
0xb5: {  	_ =	sfence  }
0xb6: {  	s30 =	sld [smem:$0x0];
	_ =	sdelay $0x2  }
0xb7: {  	s31 =	sshll.u32 s1, $0xD;
	s1 =	sshrl.u32 s1, $0x2  }
0xb8: {  	s3 =	sand.u32 $0x4000, s31;
	s1 =	sadd.s32 s1, s30  }
0xb9: {  	s0 =	sor.u32 s3, s0;
	s1 =	sshll.u32 s1, $0x11  }
0xba: {  	s0 =	sor.u32 s1, s0  }
0xbb: {  	s0 =	sadd.s32 $0x8F2B, s0  }
0xbc: {  	[sflag:s0] =	ssyncadd.remote.s32 $0x1  }
0xbd: {  	_ =	sfence.sel $0xFFFF  }
0xbe: {  	[dreg:$0x0] =	wrdreg $0xFFFFFFFF;
	(pc) =	sbr.abs _section_cstart, $3  }
0xbf: {  	[dreg:$0x1] =	wrdreg $0xFFFFFFFF  }
0xc0: {  	_ =	task.clear_ibuf [dreg:s6], $0x2FFFF;
	_ =	strace $0x9FFFFFFF  }
0xc1: {  	(tm) =	ssettm $0x7FFFFFFF  }
tec
execute0_lowered:
.L_overlay_start_1:
0x0: {  	(tag) =	ssettag $0x1  }
0x1: {  	s5 =	rddreg [dreg:$0x0]  }
0x2: {  	s1 =	srdreg.scid;
	s0 =	rddreg [dreg:$0x1];
	s2 =	simm.s32 $0x0  }
0x3: {  	s11 =	simm.s32 $0x800;
	s12 =	simm.s32 $0x80;
	s13 =	simm.s32 $0x1000  }
0x4: {  	s14 =	simm.s32 $0x5000;
	s15 =	simm.s32 $0x1;
	s16 =	simm.s32 $0x2  }
0x5: {  	s17 =	simm.s32 $0x3;
	s18 =	simm.s32 $0x0;
	s4 =	sand.u32 $0x1, s1  }
0x6: {  	[smem:$0x7FF] =	sst s2;
	s1 =	stileid.u32;
	s3 =	sshll.u32 s4, $0x4  }
0x7: {  	_ =	strace $0x80000047;
	s7 =	ssub.s32 $0x2, s4;
	s8 =	sor.u32 s1, s3  }
0x8: {  	s4 =	sadd.s32 $0x283600, s5;
	s3 =	sadd.s32 $0x5600, s5;
	s6 =	sshll.u32 s8, $0x8  }
0x9: {  	s31 =	sshrl.u32 s7, $0x1;
	s8 =	smul.u32 $0x600, s8;
	s9 =	sadd.s32 s6, s5  }
0xa: {  	s10 =	ssub.s32 s7, s31;
	s5 =	sadd.s32 $0x2BA600, s5;
	s6 =	sadd.s32 $0x2B8600, s9  }
0xb: {  	s7 =	sadd.s32 $0x2B6600, s9;
	s9 =	smax.u32 s10, $0x1;
	s10 =	simm.s32 $0x4  }
.LBB2_1:
0xc: {  	[tilespmem:s2], [sflag:$0x4] =	stream.linear.gather [hbm4b:s6+s2], $0x600, $0x38;
	[tilespmem:$0x9000] =	vst v63  }
0xd: {  	_ =	swait.ge [sflag:s10], $0x600  }
0xe: {  	[sflag:s10] =	ssyncset.done $0x0  }
0xf: {  	[sflag:s10] =	ssyncadd.s32 $0xFFFFFA00  }
0x10: {  	[tilespmem:s11], [sflag:$0x4] =	stream.linear.gather [hbm4b:s7+s2], $0x600, $0x38;
	[tilespmem:$0x9000] =	vst v63  }
0x11: {  	_ =	swait.ge [sflag:s10], $0x600  }
0x12: {  	[sflag:s10] =	ssyncset.done $0x0  }
0x13: {  	s19 =	simm.s32 $0x0;
	[sflag:s10] =	ssyncadd.s32 $0xFFFFFA00  }
.LBB2_2:
0x14: {  	s20 =	sshll.u32 s19, $0x7  }
0x15: {  	[tilespmem:s13], [sflag:$0x1] =	stream.indirect.gather [hbm4b:s3+s12], $0x80, s20, s12, $0xb8;
	[tilespmem:$0x9000] =	vst v63  }
0x16: {  	s21 =	sadd.s32 $0x800, s20  }
0x17: {  	[tilespmem:s14], [sflag:$0x2] =	stream.indirect.gather [hbm4b:s4+s12], $0x80, s21, s12, $0xb8;
	[tilespmem:$0x9000] =	vst v63  }
0x18: {  	_ =	swait.ge [sflag:s15], $0x4000  }
0x19: {  	[sflag:s15] =	ssyncset.done $0x0  }
0x1a: {  	[sflag:s15] =	ssyncadd.s32 $0xFFFFC000  }
0x1b: {  	_ =	swait.ge [sflag:s16], $0x4000  }
0x1c: {  	[sflag:s16] =	ssyncset.done $0x0  }
0x1d: {  	s21 =	simm.s32 $0x0;
	[sflag:s16] =	ssyncadd.s32 $0xFFFFC000  }
0x1e: {  	v7 =	vld [tilespmem:s21+$0x5000]  }
0x1f: {  	v11 =	vld [tilespmem:s21+$0x5010]  }
0x20: {  	v5 =	vld [tilespmem:s21+$0x5020]  }
0x21: {  	v4 =	vld [tilespmem:s21+$0x5030]  }
0x22: {  	v3 =	vld [tilespmem:s21+$0x5040]  }
0x23: {  	v2 =	vld [tilespmem:s21+$0x5050]  }
0x24: {  	v1 =	vld [tilespmem:s21+$0x5060]  }
0x25: {  	v0 =	vld [tilespmem:s21+$0x5070]  }
0x26: {  	v12 =	vld [tilespmem:s21+$0x1000]  }
0x27: {  	v13 =	vld [tilespmem:s21+$0x1010]  }
0x28: {  	v10 =	vld [tilespmem:s21+$0x1020]  }
0x29: {  	v9 =	vld [tilespmem:s21+$0x1030]  }
0x2a: {  	v8 =	vld [tilespmem:s21+$0x1040]  }
0x2b: {  	v6 =	vld [tilespmem:s21+$0x1050];
	v12 =	vadd.f32 v7, v12  }
0x2c: {  	s22 =	simm.s32 $0x200;
	v11 =	vadd.f32 v11, v13;
	v7 =	vld [tilespmem:s21+$0x1060]  }
.LBB2_3:
0x2d: {  	s23 =	sshra.s32 s22, $0x2;
	p0 =	sne.s32 s22, $0xFE00;
	[tilespmem:s21+$0x1000] =	vst v12;
	v5 =	vadd.f32 v5, v10;
	v10 =	vld [tilespmem:s21+$0x1070]  }
0x2e: {  	v12 =	vld [tilespmem:s23+$0x5000];
	[tilespmem:s21+$0x1010] =	vst v11;
	v4 =	vadd.f32 v4, v9  }
0x2f: {  	v11 =	vld [tilespmem:s23+$0x5010];
	[tilespmem:s21+$0x1020] =	vst v5;
	v3 =	vadd.f32 v3, v8  }
0x30: {  	v5 =	vld [tilespmem:s23+$0x5020];
	[tilespmem:s21+$0x1030] =	vst v4;
	v2 =	vadd.f32 v2, v6  }
0x31: {  	v4 =	vld [tilespmem:s23+$0x5030];
	[tilespmem:s21+$0x1040] =	vst v3;
	v1 =	vadd.f32 v1, v7  }
0x32: {  	v3 =	vld [tilespmem:s23+$0x5040];
	[tilespmem:s21+$0x1050] =	vst v2;
	v0 =	vadd.f32 v0, v10  }
0x33: {  	v2 =	vld [tilespmem:s23+$0x5050];
	[tilespmem:s21+$0x1060] =	vst v1  }
0x34: {  	v1 =	vld [tilespmem:s23+$0x5060];
	[tilespmem:s21+$0x1070] =	vst v0;
	s21 =	smov.u32 s23  }
0x35: {  	v0 =	vld [tilespmem:s21+$0x5070]  }
0x36: {  	v6 =	vld [tilespmem:s21+$0x1000]  }
0x37: {  	v7 =	vld [tilespmem:s21+$0x1010]  }
.Ltmp0:
0x38: {  	v10 =	vld [tilespmem:s21+$0x1020];
	(pc) =	sbr.rel @p0 .LBB2_3-.Ltmp0, $4  }
0x39: {  	v9 =	vld [tilespmem:s21+$0x1030]  }
0x3a: {  	v8 =	vld [tilespmem:s21+$0x1040]  }
0x3b: {  	v12 =	vadd.f32 v12, v6;
	v6 =	vld [tilespmem:s21+$0x1050]  }
0x3c: {  	s22 =	sadd.s32 $0x200, s22;
	v11 =	vadd.f32 v11, v7;
	v7 =	vld [tilespmem:s21+$0x1060]  }
0x3d: {  	[tilespmem:s21+$0x1000] =	vst v12;
	v5 =	vadd.f32 v5, v10;
	v63 =	vld [tilespmem:s21+$0x1070]  }
0x3e: {  	[tilespmem:s21+$0x1010] =	vst v11;
	v4 =	vadd.f32 v4, v9  }
0x3f: {  	[tilespmem:s21+$0x1020] =	vst v5;
	v3 =	vadd.f32 v3, v8  }
0x40: {  	[tilespmem:s21+$0x1030] =	vst v4;
	v2 =	vadd.f32 v2, v6  }
0x41: {  	[tilespmem:s21+$0x1040] =	vst v3;
	v1 =	vadd.f32 v1, v7  }
0x42: {  	s20 =	sadd.s32 s8, s20;
	s19 =	sadd.s32 $0x1, s19;
	[tilespmem:s21+$0x1050] =	vst v2;
	v0 =	vadd.f32 v0, v63  }
0x43: {  	s20 =	sshll.u32 s20, $0x4;
	p0 =	sne.s32 s19, $0xC;
	[tilespmem:s21+$0x1060] =	vst v1  }
.Ltmp1:
0x44: {  	s20 =	sadd.s32 s5, s20;
	[tilespmem:s21+$0x1070] =	vst v0;
	(pc) =	sbr.rel @p0 .LBB2_2-.Ltmp1, $4  }
0x45: {  	[hbm4b:s20+s2] =	stream.linear.scatter [tilespmem:s13], [sflag:$0x3], $0x4000, $0x38;
	[tilespmem:$0x9000] =	vst v63  }
0x46: {  	_ =	swait.ge [sflag:s17], $0x4000  }
0x47: {  	[sflag:s17] =	ssyncset.done $0x0  }
0x48: {  	[sflag:s17] =	ssyncadd.s32 $0xFFFFC000  }
0x49: {  	s18 =	sadd.s32 $0x1, s18  }
0x4a: {  	p0 =	sne.s32 s18, s9  }
.Ltmp2:
0x4b: {  	_ = 	snop;
	(pc) =	sbr.rel @p0 .LBB2_1-.Ltmp2, $1  }
0x4c: {  	_ =	sdelay $0x3  }
0x4d: {  	_ =	sfence.sel $0x180000  }
0x4e: {  	[bflag:$0x0] =	sbarrier.arrive $0xFFFF  }
0x4f: {  	p0 =	sne.s32 s1, $0x0;
	_ =	strace $0x90000047  }
0x50: {  	s0 =	sadd.s32 @!p0 $0x100000, s0;
	[bflag:$0x2] =	sbarrier.arrive $0xFFFF  }
0x51: {  	[sflag:s0] =	ssyncadd.tile.s32 @!p0 $0x1;
	_ =	shalt  }
.Lfunc_end2:
_tile_overlayer_lowered:
.L_overlay_start_2:
0x52: {  	(tag) =	ssettag $0x2  }
0x53: {  	s0 =	rddreg [dreg:$0x0];
	s2 =	stileid.u32  }
0x54: {  	s1 =	rddreg [dreg:$0x1];
	p0 =	sne.s32 s2, $0x0  }
0x55: {  	s3 =	rddreg [dreg:$0x2];
	[bflag:$0x3] =	sbarrier.arrive $0xFFFF;
	s2 =	simm.s32 @!p0 $0x1C04  }
0x56: {  	[timem:s3], [sflag:s2] =	dma.local @!p0 [hbm:s0], s1  }
0x57: {  	s0 =	simm.s32 @!p0 $0x4  }
0x58: {  	_ =	swait.ge @!p0 [sflag:s0], s1  }
0x59: {  	s1 =	ssub.s32 @!p0 $0x0, s1;
	[sflag:s0] =	ssyncset.done @!p0 $0x0  }
0x5a: {  	[sflag:s0] =	ssyncadd.s32 @!p0 s1  }
0x5b: {  	[bflag:$0x3] =	sbarrier.arrive $0xFFFF  }
0x5c: {  	_ =	shalt  }

// kernel: kernel.16.cloned.1.call-start
scs
__scs_entry_jumppad:
0x0: {  	(pc) =	sbr.rel $0x88, $3  }
0x1: {  	(tag) =	ssettag $0x0;
	lr =	simm.s32 $0x1  }
0x2: {  	[smem:$0x3F88] =	sst lr;
	_ =	strace $0xD0000000  }
0x3: {  	_ = 	snop  }
0x4: {  	_ = 	snop  }
0x5: {  	_ = 	snop  }
0x6: {  	_ = 	snop  }
0x7: {  	_ = 	snop  }
__scs_overlays_trampoline_lowered:
0x8: {  	[smem:$0x3F97] =	sst s0  }
0x9: {  	[smem:$0x3F98] =	sst s1  }
0xa: {  	[smem:$0x3F99] =	sst s2  }
0xb: {  	[smem:$0x3F9A] =	sst s3  }
0xc: {  	[smem:$0x3F9B] =	sst s4  }
0xd: {  	[smem:$0x3F9C] =	sst s5  }
0xe: {  	[smem:$0x3F9D] =	sst s6  }
0xf: {  	[smem:$0x3F9E] =	sst s7  }
0x10: {  	[smem:$0x3F9F] =	sst s8  }
0x11: {  	[smem:$0x3FA0] =	sst s9;
	s0 =	simm.s32 @!p0 $0x0  }
0x12: {  	s1 =	sld [smem:$0x3F86];
	s0 =	simm.s32 @p0 $0x1  }
0x13: {  	[smem:$0x3FA1] =	sst s0;
	s0 =	simm.s32 @!p1 $0x0  }
0x14: {  	s2 =	sld [smem:$0x3F85];
	s0 =	simm.s32 @p1 $0x1  }
0x15: {  	[smem:$0x3FA2] =	sst s0;
	s0 =	simm.s32 @!p2 $0x0  }
0x16: {  	s3 =	sld [smem:$0x3FDB];
	s0 =	simm.s32 @p2 $0x1  }
0x17: {  	s4 =	simm.s32 $0x1BF5;
	[smem:$0x3FA4] =	sst s0  }
0x18: {  	s0 =	sld [smem:$0x3F87];
	_ =	swait.ge [sflag:s4], $0x0  }
0x19: {  	s7 =	sld [smem:$0x3F88]  }
0x1a: {  	s8 =	sadd.s32 $0xFFFFE003, lr  }
0x1b: {  	s9 =	sadd.s32 $0xFFFFFEF7, lr;
	s5 =	simm.s32 $0xFFFFFFFF;
	p2 =	slt.u32 s8, $0xFFFFF086  }
0x1c: {  	p1 =	slt.u32 s9, $0xF7A;
	s5 =	simm.s32 @!p2 $0x0  }
0x1d: {  	s5 =	simm.s32 @p1 $0x1;
	p0 =	seq.s32 s7, s2  }
0x1e: {  	s7 =	smul.u32 @!p0 $0xF7A, s2;
	p2 =	seq.s32 @!p0 s5, $0x0  }
0x1f: {  	s9 =	smul.u32 $0xF7A, s1;
	s8 =	simm.s32 @!p0 $0x1BF5;
	p2 =	por !p2, p0  }
0x20: {  	[sflag:s8] =	ssyncset.s32 @!p0 $0xFFFFF086;
	s6 =	sadd.s32 @!p0 s3, s7;
	s7 =	simm.s32 @!p0 $0x108  }
0x21: {  	s3 =	sadd.s32 s3, s9;
	s6 =	sadd.s32 @!p0 $0x88, s6;
	s7 =	simm.s32 @p2 $0x1082  }
0x22: {  	[simem:s7], [sflag:s8] =	dma.local @!p0 [hbm:s6], $0xF7A  }
0x23: {  	s9 =	sor.u32 $0xD0000000, s2;
	s6 =	simm.s32 $0x108;
	_ =	swait.ge @!p0 [sflag:s8], $0x0  }
0x24: {  	s3 =	sadd.s32 $0x88, s3;
	s6 =	simm.s32 @!p1 $0x1082;
	[sflag:s4] =	ssyncset.s32 $0xFFFFF086  }
0x25: {  	[simem:s6], [sflag:s4] =	dma.local [hbm:s3], $0xF7A  }
0x26: {  	[smem:$0x3F88] =	sst s1;
	(tag) =	ssettag s2;
	_ =	strace s9  }
0x27: {  	s1 =	sld [smem:$0x3F98]  }
0x28: {  	s2 =	sld [smem:$0x3F99]  }
0x29: {  	s4 =	sld [smem:$0x3F9B]  }
0x2a: {  	p0 =	seq.s32 s5, $0x0;
	s5 =	sld [smem:$0x3F9C]  }
0x2b: {  	s6 =	sld [smem:$0x3F9D]  }
0x2c: {  	s7 =	sld [smem:$0x3F9E]  }
0x2d: {  	s3 =	simm.s32 $0x108;
	s8 =	sld [smem:$0x3F9F]  }
0x2e: {  	s3 =	simm.s32 @!p0 $0x1082;
	s9 =	sld [smem:$0x3FA0]  }
0x2f: {  	lr =	sadd.s32 s0, s3;
	s0 =	sld [smem:$0x3F97]  }
0x30: {  	s3 =	sld [smem:$0x3F9A]  }
0x31: {  	[smem:$0x3FA3] =	sst s10  }
0x32: {  	s10 =	sld [smem:$0x3FA1];
	_ =	sdelay $0x3  }
0x33: {  	p0 =	seq.s32 s10, $0x1;
	s10 =	sld [smem:$0x3FA3];
	_ =	sdelay $0x3  }
0x34: {  	[smem:$0x3FA3] =	sst s10  }
0x35: {  	s10 =	sld [smem:$0x3FA2];
	_ =	sdelay $0x3  }
0x36: {  	p1 =	seq.s32 s10, $0x1;
	s10 =	sld [smem:$0x3FA3];
	_ =	sdelay $0x3  }
0x37: {  	[smem:$0x3FA3] =	sst s10  }
0x38: {  	s10 =	sld [smem:$0x3FA4]  }
0x39: {  	_ = 	snop;
	(pc) =	sbr.ind lr, $3  }
0x3a: {  	_ = 	snop  }
0x3b: {  	_ = 	snop  }
0x3c: {  	p2 =	seq.s32 s10, $0x1;
	s10 =	sld [smem:$0x3FA3]  }
0x3d: {  	_ =	shalt  }
0x3e: {  	_ =	shalt  }
0x3f: {  	_ =	shalt  }
0x40: {  	_ =	shalt  }
0x41: {  	_ =	shalt  }
0x42: {  	_ =	shalt  }
0x43: {  	_ =	shalt  }
0x44: {  	_ =	shalt  }
0x45: {  	_ =	shalt  }
0x46: {  	_ =	shalt  }
0x47: {  	_ =	shalt  }
0x48: {  	_ =	shalt  }
0x49: {  	_ =	shalt  }
0x4a: {  	_ =	shalt  }
0x4b: {  	_ =	shalt  }
0x4c: {  	_ =	shalt  }
0x4d: {  	_ =	shalt  }
0x4e: {  	_ =	shalt  }
0x4f: {  	_ =	shalt  }
0x50: {  	_ =	shalt  }
0x51: {  	_ =	shalt  }
0x52: {  	_ =	shalt  }
0x53: {  	_ =	shalt  }
0x54: {  	_ =	shalt  }
0x55: {  	_ =	shalt  }
0x56: {  	_ =	shalt  }
0x57: {  	_ =	shalt  }
0x58: {  	_ =	shalt  }
0x59: {  	_ =	shalt  }
0x5a: {  	_ =	shalt  }
0x5b: {  	_ =	shalt  }
0x5c: {  	_ =	shalt  }
0x5d: {  	_ =	shalt  }
0x5e: {  	_ =	shalt  }
0x5f: {  	_ =	shalt  }
0x60: {  	_ =	shalt  }
0x61: {  	_ =	shalt  }
0x62: {  	_ =	shalt  }
0x63: {  	_ =	shalt  }
0x64: {  	_ =	shalt  }
0x65: {  	_ =	shalt  }
0x66: {  	_ =	shalt  }
0x67: {  	_ =	shalt  }
0x68: {  	_ =	shalt  }
0x69: {  	_ =	shalt  }
0x6a: {  	_ =	shalt  }
0x6b: {  	_ =	shalt  }
0x6c: {  	_ =	shalt  }
0x6d: {  	_ =	shalt  }
0x6e: {  	_ =	shalt  }
0x6f: {  	_ =	shalt  }
0x70: {  	_ =	shalt  }
0x71: {  	_ =	shalt  }
0x72: {  	_ =	shalt  }
0x73: {  	_ =	shalt  }
0x74: {  	_ =	shalt  }
0x75: {  	_ =	shalt  }
0x76: {  	_ =	shalt  }
0x77: {  	_ =	shalt  }
0x78: {  	_ =	shalt  }
0x79: {  	_ =	shalt  }
0x7a: {  	_ =	shalt  }
0x7b: {  	_ =	shalt  }
0x7c: {  	_ =	shalt  }
0x7d: {  	_ =	shalt  }
0x7e: {  	_ =	shalt  }
0x7f: {  	_ =	shalt  }
0x80: {  	_ =	shalt  }
0x81: {  	_ =	shalt  }
0x82: {  	_ =	shalt  }
0x83: {  	_ =	shalt  }
0x84: {  	_ =	shalt  }
0x85: {  	_ =	shalt  }
0x86: {  	_ =	shalt  }
0x87: {  	_ =	shalt  }
.Lfunc_end0:
.L_simem_size_0:
called_computation.1_lowered:
.L_overlay_start_0:
0x88: {  	s2 =	sld [smem:$0x3FD9]  }
0x89: {  	s3 =	sld [smem:$0x3FFE];
	_ =	sdelay $0x1  }
0x8a: {  	s1 =	srdreg.scid  }
0x8b: {  	s0 =	sand.u32 $0x1, s1  }
0x8c: {  	s17 =	sshll.u32 s0, $0xA;
	s2 =	sadd.s32 s3, s2  }
0x8d: {  	s2 =	sadd.s32 s2, s17  }
0x8e: {  	[smem:$0x3FAF] =	sst s2  }
0x8f: {  	_ = 	snop  }
0x90: {  	(tm) =	ssettm $0x1  }
0x91: {  	s18 =	sld [smem:$0x3FFB];
	_ =	sdelay $0x3  }
0x92: {  	_ =	strace s18  }
0x93: {  	s2 =	sld [smem:$0x3FFC];
	_ =	sdelay $0x3  }
0x94: {  	_ =	strace s2  }
0x95: {  	s2 =	sld [smem:$0x3FFD];
	_ =	sdelay $0x3  }
0x96: {  	_ =	strace s2  }
0x97: {  	_ =	strace $0x8FFFFFFF  }
0x98: {  	s19 =	sld [smem:$0x3FDB];
	_ =	sdelay $0x1  }
0x99: {  	s20 =	simm.s32 $_scs_section_size  }
0x9a: {  	s4 =	simm.s32 $_size__tile_overlayer_lowered;
	s5 =	simm.s32 $_tile_overlayer_lowered  }
0x9b: {  	s6 =	simm.s32 $0x1BFF;
	s21 =	sshll.u32 s5, $0x1;
	s3 =	sadd.s32 s20, s19  }
0x9c: {  	s22 =	simm.s32 $0x0;
	s4 =	sshll.u32 s4, $0x1;
	s5 =	sadd.s32 s21, s3  }
0x9d: {  	[timem:s22], [sflag:s6] =	dma.local [hbm:s5], s4  }
0x9e: {  	_ =	swait.ge [sflag:s6], s4  }
0x9f: {  	s4 =	ssub.s32 $0x0, s4;
	[sflag:s6] =	ssyncset.done $0x0  }
0xa0: {  	[sflag:s6] =	ssyncadd.s32 s4;
	_ =	sdelay $0x1  }
0xa1: {  	s23 =	simm.s32 $0x1B8B  }
0xa2: {  	_ =	swait.ge [sflag:s23], $0x1  }
0xa3: {  	[sflag:s23] =	ssyncset.done $0x0  }
0xa4: {  	[sflag:s23] =	ssyncadd.s32 $0xFFFFFFFF  }
0xa5: {  	s4 =	sld [smem:$0x0]  }
0xa6: {  	s5 =	sand.u32 $0xFFFFFFFE, s1  }
0xa7: {  	p0 =	sne.s32 s1, s5  }
0xa8: {  	s5 =	sshll.u32 @p0 s5, $0xE  }
0xa9: {  	s5 =	sadd.s32 @p0 $0x11B8D, s5;
	s6 =	sshll.u32 @p0 s4, $0x11  }
0xaa: {  	s5 =	sor.u32 @p0 s6, s5  }
0xab: {  	[sflag:s5] =	ssyncadd.remote.s32 @p0 $0x1;
	_ =	sdelay $0x1  }
0xac: {  	s5 =	simm.s32 @p0 $0x1B8D  }
0xad: {  	_ =	swait.eq @p0 [sflag:s5], $0x1  }
0xae: {  	[sflag:s5] =	ssyncadd.s32 @p0 $0xFFFFFFFF  }
0xaf: {  	s6 =	sshll.u32 @!p0 s1, $0xE  }
0xb0: {  	s6 =	sor.u32 @!p0 $0x4000, s6;
	s5 =	simm.s32 @!p0 $0x1B8D  }
0xb1: {  	s4 =	sshll.u32 @!p0 s4, $0x11;
	s6 =	sadd.s32 @!p0 $0x11B8D, s6;
	_ =	swait.eq @!p0 [sflag:s5], $0x1  }
0xb2: {  	s4 =	sor.u32 @!p0 s4, s6;
	[sflag:s5] =	ssyncadd.s32 @!p0 $0xFFFFFFFF  }
0xb3: {  	s25 =	simm.s32 $0x1B8E;
	s24 =	sld [smem:$0x3FFE];
	[sflag:s4] =	ssyncadd.remote.s32 @!p0 $0x1  }
0xb4: {  	s26 =	simm.s32 $execute0_lowered;
	[smem:$0x3FD2] =	sst s25  }
0xb5: {  	s5 =	sshll.u32 s26, $0x1;
	_ =	strace $0x8000005B;
	[dreg:$0x1] =	wrdreg $0xFFFFFFFF  }
0xb6: {  	s28 =	simm.s32 $_size_execute0_lowered;
	s3 =	sadd.s32 s3, s5;
	[dreg:$0x0] =	wrdreg $0x0  }
0xb7: {  	s5 =	sshll.u32 s28, $0x1;
	[dreg:$0x2] =	wrdreg s3  }
0xb8: {  	[dreg:$0x3] =	wrdreg s5  }
0xb9: {  	[dreg:$0x4] =	wrdreg $0xC0  }
0xba: {  	_ =	task [dreg:s22], $0x5FFFF  }
0xbb: {  	[dreg:$0x1] =	wrdreg $0xFFFFFFFF  }
0xbc: {  	[dreg:$0x0] =	wrdreg $0x60  }
0xbd: {  	[dreg:$0x2] =	wrdreg s24  }
0xbe: {  	[dreg:$0x3] =	wrdreg $0x94800  }
0xbf: {  	[dreg:$0x4] =	wrdreg $0x124800  }
0xc0: {  	[dreg:$0x5] =	wrdreg $0xA  }
0xc1: {  	_ =	task.clear_ibuf [dreg:s22], $0x6FFFF;
	_ =	strace $0x9000005B  }
0xc2: {  	s29 =	simm.s32 $0xA;
	_ =	strace $0x80000060  }
0xc3: {  	_ =	swait.ge [sflag:s29], $0x1  }
0xc4: {  	[sflag:s29] =	ssyncadd.s32 $0xFFFFFFFF  }
0xc5: {  	_ =	strace $0x90000060  }
0xc6: {  	_ =	sfence  }
0xc7: {  	s30 =	sld [smem:$0x0];
	_ =	sdelay $0x2  }
0xc8: {  	s31 =	sshll.u32 s1, $0xD;
	s1 =	sshrl.u32 s1, $0x2  }
0xc9: {  	s4 =	sand.u32 $0x4000, s31;
	s1 =	sadd.s32 s1, s30  }
0xca: {  	s0 =	sor.u32 s4, s0;
	s1 =	sshll.u32 s1, $0x11  }
0xcb: {  	s0 =	sor.u32 s1, s0  }
0xcc: {  	s0 =	sadd.s32 $0x8F2B, s0  }
0xcd: {  	[sflag:s0] =	ssyncadd.remote.s32 $0x1  }
0xce: {  	_ =	sfence.sel $0xFFFF  }
0xcf: {  	[dreg:$0x0] =	wrdreg $0xFFFFFFFF;
	(pc) =	sbr.abs _section_cstart, $3  }
0xd0: {  	[dreg:$0x1] =	wrdreg $0xFFFFFFFF  }
0xd1: {  	_ =	task.clear_ibuf [dreg:s22], $0x2FFFF;
	_ =	strace $0x9FFFFFFF  }
0xd2: {  	(tm) =	ssettm $0x7FFFFFFF  }
0xd3: {  	_ =	shalt  }
tec
execute0_lowered:
.L_overlay_start_1:
0x0: {  	(tag) =	ssettag $0x1  }
0x1: {  	s0 =	rddreg [dreg:$0x0]  }
0x2: {  	s1 =	rddreg [dreg:$0x1]  }
0x3: {  	s2 =	rddreg [dreg:$0x2];
	s3 =	simm.s32 $0x0  }
0x4: {  	s19 =	srdreg.scid;
	s10 =	stileid.u32;
	s29 =	simm.s32 $0x180  }
0x5: {  	s31 =	simm.s32 $0x1;
	[smem:$0x7FF] =	sst s3;
	s11 =	sadd.s32 $0xA4E600, s0  }
0x6: {  	s3 =	sand.u32 $0x1, s19;
	s13 =	sadd.s32 $0xA52600, s0;
	s6 =	smul.u32 $0x9000, s10  }
0x7: {  	s7 =	sadd.s32 $0xA56600, s0;
	s12 =	sshll.u32 s10, $0x9;
	s23 =	smul.u32 $0x24000, s10  }
0x8: {  	s8 =	sadd.s32 $0xB76600, s0;
	s15 =	smul.u32 $0x30, s10;
	s19 =	simm.s32 $0x480  }
0x9: {  	_ =	strace $0x8000005C;
	s4 =	ssub.s32 $0x2, s3;
	[dreg:$0x4] =	wrdreg s11  }
0xa: {  	s9 =	sshll.u32 s3, $0x10;
	s3 =	sshll.u32 s3, $0x3;
	[dreg:$0x5] =	wrdreg s13  }
0xb: {  	s26 =	sor.u32 $0x2000, s12;
	s5 =	sshrl.u32 s4, $0x1;
	s21 =	sor.u32 s12, s9  }
0xc: {  	s22 =	sadd.s32 s6, s1;
	s6 =	sadd.s32 s6, s2;
	[dreg:$0x8] =	wrdreg s3  }
0xd: {  	[dreg:$0xb] =	wrdreg s26;
	s28 =	sshrl.u32 s23, $0x2;
	s23 =	simm.s32 $0x80  }
0xe: {  	s26 =	simm.s32 $0x100;
	s20 =	ssub.s32 s4, s5;
	[dreg:$0x6] =	wrdreg s22  }
0xf: {  	s4 =	sshrl.u32 s21, $0x3;
	[dreg:$0x7] =	wrdreg s6;
	s30 =	sadd.s32 s28, s1  }
.Ltmp0:
0x10: {  	s3 =	sadd.s32 s28, s2;
	s21 =	simm.s32 $0x2;
	(pc) =	sbr.rel .LBB2_1-.Ltmp0, $4  }
0x11: {  	s22 =	simm.s32 $0x3;
	s5 =	simm.s32 $0x0;
	s24 =	sadd.s32 s11, s4  }
0x12: {  	s25 =	sadd.s32 s13, s4;
	s0 =	smax.u32 s20, $0x1;
	[dreg:$0x9] =	wrdreg s24  }
0x13: {  	s20 =	simm.s32 $0x200;
	s13 =	simm.s32 $0x0;
	[dreg:$0xa] =	wrdreg s25  }
0x14: {  	v0 =	vimm.f32 $1.000000000e+00;
	v1 =	vimm.f32 $0.0e+00;
	[dreg:$0xc] =	wrdreg s0;
	s24 =	simm.s32 $0x400;
	s0 =	simm.s32 $0x10  }
.LBB2_9:
0x15: {  	[bflag:$0x0] =	sbarrier.arrive $0xFFFF  }
.LBB2_11:
0x16: {  	s5 =	rddreg [dreg:$0xd]  }
0x17: {  	s4 =	rddreg [dreg:$0xc];
	s5 =	sadd.s32 $0x1, s5  }
0x18: {  	p0 =	sne.s32 s5, s4  }
.Ltmp1:
0x19: {  	_ = 	snop;
	(pc) =	sbr.rel @!p0 .LBB2_12-.Ltmp1, $1  }
0x1a: {  	_ =	sdelay $0x3  }
.LBB2_1:
0x1b: {  	[tilespmem:$0x400] =	vst v0  }
0x1c: {  	[tilespmem:$0x410] =	vst v0  }
0x1d: {  	[tilespmem:$0x420] =	vst v0  }
0x1e: {  	[tilespmem:$0x430] =	vst v0  }
0x1f: {  	[tilespmem:$0x440] =	vst v0  }
0x20: {  	[tilespmem:$0x450] =	vst v0  }
0x21: {  	[tilespmem:$0x460] =	vst v0  }
0x22: {  	[dreg:$0xd] =	wrdreg s5;
	[tilespmem:$0x470] =	vst v0;
	s4 =	simm.s32 $0x40;
	s5 =	simm.s32 $0x0  }
.LBB2_2:
0x23: {  	p0 =	sne.s32 s4, $0x23FC0;
	[tilespmem:s5+$0x480] =	vst v1;
	s5 =	smov.u32 s4;
	s4 =	sadd.s32 $0x40, s4  }
.Ltmp2:
0x24: {  	(pc) =	sbr.rel @p0 .LBB2_2-.Ltmp2, $2  }
0x25: {  	_ =	sdelay $0x2  }
0x26: {  	s5 =	sshra.s32 s5, $0x2  }
0x27: {  	[tilespmem:s5+$0x480] =	vst v1;
	s4 =	rddreg [dreg:$0x6]  }
0x28: {  	[spmem:s4] =	stream.linear.scatter [tilespmem:s19], [sflag:$0x2], $0x9000, $0x38;
	[tilespmem:$0x1B480] =	vst v63  }
0x29: {  	s18 =	rddreg [dreg:$0x7]  }
0x2a: {  	[spmem:s18] =	stream.linear.scatter [tilespmem:s19], [sflag:$0x2], $0x9000, $0x38;
	[tilespmem:$0x1B480] =	vst v63  }
0x2b: {  	s25 =	rddreg [dreg:$0x9]  }
0x2c: {  	[tilespmem:s13], [sflag:$0x3] =	stream.linear.gather [hbm4b:s25+s13], $0x200, $0x38;
	[tilespmem:$0x1B480] =	vst v63  }
0x2d: {  	s28 =	rddreg [dreg:$0xa]  }
0x2e: {  	[tilespmem:s20], [sflag:$0x3] =	stream.linear.gather [hbm4b:s28+s13], $0x200, $0x38;
	[tilespmem:$0x1B480] =	vst v63  }
0x2f: {  	_ =	swait.ge [sflag:s21], $0x9000  }
0x30: {  	[sflag:s21] =	ssyncset.done $0x0  }
0x31: {  	[sflag:s21] =	ssyncadd.s32 $0xFFFF7000  }
0x32: {  	_ =	swait.ge [sflag:s21], $0x9000  }
0x33: {  	[sflag:s21] =	ssyncset.done $0x0  }
0x34: {  	[sflag:s21] =	ssyncadd.s32 $0xFFFF7000  }
0x35: {  	_ =	swait.ge [sflag:s22], $0x200  }
0x36: {  	[sflag:s22] =	ssyncset.done $0x0  }
0x37: {  	[sflag:s22] =	ssyncadd.s32 $0xFFFFFE00  }
0x38: {  	_ =	swait.ge [sflag:s22], $0x200  }
0x39: {  	[sflag:s22] =	ssyncset.done $0x0  }
0x3a: {  	[sflag:s22] =	ssyncadd.s32 $0xFFFFFE00  }
0x3b: {  	s16 =	simm.s32 $0x0;
	[bflag:$0x0] =	sbarrier.arrive $0xFFFF  }
.LBB2_4:
0x3c: {  	_ =	strace $0x8000005D  }
0x3d: {  	[spmem:s1] =	stream.indirect.scatter.add.f32 [tilespmem:s24], [sflag:$0x1], $0x1, s13, s23, $0x2000b8;
	[tilespmem:$0x1B480] =	vst v63  }
0x3e: {  	_ = 	snop  }
0x3f: {  	[spmem:s2] =	stream.indirect.scatter.add.f32 [tilespmem:s20], [sflag:$0x1], $0x1, s13, s23, $0x2000b8;
	[tilespmem:$0x1B480] =	vst v63  }
0x40: {  	_ = 	snop  }
0x41: {  	[spmem:s1] =	stream.indirect.scatter.add.f32 [tilespmem:s24], [sflag:$0x1], $0x1, s23, s23, $0x2000b8;
	[tilespmem:$0x1B480] =	vst v63  }
0x42: {  	s4 =	simm.s32 $0x280  }
0x43: {  	[spmem:s2] =	stream.indirect.scatter.add.f32 [tilespmem:s4], [sflag:$0x1], $0x1, s23, s23, $0x2000b8;
	[tilespmem:$0x1B480] =	vst v63  }
0x44: {  	_ = 	snop  }
0x45: {  	[spmem:s1] =	stream.indirect.scatter.add.f32 [tilespmem:s24], [sflag:$0x1], $0x1, s26, s23, $0x2000b8;
	[tilespmem:$0x1B480] =	vst v63  }
0x46: {  	s5 =	simm.s32 $0x300  }
0x47: {  	[spmem:s2] =	stream.indirect.scatter.add.f32 [tilespmem:s5], [sflag:$0x1], $0x1, s26, s23, $0x2000b8;
	[tilespmem:$0x1B480] =	vst v63  }
0x48: {  	_ = 	snop  }
0x49: {  	[spmem:s1] =	stream.indirect.scatter.add.f32 [tilespmem:s24], [sflag:$0x1], $0x1, s29, s23, $0x2000b8;
	[tilespmem:$0x1B480] =	vst v63  }
0x4a: {  	s6 =	simm.s32 $0x380  }
0x4b: {  	[spmem:s2] =	stream.indirect.scatter.add.f32 [tilespmem:s6], [sflag:$0x1], $0x1, s29, s23, $0x2000b8;
	[tilespmem:$0x1B480] =	vst v63  }
0x4c: {  	_ =	swait.ge [sflag:s31], $0x80  }
0x4d: {  	[sflag:s31] =	ssyncset.done $0x0  }
0x4e: {  	[sflag:s31] =	ssyncadd.s32 $0xFFFFFF80  }
0x4f: {  	_ =	swait.ge [sflag:s31], $0x80  }
0x50: {  	[sflag:s31] =	ssyncset.done $0x0  }
0x51: {  	[sflag:s31] =	ssyncadd.s32 $0xFFFFFF80  }
0x52: {  	_ =	swait.ge [sflag:s31], $0x80  }
0x53: {  	[sflag:s31] =	ssyncset.done $0x0  }
0x54: {  	[sflag:s31] =	ssyncadd.s32 $0xFFFFFF80  }
0x55: {  	_ =	swait.ge [sflag:s31], $0x80  }
0x56: {  	[sflag:s31] =	ssyncset.done $0x0  }
0x57: {  	[sflag:s31] =	ssyncadd.s32 $0xFFFFFF80  }
0x58: {  	_ =	swait.ge [sflag:s31], $0x80  }
0x59: {  	[sflag:s31] =	ssyncset.done $0x0  }
0x5a: {  	[sflag:s31] =	ssyncadd.s32 $0xFFFFFF80  }
0x5b: {  	_ =	swait.ge [sflag:s31], $0x80  }
0x5c: {  	[sflag:s31] =	ssyncset.done $0x0  }
0x5d: {  	[sflag:s31] =	ssyncadd.s32 $0xFFFFFF80  }
0x5e: {  	_ =	swait.ge [sflag:s31], $0x80  }
0x5f: {  	[sflag:s31] =	ssyncset.done $0x0  }
0x60: {  	[sflag:s31] =	ssyncadd.s32 $0xFFFFFF80  }
0x61: {  	_ =	swait.ge [sflag:s31], $0x80  }
0x62: {  	s5 =	sshrl.u32 s15, $0x3;
	s9 =	rddreg [dreg:$0x8]  }
0x63: {  	s5 =	smul.u32 $0x1800, s5;
	s12 =	sadd.s32 s9, s16  }
0x64: {  	s28 =	sadd.s32 $0x1, s15;
	s10 =	stileid.u32;
	s4 =	smul.u32 $0x90000, s12  }
0x65: {  	s14 =	sshrl.u32 s3, $0x3;
	s11 =	sshrl.u32 s30, $0x3;
	[sflag:s31] =	ssyncset.done $0x0  }
0x66: {  	s6 =	sand.u32 $0x380, s13;
	[sflag:s31] =	ssyncadd.s32 $0xFFFFFF80;
	s5 =	sadd.s32 s4, s5  }
0x67: {  	s18 =	sshrl.u32 s28, $0x3;
	_ =	strace $0x9000005D;
	s5 =	sor.u32 s6, s5  }
0x68: {  	[bflag:$0x0] =	sbarrier.arrive $0xFFFF;
	s6 =	sshll.u32 s10, $0x6;
	s5 =	sshrl.u32 s5, $0x3  }
0x69: {  	_ =	strace $0x8000005E;
	s25 =	sor.u32 $0x1C02, s6;
	s17 =	sadd.s32 s7, s5  }
0x6a: {  	[hbm:s17@s23], [sflag:s25] =	dma.strided [spmem:s11@s0], $0x60, s31, $0x10   }
0x6b: {  	s6 =	simm.s32 $0x80;
	s5 =	sadd.s32 s8, s5;
	s17 =	smov.u32 s30  }
0x6c: {  	[hbm:s5@s23], [sflag:s25] =	dma.strided [spmem:s14@s0], $0x60, s31, $0x10   }
0x6d: {  	s14 =	smul.u32 $0x1800, s18;
	s5 =	simm.s32 $0x100;
	s18 =	smov.u32 s3  }
.LBB2_5:
0x6e: {  	p0 =	sne.s32 s5, $0x1780;
	s28 =	sadd.s32 $0x1, s28;
	s17 =	sadd.s32 $0x300, s17  }
0x6f: {  	s6 =	sand.u32 $0x380, s6;
	s18 =	sadd.s32 $0x300, s18;
	s14 =	sadd.s32 s4, s14  }
0x70: {  	s6 =	sor.u32 s6, s14;
	s14 =	sshrl.u32 s18, $0x3  }
.Ltmp3:
0x71: {  	s11 =	sshrl.u32 s17, $0x3;
	s6 =	sshrl.u32 s6, $0x3;
	(pc) =	sbr.rel @p0 .LBB2_5-.Ltmp3, $4  }
0x72: {  	s9 =	sshrl.u32 s28, $0x3;
	s10 =	sadd.s32 s7, s6;
	s6 =	sadd.s32 s8, s6  }
0x73: {  	[hbm:s10@s23], [sflag:s25] =	dma.strided [spmem:s11@s0], $0x60, s31, $0x10   }
0x74: {  	[hbm:s6@s23], [sflag:s25] =	dma.strided [spmem:s14@s0], $0x60, s31, $0x10   }
0x75: {  	s14 =	smul.u32 $0x1800, s9;
	s6 =	smov.u32 s5;
	s5 =	sadd.s32 $0x80, s5  }
0x76: {  	_ = 	snop  }
0x77: {  	s5 =	sand.u32 $0x380, s6;
	s4 =	sadd.s32 s4, s14  }
0x78: {  	s18 =	sadd.s32 $0x300, s18;
	s4 =	sor.u32 s5, s4  }
0x79: {  	s28 =	sadd.s32 $0x300, s17;
	s6 =	sshrl.u32 s18, $0x3;
	s4 =	sshrl.u32 s4, $0x3  }
0x7a: {  	s5 =	sshrl.u32 s28, $0x3;
	s9 =	sadd.s32 s7, s4;
	s4 =	sadd.s32 s8, s4  }
0x7b: {  	[hbm:s9@s23], [sflag:s25] =	dma.strided [spmem:s5@s0], $0x60, s31, $0x10   }
0x7c: {  	[hbm:s4@s23], [sflag:s25] =	dma.strided [spmem:s6@s0], $0x60, s31, $0x10   }
0x7d: {  	_ =	swait.ge [sflag:s21], $0x60  }
0x7e: {  	[sflag:s21] =	ssyncset.done $0x0  }
0x7f: {  	[sflag:s21] =	ssyncadd.s32 $0xFFFFFFA0  }
0x80: {  	_ =	swait.ge [sflag:s21], $0x60  }
0x81: {  	s4 =	simm.s32 $0x2F;
	[sflag:s21] =	ssyncset.done $0x0  }
.LBB2_7:
0x82: {  	p0 =	sne.s32 s4, $0x1;
	s4 =	sadd.s32 $0xFFFFFFFF, s4;
	[sflag:s21] =	ssyncadd.s32 $0xFFFFFFA0  }
.Ltmp4:
0x83: {  	_ =	swait.ge [sflag:s21], $0x60;
	(pc) =	sbr.rel @p0 .LBB2_7-.Ltmp4, $4  }
0x84: {  	[sflag:s21] =	ssyncset.done $0x0  }
0x85: {  	[sflag:s21] =	ssyncadd.s32 $0xFFFFFFA0  }
0x86: {  	_ =	swait.ge [sflag:s21], $0x60  }
0x87: {  	[sflag:s21] =	ssyncset.done $0x0  }
0x88: {  	p0 =	sne.s32 s16, $0x7  }
.Ltmp5:
0x89: {  	_ = 	snop;
	(pc) =	sbr.rel @!p0 .LBB2_9-.Ltmp5, $3  }
0x8a: {  	_ =	sdelay $0x1  }
0x8b: {  	[sflag:s21] =	ssyncadd.s32 $0xFFFFFFA0  }
0x8c: {  	_ =	strace $0x9000005E  }
0x8d: {  	s4 =	sshll.u32 s12, $0xD;
	s5 =	rddreg [dreg:$0xb]  }
0x8e: {  	_ =	strace $0x8000005F;
	s4 =	sadd.s32 s5, s4  }
0x8f: {  	s17 =	rddreg [dreg:$0x4];
	s4 =	sshrl.u32 s4, $0x3  }
0x90: {  	s6 =	simm.s32 $0x0;
	s18 =	rddreg [dreg:$0x5];
	s5 =	sadd.s32 s17, s4  }
0x91: {  	[tilespmem:s6], [sflag:$0x3] =	stream.linear.gather [hbm4b:s5+s6], $0x200, $0x200038;
	[tilespmem:$0x1B480] =	vst v63  }
0x92: {  	s4 =	sadd.s32 s18, s4  }
0x93: {  	[tilespmem:s20], [sflag:$0x3] =	stream.linear.gather [hbm4b:s4+s6], $0x200, $0x200038;
	[tilespmem:$0x1B480] =	vst v63  }
0x94: {  	s25 =	rddreg [dreg:$0x6]  }
0x95: {  	[spmem:s25] =	stream.linear.scatter [tilespmem:s19], [sflag:$0x2], $0x9000, $0x200038;
	[tilespmem:$0x1B480] =	vst v63  }
0x96: {  	s28 =	rddreg [dreg:$0x7]  }
0x97: {  	[spmem:s28] =	stream.linear.scatter [tilespmem:s19], [sflag:$0x2], $0x9000, $0x200038;
	[tilespmem:$0x1B480] =	vst v63  }
0x98: {  	_ =	swait.ge [sflag:s21], $0x9000  }
0x99: {  	[sflag:s21] =	ssyncset.done $0x0  }
0x9a: {  	[sflag:s21] =	ssyncadd.s32 $0xFFFF7000  }
0x9b: {  	_ =	swait.ge [sflag:s21], $0x9000  }
0x9c: {  	[sflag:s21] =	ssyncset.done $0x0  }
0x9d: {  	[sflag:s21] =	ssyncadd.s32 $0xFFFF7000  }
0x9e: {  	_ =	swait.ge [sflag:s22], $0x200  }
0x9f: {  	[sflag:s22] =	ssyncset.done $0x0  }
0xa0: {  	s16 =	sadd.s32 $0x1, s16;
	[sflag:s22] =	ssyncadd.s32 $0xFFFFFE00  }
0xa1: {  	p0 =	sne.s32 s16, $0x8;
	_ =	swait.ge [sflag:s22], $0x200  }
.Ltmp6:
0xa2: {  	[sflag:s22] =	ssyncset.done $0x0;
	(pc) =	sbr.rel @p0 .LBB2_4-.Ltmp6, $4  }
.Ltmp7:
0xa3: {  	[sflag:s22] =	ssyncadd.s32 $0xFFFFFE00;
	(pc) =	sbr.rel @!p0 .LBB2_11-.Ltmp7, $4  }
0xa4: {  	_ =	strace $0x9000005F  }
0xa5: {  	[bflag:$0x0] =	sbarrier.arrive $0xFFFF  }
0xa6: {  	_ = 	snop  }
0xa7: {  	_ = 	snop  }
.LBB2_12:
0xa8: {  	_ =	sfence.sel $0x180000  }
0xa9: {  	[bflag:$0x0] =	sbarrier.arrive $0xFFFF  }
0xaa: {  	_ =	strace $0x9000005C  }
0xab: {  	s0 =	stileid.u32;
	[bflag:$0x2] =	sbarrier.arrive $0xFFFF  }
0xac: {  	p0 =	sne.s32 s0, $0x0;
	s0 =	rddreg [dreg:$0x3]  }
0xad: {  	s0 =	sadd.s32 @!p0 $0x100000, s0  }
0xae: {  	[sflag:s0] =	ssyncadd.tile.s32 @!p0 $0x1;
	_ =	shalt  }
.Lfunc_end2:
_tile_overlayer_lowered:
.L_overlay_start_2:
0xaf: {  	(tag) =	ssettag $0x2  }
0xb0: {  	s0 =	rddreg [dreg:$0x0];
	s2 =	stileid.u32  }
0xb1: {  	s1 =	rddreg [dreg:$0x1];
	p0 =	sne.s32 s2, $0x0  }
0xb2: {  	s3 =	rddreg [dreg:$0x2];
	[bflag:$0x3] =	sbarrier.arrive $0xFFFF;
	s2 =	simm.s32 @!p0 $0x1C04  }
0xb3: {  	[timem:s3], [sflag:s2] =	dma.local @!p0 [hbm:s0], s1  }
0xb4: {  	s0 =	simm.s32 @!p0 $0x4  }
0xb5: {  	_ =	swait.ge @!p0 [sflag:s0], s1  }
0xb6: {  	s1 =	ssub.s32 @!p0 $0x0, s1;
	[sflag:s0] =	ssyncset.done @!p0 $0x0  }
0xb7: {  	[sflag:s0] =	ssyncadd.s32 @!p0 s1  }
0xb8: {  	[bflag:$0x3] =	sbarrier.arrive $0xFFFF  }
0xb9: {  	_ =	shalt  }

// kernel: kernel.19.cloned.1.call-start
scs
__scs_entry_jumppad:
0x0: {  	(pc) =	sbr.rel $0x88, $3  }
0x1: {  	(tag) =	ssettag $0x0;
	lr =	simm.s32 $0x1  }
0x2: {  	[smem:$0x3F88] =	sst lr;
	_ =	strace $0xD0000000  }
0x3: {  	_ = 	snop  }
0x4: {  	_ = 	snop  }
0x5: {  	_ = 	snop  }
0x6: {  	_ = 	snop  }
0x7: {  	_ = 	snop  }
__scs_overlays_trampoline_lowered:
0x8: {  	[smem:$0x3F97] =	sst s0  }
0x9: {  	[smem:$0x3F98] =	sst s1  }
0xa: {  	[smem:$0x3F99] =	sst s2  }
0xb: {  	[smem:$0x3F9A] =	sst s3  }
0xc: {  	[smem:$0x3F9B] =	sst s4  }
0xd: {  	[smem:$0x3F9C] =	sst s5  }
0xe: {  	[smem:$0x3F9D] =	sst s6  }
0xf: {  	[smem:$0x3F9E] =	sst s7  }
0x10: {  	[smem:$0x3F9F] =	sst s8  }
0x11: {  	[smem:$0x3FA0] =	sst s9;
	s0 =	simm.s32 @!p0 $0x0  }
0x12: {  	s1 =	sld [smem:$0x3F86];
	s0 =	simm.s32 @p0 $0x1  }
0x13: {  	[smem:$0x3FA1] =	sst s0;
	s0 =	simm.s32 @!p1 $0x0  }
0x14: {  	s2 =	sld [smem:$0x3F85];
	s0 =	simm.s32 @p1 $0x1  }
0x15: {  	[smem:$0x3FA2] =	sst s0;
	s0 =	simm.s32 @!p2 $0x0  }
0x16: {  	s3 =	sld [smem:$0x3FDB];
	s0 =	simm.s32 @p2 $0x1  }
0x17: {  	s4 =	simm.s32 $0x1BF5;
	[smem:$0x3FA4] =	sst s0  }
0x18: {  	s0 =	sld [smem:$0x3F87];
	_ =	swait.ge [sflag:s4], $0x0  }
0x19: {  	s7 =	sld [smem:$0x3F88]  }
0x1a: {  	s8 =	sadd.s32 $0xFFFFE003, lr  }
0x1b: {  	s9 =	sadd.s32 $0xFFFFFEF7, lr;
	s5 =	simm.s32 $0xFFFFFFFF;
	p2 =	slt.u32 s8, $0xFFFFF086  }
0x1c: {  	p1 =	slt.u32 s9, $0xF7A;
	s5 =	simm.s32 @!p2 $0x0  }
0x1d: {  	s5 =	simm.s32 @p1 $0x1;
	p0 =	seq.s32 s7, s2  }
0x1e: {  	s7 =	smul.u32 @!p0 $0xF7A, s2;
	p2 =	seq.s32 @!p0 s5, $0x0  }
0x1f: {  	s9 =	smul.u32 $0xF7A, s1;
	s8 =	simm.s32 @!p0 $0x1BF5;
	p2 =	por !p2, p0  }
0x20: {  	[sflag:s8] =	ssyncset.s32 @!p0 $0xFFFFF086;
	s6 =	sadd.s32 @!p0 s3, s7;
	s7 =	simm.s32 @!p0 $0x108  }
0x21: {  	s3 =	sadd.s32 s3, s9;
	s6 =	sadd.s32 @!p0 $0x88, s6;
	s7 =	simm.s32 @p2 $0x1082  }
0x22: {  	[simem:s7], [sflag:s8] =	dma.local @!p0 [hbm:s6], $0xF7A  }
0x23: {  	s9 =	sor.u32 $0xD0000000, s2;
	s6 =	simm.s32 $0x108;
	_ =	swait.ge @!p0 [sflag:s8], $0x0  }
0x24: {  	s3 =	sadd.s32 $0x88, s3;
	s6 =	simm.s32 @!p1 $0x1082;
	[sflag:s4] =	ssyncset.s32 $0xFFFFF086  }
0x25: {  	[simem:s6], [sflag:s4] =	dma.local [hbm:s3], $0xF7A  }
0x26: {  	[smem:$0x3F88] =	sst s1;
	(tag) =	ssettag s2;
	_ =	strace s9  }
0x27: {  	s1 =	sld [smem:$0x3F98]  }
0x28: {  	s2 =	sld [smem:$0x3F99]  }
0x29: {  	s4 =	sld [smem:$0x3F9B]  }
0x2a: {  	p0 =	seq.s32 s5, $0x0;
	s5 =	sld [smem:$0x3F9C]  }
0x2b: {  	s6 =	sld [smem:$0x3F9D]  }
0x2c: {  	s7 =	sld [smem:$0x3F9E]  }
0x2d: {  	s3 =	simm.s32 $0x108;
	s8 =	sld [smem:$0x3F9F]  }
0x2e: {  	s3 =	simm.s32 @!p0 $0x1082;
	s9 =	sld [smem:$0x3FA0]  }
0x2f: {  	lr =	sadd.s32 s0, s3;
	s0 =	sld [smem:$0x3F97]  }
0x30: {  	s3 =	sld [smem:$0x3F9A]  }
0x31: {  	[smem:$0x3FA3] =	sst s10  }
0x32: {  	s10 =	sld [smem:$0x3FA1];
	_ =	sdelay $0x3  }
0x33: {  	p0 =	seq.s32 s10, $0x1;
	s10 =	sld [smem:$0x3FA3];
	_ =	sdelay $0x3  }
0x34: {  	[smem:$0x3FA3] =	sst s10  }
0x35: {  	s10 =	sld [smem:$0x3FA2];
	_ =	sdelay $0x3  }
0x36: {  	p1 =	seq.s32 s10, $0x1;
	s10 =	sld [smem:$0x3FA3];
	_ =	sdelay $0x3  }
0x37: {  	[smem:$0x3FA3] =	sst s10  }
0x38: {  	s10 =	sld [smem:$0x3FA4]  }
0x39: {  	_ = 	snop;
	(pc) =	sbr.ind lr, $3  }
0x3a: {  	_ = 	snop  }
0x3b: {  	_ = 	snop  }
0x3c: {  	p2 =	seq.s32 s10, $0x1;
	s10 =	sld [smem:$0x3FA3]  }
0x3d: {  	_ =	shalt  }
0x3e: {  	_ =	shalt  }
0x3f: {  	_ =	shalt  }
0x40: {  	_ =	shalt  }
0x41: {  	_ =	shalt  }
0x42: {  	_ =	shalt  }
0x43: {  	_ =	shalt  }
0x44: {  	_ =	shalt  }
0x45: {  	_ =	shalt  }
0x46: {  	_ =	shalt  }
0x47: {  	_ =	shalt  }
0x48: {  	_ =	shalt  }
0x49: {  	_ =	shalt  }
0x4a: {  	_ =	shalt  }
0x4b: {  	_ =	shalt  }
0x4c: {  	_ =	shalt  }
0x4d: {  	_ =	shalt  }
0x4e: {  	_ =	shalt  }
0x4f: {  	_ =	shalt  }
0x50: {  	_ =	shalt  }
0x51: {  	_ =	shalt  }
0x52: {  	_ =	shalt  }
0x53: {  	_ =	shalt  }
0x54: {  	_ =	shalt  }
0x55: {  	_ =	shalt  }
0x56: {  	_ =	shalt  }
0x57: {  	_ =	shalt  }
0x58: {  	_ =	shalt  }
0x59: {  	_ =	shalt  }
0x5a: {  	_ =	shalt  }
0x5b: {  	_ =	shalt  }
0x5c: {  	_ =	shalt  }
0x5d: {  	_ =	shalt  }
0x5e: {  	_ =	shalt  }
0x5f: {  	_ =	shalt  }
0x60: {  	_ =	shalt  }
0x61: {  	_ =	shalt  }
0x62: {  	_ =	shalt  }
0x63: {  	_ =	shalt  }
0x64: {  	_ =	shalt  }
0x65: {  	_ =	shalt  }
0x66: {  	_ =	shalt  }
0x67: {  	_ =	shalt  }
0x68: {  	_ =	shalt  }
0x69: {  	_ =	shalt  }
0x6a: {  	_ =	shalt  }
0x6b: {  	_ =	shalt  }
0x6c: {  	_ =	shalt  }
0x6d: {  	_ =	shalt  }
0x6e: {  	_ =	shalt  }
0x6f: {  	_ =	shalt  }
0x70: {  	_ =	shalt  }
0x71: {  	_ =	shalt  }
0x72: {  	_ =	shalt  }
0x73: {  	_ =	shalt  }
0x74: {  	_ =	shalt  }
0x75: {  	_ =	shalt  }
0x76: {  	_ =	shalt  }
0x77: {  	_ =	shalt  }
0x78: {  	_ =	shalt  }
0x79: {  	_ =	shalt  }
0x7a: {  	_ =	shalt  }
0x7b: {  	_ =	shalt  }
0x7c: {  	_ =	shalt  }
0x7d: {  	_ =	shalt  }
0x7e: {  	_ =	shalt  }
0x7f: {  	_ =	shalt  }
0x80: {  	_ =	shalt  }
0x81: {  	_ =	shalt  }
0x82: {  	_ =	shalt  }
0x83: {  	_ =	shalt  }
0x84: {  	_ =	shalt  }
0x85: {  	_ =	shalt  }
0x86: {  	_ =	shalt  }
0x87: {  	_ =	shalt  }
.Lfunc_end0:
.L_simem_size_0:
called_computation.2_lowered:
.L_overlay_start_0:
0x88: {  	s2 =	sld [smem:$0x3FD9]  }
0x89: {  	s3 =	sld [smem:$0x3FFE];
	_ =	sdelay $0x1  }
0x8a: {  	s1 =	srdreg.scid  }
0x8b: {  	s0 =	sand.u32 $0x1, s1  }
0x8c: {  	s17 =	sshll.u32 s0, $0xA;
	s2 =	sadd.s32 s3, s2  }
0x8d: {  	s2 =	sadd.s32 s2, s17  }
0x8e: {  	[smem:$0x3FAF] =	sst s2  }
0x8f: {  	_ = 	snop  }
0x90: {  	s18 =	sld [smem:$0x3FD0];
	(tm) =	ssettm $0x1  }
0x91: {  	s19 =	sld [smem:$0x3FFB];
	_ =	sdelay $0x3  }
0x92: {  	_ =	strace s19  }
0x93: {  	s2 =	sld [smem:$0x3FFC];
	_ =	sdelay $0x3  }
0x94: {  	_ =	strace s2  }
0x95: {  	s2 =	sld [smem:$0x3FFD];
	_ =	sdelay $0x3  }
0x96: {  	_ =	strace s2  }
0x97: {  	_ =	strace $0x8FFFFFFF  }
0x98: {  	s20 =	sld [smem:$0x3FDB];
	_ =	sdelay $0x1  }
0x99: {  	s4 =	simm.s32 $_scs_section_size  }
0x9a: {  	s5 =	simm.s32 $_size__tile_overlayer_lowered;
	s6 =	simm.s32 $_tile_overlayer_lowered  }
0x9b: {  	s7 =	simm.s32 $0x1BFF;
	s21 =	sshll.u32 s6, $0x1;
	s4 =	sadd.s32 s4, s20  }
0x9c: {  	s22 =	simm.s32 $0x0;
	s5 =	sshll.u32 s5, $0x1;
	s6 =	sadd.s32 s21, s4  }
0x9d: {  	[timem:s22], [sflag:s7] =	dma.local [hbm:s6], s5  }
0x9e: {  	_ =	swait.ge [sflag:s7], s5  }
0x9f: {  	s5 =	ssub.s32 $0x0, s5;
	[sflag:s7] =	ssyncset.done $0x0  }
0xa0: {  	[sflag:s7] =	ssyncadd.s32 s5;
	_ =	sdelay $0x1  }
0xa1: {  	s23 =	simm.s32 $0x1B8B  }
0xa2: {  	_ =	swait.ge [sflag:s23], $0x1  }
0xa3: {  	[sflag:s23] =	ssyncset.done $0x0  }
0xa4: {  	[sflag:s23] =	ssyncadd.s32 $0xFFFFFFFF  }
0xa5: {  	s5 =	sld [smem:$0x0]  }
0xa6: {  	s6 =	sand.u32 $0xFFFFFFFE, s1  }
0xa7: {  	p0 =	sne.s32 s1, s6  }
0xa8: {  	s6 =	sshll.u32 @p0 s6, $0xE  }
0xa9: {  	s6 =	sadd.s32 @p0 $0x11B8D, s6;
	s7 =	sshll.u32 @p0 s5, $0x11  }
0xaa: {  	s6 =	sor.u32 @p0 s7, s6  }
0xab: {  	[sflag:s6] =	ssyncadd.remote.s32 @p0 $0x1;
	_ =	sdelay $0x1  }
0xac: {  	s6 =	simm.s32 @p0 $0x1B8D  }
0xad: {  	_ =	swait.eq @p0 [sflag:s6], $0x1  }
0xae: {  	[sflag:s6] =	ssyncadd.s32 @p0 $0xFFFFFFFF  }
0xaf: {  	s7 =	sshll.u32 @!p0 s1, $0xE  }
0xb0: {  	s7 =	sor.u32 @!p0 $0x4000, s7;
	s6 =	simm.s32 @!p0 $0x1B8D  }
0xb1: {  	s5 =	sshll.u32 @!p0 s5, $0x11;
	s7 =	sadd.s32 @!p0 $0x11B8D, s7;
	_ =	swait.eq @!p0 [sflag:s6], $0x1  }
0xb2: {  	s5 =	sor.u32 @!p0 s5, s7;
	[sflag:s6] =	ssyncadd.s32 @!p0 $0xFFFFFFFF  }
0xb3: {  	s25 =	simm.s32 $0x1B8E;
	s24 =	sld [smem:$0x3FFE];
	[sflag:s5] =	ssyncadd.remote.s32 @!p0 $0x1  }
0xb4: {  	s26 =	simm.s32 $execute0_lowered;
	[smem:$0x3FD2] =	sst s25  }
0xb5: {  	s6 =	sshll.u32 s26, $0x1;
	_ =	strace $0x80000055;
	[dreg:$0x1] =	wrdreg $0xFFFFFFFF  }
0xb6: {  	s28 =	simm.s32 $_size_execute0_lowered;
	s4 =	sadd.s32 s4, s6;
	[dreg:$0x0] =	wrdreg $0x0  }
0xb7: {  	s6 =	sshll.u32 s28, $0x1;
	[dreg:$0x2] =	wrdreg s4  }
0xb8: {  	[dreg:$0x3] =	wrdreg s6  }
0xb9: {  	[dreg:$0x4] =	wrdreg $0xC0  }
0xba: {  	_ =	task [dreg:s22], $0x5FFFF  }
0xbb: {  	[dreg:$0x1] =	wrdreg $0xFFFFFFFF  }
0xbc: {  	[dreg:$0x0] =	wrdreg $0x60  }
0xbd: {  	[dreg:$0x2] =	wrdreg s18  }
0xbe: {  	[dreg:$0x3] =	wrdreg s24  }
0xbf: {  	[dreg:$0x4] =	wrdreg $0x94800  }
0xc0: {  	[dreg:$0x5] =	wrdreg $0x124800  }
0xc1: {  	[dreg:$0x6] =	wrdreg $0xB  }
0xc2: {  	_ =	task.clear_ibuf [dreg:s22], $0x7FFFF;
	_ =	strace $0x90000055  }
0xc3: {  	s29 =	simm.s32 $0xB;
	_ =	strace $0x8000005A  }
0xc4: {  	_ =	swait.ge [sflag:s29], $0x1  }
0xc5: {  	[sflag:s29] =	ssyncadd.s32 $0xFFFFFFFF  }
0xc6: {  	_ =	strace $0x9000005A  }
0xc7: {  	_ =	sfence  }
0xc8: {  	s30 =	sld [smem:$0x0];
	_ =	sdelay $0x2  }
0xc9: {  	s31 =	sshll.u32 s1, $0xD;
	s1 =	sshrl.u32 s1, $0x2  }
0xca: {  	s4 =	sand.u32 $0x4000, s31;
	s1 =	sadd.s32 s1, s30  }
0xcb: {  	s0 =	sor.u32 s4, s0;
	s1 =	sshll.u32 s1, $0x11  }
0xcc: {  	s0 =	sor.u32 s1, s0  }
0xcd: {  	s0 =	sadd.s32 $0x8F2B, s0  }
0xce: {  	[sflag:s0] =	ssyncadd.remote.s32 $0x1  }
0xcf: {  	_ =	sfence.sel $0xFFFF  }
0xd0: {  	[dreg:$0x0] =	wrdreg $0xFFFFFFFF;
	(pc) =	sbr.abs _section_cstart, $3  }
0xd1: {  	[dreg:$0x1] =	wrdreg $0xFFFFFFFF  }
0xd2: {  	_ =	task.clear_ibuf [dreg:s22], $0x2FFFF;
	_ =	strace $0x9FFFFFFF  }
0xd3: {  	(tm) =	ssettm $0x7FFFFFFF  }
tec
execute0_lowered:
.L_overlay_start_1:
0x0: {  	(tag) =	ssettag $0x1  }
0x1: {  	s10 =	rddreg [dreg:$0x0]  }
0x2: {  	s0 =	rddreg [dreg:$0x1]  }
0x3: {  	s2 =	rddreg [dreg:$0x2]  }
0x4: {  	s3 =	rddreg [dreg:$0x3];
	s4 =	simm.s32 $0x0;
	s1 =	srdreg.scid  }
0x5: {  	s11 =	stileid.u32;
	s29 =	simm.s32 $0x180;
	s31 =	simm.s32 $0x1  }
0x6: {  	[smem:$0x7FF] =	sst s4;
	s13 =	sadd.s32 $0x38A600, s0;
	s6 =	smul.u32 $0x9000, s11  }
0x7: {  	s1 =	sand.u32 $0x1, s1;
	s7 =	sadd.s32 $0x80E600, s0;
	s22 =	smul.u32 $0x24000, s11  }
0x8: {  	s12 =	sshll.u32 s11, $0x9;
	s8 =	sadd.s32 $0x92E600, s0;
	s15 =	smul.u32 $0x30, s11  }
0x9: {  	_ =	strace $0x80000056;
	s18 =	ssub.s32 $0x2, s1;
	s9 =	sshll.u32 s1, $0x10  }
0xa: {  	s1 =	sshll.u32 s1, $0x3;
	[dreg:$0x5] =	wrdreg s13;
	s25 =	sor.u32 $0x2000, s12  }
0xb: {  	s5 =	sshrl.u32 s18, $0x1;
	s20 =	sor.u32 s12, s9;
	[dreg:$0x8] =	wrdreg s1  }
0xc: {  	s21 =	sadd.s32 s6, s2;
	s6 =	sadd.s32 s6, s3;
	[dreg:$0xb] =	wrdreg s25  }
0xd: {  	s26 =	sshrl.u32 s22, $0x2;
	s22 =	simm.s32 $0x3;
	[dreg:$0x6] =	wrdreg s21  }
0xe: {  	s19 =	ssub.s32 s18, s5;
	s4 =	sshrl.u32 s20, $0x3;
	[dreg:$0x7] =	wrdreg s6  }
0xf: {  	s28 =	sadd.s32 s26, s2;
	s30 =	sadd.s32 s26, s3;
	s20 =	simm.s32 $0x200  }
.Ltmp0:
0x10: {  	s21 =	simm.s32 $0x2;
	s23 =	sadd.s32 s10, s4;
	(pc) =	sbr.rel .LBB2_1-.Ltmp0, $4  }
0x11: {  	s26 =	simm.s32 $0x100;
	s24 =	sadd.s32 s13, s4;
	[dreg:$0x9] =	wrdreg s23  }
0x12: {  	s0 =	smax.u32 s19, $0x1;
	s19 =	simm.s32 $0x480;
	[dreg:$0xa] =	wrdreg s24  }
0x13: {  	s4 =	simm.s32 $0x0;
	s13 =	simm.s32 $0x0;
	[dreg:$0xc] =	wrdreg s0  }
0x14: {  	v0 =	vimm.f32 $1.000000000e+00;
	v1 =	vimm.f32 $0.0e+00;
	s23 =	simm.s32 $0x80;
	s24 =	simm.s32 $0x400;
	s0 =	simm.s32 $0x10  }
.LBB2_9:
0x15: {  	[bflag:$0x0] =	sbarrier.arrive $0xFFFF  }
.LBB2_11:
0x16: {  	s4 =	rddreg [dreg:$0xd]  }
0x17: {  	s1 =	rddreg [dreg:$0xc];
	s4 =	sadd.s32 $0x1, s4  }
0x18: {  	p0 =	sne.s32 s4, s1  }
.Ltmp1:
0x19: {  	_ = 	snop;
	(pc) =	sbr.rel @!p0 .LBB2_12-.Ltmp1, $1  }
0x1a: {  	_ =	sdelay $0x3  }
.LBB2_1:
0x1b: {  	[tilespmem:$0x400] =	vst v0  }
0x1c: {  	[tilespmem:$0x410] =	vst v0  }
0x1d: {  	[tilespmem:$0x420] =	vst v0  }
0x1e: {  	[tilespmem:$0x430] =	vst v0  }
0x1f: {  	[tilespmem:$0x440] =	vst v0  }
0x20: {  	[tilespmem:$0x450] =	vst v0  }
0x21: {  	[tilespmem:$0x460] =	vst v0  }
0x22: {  	[dreg:$0xd] =	wrdreg s4;
	[tilespmem:$0x470] =	vst v0;
	s1 =	simm.s32 $0x40;
	s4 =	simm.s32 $0x0  }
.LBB2_2:
0x23: {  	p0 =	sne.s32 s1, $0x23FC0;
	[tilespmem:s4+$0x480] =	vst v1;
	s4 =	smov.u32 s1;
	s1 =	sadd.s32 $0x40, s1  }
.Ltmp2:
0x24: {  	(pc) =	sbr.rel @p0 .LBB2_2-.Ltmp2, $2  }
0x25: {  	_ =	sdelay $0x2  }
0x26: {  	s4 =	sshra.s32 s4, $0x2  }
0x27: {  	[tilespmem:s4+$0x480] =	vst v1;
	s1 =	rddreg [dreg:$0x6]  }
0x28: {  	[spmem:s1] =	stream.linear.scatter [tilespmem:s19], [sflag:$0x2], $0x9000, $0x38;
	[tilespmem:$0x1B480] =	vst v63  }
0x29: {  	s17 =	rddreg [dreg:$0x7]  }
0x2a: {  	[spmem:s17] =	stream.linear.scatter [tilespmem:s19], [sflag:$0x2], $0x9000, $0x38;
	[tilespmem:$0x1B480] =	vst v63  }
0x2b: {  	s18 =	rddreg [dreg:$0x9]  }
0x2c: {  	[tilespmem:s13], [sflag:$0x3] =	stream.linear.gather [hbm4b:s18+s13], $0x200, $0x38;
	[tilespmem:$0x1B480] =	vst v63  }
0x2d: {  	s25 =	rddreg [dreg:$0xa]  }
0x2e: {  	[tilespmem:s20], [sflag:$0x3] =	stream.linear.gather [hbm4b:s25+s13], $0x200, $0x38;
	[tilespmem:$0x1B480] =	vst v63  }
0x2f: {  	_ =	swait.ge [sflag:s21], $0x9000  }
0x30: {  	[sflag:s21] =	ssyncset.done $0x0  }
0x31: {  	[sflag:s21] =	ssyncadd.s32 $0xFFFF7000  }
0x32: {  	_ =	swait.ge [sflag:s21], $0x9000  }
0x33: {  	[sflag:s21] =	ssyncset.done $0x0  }
0x34: {  	[sflag:s21] =	ssyncadd.s32 $0xFFFF7000  }
0x35: {  	_ =	swait.ge [sflag:s22], $0x200  }
0x36: {  	[sflag:s22] =	ssyncset.done $0x0  }
0x37: {  	[sflag:s22] =	ssyncadd.s32 $0xFFFFFE00  }
0x38: {  	_ =	swait.ge [sflag:s22], $0x200  }
0x39: {  	[sflag:s22] =	ssyncset.done $0x0  }
0x3a: {  	[sflag:s22] =	ssyncadd.s32 $0xFFFFFE00  }
0x3b: {  	s16 =	simm.s32 $0x0;
	[bflag:$0x0] =	sbarrier.arrive $0xFFFF  }
.LBB2_4:
0x3c: {  	_ =	strace $0x80000057  }
0x3d: {  	[spmem:s2] =	stream.indirect.scatter.add.f32 [tilespmem:s24], [sflag:$0x1], $0x1, s13, s23, $0x2000b8;
	[tilespmem:$0x1B480] =	vst v63  }
0x3e: {  	_ = 	snop  }
0x3f: {  	[spmem:s3] =	stream.indirect.scatter.add.f32 [tilespmem:s20], [sflag:$0x1], $0x1, s13, s23, $0x2000b8;
	[tilespmem:$0x1B480] =	vst v63  }
0x40: {  	_ = 	snop  }
0x41: {  	[spmem:s2] =	stream.indirect.scatter.add.f32 [tilespmem:s24], [sflag:$0x1], $0x1, s23, s23, $0x2000b8;
	[tilespmem:$0x1B480] =	vst v63  }
0x42: {  	s1 =	simm.s32 $0x280  }
0x43: {  	[spmem:s3] =	stream.indirect.scatter.add.f32 [tilespmem:s1], [sflag:$0x1], $0x1, s23, s23, $0x2000b8;
	[tilespmem:$0x1B480] =	vst v63  }
0x44: {  	_ = 	snop  }
0x45: {  	[spmem:s2] =	stream.indirect.scatter.add.f32 [tilespmem:s24], [sflag:$0x1], $0x1, s26, s23, $0x2000b8;
	[tilespmem:$0x1B480] =	vst v63  }
0x46: {  	s11 =	simm.s32 $0x300  }
0x47: {  	[spmem:s3] =	stream.indirect.scatter.add.f32 [tilespmem:s11], [sflag:$0x1], $0x1, s26, s23, $0x2000b8;
	[tilespmem:$0x1B480] =	vst v63  }
0x48: {  	_ = 	snop  }
0x49: {  	[spmem:s2] =	stream.indirect.scatter.add.f32 [tilespmem:s24], [sflag:$0x1], $0x1, s29, s23, $0x2000b8;
	[tilespmem:$0x1B480] =	vst v63  }
0x4a: {  	s12 =	simm.s32 $0x380  }
0x4b: {  	[spmem:s3] =	stream.indirect.scatter.add.f32 [tilespmem:s12], [sflag:$0x1], $0x1, s29, s23, $0x2000b8;
	[tilespmem:$0x1B480] =	vst v63  }
0x4c: {  	_ =	swait.ge [sflag:s31], $0x80  }
0x4d: {  	[sflag:s31] =	ssyncset.done $0x0  }
0x4e: {  	[sflag:s31] =	ssyncadd.s32 $0xFFFFFF80  }
0x4f: {  	_ =	swait.ge [sflag:s31], $0x80  }
0x50: {  	[sflag:s31] =	ssyncset.done $0x0  }
0x51: {  	[sflag:s31] =	ssyncadd.s32 $0xFFFFFF80  }
0x52: {  	_ =	swait.ge [sflag:s31], $0x80  }
0x53: {  	[sflag:s31] =	ssyncset.done $0x0  }
0x54: {  	[sflag:s31] =	ssyncadd.s32 $0xFFFFFF80  }
0x55: {  	_ =	swait.ge [sflag:s31], $0x80  }
0x56: {  	[sflag:s31] =	ssyncset.done $0x0  }
0x57: {  	[sflag:s31] =	ssyncadd.s32 $0xFFFFFF80  }
0x58: {  	_ =	swait.ge [sflag:s31], $0x80  }
0x59: {  	[sflag:s31] =	ssyncset.done $0x0  }
0x5a: {  	[sflag:s31] =	ssyncadd.s32 $0xFFFFFF80  }
0x5b: {  	_ =	swait.ge [sflag:s31], $0x80  }
0x5c: {  	[sflag:s31] =	ssyncset.done $0x0  }
0x5d: {  	[sflag:s31] =	ssyncadd.s32 $0xFFFFFF80  }
0x5e: {  	_ =	swait.ge [sflag:s31], $0x80  }
0x5f: {  	[sflag:s31] =	ssyncset.done $0x0  }
0x60: {  	[sflag:s31] =	ssyncadd.s32 $0xFFFFFF80  }
0x61: {  	_ =	swait.ge [sflag:s31], $0x80  }
0x62: {  	s4 =	sshrl.u32 s15, $0x3;
	s14 =	rddreg [dreg:$0x8]  }
0x63: {  	s4 =	smul.u32 $0x1800, s4;
	s1 =	sadd.s32 s14, s16  }
0x64: {  	s5 =	sand.u32 $0x380, s13;
	s25 =	sadd.s32 $0x1, s15;
	s12 =	smul.u32 $0x90000, s1  }
0x65: {  	s17 =	stileid.u32;
	s6 =	sshrl.u32 s30, $0x3;
	[sflag:s31] =	ssyncset.done $0x0  }
0x66: {  	s18 =	sshrl.u32 s25, $0x3;
	[sflag:s31] =	ssyncadd.s32 $0xFFFFFF80;
	s4 =	sadd.s32 s12, s4  }
0x67: {  	s14 =	sshrl.u32 s28, $0x3;
	_ =	strace $0x90000057;
	s4 =	sor.u32 s5, s4  }
0x68: {  	[bflag:$0x0] =	sbarrier.arrive $0xFFFF;
	s5 =	sshll.u32 s17, $0x6;
	s4 =	sshrl.u32 s4, $0x3  }
0x69: {  	_ =	strace $0x80000058;
	s5 =	sor.u32 $0x1C02, s5;
	s17 =	sadd.s32 s7, s4  }
0x6a: {  	[hbm:s17@s23], [sflag:s5] =	dma.strided [spmem:s14@s0], $0x60, s31, $0x10   }
0x6b: {  	s4 =	sadd.s32 s8, s4;
	s14 =	smul.u32 $0x1800, s18;
	s17 =	smov.u32 s28  }
0x6c: {  	[hbm:s4@s23], [sflag:s5] =	dma.strided [spmem:s6@s0], $0x60, s31, $0x10   }
0x6d: {  	s18 =	smov.u32 s30;
	s6 =	simm.s32 $0x80;
	s4 =	simm.s32 $0x100  }
.LBB2_5:
0x6e: {  	p0 =	sne.s32 s4, $0x1780;
	s25 =	sadd.s32 $0x1, s25;
	s17 =	sadd.s32 $0x300, s17  }
0x6f: {  	s6 =	sand.u32 $0x380, s6;
	s18 =	sadd.s32 $0x300, s18;
	s14 =	sadd.s32 s12, s14  }
0x70: {  	s6 =	sor.u32 s6, s14;
	s14 =	sshrl.u32 s18, $0x3  }
.Ltmp3:
0x71: {  	s11 =	sshrl.u32 s17, $0x3;
	s6 =	sshrl.u32 s6, $0x3;
	(pc) =	sbr.rel @p0 .LBB2_5-.Ltmp3, $4  }
0x72: {  	s9 =	sshrl.u32 s25, $0x3;
	s10 =	sadd.s32 s7, s6;
	s6 =	sadd.s32 s8, s6  }
0x73: {  	[hbm:s10@s23], [sflag:s5] =	dma.strided [spmem:s11@s0], $0x60, s31, $0x10   }
0x74: {  	[hbm:s6@s23], [sflag:s5] =	dma.strided [spmem:s14@s0], $0x60, s31, $0x10   }
0x75: {  	s14 =	smul.u32 $0x1800, s9;
	s6 =	smov.u32 s4;
	s4 =	sadd.s32 $0x80, s4  }
0x76: {  	_ = 	snop  }
0x77: {  	s6 =	sand.u32 $0x380, s6;
	s4 =	sadd.s32 s12, s14  }
0x78: {  	s9 =	sadd.s32 $0x300, s18;
	s4 =	sor.u32 s6, s4  }
0x79: {  	s25 =	sadd.s32 $0x300, s17;
	s9 =	sshrl.u32 s9, $0x3;
	s4 =	sshrl.u32 s4, $0x3  }
0x7a: {  	s6 =	sshrl.u32 s25, $0x3;
	s10 =	sadd.s32 s7, s4;
	s4 =	sadd.s32 s8, s4  }
0x7b: {  	[hbm:s10@s23], [sflag:s5] =	dma.strided [spmem:s6@s0], $0x60, s31, $0x10   }
0x7c: {  	[hbm:s4@s23], [sflag:s5] =	dma.strided [spmem:s9@s0], $0x60, s31, $0x10   }
0x7d: {  	_ =	swait.ge [sflag:s21], $0x60  }
0x7e: {  	[sflag:s21] =	ssyncset.done $0x0  }
0x7f: {  	[sflag:s21] =	ssyncadd.s32 $0xFFFFFFA0  }
0x80: {  	_ =	swait.ge [sflag:s21], $0x60  }
0x81: {  	s4 =	simm.s32 $0x2F;
	[sflag:s21] =	ssyncset.done $0x0  }
.LBB2_7:
0x82: {  	p0 =	sne.s32 s4, $0x1;
	s4 =	sadd.s32 $0xFFFFFFFF, s4;
	[sflag:s21] =	ssyncadd.s32 $0xFFFFFFA0  }
.Ltmp4:
0x83: {  	_ =	swait.ge [sflag:s21], $0x60;
	(pc) =	sbr.rel @p0 .LBB2_7-.Ltmp4, $4  }
0x84: {  	[sflag:s21] =	ssyncset.done $0x0  }
0x85: {  	[sflag:s21] =	ssyncadd.s32 $0xFFFFFFA0  }
0x86: {  	_ =	swait.ge [sflag:s21], $0x60  }
0x87: {  	[sflag:s21] =	ssyncset.done $0x0  }
0x88: {  	p0 =	sne.s32 s16, $0x7  }
.Ltmp5:
0x89: {  	_ = 	snop;
	(pc) =	sbr.rel @!p0 .LBB2_9-.Ltmp5, $3  }
0x8a: {  	_ =	sdelay $0x1  }
0x8b: {  	[sflag:s21] =	ssyncadd.s32 $0xFFFFFFA0  }
0x8c: {  	_ =	strace $0x90000058  }
0x8d: {  	s1 =	sshll.u32 s1, $0xD;
	s4 =	rddreg [dreg:$0xb]  }
0x8e: {  	_ =	strace $0x80000059;
	s1 =	sadd.s32 s4, s1  }
0x8f: {  	s14 =	rddreg [dreg:$0x0];
	s1 =	sshrl.u32 s1, $0x3  }
0x90: {  	s5 =	simm.s32 $0x0;
	s17 =	rddreg [dreg:$0x5];
	s4 =	sadd.s32 s14, s1  }
0x91: {  	[tilespmem:s5], [sflag:$0x3] =	stream.linear.gather [hbm4b:s4+s5], $0x200, $0x200038;
	[tilespmem:$0x1B480] =	vst v63  }
0x92: {  	s1 =	sadd.s32 s17, s1  }
0x93: {  	[tilespmem:s20], [sflag:$0x3] =	stream.linear.gather [hbm4b:s1+s5], $0x200, $0x200038;
	[tilespmem:$0x1B480] =	vst v63  }
0x94: {  	s18 =	rddreg [dreg:$0x6]  }
0x95: {  	[spmem:s18] =	stream.linear.scatter [tilespmem:s19], [sflag:$0x2], $0x9000, $0x200038;
	[tilespmem:$0x1B480] =	vst v63  }
0x96: {  	s25 =	rddreg [dreg:$0x7]  }
0x97: {  	[spmem:s25] =	stream.linear.scatter [tilespmem:s19], [sflag:$0x2], $0x9000, $0x200038;
	[tilespmem:$0x1B480] =	vst v63  }
0x98: {  	_ =	swait.ge [sflag:s21], $0x9000  }
0x99: {  	[sflag:s21] =	ssyncset.done $0x0  }
0x9a: {  	[sflag:s21] =	ssyncadd.s32 $0xFFFF7000  }
0x9b: {  	_ =	swait.ge [sflag:s21], $0x9000  }
0x9c: {  	[sflag:s21] =	ssyncset.done $0x0  }
0x9d: {  	[sflag:s21] =	ssyncadd.s32 $0xFFFF7000  }
0x9e: {  	_ =	swait.ge [sflag:s22], $0x200  }
0x9f: {  	[sflag:s22] =	ssyncset.done $0x0  }
0xa0: {  	s16 =	sadd.s32 $0x1, s16;
	[sflag:s22] =	ssyncadd.s32 $0xFFFFFE00  }
0xa1: {  	p0 =	sne.s32 s16, $0x8;
	_ =	swait.ge [sflag:s22], $0x200  }
.Ltmp6:
0xa2: {  	[sflag:s22] =	ssyncset.done $0x0;
	(pc) =	sbr.rel @p0 .LBB2_4-.Ltmp6, $4  }
.Ltmp7:
0xa3: {  	[sflag:s22] =	ssyncadd.s32 $0xFFFFFE00;
	(pc) =	sbr.rel @!p0 .LBB2_11-.Ltmp7, $4  }
0xa4: {  	_ =	strace $0x90000059  }
0xa5: {  	[bflag:$0x0] =	sbarrier.arrive $0xFFFF  }
0xa6: {  	_ = 	snop  }
0xa7: {  	_ = 	snop  }
.LBB2_12:
0xa8: {  	_ =	sfence.sel $0x180000  }
0xa9: {  	[bflag:$0x0] =	sbarrier.arrive $0xFFFF  }
0xaa: {  	_ =	strace $0x90000056  }
0xab: {  	s0 =	stileid.u32;
	[bflag:$0x2] =	sbarrier.arrive $0xFFFF  }
0xac: {  	p0 =	sne.s32 s0, $0x0;
	s0 =	rddreg [dreg:$0x4]  }
0xad: {  	s0 =	sadd.s32 @!p0 $0x100000, s0  }
0xae: {  	[sflag:s0] =	ssyncadd.tile.s32 @!p0 $0x1;
	_ =	shalt  }
.Lfunc_end2:
_tile_overlayer_lowered:
.L_overlay_start_2:
0xaf: {  	(tag) =	ssettag $0x2  }
0xb0: {  	s0 =	rddreg [dreg:$0x0];
	s2 =	stileid.u32  }
0xb1: {  	s1 =	rddreg [dreg:$0x1];
	p0 =	sne.s32 s2, $0x0  }
0xb2: {  	s3 =	rddreg [dreg:$0x2];
	[bflag:$0x3] =	sbarrier.arrive $0xFFFF;
	s2 =	simm.s32 @!p0 $0x1C04  }
0xb3: {  	[timem:s3], [sflag:s2] =	dma.local @!p0 [hbm:s0], s1  }
0xb4: {  	s0 =	simm.s32 @!p0 $0x4  }
0xb5: {  	_ =	swait.ge @!p0 [sflag:s0], s1  }
0xb6: {  	s1 =	ssub.s32 @!p0 $0x0, s1;
	[sflag:s0] =	ssyncset.done @!p0 $0x0  }
0xb7: {  	[sflag:s0] =	ssyncadd.s32 @!p0 s1  }
0xb8: {  	[bflag:$0x3] =	sbarrier.arrive $0xFFFF  }
0xb9: {  	_ =	shalt  }

// kernel: kernel.22.cloned.1.call-start
scs
__scs_entry_jumppad:
0x0: {  	(pc) =	sbr.rel $0x88, $3  }
0x1: {  	(tag) =	ssettag $0x0;
	lr =	simm.s32 $0x1  }
0x2: {  	[smem:$0x3F88] =	sst lr;
	_ =	strace $0xD0000000  }
0x3: {  	_ = 	snop  }
0x4: {  	_ = 	snop  }
0x5: {  	_ = 	snop  }
0x6: {  	_ = 	snop  }
0x7: {  	_ = 	snop  }
__scs_overlays_trampoline_lowered:
0x8: {  	[smem:$0x3F97] =	sst s0  }
0x9: {  	[smem:$0x3F98] =	sst s1  }
0xa: {  	[smem:$0x3F99] =	sst s2  }
0xb: {  	[smem:$0x3F9A] =	sst s3  }
0xc: {  	[smem:$0x3F9B] =	sst s4  }
0xd: {  	[smem:$0x3F9C] =	sst s5  }
0xe: {  	[smem:$0x3F9D] =	sst s6  }
0xf: {  	[smem:$0x3F9E] =	sst s7  }
0x10: {  	[smem:$0x3F9F] =	sst s8  }
0x11: {  	[smem:$0x3FA0] =	sst s9;
	s0 =	simm.s32 @!p0 $0x0  }
0x12: {  	s1 =	sld [smem:$0x3F86];
	s0 =	simm.s32 @p0 $0x1  }
0x13: {  	[smem:$0x3FA1] =	sst s0;
	s0 =	simm.s32 @!p1 $0x0  }
0x14: {  	s2 =	sld [smem:$0x3F85];
	s0 =	simm.s32 @p1 $0x1  }
0x15: {  	[smem:$0x3FA2] =	sst s0;
	s0 =	simm.s32 @!p2 $0x0  }
0x16: {  	s3 =	sld [smem:$0x3FDB];
	s0 =	simm.s32 @p2 $0x1  }
0x17: {  	s4 =	simm.s32 $0x1BF5;
	[smem:$0x3FA4] =	sst s0  }
0x18: {  	s0 =	sld [smem:$0x3F87];
	_ =	swait.ge [sflag:s4], $0x0  }
0x19: {  	s7 =	sld [smem:$0x3F88]  }
0x1a: {  	s8 =	sadd.s32 $0xFFFFE003, lr  }
0x1b: {  	s9 =	sadd.s32 $0xFFFFFEF7, lr;
	s5 =	simm.s32 $0xFFFFFFFF;
	p2 =	slt.u32 s8, $0xFFFFF086  }
0x1c: {  	p1 =	slt.u32 s9, $0xF7A;
	s5 =	simm.s32 @!p2 $0x0  }
0x1d: {  	s5 =	simm.s32 @p1 $0x1;
	p0 =	seq.s32 s7, s2  }
0x1e: {  	s7 =	smul.u32 @!p0 $0xF7A, s2;
	p2 =	seq.s32 @!p0 s5, $0x0  }
0x1f: {  	s9 =	smul.u32 $0xF7A, s1;
	s8 =	simm.s32 @!p0 $0x1BF5;
	p2 =	por !p2, p0  }
0x20: {  	[sflag:s8] =	ssyncset.s32 @!p0 $0xFFFFF086;
	s6 =	sadd.s32 @!p0 s3, s7;
	s7 =	simm.s32 @!p0 $0x108  }
0x21: {  	s3 =	sadd.s32 s3, s9;
	s6 =	sadd.s32 @!p0 $0x88, s6;
	s7 =	simm.s32 @p2 $0x1082  }
0x22: {  	[simem:s7], [sflag:s8] =	dma.local @!p0 [hbm:s6], $0xF7A  }
0x23: {  	s9 =	sor.u32 $0xD0000000, s2;
	s6 =	simm.s32 $0x108;
	_ =	swait.ge @!p0 [sflag:s8], $0x0  }
0x24: {  	s3 =	sadd.s32 $0x88, s3;
	s6 =	simm.s32 @!p1 $0x1082;
	[sflag:s4] =	ssyncset.s32 $0xFFFFF086  }
0x25: {  	[simem:s6], [sflag:s4] =	dma.local [hbm:s3], $0xF7A  }
0x26: {  	[smem:$0x3F88] =	sst s1;
	(tag) =	ssettag s2;
	_ =	strace s9  }
0x27: {  	s1 =	sld [smem:$0x3F98]  }
0x28: {  	s2 =	sld [smem:$0x3F99]  }
0x29: {  	s4 =	sld [smem:$0x3F9B]  }
0x2a: {  	p0 =	seq.s32 s5, $0x0;
	s5 =	sld [smem:$0x3F9C]  }
0x2b: {  	s6 =	sld [smem:$0x3F9D]  }
0x2c: {  	s7 =	sld [smem:$0x3F9E]  }
0x2d: {  	s3 =	simm.s32 $0x108;
	s8 =	sld [smem:$0x3F9F]  }
0x2e: {  	s3 =	simm.s32 @!p0 $0x1082;
	s9 =	sld [smem:$0x3FA0]  }
0x2f: {  	lr =	sadd.s32 s0, s3;
	s0 =	sld [smem:$0x3F97]  }
0x30: {  	s3 =	sld [smem:$0x3F9A]  }
0x31: {  	[smem:$0x3FA3] =	sst s10  }
0x32: {  	s10 =	sld [smem:$0x3FA1];
	_ =	sdelay $0x3  }
0x33: {  	p0 =	seq.s32 s10, $0x1;
	s10 =	sld [smem:$0x3FA3];
	_ =	sdelay $0x3  }
0x34: {  	[smem:$0x3FA3] =	sst s10  }
0x35: {  	s10 =	sld [smem:$0x3FA2];
	_ =	sdelay $0x3  }
0x36: {  	p1 =	seq.s32 s10, $0x1;
	s10 =	sld [smem:$0x3FA3];
	_ =	sdelay $0x3  }
0x37: {  	[smem:$0x3FA3] =	sst s10  }
0x38: {  	s10 =	sld [smem:$0x3FA4]  }
0x39: {  	_ = 	snop;
	(pc) =	sbr.ind lr, $3  }
0x3a: {  	_ = 	snop  }
0x3b: {  	_ = 	snop  }
0x3c: {  	p2 =	seq.s32 s10, $0x1;
	s10 =	sld [smem:$0x3FA3]  }
0x3d: {  	_ =	shalt  }
0x3e: {  	_ =	shalt  }
0x3f: {  	_ =	shalt  }
0x40: {  	_ =	shalt  }
0x41: {  	_ =	shalt  }
0x42: {  	_ =	shalt  }
0x43: {  	_ =	shalt  }
0x44: {  	_ =	shalt  }
0x45: {  	_ =	shalt  }
0x46: {  	_ =	shalt  }
0x47: {  	_ =	shalt  }
0x48: {  	_ =	shalt  }
0x49: {  	_ =	shalt  }
0x4a: {  	_ =	shalt  }
0x4b: {  	_ =	shalt  }
0x4c: {  	_ =	shalt  }
0x4d: {  	_ =	shalt  }
0x4e: {  	_ =	shalt  }
0x4f: {  	_ =	shalt  }
0x50: {  	_ =	shalt  }
0x51: {  	_ =	shalt  }
0x52: {  	_ =	shalt  }
0x53: {  	_ =	shalt  }
0x54: {  	_ =	shalt  }
0x55: {  	_ =	shalt  }
0x56: {  	_ =	shalt  }
0x57: {  	_ =	shalt  }
0x58: {  	_ =	shalt  }
0x59: {  	_ =	shalt  }
0x5a: {  	_ =	shalt  }
0x5b: {  	_ =	shalt  }
0x5c: {  	_ =	shalt  }
0x5d: {  	_ =	shalt  }
0x5e: {  	_ =	shalt  }
0x5f: {  	_ =	shalt  }
0x60: {  	_ =	shalt  }
0x61: {  	_ =	shalt  }
0x62: {  	_ =	shalt  }
0x63: {  	_ =	shalt  }
0x64: {  	_ =	shalt  }
0x65: {  	_ =	shalt  }
0x66: {  	_ =	shalt  }
0x67: {  	_ =	shalt  }
0x68: {  	_ =	shalt  }
0x69: {  	_ =	shalt  }
0x6a: {  	_ =	shalt  }
0x6b: {  	_ =	shalt  }
0x6c: {  	_ =	shalt  }
0x6d: {  	_ =	shalt  }
0x6e: {  	_ =	shalt  }
0x6f: {  	_ =	shalt  }
0x70: {  	_ =	shalt  }
0x71: {  	_ =	shalt  }
0x72: {  	_ =	shalt  }
0x73: {  	_ =	shalt  }
0x74: {  	_ =	shalt  }
0x75: {  	_ =	shalt  }
0x76: {  	_ =	shalt  }
0x77: {  	_ =	shalt  }
0x78: {  	_ =	shalt  }
0x79: {  	_ =	shalt  }
0x7a: {  	_ =	shalt  }
0x7b: {  	_ =	shalt  }
0x7c: {  	_ =	shalt  }
0x7d: {  	_ =	shalt  }
0x7e: {  	_ =	shalt  }
0x7f: {  	_ =	shalt  }
0x80: {  	_ =	shalt  }
0x81: {  	_ =	shalt  }
0x82: {  	_ =	shalt  }
0x83: {  	_ =	shalt  }
0x84: {  	_ =	shalt  }
0x85: {  	_ =	shalt  }
0x86: {  	_ =	shalt  }
0x87: {  	_ =	shalt  }
.Lfunc_end0:
.L_simem_size_0:
called_computation.3_lowered:
.L_overlay_start_0:
0x88: {  	s2 =	sld [smem:$0x3FD9]  }
0x89: {  	s3 =	sld [smem:$0x3FFE];
	_ =	sdelay $0x1  }
0x8a: {  	s1 =	srdreg.scid  }
0x8b: {  	s0 =	sand.u32 $0x1, s1  }
0x8c: {  	s17 =	sshll.u32 s0, $0xA;
	s2 =	sadd.s32 s3, s2  }
0x8d: {  	s2 =	sadd.s32 s2, s17  }
0x8e: {  	[smem:$0x3FAF] =	sst s2  }
0x8f: {  	_ = 	snop  }
0x90: {  	(tm) =	ssettm $0x1  }
0x91: {  	s18 =	sld [smem:$0x3FFB];
	_ =	sdelay $0x3  }
0x92: {  	_ =	strace s18  }
0x93: {  	s2 =	sld [smem:$0x3FFC];
	_ =	sdelay $0x3  }
0x94: {  	_ =	strace s2  }
0x95: {  	s2 =	sld [smem:$0x3FFD];
	_ =	sdelay $0x3  }
0x96: {  	_ =	strace s2  }
0x97: {  	_ =	strace $0x8FFFFFFF  }
0x98: {  	s19 =	sld [smem:$0x3FDB];
	_ =	sdelay $0x1  }
0x99: {  	s20 =	simm.s32 $_scs_section_size  }
0x9a: {  	s4 =	simm.s32 $_size__tile_overlayer_lowered;
	s5 =	simm.s32 $_tile_overlayer_lowered  }
0x9b: {  	s6 =	simm.s32 $0x1BFF;
	s21 =	sshll.u32 s5, $0x1;
	s3 =	sadd.s32 s20, s19  }
0x9c: {  	s22 =	simm.s32 $0x0;
	s4 =	sshll.u32 s4, $0x1;
	s5 =	sadd.s32 s21, s3  }
0x9d: {  	[timem:s22], [sflag:s6] =	dma.local [hbm:s5], s4  }
0x9e: {  	_ =	swait.ge [sflag:s6], s4  }
0x9f: {  	s4 =	ssub.s32 $0x0, s4;
	[sflag:s6] =	ssyncset.done $0x0  }
0xa0: {  	[sflag:s6] =	ssyncadd.s32 s4;
	_ =	sdelay $0x1  }
0xa1: {  	s23 =	simm.s32 $0x1B8B  }
0xa2: {  	_ =	swait.ge [sflag:s23], $0x1  }
0xa3: {  	[sflag:s23] =	ssyncset.done $0x0  }
0xa4: {  	[sflag:s23] =	ssyncadd.s32 $0xFFFFFFFF  }
0xa5: {  	s4 =	sld [smem:$0x0]  }
0xa6: {  	s5 =	sand.u32 $0xFFFFFFFE, s1  }
0xa7: {  	p0 =	sne.s32 s1, s5  }
0xa8: {  	s5 =	sshll.u32 @p0 s5, $0xE  }
0xa9: {  	s5 =	sadd.s32 @p0 $0x11B8D, s5;
	s6 =	sshll.u32 @p0 s4, $0x11  }
0xaa: {  	s5 =	sor.u32 @p0 s6, s5  }
0xab: {  	[sflag:s5] =	ssyncadd.remote.s32 @p0 $0x1;
	_ =	sdelay $0x1  }
0xac: {  	s5 =	simm.s32 @p0 $0x1B8D  }
0xad: {  	_ =	swait.eq @p0 [sflag:s5], $0x1  }
0xae: {  	[sflag:s5] =	ssyncadd.s32 @p0 $0xFFFFFFFF  }
0xaf: {  	s6 =	sshll.u32 @!p0 s1, $0xE  }
0xb0: {  	s6 =	sor.u32 @!p0 $0x4000, s6;
	s5 =	simm.s32 @!p0 $0x1B8D  }
0xb1: {  	s4 =	sshll.u32 @!p0 s4, $0x11;
	s6 =	sadd.s32 @!p0 $0x11B8D, s6;
	_ =	swait.eq @!p0 [sflag:s5], $0x1  }
0xb2: {  	s4 =	sor.u32 @!p0 s4, s6;
	[sflag:s5] =	ssyncadd.s32 @!p0 $0xFFFFFFFF  }
0xb3: {  	s25 =	simm.s32 $0x1B8E;
	s24 =	sld [smem:$0x3FFE];
	[sflag:s4] =	ssyncadd.remote.s32 @!p0 $0x1  }
0xb4: {  	s26 =	simm.s32 $execute0_lowered;
	[smem:$0x3FD2] =	sst s25  }
0xb5: {  	s5 =	sshll.u32 s26, $0x1;
	_ =	strace $0x8000004F;
	[dreg:$0x1] =	wrdreg $0xFFFFFFFF  }
0xb6: {  	s28 =	simm.s32 $_size_execute0_lowered;
	s3 =	sadd.s32 s3, s5;
	[dreg:$0x0] =	wrdreg $0x0  }
0xb7: {  	s5 =	sshll.u32 s28, $0x1;
	[dreg:$0x2] =	wrdreg s3  }
0xb8: {  	[dreg:$0x3] =	wrdreg s5  }
0xb9: {  	[dreg:$0x4] =	wrdreg $0xC0  }
0xba: {  	_ =	task [dreg:s22], $0x5FFFF  }
0xbb: {  	[dreg:$0x1] =	wrdreg $0xFFFFFFFF  }
0xbc: {  	[dreg:$0x0] =	wrdreg $0x60  }
0xbd: {  	[dreg:$0x2] =	wrdreg s24  }
0xbe: {  	[dreg:$0x3] =	wrdreg $0x94800  }
0xbf: {  	[dreg:$0x4] =	wrdreg $0x124800  }
0xc0: {  	[dreg:$0x5] =	wrdreg $0xC  }
0xc1: {  	_ =	task.clear_ibuf [dreg:s22], $0x6FFFF;
	_ =	strace $0x9000004F  }
0xc2: {  	s29 =	simm.s32 $0xC;
	_ =	strace $0x80000054  }
0xc3: {  	_ =	swait.ge [sflag:s29], $0x1  }
0xc4: {  	[sflag:s29] =	ssyncadd.s32 $0xFFFFFFFF  }
0xc5: {  	_ =	strace $0x90000054  }
0xc6: {  	_ =	sfence  }
0xc7: {  	s30 =	sld [smem:$0x0];
	_ =	sdelay $0x2  }
0xc8: {  	s31 =	sshll.u32 s1, $0xD;
	s1 =	sshrl.u32 s1, $0x2  }
0xc9: {  	s4 =	sand.u32 $0x4000, s31;
	s1 =	sadd.s32 s1, s30  }
0xca: {  	s0 =	sor.u32 s4, s0;
	s1 =	sshll.u32 s1, $0x11  }
0xcb: {  	s0 =	sor.u32 s1, s0  }
0xcc: {  	s0 =	sadd.s32 $0x8F2B, s0  }
0xcd: {  	[sflag:s0] =	ssyncadd.remote.s32 $0x1  }
0xce: {  	_ =	sfence.sel $0xFFFF  }
0xcf: {  	[dreg:$0x0] =	wrdreg $0xFFFFFFFF;
	(pc) =	sbr.abs _section_cstart, $3  }
0xd0: {  	[dreg:$0x1] =	wrdreg $0xFFFFFFFF  }
0xd1: {  	_ =	task.clear_ibuf [dreg:s22], $0x2FFFF;
	_ =	strace $0x9FFFFFFF  }
0xd2: {  	(tm) =	ssettm $0x7FFFFFFF  }
0xd3: {  	_ =	shalt  }
tec
execute0_lowered:
.L_overlay_start_1:
0x0: {  	(tag) =	ssettag $0x1  }
0x1: {  	s0 =	rddreg [dreg:$0x0]  }
0x2: {  	s1 =	rddreg [dreg:$0x1]  }
0x3: {  	s2 =	rddreg [dreg:$0x2];
	s3 =	simm.s32 $0x0  }
0x4: {  	s19 =	srdreg.scid;
	s10 =	stileid.u32;
	s29 =	simm.s32 $0x180  }
0x5: {  	s31 =	simm.s32 $0x1;
	[smem:$0x7FF] =	sst s3;
	s11 =	sadd.s32 $0x37E600, s0  }
0x6: {  	s3 =	sand.u32 $0x1, s19;
	s13 =	sadd.s32 $0x386600, s0;
	s6 =	smul.u32 $0x9000, s10  }
0x7: {  	s7 =	sadd.s32 $0x5CE600, s0;
	s12 =	sshll.u32 s10, $0x9;
	s23 =	smul.u32 $0x24000, s10  }
0x8: {  	s8 =	sadd.s32 $0x6EE600, s0;
	s15 =	smul.u32 $0x30, s10;
	s19 =	simm.s32 $0x480  }
0x9: {  	_ =	strace $0x80000050;
	s4 =	ssub.s32 $0x2, s3;
	[dreg:$0x4] =	wrdreg s11  }
0xa: {  	s9 =	sshll.u32 s3, $0x10;
	s3 =	sshll.u32 s3, $0x3;
	[dreg:$0x5] =	wrdreg s13  }
0xb: {  	s26 =	sor.u32 $0x2000, s12;
	s5 =	sshrl.u32 s4, $0x1;
	s21 =	sor.u32 s12, s9  }
0xc: {  	s22 =	sadd.s32 s6, s1;
	s6 =	sadd.s32 s6, s2;
	[dreg:$0x8] =	wrdreg s3  }
0xd: {  	[dreg:$0xb] =	wrdreg s26;
	s28 =	sshrl.u32 s23, $0x2;
	s23 =	simm.s32 $0x80  }
0xe: {  	s26 =	simm.s32 $0x100;
	s20 =	ssub.s32 s4, s5;
	[dreg:$0x6] =	wrdreg s22  }
0xf: {  	s4 =	sshrl.u32 s21, $0x3;
	[dreg:$0x7] =	wrdreg s6;
	s30 =	sadd.s32 s28, s1  }
.Ltmp0:
0x10: {  	s3 =	sadd.s32 s28, s2;
	s21 =	simm.s32 $0x2;
	(pc) =	sbr.rel .LBB2_1-.Ltmp0, $4  }
0x11: {  	s22 =	simm.s32 $0x3;
	s5 =	simm.s32 $0x0;
	s24 =	sadd.s32 s11, s4  }
0x12: {  	s25 =	sadd.s32 s13, s4;
	s0 =	smax.u32 s20, $0x1;
	[dreg:$0x9] =	wrdreg s24  }
0x13: {  	s20 =	simm.s32 $0x200;
	s13 =	simm.s32 $0x0;
	[dreg:$0xa] =	wrdreg s25  }
0x14: {  	v0 =	vimm.f32 $1.000000000e+00;
	v1 =	vimm.f32 $0.0e+00;
	[dreg:$0xc] =	wrdreg s0;
	s24 =	simm.s32 $0x400;
	s0 =	simm.s32 $0x10  }
.LBB2_9:
0x15: {  	[bflag:$0x0] =	sbarrier.arrive $0xFFFF  }
.LBB2_11:
0x16: {  	s5 =	rddreg [dreg:$0xd]  }
0x17: {  	s4 =	rddreg [dreg:$0xc];
	s5 =	sadd.s32 $0x1, s5  }
0x18: {  	p0 =	sne.s32 s5, s4  }
.Ltmp1:
0x19: {  	_ = 	snop;
	(pc) =	sbr.rel @!p0 .LBB2_12-.Ltmp1, $1  }
0x1a: {  	_ =	sdelay $0x3  }
.LBB2_1:
0x1b: {  	[tilespmem:$0x400] =	vst v0  }
0x1c: {  	[tilespmem:$0x410] =	vst v0  }
0x1d: {  	[tilespmem:$0x420] =	vst v0  }
0x1e: {  	[tilespmem:$0x430] =	vst v0  }
0x1f: {  	[tilespmem:$0x440] =	vst v0  }
0x20: {  	[tilespmem:$0x450] =	vst v0  }
0x21: {  	[tilespmem:$0x460] =	vst v0  }
0x22: {  	[dreg:$0xd] =	wrdreg s5;
	[tilespmem:$0x470] =	vst v0;
	s4 =	simm.s32 $0x40;
	s5 =	simm.s32 $0x0  }
.LBB2_2:
0x23: {  	p0 =	sne.s32 s4, $0x23FC0;
	[tilespmem:s5+$0x480] =	vst v1;
	s5 =	smov.u32 s4;
	s4 =	sadd.s32 $0x40, s4  }
.Ltmp2:
0x24: {  	(pc) =	sbr.rel @p0 .LBB2_2-.Ltmp2, $2  }
0x25: {  	_ =	sdelay $0x2  }
0x26: {  	s5 =	sshra.s32 s5, $0x2  }
0x27: {  	[tilespmem:s5+$0x480] =	vst v1;
	s4 =	rddreg [dreg:$0x6]  }
0x28: {  	[spmem:s4] =	stream.linear.scatter [tilespmem:s19], [sflag:$0x2], $0x9000, $0x38;
	[tilespmem:$0x1B480] =	vst v63  }
0x29: {  	s18 =	rddreg [dreg:$0x7]  }
0x2a: {  	[spmem:s18] =	stream.linear.scatter [tilespmem:s19], [sflag:$0x2], $0x9000, $0x38;
	[tilespmem:$0x1B480] =	vst v63  }
0x2b: {  	s25 =	rddreg [dreg:$0x9]  }
0x2c: {  	[tilespmem:s13], [sflag:$0x3] =	stream.linear.gather [hbm4b:s25+s13], $0x200, $0x38;
	[tilespmem:$0x1B480] =	vst v63  }
0x2d: {  	s28 =	rddreg [dreg:$0xa]  }
0x2e: {  	[tilespmem:s20], [sflag:$0x3] =	stream.linear.gather [hbm4b:s28+s13], $0x200, $0x38;
	[tilespmem:$0x1B480] =	vst v63  }
0x2f: {  	_ =	swait.ge [sflag:s21], $0x9000  }
0x30: {  	[sflag:s21] =	ssyncset.done $0x0  }
0x31: {  	[sflag:s21] =	ssyncadd.s32 $0xFFFF7000  }
0x32: {  	_ =	swait.ge [sflag:s21], $0x9000  }
0x33: {  	[sflag:s21] =	ssyncset.done $0x0  }
0x34: {  	[sflag:s21] =	ssyncadd.s32 $0xFFFF7000  }
0x35: {  	_ =	swait.ge [sflag:s22], $0x200  }
0x36: {  	[sflag:s22] =	ssyncset.done $0x0  }
0x37: {  	[sflag:s22] =	ssyncadd.s32 $0xFFFFFE00  }
0x38: {  	_ =	swait.ge [sflag:s22], $0x200  }
0x39: {  	[sflag:s22] =	ssyncset.done $0x0  }
0x3a: {  	[sflag:s22] =	ssyncadd.s32 $0xFFFFFE00  }
0x3b: {  	s16 =	simm.s32 $0x0;
	[bflag:$0x0] =	sbarrier.arrive $0xFFFF  }
.LBB2_4:
0x3c: {  	_ =	strace $0x80000051  }
0x3d: {  	[spmem:s1] =	stream.indirect.scatter.add.f32 [tilespmem:s24], [sflag:$0x1], $0x1, s13, s23, $0x2000b8;
	[tilespmem:$0x1B480] =	vst v63  }
0x3e: {  	_ = 	snop  }
0x3f: {  	[spmem:s2] =	stream.indirect.scatter.add.f32 [tilespmem:s20], [sflag:$0x1], $0x1, s13, s23, $0x2000b8;
	[tilespmem:$0x1B480] =	vst v63  }
0x40: {  	_ = 	snop  }
0x41: {  	[spmem:s1] =	stream.indirect.scatter.add.f32 [tilespmem:s24], [sflag:$0x1], $0x1, s23, s23, $0x2000b8;
	[tilespmem:$0x1B480] =	vst v63  }
0x42: {  	s4 =	simm.s32 $0x280  }
0x43: {  	[spmem:s2] =	stream.indirect.scatter.add.f32 [tilespmem:s4], [sflag:$0x1], $0x1, s23, s23, $0x2000b8;
	[tilespmem:$0x1B480] =	vst v63  }
0x44: {  	_ = 	snop  }
0x45: {  	[spmem:s1] =	stream.indirect.scatter.add.f32 [tilespmem:s24], [sflag:$0x1], $0x1, s26, s23, $0x2000b8;
	[tilespmem:$0x1B480] =	vst v63  }
0x46: {  	s5 =	simm.s32 $0x300  }
0x47: {  	[spmem:s2] =	stream.indirect.scatter.add.f32 [tilespmem:s5], [sflag:$0x1], $0x1, s26, s23, $0x2000b8;
	[tilespmem:$0x1B480] =	vst v63  }
0x48: {  	_ = 	snop  }
0x49: {  	[spmem:s1] =	stream.indirect.scatter.add.f32 [tilespmem:s24], [sflag:$0x1], $0x1, s29, s23, $0x2000b8;
	[tilespmem:$0x1B480] =	vst v63  }
0x4a: {  	s6 =	simm.s32 $0x380  }
0x4b: {  	[spmem:s2] =	stream.indirect.scatter.add.f32 [tilespmem:s6], [sflag:$0x1], $0x1, s29, s23, $0x2000b8;
	[tilespmem:$0x1B480] =	vst v63  }
0x4c: {  	_ =	swait.ge [sflag:s31], $0x80  }
0x4d: {  	[sflag:s31] =	ssyncset.done $0x0  }
0x4e: {  	[sflag:s31] =	ssyncadd.s32 $0xFFFFFF80  }
0x4f: {  	_ =	swait.ge [sflag:s31], $0x80  }
0x50: {  	[sflag:s31] =	ssyncset.done $0x0  }
0x51: {  	[sflag:s31] =	ssyncadd.s32 $0xFFFFFF80  }
0x52: {  	_ =	swait.ge [sflag:s31], $0x80  }
0x53: {  	[sflag:s31] =	ssyncset.done $0x0  }
0x54: {  	[sflag:s31] =	ssyncadd.s32 $0xFFFFFF80  }
0x55: {  	_ =	swait.ge [sflag:s31], $0x80  }
0x56: {  	[sflag:s31] =	ssyncset.done $0x0  }
0x57: {  	[sflag:s31] =	ssyncadd.s32 $0xFFFFFF80  }
0x58: {  	_ =	swait.ge [sflag:s31], $0x80  }
0x59: {  	[sflag:s31] =	ssyncset.done $0x0  }
0x5a: {  	[sflag:s31] =	ssyncadd.s32 $0xFFFFFF80  }
0x5b: {  	_ =	swait.ge [sflag:s31], $0x80  }
0x5c: {  	[sflag:s31] =	ssyncset.done $0x0  }
0x5d: {  	[sflag:s31] =	ssyncadd.s32 $0xFFFFFF80  }
0x5e: {  	_ =	swait.ge [sflag:s31], $0x80  }
0x5f: {  	[sflag:s31] =	ssyncset.done $0x0  }
0x60: {  	[sflag:s31] =	ssyncadd.s32 $0xFFFFFF80  }
0x61: {  	_ =	swait.ge [sflag:s31], $0x80  }
0x62: {  	s5 =	sshrl.u32 s15, $0x3;
	s9 =	rddreg [dreg:$0x8]  }
0x63: {  	s5 =	smul.u32 $0x1800, s5;
	s12 =	sadd.s32 s9, s16  }
0x64: {  	s28 =	sadd.s32 $0x1, s15;
	s10 =	stileid.u32;
	s4 =	smul.u32 $0x90000, s12  }
0x65: {  	s14 =	sshrl.u32 s3, $0x3;
	s11 =	sshrl.u32 s30, $0x3;
	[sflag:s31] =	ssyncset.done $0x0  }
0x66: {  	s6 =	sand.u32 $0x380, s13;
	[sflag:s31] =	ssyncadd.s32 $0xFFFFFF80;
	s5 =	sadd.s32 s4, s5  }
0x67: {  	s18 =	sshrl.u32 s28, $0x3;
	_ =	strace $0x90000051;
	s5 =	sor.u32 s6, s5  }
0x68: {  	[bflag:$0x0] =	sbarrier.arrive $0xFFFF;
	s6 =	sshll.u32 s10, $0x6;
	s5 =	sshrl.u32 s5, $0x3  }
0x69: {  	_ =	strace $0x80000052;
	s25 =	sor.u32 $0x1C02, s6;
	s17 =	sadd.s32 s7, s5  }
0x6a: {  	[hbm:s17@s23], [sflag:s25] =	dma.strided [spmem:s11@s0], $0x60, s31, $0x10   }
0x6b: {  	s6 =	simm.s32 $0x80;
	s5 =	sadd.s32 s8, s5;
	s17 =	smov.u32 s30  }
0x6c: {  	[hbm:s5@s23], [sflag:s25] =	dma.strided [spmem:s14@s0], $0x60, s31, $0x10   }
0x6d: {  	s14 =	smul.u32 $0x1800, s18;
	s5 =	simm.s32 $0x100;
	s18 =	smov.u32 s3  }
.LBB2_5:
0x6e: {  	p0 =	sne.s32 s5, $0x1780;
	s28 =	sadd.s32 $0x1, s28;
	s17 =	sadd.s32 $0x300, s17  }
0x6f: {  	s6 =	sand.u32 $0x380, s6;
	s18 =	sadd.s32 $0x300, s18;
	s14 =	sadd.s32 s4, s14  }
0x70: {  	s6 =	sor.u32 s6, s14;
	s14 =	sshrl.u32 s18, $0x3  }
.Ltmp3:
0x71: {  	s11 =	sshrl.u32 s17, $0x3;
	s6 =	sshrl.u32 s6, $0x3;
	(pc) =	sbr.rel @p0 .LBB2_5-.Ltmp3, $4  }
0x72: {  	s9 =	sshrl.u32 s28, $0x3;
	s10 =	sadd.s32 s7, s6;
	s6 =	sadd.s32 s8, s6  }
0x73: {  	[hbm:s10@s23], [sflag:s25] =	dma.strided [spmem:s11@s0], $0x60, s31, $0x10   }
0x74: {  	[hbm:s6@s23], [sflag:s25] =	dma.strided [spmem:s14@s0], $0x60, s31, $0x10   }
0x75: {  	s14 =	smul.u32 $0x1800, s9;
	s6 =	smov.u32 s5;
	s5 =	sadd.s32 $0x80, s5  }
0x76: {  	_ = 	snop  }
0x77: {  	s5 =	sand.u32 $0x380, s6;
	s4 =	sadd.s32 s4, s14  }
0x78: {  	s18 =	sadd.s32 $0x300, s18;
	s4 =	sor.u32 s5, s4  }
0x79: {  	s28 =	sadd.s32 $0x300, s17;
	s6 =	sshrl.u32 s18, $0x3;
	s4 =	sshrl.u32 s4, $0x3  }
0x7a: {  	s5 =	sshrl.u32 s28, $0x3;
	s9 =	sadd.s32 s7, s4;
	s4 =	sadd.s32 s8, s4  }
0x7b: {  	[hbm:s9@s23], [sflag:s25] =	dma.strided [spmem:s5@s0], $0x60, s31, $0x10   }
0x7c: {  	[hbm:s4@s23], [sflag:s25] =	dma.strided [spmem:s6@s0], $0x60, s31, $0x10   }
0x7d: {  	_ =	swait.ge [sflag:s21], $0x60  }
0x7e: {  	[sflag:s21] =	ssyncset.done $0x0  }
0x7f: {  	[sflag:s21] =	ssyncadd.s32 $0xFFFFFFA0  }
0x80: {  	_ =	swait.ge [sflag:s21], $0x60  }
0x81: {  	s4 =	simm.s32 $0x2F;
	[sflag:s21] =	ssyncset.done $0x0  }
.LBB2_7:
0x82: {  	p0 =	sne.s32 s4, $0x1;
	s4 =	sadd.s32 $0xFFFFFFFF, s4;
	[sflag:s21] =	ssyncadd.s32 $0xFFFFFFA0  }
.Ltmp4:
0x83: {  	_ =	swait.ge [sflag:s21], $0x60;
	(pc) =	sbr.rel @p0 .LBB2_7-.Ltmp4, $4  }
0x84: {  	[sflag:s21] =	ssyncset.done $0x0  }
0x85: {  	[sflag:s21] =	ssyncadd.s32 $0xFFFFFFA0  }
0x86: {  	_ =	swait.ge [sflag:s21], $0x60  }
0x87: {  	[sflag:s21] =	ssyncset.done $0x0  }
0x88: {  	p0 =	sne.s32 s16, $0x7  }
.Ltmp5:
0x89: {  	_ = 	snop;
	(pc) =	sbr.rel @!p0 .LBB2_9-.Ltmp5, $3  }
0x8a: {  	_ =	sdelay $0x1  }
0x8b: {  	[sflag:s21] =	ssyncadd.s32 $0xFFFFFFA0  }
0x8c: {  	_ =	strace $0x90000052  }
0x8d: {  	s4 =	sshll.u32 s12, $0xD;
	s5 =	rddreg [dreg:$0xb]  }
0x8e: {  	_ =	strace $0x80000053;
	s4 =	sadd.s32 s5, s4  }
0x8f: {  	s17 =	rddreg [dreg:$0x4];
	s4 =	sshrl.u32 s4, $0x3  }
0x90: {  	s6 =	simm.s32 $0x0;
	s18 =	rddreg [dreg:$0x5];
	s5 =	sadd.s32 s17, s4  }
0x91: {  	[tilespmem:s6], [sflag:$0x3] =	stream.linear.gather [hbm4b:s5+s6], $0x200, $0x200038;
	[tilespmem:$0x1B480] =	vst v63  }
0x92: {  	s4 =	sadd.s32 s18, s4  }
0x93: {  	[tilespmem:s20], [sflag:$0x3] =	stream.linear.gather [hbm4b:s4+s6], $0x200, $0x200038;
	[tilespmem:$0x1B480] =	vst v63  }
0x94: {  	s25 =	rddreg [dreg:$0x6]  }
0x95: {  	[spmem:s25] =	stream.linear.scatter [tilespmem:s19], [sflag:$0x2], $0x9000, $0x200038;
	[tilespmem:$0x1B480] =	vst v63  }
0x96: {  	s28 =	rddreg [dreg:$0x7]  }
0x97: {  	[spmem:s28] =	stream.linear.scatter [tilespmem:s19], [sflag:$0x2], $0x9000, $0x200038;
	[tilespmem:$0x1B480] =	vst v63  }
0x98: {  	_ =	swait.ge [sflag:s21], $0x9000  }
0x99: {  	[sflag:s21] =	ssyncset.done $0x0  }
0x9a: {  	[sflag:s21] =	ssyncadd.s32 $0xFFFF7000  }
0x9b: {  	_ =	swait.ge [sflag:s21], $0x9000  }
0x9c: {  	[sflag:s21] =	ssyncset.done $0x0  }
0x9d: {  	[sflag:s21] =	ssyncadd.s32 $0xFFFF7000  }
0x9e: {  	_ =	swait.ge [sflag:s22], $0x200  }
0x9f: {  	[sflag:s22] =	ssyncset.done $0x0  }
0xa0: {  	s16 =	sadd.s32 $0x1, s16;
	[sflag:s22] =	ssyncadd.s32 $0xFFFFFE00  }
0xa1: {  	p0 =	sne.s32 s16, $0x8;
	_ =	swait.ge [sflag:s22], $0x200  }
.Ltmp6:
0xa2: {  	[sflag:s22] =	ssyncset.done $0x0;
	(pc) =	sbr.rel @p0 .LBB2_4-.Ltmp6, $4  }
.Ltmp7:
0xa3: {  	[sflag:s22] =	ssyncadd.s32 $0xFFFFFE00;
	(pc) =	sbr.rel @!p0 .LBB2_11-.Ltmp7, $4  }
0xa4: {  	_ =	strace $0x90000053  }
0xa5: {  	[bflag:$0x0] =	sbarrier.arrive $0xFFFF  }
0xa6: {  	_ = 	snop  }
0xa7: {  	_ = 	snop  }
.LBB2_12:
0xa8: {  	_ =	sfence.sel $0x180000  }
0xa9: {  	[bflag:$0x0] =	sbarrier.arrive $0xFFFF  }
0xaa: {  	_ =	strace $0x90000050  }
0xab: {  	s0 =	stileid.u32;
	[bflag:$0x2] =	sbarrier.arrive $0xFFFF  }
0xac: {  	p0 =	sne.s32 s0, $0x0;
	s0 =	rddreg [dreg:$0x3]  }
0xad: {  	s0 =	sadd.s32 @!p0 $0x100000, s0  }
0xae: {  	[sflag:s0] =	ssyncadd.tile.s32 @!p0 $0x1;
	_ =	shalt  }
.Lfunc_end2:
_tile_overlayer_lowered:
.L_overlay_start_2:
0xaf: {  	(tag) =	ssettag $0x2  }
0xb0: {  	s0 =	rddreg [dreg:$0x0];
	s2 =	stileid.u32  }
0xb1: {  	s1 =	rddreg [dreg:$0x1];
	p0 =	sne.s32 s2, $0x0  }
0xb2: {  	s3 =	rddreg [dreg:$0x2];
	[bflag:$0x3] =	sbarrier.arrive $0xFFFF;
	s2 =	simm.s32 @!p0 $0x1C04  }
0xb3: {  	[timem:s3], [sflag:s2] =	dma.local @!p0 [hbm:s0], s1  }
0xb4: {  	s0 =	simm.s32 @!p0 $0x4  }
0xb5: {  	_ =	swait.ge @!p0 [sflag:s0], s1  }
0xb6: {  	s1 =	ssub.s32 @!p0 $0x0, s1;
	[sflag:s0] =	ssyncset.done @!p0 $0x0  }
0xb7: {  	[sflag:s0] =	ssyncadd.s32 @!p0 s1  }
0xb8: {  	[bflag:$0x3] =	sbarrier.arrive $0xFFFF  }
0xb9: {  	_ =	shalt  }

// kernel: kernel.25.cloned.1.call-start
scs
__scs_entry_jumppad:
0x0: {  	(pc) =	sbr.rel $0x88, $3  }
0x1: {  	(tag) =	ssettag $0x0;
	lr =	simm.s32 $0x1  }
0x2: {  	[smem:$0x3F88] =	sst lr;
	_ =	strace $0xD0000000  }
0x3: {  	_ = 	snop  }
0x4: {  	_ = 	snop  }
0x5: {  	_ = 	snop  }
0x6: {  	_ = 	snop  }
0x7: {  	_ = 	snop  }
__scs_overlays_trampoline_lowered:
0x8: {  	[smem:$0x3F97] =	sst s0  }
0x9: {  	[smem:$0x3F98] =	sst s1  }
0xa: {  	[smem:$0x3F99] =	sst s2  }
0xb: {  	[smem:$0x3F9A] =	sst s3  }
0xc: {  	[smem:$0x3F9B] =	sst s4  }
0xd: {  	[smem:$0x3F9C] =	sst s5  }
0xe: {  	[smem:$0x3F9D] =	sst s6  }
0xf: {  	[smem:$0x3F9E] =	sst s7  }
0x10: {  	[smem:$0x3F9F] =	sst s8  }
0x11: {  	[smem:$0x3FA0] =	sst s9;
	s0 =	simm.s32 @!p0 $0x0  }
0x12: {  	s1 =	sld [smem:$0x3F86];
	s0 =	simm.s32 @p0 $0x1  }
0x13: {  	[smem:$0x3FA1] =	sst s0;
	s0 =	simm.s32 @!p1 $0x0  }
0x14: {  	s2 =	sld [smem:$0x3F85];
	s0 =	simm.s32 @p1 $0x1  }
0x15: {  	[smem:$0x3FA2] =	sst s0;
	s0 =	simm.s32 @!p2 $0x0  }
0x16: {  	s3 =	sld [smem:$0x3FDB];
	s0 =	simm.s32 @p2 $0x1  }
0x17: {  	s4 =	simm.s32 $0x1BF5;
	[smem:$0x3FA4] =	sst s0  }
0x18: {  	s0 =	sld [smem:$0x3F87];
	_ =	swait.ge [sflag:s4], $0x0  }
0x19: {  	s7 =	sld [smem:$0x3F88]  }
0x1a: {  	s8 =	sadd.s32 $0xFFFFE003, lr  }
0x1b: {  	s9 =	sadd.s32 $0xFFFFFEF7, lr;
	s5 =	simm.s32 $0xFFFFFFFF;
	p2 =	slt.u32 s8, $0xFFFFF086  }
0x1c: {  	p1 =	slt.u32 s9, $0xF7A;
	s5 =	simm.s32 @!p2 $0x0  }
0x1d: {  	s5 =	simm.s32 @p1 $0x1;
	p0 =	seq.s32 s7, s2  }
0x1e: {  	s7 =	smul.u32 @!p0 $0xF7A, s2;
	p2 =	seq.s32 @!p0 s5, $0x0  }
0x1f: {  	s9 =	smul.u32 $0xF7A, s1;
	s8 =	simm.s32 @!p0 $0x1BF5;
	p2 =	por !p2, p0  }
0x20: {  	[sflag:s8] =	ssyncset.s32 @!p0 $0xFFFFF086;
	s6 =	sadd.s32 @!p0 s3, s7;
	s7 =	simm.s32 @!p0 $0x108  }
0x21: {  	s3 =	sadd.s32 s3, s9;
	s6 =	sadd.s32 @!p0 $0x88, s6;
	s7 =	simm.s32 @p2 $0x1082  }
0x22: {  	[simem:s7], [sflag:s8] =	dma.local @!p0 [hbm:s6], $0xF7A  }
0x23: {  	s9 =	sor.u32 $0xD0000000, s2;
	s6 =	simm.s32 $0x108;
	_ =	swait.ge @!p0 [sflag:s8], $0x0  }
0x24: {  	s3 =	sadd.s32 $0x88, s3;
	s6 =	simm.s32 @!p1 $0x1082;
	[sflag:s4] =	ssyncset.s32 $0xFFFFF086  }
0x25: {  	[simem:s6], [sflag:s4] =	dma.local [hbm:s3], $0xF7A  }
0x26: {  	[smem:$0x3F88] =	sst s1;
	(tag) =	ssettag s2;
	_ =	strace s9  }
0x27: {  	s1 =	sld [smem:$0x3F98]  }
0x28: {  	s2 =	sld [smem:$0x3F99]  }
0x29: {  	s4 =	sld [smem:$0x3F9B]  }
0x2a: {  	p0 =	seq.s32 s5, $0x0;
	s5 =	sld [smem:$0x3F9C]  }
0x2b: {  	s6 =	sld [smem:$0x3F9D]  }
0x2c: {  	s7 =	sld [smem:$0x3F9E]  }
0x2d: {  	s3 =	simm.s32 $0x108;
	s8 =	sld [smem:$0x3F9F]  }
0x2e: {  	s3 =	simm.s32 @!p0 $0x1082;
	s9 =	sld [smem:$0x3FA0]  }
0x2f: {  	lr =	sadd.s32 s0, s3;
	s0 =	sld [smem:$0x3F97]  }
0x30: {  	s3 =	sld [smem:$0x3F9A]  }
0x31: {  	[smem:$0x3FA3] =	sst s10  }
0x32: {  	s10 =	sld [smem:$0x3FA1];
	_ =	sdelay $0x3  }
0x33: {  	p0 =	seq.s32 s10, $0x1;
	s10 =	sld [smem:$0x3FA3];
	_ =	sdelay $0x3  }
0x34: {  	[smem:$0x3FA3] =	sst s10  }
0x35: {  	s10 =	sld [smem:$0x3FA2];
	_ =	sdelay $0x3  }
0x36: {  	p1 =	seq.s32 s10, $0x1;
	s10 =	sld [smem:$0x3FA3];
	_ =	sdelay $0x3  }
0x37: {  	[smem:$0x3FA3] =	sst s10  }
0x38: {  	s10 =	sld [smem:$0x3FA4]  }
0x39: {  	_ = 	snop;
	(pc) =	sbr.ind lr, $3  }
0x3a: {  	_ = 	snop  }
0x3b: {  	_ = 	snop  }
0x3c: {  	p2 =	seq.s32 s10, $0x1;
	s10 =	sld [smem:$0x3FA3]  }
0x3d: {  	_ =	shalt  }
0x3e: {  	_ =	shalt  }
0x3f: {  	_ =	shalt  }
0x40: {  	_ =	shalt  }
0x41: {  	_ =	shalt  }
0x42: {  	_ =	shalt  }
0x43: {  	_ =	shalt  }
0x44: {  	_ =	shalt  }
0x45: {  	_ =	shalt  }
0x46: {  	_ =	shalt  }
0x47: {  	_ =	shalt  }
0x48: {  	_ =	shalt  }
0x49: {  	_ =	shalt  }
0x4a: {  	_ =	shalt  }
0x4b: {  	_ =	shalt  }
0x4c: {  	_ =	shalt  }
0x4d: {  	_ =	shalt  }
0x4e: {  	_ =	shalt  }
0x4f: {  	_ =	shalt  }
0x50: {  	_ =	shalt  }
0x51: {  	_ =	shalt  }
0x52: {  	_ =	shalt  }
0x53: {  	_ =	shalt  }
0x54: {  	_ =	shalt  }
0x55: {  	_ =	shalt  }
0x56: {  	_ =	shalt  }
0x57: {  	_ =	shalt  }
0x58: {  	_ =	shalt  }
0x59: {  	_ =	shalt  }
0x5a: {  	_ =	shalt  }
0x5b: {  	_ =	shalt  }
0x5c: {  	_ =	shalt  }
0x5d: {  	_ =	shalt  }
0x5e: {  	_ =	shalt  }
0x5f: {  	_ =	shalt  }
0x60: {  	_ =	shalt  }
0x61: {  	_ =	shalt  }
0x62: {  	_ =	shalt  }
0x63: {  	_ =	shalt  }
0x64: {  	_ =	shalt  }
0x65: {  	_ =	shalt  }
0x66: {  	_ =	shalt  }
0x67: {  	_ =	shalt  }
0x68: {  	_ =	shalt  }
0x69: {  	_ =	shalt  }
0x6a: {  	_ =	shalt  }
0x6b: {  	_ =	shalt  }
0x6c: {  	_ =	shalt  }
0x6d: {  	_ =	shalt  }
0x6e: {  	_ =	shalt  }
0x6f: {  	_ =	shalt  }
0x70: {  	_ =	shalt  }
0x71: {  	_ =	shalt  }
0x72: {  	_ =	shalt  }
0x73: {  	_ =	shalt  }
0x74: {  	_ =	shalt  }
0x75: {  	_ =	shalt  }
0x76: {  	_ =	shalt  }
0x77: {  	_ =	shalt  }
0x78: {  	_ =	shalt  }
0x79: {  	_ =	shalt  }
0x7a: {  	_ =	shalt  }
0x7b: {  	_ =	shalt  }
0x7c: {  	_ =	shalt  }
0x7d: {  	_ =	shalt  }
0x7e: {  	_ =	shalt  }
0x7f: {  	_ =	shalt  }
0x80: {  	_ =	shalt  }
0x81: {  	_ =	shalt  }
0x82: {  	_ =	shalt  }
0x83: {  	_ =	shalt  }
0x84: {  	_ =	shalt  }
0x85: {  	_ =	shalt  }
0x86: {  	_ =	shalt  }
0x87: {  	_ =	shalt  }
.Lfunc_end0:
.L_simem_size_0:
called_computation.4_lowered:
.L_overlay_start_0:
0x88: {  	s2 =	sld [smem:$0x3FD9]  }
0x89: {  	s3 =	sld [smem:$0x3FFE];
	_ =	sdelay $0x1  }
0x8a: {  	s1 =	srdreg.scid  }
0x8b: {  	s0 =	sand.u32 $0x1, s1  }
0x8c: {  	s17 =	sshll.u32 s0, $0xA;
	s2 =	sadd.s32 s3, s2  }
0x8d: {  	s2 =	sadd.s32 s2, s17  }
0x8e: {  	[smem:$0x3FAF] =	sst s2  }
0x8f: {  	_ = 	snop  }
0x90: {  	(tm) =	ssettm $0x1  }
0x91: {  	s18 =	sld [smem:$0x3FFB];
	_ =	sdelay $0x3  }
0x92: {  	_ =	strace s18  }
0x93: {  	s2 =	sld [smem:$0x3FFC];
	_ =	sdelay $0x3  }
0x94: {  	_ =	strace s2  }
0x95: {  	s2 =	sld [smem:$0x3FFD];
	_ =	sdelay $0x3  }
0x96: {  	_ =	strace s2  }
0x97: {  	_ =	strace $0x8FFFFFFF  }
0x98: {  	s19 =	sld [smem:$0x3FDB];
	_ =	sdelay $0x1  }
0x99: {  	s20 =	simm.s32 $_scs_section_size  }
0x9a: {  	s4 =	simm.s32 $_size__tile_overlayer_lowered;
	s5 =	simm.s32 $_tile_overlayer_lowered  }
0x9b: {  	s6 =	simm.s32 $0x1BFF;
	s21 =	sshll.u32 s5, $0x1;
	s3 =	sadd.s32 s20, s19  }
0x9c: {  	s22 =	simm.s32 $0x0;
	s4 =	sshll.u32 s4, $0x1;
	s5 =	sadd.s32 s21, s3  }
0x9d: {  	[timem:s22], [sflag:s6] =	dma.local [hbm:s5], s4  }
0x9e: {  	_ =	swait.ge [sflag:s6], s4  }
0x9f: {  	s4 =	ssub.s32 $0x0, s4;
	[sflag:s6] =	ssyncset.done $0x0  }
0xa0: {  	[sflag:s6] =	ssyncadd.s32 s4;
	_ =	sdelay $0x1  }
0xa1: {  	s23 =	simm.s32 $0x1B8B  }
0xa2: {  	_ =	swait.ge [sflag:s23], $0x1  }
0xa3: {  	[sflag:s23] =	ssyncset.done $0x0  }
0xa4: {  	[sflag:s23] =	ssyncadd.s32 $0xFFFFFFFF  }
0xa5: {  	s4 =	sld [smem:$0x0]  }
0xa6: {  	s5 =	sand.u32 $0xFFFFFFFE, s1  }
0xa7: {  	p0 =	sne.s32 s1, s5  }
0xa8: {  	s5 =	sshll.u32 @p0 s5, $0xE  }
0xa9: {  	s5 =	sadd.s32 @p0 $0x11B8D, s5;
	s6 =	sshll.u32 @p0 s4, $0x11  }
0xaa: {  	s5 =	sor.u32 @p0 s6, s5  }
0xab: {  	[sflag:s5] =	ssyncadd.remote.s32 @p0 $0x1;
	_ =	sdelay $0x1  }
0xac: {  	s5 =	simm.s32 @p0 $0x1B8D  }
0xad: {  	_ =	swait.eq @p0 [sflag:s5], $0x1  }
0xae: {  	[sflag:s5] =	ssyncadd.s32 @p0 $0xFFFFFFFF  }
0xaf: {  	s6 =	sshll.u32 @!p0 s1, $0xE  }
0xb0: {  	s6 =	sor.u32 @!p0 $0x4000, s6;
	s5 =	simm.s32 @!p0 $0x1B8D  }
0xb1: {  	s4 =	sshll.u32 @!p0 s4, $0x11;
	s6 =	sadd.s32 @!p0 $0x11B8D, s6;
	_ =	swait.eq @!p0 [sflag:s5], $0x1  }
0xb2: {  	s4 =	sor.u32 @!p0 s4, s6;
	[sflag:s5] =	ssyncadd.s32 @!p0 $0xFFFFFFFF  }
0xb3: {  	s25 =	simm.s32 $0x1B8E;
	s24 =	sld [smem:$0x3FFE];
	[sflag:s4] =	ssyncadd.remote.s32 @!p0 $0x1  }
0xb4: {  	s26 =	simm.s32 $execute0_lowered;
	[smem:$0x3FD2] =	sst s25  }
0xb5: {  	s5 =	sshll.u32 s26, $0x1;
	_ =	strace $0x80000049;
	[dreg:$0x1] =	wrdreg $0xFFFFFFFF  }
0xb6: {  	s28 =	simm.s32 $_size_execute0_lowered;
	s3 =	sadd.s32 s3, s5;
	[dreg:$0x0] =	wrdreg $0x0  }
0xb7: {  	s5 =	sshll.u32 s28, $0x1;
	[dreg:$0x2] =	wrdreg s3  }
0xb8: {  	[dreg:$0x3] =	wrdreg s5  }
0xb9: {  	[dreg:$0x4] =	wrdreg $0xC0  }
0xba: {  	_ =	task [dreg:s22], $0x5FFFF  }
0xbb: {  	[dreg:$0x1] =	wrdreg $0xFFFFFFFF  }
0xbc: {  	[dreg:$0x0] =	wrdreg $0x60  }
0xbd: {  	[dreg:$0x2] =	wrdreg s24  }
0xbe: {  	[dreg:$0x3] =	wrdreg $0x94800  }
0xbf: {  	[dreg:$0x4] =	wrdreg $0x124800  }
0xc0: {  	[dreg:$0x5] =	wrdreg $0xD  }
0xc1: {  	_ =	task.clear_ibuf [dreg:s22], $0x6FFFF;
	_ =	strace $0x90000049  }
0xc2: {  	s29 =	simm.s32 $0xD;
	_ =	strace $0x8000004E  }
0xc3: {  	_ =	swait.ge [sflag:s29], $0x1  }
0xc4: {  	[sflag:s29] =	ssyncadd.s32 $0xFFFFFFFF  }
0xc5: {  	_ =	strace $0x9000004E  }
0xc6: {  	_ =	sfence  }
0xc7: {  	s30 =	sld [smem:$0x0];
	_ =	sdelay $0x2  }
0xc8: {  	s31 =	sshll.u32 s1, $0xD;
	s1 =	sshrl.u32 s1, $0x2  }
0xc9: {  	s4 =	sand.u32 $0x4000, s31;
	s1 =	sadd.s32 s1, s30  }
0xca: {  	s0 =	sor.u32 s4, s0;
	s1 =	sshll.u32 s1, $0x11  }
0xcb: {  	s0 =	sor.u32 s1, s0  }
0xcc: {  	s0 =	sadd.s32 $0x8F2B, s0  }
0xcd: {  	[sflag:s0] =	ssyncadd.remote.s32 $0x1  }
0xce: {  	_ =	sfence.sel $0xFFFF  }
0xcf: {  	[dreg:$0x0] =	wrdreg $0xFFFFFFFF;
	(pc) =	sbr.abs _section_cstart, $3  }
0xd0: {  	[dreg:$0x1] =	wrdreg $0xFFFFFFFF  }
0xd1: {  	_ =	task.clear_ibuf [dreg:s22], $0x2FFFF;
	_ =	strace $0x9FFFFFFF  }
0xd2: {  	(tm) =	ssettm $0x7FFFFFFF  }
0xd3: {  	_ =	shalt  }
tec
execute0_lowered:
.L_overlay_start_1:
0x0: {  	(tag) =	ssettag $0x1  }
0x1: {  	s0 =	rddreg [dreg:$0x0]  }
0x2: {  	s1 =	rddreg [dreg:$0x1]  }
0x3: {  	s2 =	rddreg [dreg:$0x2];
	s3 =	simm.s32 $0x0  }
0x4: {  	s19 =	srdreg.scid;
	s10 =	stileid.u32;
	s29 =	simm.s32 $0x180  }
0x5: {  	s31 =	simm.s32 $0x1;
	[smem:$0x7FF] =	sst s3;
	s11 =	sadd.s32 $0x37A600, s0  }
0x6: {  	s3 =	sand.u32 $0x1, s19;
	s13 =	sadd.s32 $0x382600, s0;
	s6 =	smul.u32 $0x9000, s10  }
0x7: {  	s7 =	sadd.s32 $0x38E600, s0;
	s12 =	sshll.u32 s10, $0x9;
	s23 =	smul.u32 $0x24000, s10  }
0x8: {  	s8 =	sadd.s32 $0x4AE600, s0;
	s15 =	smul.u32 $0x30, s10;
	s19 =	simm.s32 $0x480  }
0x9: {  	_ =	strace $0x8000004A;
	s4 =	ssub.s32 $0x2, s3;
	[dreg:$0x4] =	wrdreg s11  }
0xa: {  	s9 =	sshll.u32 s3, $0x10;
	s3 =	sshll.u32 s3, $0x3;
	[dreg:$0x5] =	wrdreg s13  }
0xb: {  	s26 =	sor.u32 $0x2000, s12;
	s5 =	sshrl.u32 s4, $0x1;
	s21 =	sor.u32 s12, s9  }
0xc: {  	s22 =	sadd.s32 s6, s1;
	s6 =	sadd.s32 s6, s2;
	[dreg:$0x8] =	wrdreg s3  }
0xd: {  	[dreg:$0xb] =	wrdreg s26;
	s28 =	sshrl.u32 s23, $0x2;
	s23 =	simm.s32 $0x80  }
0xe: {  	s26 =	simm.s32 $0x100;
	s20 =	ssub.s32 s4, s5;
	[dreg:$0x6] =	wrdreg s22  }
0xf: {  	s4 =	sshrl.u32 s21, $0x3;
	[dreg:$0x7] =	wrdreg s6;
	s30 =	sadd.s32 s28, s1  }
.Ltmp0:
0x10: {  	s3 =	sadd.s32 s28, s2;
	s21 =	simm.s32 $0x2;
	(pc) =	sbr.rel .LBB2_1-.Ltmp0, $4  }
0x11: {  	s22 =	simm.s32 $0x3;
	s5 =	simm.s32 $0x0;
	s24 =	sadd.s32 s11, s4  }
0x12: {  	s25 =	sadd.s32 s13, s4;
	s0 =	smax.u32 s20, $0x1;
	[dreg:$0x9] =	wrdreg s24  }
0x13: {  	s20 =	simm.s32 $0x200;
	s13 =	simm.s32 $0x0;
	[dreg:$0xa] =	wrdreg s25  }
0x14: {  	v0 =	vimm.f32 $1.000000000e+00;
	v1 =	vimm.f32 $0.0e+00;
	[dreg:$0xc] =	wrdreg s0;
	s24 =	simm.s32 $0x400;
	s0 =	simm.s32 $0x10  }
.LBB2_9:
0x15: {  	[bflag:$0x0] =	sbarrier.arrive $0xFFFF  }
.LBB2_11:
0x16: {  	s5 =	rddreg [dreg:$0xd]  }
0x17: {  	s4 =	rddreg [dreg:$0xc];
	s5 =	sadd.s32 $0x1, s5  }
0x18: {  	p0 =	sne.s32 s5, s4  }
.Ltmp1:
0x19: {  	_ = 	snop;
	(pc) =	sbr.rel @!p0 .LBB2_12-.Ltmp1, $1  }
0x1a: {  	_ =	sdelay $0x3  }
.LBB2_1:
0x1b: {  	[tilespmem:$0x400] =	vst v0  }
0x1c: {  	[tilespmem:$0x410] =	vst v0  }
0x1d: {  	[tilespmem:$0x420] =	vst v0  }
0x1e: {  	[tilespmem:$0x430] =	vst v0  }
0x1f: {  	[tilespmem:$0x440] =	vst v0  }
0x20: {  	[tilespmem:$0x450] =	vst v0  }
0x21: {  	[tilespmem:$0x460] =	vst v0  }
0x22: {  	[dreg:$0xd] =	wrdreg s5;
	[tilespmem:$0x470] =	vst v0;
	s4 =	simm.s32 $0x40;
	s5 =	simm.s32 $0x0  }
.LBB2_2:
0x23: {  	p0 =	sne.s32 s4, $0x23FC0;
	[tilespmem:s5+$0x480] =	vst v1;
	s5 =	smov.u32 s4;
	s4 =	sadd.s32 $0x40, s4  }
.Ltmp2:
0x24: {  	(pc) =	sbr.rel @p0 .LBB2_2-.Ltmp2, $2  }
0x25: {  	_ =	sdelay $0x2  }
0x26: {  	s5 =	sshra.s32 s5, $0x2  }
0x27: {  	[tilespmem:s5+$0x480] =	vst v1;
	s4 =	rddreg [dreg:$0x6]  }
0x28: {  	[spmem:s4] =	stream.linear.scatter [tilespmem:s19], [sflag:$0x2], $0x9000, $0x38;
	[tilespmem:$0x1B480] =	vst v63  }
0x29: {  	s18 =	rddreg [dreg:$0x7]  }
0x2a: {  	[spmem:s18] =	stream.linear.scatter [tilespmem:s19], [sflag:$0x2], $0x9000, $0x38;
	[tilespmem:$0x1B480] =	vst v63  }
0x2b: {  	s25 =	rddreg [dreg:$0x9]  }
0x2c: {  	[tilespmem:s13], [sflag:$0x3] =	stream.linear.gather [hbm4b:s25+s13], $0x200, $0x38;
	[tilespmem:$0x1B480] =	vst v63  }
0x2d: {  	s28 =	rddreg [dreg:$0xa]  }
0x2e: {  	[tilespmem:s20], [sflag:$0x3] =	stream.linear.gather [hbm4b:s28+s13], $0x200, $0x38;
	[tilespmem:$0x1B480] =	vst v63  }
0x2f: {  	_ =	swait.ge [sflag:s21], $0x9000  }
0x30: {  	[sflag:s21] =	ssyncset.done $0x0  }
0x31: {  	[sflag:s21] =	ssyncadd.s32 $0xFFFF7000  }
0x32: {  	_ =	swait.ge [sflag:s21], $0x9000  }
0x33: {  	[sflag:s21] =	ssyncset.done $0x0  }
0x34: {  	[sflag:s21] =	ssyncadd.s32 $0xFFFF7000  }
0x35: {  	_ =	swait.ge [sflag:s22], $0x200  }
0x36: {  	[sflag:s22] =	ssyncset.done $0x0  }
0x37: {  	[sflag:s22] =	ssyncadd.s32 $0xFFFFFE00  }
0x38: {  	_ =	swait.ge [sflag:s22], $0x200  }
0x39: {  	[sflag:s22] =	ssyncset.done $0x0  }
0x3a: {  	[sflag:s22] =	ssyncadd.s32 $0xFFFFFE00  }
0x3b: {  	s16 =	simm.s32 $0x0;
	[bflag:$0x0] =	sbarrier.arrive $0xFFFF  }
.LBB2_4:
0x3c: {  	_ =	strace $0x8000004B  }
0x3d: {  	[spmem:s1] =	stream.indirect.scatter.add.f32 [tilespmem:s24], [sflag:$0x1], $0x1, s13, s23, $0x2000b8;
	[tilespmem:$0x1B480] =	vst v63  }
0x3e: {  	_ = 	snop  }
0x3f: {  	[spmem:s2] =	stream.indirect.scatter.add.f32 [tilespmem:s20], [sflag:$0x1], $0x1, s13, s23, $0x2000b8;
	[tilespmem:$0x1B480] =	vst v63  }
0x40: {  	_ = 	snop  }
0x41: {  	[spmem:s1] =	stream.indirect.scatter.add.f32 [tilespmem:s24], [sflag:$0x1], $0x1, s23, s23, $0x2000b8;
	[tilespmem:$0x1B480] =	vst v63  }
0x42: {  	s4 =	simm.s32 $0x280  }
0x43: {  	[spmem:s2] =	stream.indirect.scatter.add.f32 [tilespmem:s4], [sflag:$0x1], $0x1, s23, s23, $0x2000b8;
	[tilespmem:$0x1B480] =	vst v63  }
0x44: {  	_ = 	snop  }
0x45: {  	[spmem:s1] =	stream.indirect.scatter.add.f32 [tilespmem:s24], [sflag:$0x1], $0x1, s26, s23, $0x2000b8;
	[tilespmem:$0x1B480] =	vst v63  }
0x46: {  	s5 =	simm.s32 $0x300  }
0x47: {  	[spmem:s2] =	stream.indirect.scatter.add.f32 [tilespmem:s5], [sflag:$0x1], $0x1, s26, s23, $0x2000b8;
	[tilespmem:$0x1B480] =	vst v63  }
0x48: {  	_ = 	snop  }
0x49: {  	[spmem:s1] =	stream.indirect.scatter.add.f32 [tilespmem:s24], [sflag:$0x1], $0x1, s29, s23, $0x2000b8;
	[tilespmem:$0x1B480] =	vst v63  }
0x4a: {  	s6 =	simm.s32 $0x380  }
0x4b: {  	[spmem:s2] =	stream.indirect.scatter.add.f32 [tilespmem:s6], [sflag:$0x1], $0x1, s29, s23, $0x2000b8;
	[tilespmem:$0x1B480] =	vst v63  }
0x4c: {  	_ =	swait.ge [sflag:s31], $0x80  }
0x4d: {  	[sflag:s31] =	ssyncset.done $0x0  }
0x4e: {  	[sflag:s31] =	ssyncadd.s32 $0xFFFFFF80  }
0x4f: {  	_ =	swait.ge [sflag:s31], $0x80  }
0x50: {  	[sflag:s31] =	ssyncset.done $0x0  }
0x51: {  	[sflag:s31] =	ssyncadd.s32 $0xFFFFFF80  }
0x52: {  	_ =	swait.ge [sflag:s31], $0x80  }
0x53: {  	[sflag:s31] =	ssyncset.done $0x0  }
0x54: {  	[sflag:s31] =	ssyncadd.s32 $0xFFFFFF80  }
0x55: {  	_ =	swait.ge [sflag:s31], $0x80  }
0x56: {  	[sflag:s31] =	ssyncset.done $0x0  }
0x57: {  	[sflag:s31] =	ssyncadd.s32 $0xFFFFFF80  }
0x58: {  	_ =	swait.ge [sflag:s31], $0x80  }
0x59: {  	[sflag:s31] =	ssyncset.done $0x0  }
0x5a: {  	[sflag:s31] =	ssyncadd.s32 $0xFFFFFF80  }
0x5b: {  	_ =	swait.ge [sflag:s31], $0x80  }
0x5c: {  	[sflag:s31] =	ssyncset.done $0x0  }
0x5d: {  	[sflag:s31] =	ssyncadd.s32 $0xFFFFFF80  }
0x5e: {  	_ =	swait.ge [sflag:s31], $0x80  }
0x5f: {  	[sflag:s31] =	ssyncset.done $0x0  }
0x60: {  	[sflag:s31] =	ssyncadd.s32 $0xFFFFFF80  }
0x61: {  	_ =	swait.ge [sflag:s31], $0x80  }
0x62: {  	s5 =	sshrl.u32 s15, $0x3;
	s9 =	rddreg [dreg:$0x8]  }
0x63: {  	s5 =	smul.u32 $0x1800, s5;
	s12 =	sadd.s32 s9, s16  }
0x64: {  	s28 =	sadd.s32 $0x1, s15;
	s10 =	stileid.u32;
	s4 =	smul.u32 $0x90000, s12  }
0x65: {  	s14 =	sshrl.u32 s3, $0x3;
	s11 =	sshrl.u32 s30, $0x3;
	[sflag:s31] =	ssyncset.done $0x0  }
0x66: {  	s6 =	sand.u32 $0x380, s13;
	[sflag:s31] =	ssyncadd.s32 $0xFFFFFF80;
	s5 =	sadd.s32 s4, s5  }
0x67: {  	s18 =	sshrl.u32 s28, $0x3;
	_ =	strace $0x9000004B;
	s5 =	sor.u32 s6, s5  }
0x68: {  	[bflag:$0x0] =	sbarrier.arrive $0xFFFF;
	s6 =	sshll.u32 s10, $0x6;
	s5 =	sshrl.u32 s5, $0x3  }
0x69: {  	_ =	strace $0x8000004C;
	s25 =	sor.u32 $0x1C02, s6;
	s17 =	sadd.s32 s7, s5  }
0x6a: {  	[hbm:s17@s23], [sflag:s25] =	dma.strided [spmem:s11@s0], $0x60, s31, $0x10   }
0x6b: {  	s6 =	simm.s32 $0x80;
	s5 =	sadd.s32 s8, s5;
	s17 =	smov.u32 s30  }
0x6c: {  	[hbm:s5@s23], [sflag:s25] =	dma.strided [spmem:s14@s0], $0x60, s31, $0x10   }
0x6d: {  	s14 =	smul.u32 $0x1800, s18;
	s5 =	simm.s32 $0x100;
	s18 =	smov.u32 s3  }
.LBB2_5:
0x6e: {  	p0 =	sne.s32 s5, $0x1780;
	s28 =	sadd.s32 $0x1, s28;
	s17 =	sadd.s32 $0x300, s17  }
0x6f: {  	s6 =	sand.u32 $0x380, s6;
	s18 =	sadd.s32 $0x300, s18;
	s14 =	sadd.s32 s4, s14  }
0x70: {  	s6 =	sor.u32 s6, s14;
	s14 =	sshrl.u32 s18, $0x3  }
.Ltmp3:
0x71: {  	s11 =	sshrl.u32 s17, $0x3;
	s6 =	sshrl.u32 s6, $0x3;
	(pc) =	sbr.rel @p0 .LBB2_5-.Ltmp3, $4  }
0x72: {  	s9 =	sshrl.u32 s28, $0x3;
	s10 =	sadd.s32 s7, s6;
	s6 =	sadd.s32 s8, s6  }
0x73: {  	[hbm:s10@s23], [sflag:s25] =	dma.strided [spmem:s11@s0], $0x60, s31, $0x10   }
0x74: {  	[hbm:s6@s23], [sflag:s25] =	dma.strided [spmem:s14@s0], $0x60, s31, $0x10   }
0x75: {  	s14 =	smul.u32 $0x1800, s9;
	s6 =	smov.u32 s5;
	s5 =	sadd.s32 $0x80, s5  }
0x76: {  	_ = 	snop  }
0x77: {  	s5 =	sand.u32 $0x380, s6;
	s4 =	sadd.s32 s4, s14  }
0x78: {  	s18 =	sadd.s32 $0x300, s18;
	s4 =	sor.u32 s5, s4  }
0x79: {  	s28 =	sadd.s32 $0x300, s17;
	s6 =	sshrl.u32 s18, $0x3;
	s4 =	sshrl.u32 s4, $0x3  }
0x7a: {  	s5 =	sshrl.u32 s28, $0x3;
	s9 =	sadd.s32 s7, s4;
	s4 =	sadd.s32 s8, s4  }
0x7b: {  	[hbm:s9@s23], [sflag:s25] =	dma.strided [spmem:s5@s0], $0x60, s31, $0x10   }
0x7c: {  	[hbm:s4@s23], [sflag:s25] =	dma.strided [spmem:s6@s0], $0x60, s31, $0x10   }
0x7d: {  	_ =	swait.ge [sflag:s21], $0x60  }
0x7e: {  	[sflag:s21] =	ssyncset.done $0x0  }
0x7f: {  	[sflag:s21] =	ssyncadd.s32 $0xFFFFFFA0  }
0x80: {  	_ =	swait.ge [sflag:s21], $0x60  }
0x81: {  	s4 =	simm.s32 $0x2F;
	[sflag:s21] =	ssyncset.done $0x0  }
.LBB2_7:
0x82: {  	p0 =	sne.s32 s4, $0x1;
	s4 =	sadd.s32 $0xFFFFFFFF, s4;
	[sflag:s21] =	ssyncadd.s32 $0xFFFFFFA0  }
.Ltmp4:
0x83: {  	_ =	swait.ge [sflag:s21], $0x60;
	(pc) =	sbr.rel @p0 .LBB2_7-.Ltmp4, $4  }
0x84: {  	[sflag:s21] =	ssyncset.done $0x0  }
0x85: {  	[sflag:s21] =	ssyncadd.s32 $0xFFFFFFA0  }
0x86: {  	_ =	swait.ge [sflag:s21], $0x60  }
0x87: {  	[sflag:s21] =	ssyncset.done $0x0  }
0x88: {  	p0 =	sne.s32 s16, $0x7  }
.Ltmp5:
0x89: {  	_ = 	snop;
	(pc) =	sbr.rel @!p0 .LBB2_9-.Ltmp5, $3  }
0x8a: {  	_ =	sdelay $0x1  }
0x8b: {  	[sflag:s21] =	ssyncadd.s32 $0xFFFFFFA0  }
0x8c: {  	_ =	strace $0x9000004C  }
0x8d: {  	s4 =	sshll.u32 s12, $0xD;
	s5 =	rddreg [dreg:$0xb]  }
0x8e: {  	_ =	strace $0x8000004D;
	s4 =	sadd.s32 s5, s4  }
0x8f: {  	s17 =	rddreg [dreg:$0x4];
	s4 =	sshrl.u32 s4, $0x3  }
0x90: {  	s6 =	simm.s32 $0x0;
	s18 =	rddreg [dreg:$0x5];
	s5 =	sadd.s32 s17, s4  }
0x91: {  	[tilespmem:s6], [sflag:$0x3] =	stream.linear.gather [hbm4b:s5+s6], $0x200, $0x200038;
	[tilespmem:$0x1B480] =	vst v63  }
0x92: {  	s4 =	sadd.s32 s18, s4  }
0x93: {  	[tilespmem:s20], [sflag:$0x3] =	stream.linear.gather [hbm4b:s4+s6], $0x200, $0x200038;
	[tilespmem:$0x1B480] =	vst v63  }
0x94: {  	s25 =	rddreg [dreg:$0x6]  }
0x95: {  	[spmem:s25] =	stream.linear.scatter [tilespmem:s19], [sflag:$0x2], $0x9000, $0x200038;
	[tilespmem:$0x1B480] =	vst v63  }
0x96: {  	s28 =	rddreg [dreg:$0x7]  }
0x97: {  	[spmem:s28] =	stream.linear.scatter [tilespmem:s19], [sflag:$0x2], $0x9000, $0x200038;
	[tilespmem:$0x1B480] =	vst v63  }
0x98: {  	_ =	swait.ge [sflag:s21], $0x9000  }
0x99: {  	[sflag:s21] =	ssyncset.done $0x0  }
0x9a: {  	[sflag:s21] =	ssyncadd.s32 $0xFFFF7000  }
0x9b: {  	_ =	swait.ge [sflag:s21], $0x9000  }
0x9c: {  	[sflag:s21] =	ssyncset.done $0x0  }
0x9d: {  	[sflag:s21] =	ssyncadd.s32 $0xFFFF7000  }
0x9e: {  	_ =	swait.ge [sflag:s22], $0x200  }
0x9f: {  	[sflag:s22] =	ssyncset.done $0x0  }
0xa0: {  	s16 =	sadd.s32 $0x1, s16;
	[sflag:s22] =	ssyncadd.s32 $0xFFFFFE00  }
0xa1: {  	p0 =	sne.s32 s16, $0x8;
	_ =	swait.ge [sflag:s22], $0x200  }
.Ltmp6:
0xa2: {  	[sflag:s22] =	ssyncset.done $0x0;
	(pc) =	sbr.rel @p0 .LBB2_4-.Ltmp6, $4  }
.Ltmp7:
0xa3: {  	[sflag:s22] =	ssyncadd.s32 $0xFFFFFE00;
	(pc) =	sbr.rel @!p0 .LBB2_11-.Ltmp7, $4  }
0xa4: {  	_ =	strace $0x9000004D  }
0xa5: {  	[bflag:$0x0] =	sbarrier.arrive $0xFFFF  }
0xa6: {  	_ = 	snop  }
0xa7: {  	_ = 	snop  }
.LBB2_12:
0xa8: {  	_ =	sfence.sel $0x180000  }
0xa9: {  	[bflag:$0x0] =	sbarrier.arrive $0xFFFF  }
0xaa: {  	_ =	strace $0x9000004A  }
0xab: {  	s0 =	stileid.u32;
	[bflag:$0x2] =	sbarrier.arrive $0xFFFF  }
0xac: {  	p0 =	sne.s32 s0, $0x0;
	s0 =	rddreg [dreg:$0x3]  }
0xad: {  	s0 =	sadd.s32 @!p0 $0x100000, s0  }
0xae: {  	[sflag:s0] =	ssyncadd.tile.s32 @!p0 $0x1;
	_ =	shalt  }
.Lfunc_end2:
_tile_overlayer_lowered:
.L_overlay_start_2:
0xaf: {  	(tag) =	ssettag $0x2  }
0xb0: {  	s0 =	rddreg [dreg:$0x0];
	s2 =	stileid.u32  }
0xb1: {  	s1 =	rddreg [dreg:$0x1];
	p0 =	sne.s32 s2, $0x0  }
0xb2: {  	s3 =	rddreg [dreg:$0x2];
	[bflag:$0x3] =	sbarrier.arrive $0xFFFF;
	s2 =	simm.s32 @!p0 $0x1C04  }
0xb3: {  	[timem:s3], [sflag:s2] =	dma.local @!p0 [hbm:s0], s1  }
0xb4: {  	s0 =	simm.s32 @!p0 $0x4  }
0xb5: {  	_ =	swait.ge @!p0 [sflag:s0], s1  }
0xb6: {  	s1 =	ssub.s32 @!p0 $0x0, s1;
	[sflag:s0] =	ssyncset.done @!p0 $0x0  }
0xb7: {  	[sflag:s0] =	ssyncadd.s32 @!p0 s1  }
0xb8: {  	[bflag:$0x3] =	sbarrier.arrive $0xFFFF  }
0xb9: {  	_ =	shalt  }

</sc_bundles>
